<compile_context>
chip_gen: v7x
topology: tpu7x:2x2x1
jax: 0.10.2.dev20260603
libtpu: 0.0.44.dev20260713+nightly
codegen_flags: <defaults>
</compile_context>

<pallas_src>
import functools

import jax
import jax.numpy as jnp
from jax import lax
from jax.experimental import pallas as pl
from jax.experimental.pallas import tpu as pltpu
from jax.experimental.pallas import tpu_sc as plsc

S_K = 64
W_K = 128
BATCH = 16384
NC = 2
NS = 16
LANES = 16
NW = NC * NS
ROWS_PER_W = BATCH // NW
CHUNK = 128
NCHUNK = ROWS_PER_W // CHUNK
NSLOT = 2

_mesh = plsc.VectorSubcoreMesh(
    core_axis_name="c", subcore_axis_name="s", num_cores=NC, num_subcores=NS
)

_slot_scratch = [
    pltpu.VMEM((3, CHUNK + LANES), jnp.int32),
    pltpu.VMEM((CHUNK,), jnp.int32),
    pltpu.VMEM((CHUNK, S_K), jnp.float32),
    pltpu.VMEM((CHUNK, S_K), jnp.float32),
    pltpu.VMEM((CHUNK, W_K), jnp.float32),
    pltpu.SemaphoreType.DMA,
    pltpu.SemaphoreType.DMA,
    pltpu.SemaphoreType.DMA,
]


@functools.partial(
    pl.kernel,
    out_type=jax.ShapeDtypeStruct((BATCH,), jnp.float32),
    mesh=_mesh,
    scratch_types=_slot_scratch * NSLOT + [
        pltpu.VMEM((CHUNK,), jnp.float32),
    ],
)
def _sc_forward(xT, s_tab, r_tab, w_tab, out, *scratch):
    nper = len(_slot_scratch)
    slots = [scratch[i * nper:(i + 1) * nper] for i in range(NSLOT)]
    outv = scratch[NSLOT * nper]

    wid = lax.axis_index("s") * NC + lax.axis_index("c")
    lane = lax.iota(jnp.int32, LANES)

    _dnums = lax.GatherDimensionNumbers(
        offset_dims=(), collapsed_slice_dims=(0,), start_index_map=(0,)
    )

    def _lane_shuffle(v, idx):
        return lax.gather(
            v, idx[:, None], _dnums, slice_sizes=(1,),
            mode=lax.GatherScatterMode.PROMISE_IN_BOUNDS,
        )

    def issue(c, slot):
        xbuf, idx2, srows, rrows, wrows, sem_s, sem_r, sem_w = slot
        base = wid * ROWS_PER_W + c * CHUNK
        for col in range(3):
            pltpu.sync_copy(xT.at[pl.ds(col, 1), pl.ds(base, CHUNK)],
                            xbuf.at[pl.ds(col, 1), pl.ds(0, CHUNK)])

        def widx_body(g, carry):
            idx2[pl.ds(g * LANES, LANES)] = xbuf[2, pl.ds(g * LANES, LANES)]
            return carry

        lax.fori_loop(0, CHUNK // LANES, widx_body, 0)
        pltpu.async_copy(w_tab.at[idx2], wrows, sem_w)

        def dma_body(g, carry):
            v0 = xbuf[0, pl.ds(g * LANES, LANES)]
            v1 = xbuf[1, pl.ds(g * LANES, LANES)]
            for l in range(LANES):
                j = g * LANES + l
                pltpu.async_copy(s_tab.at[pl.ds(v0[l], 1), :],
                                 srows.at[pl.ds(j, 1), :], sem_s)
                pltpu.async_copy(r_tab.at[pl.ds(v1[l], 1), :],
                                 rrows.at[pl.ds(j, 1), :], sem_r)
            return carry

        lax.fori_loop(0, CHUNK // LANES, dma_body, 0)

    def drain(slot):
        _, _, srows, rrows, wrows, sem_s, sem_r, sem_w = slot
        pltpu.make_async_copy(s_tab.at[pl.ds(0, CHUNK), :], srows,
                              sem_s).wait()
        pltpu.make_async_copy(r_tab.at[pl.ds(0, CHUNK), :], rrows,
                              sem_r).wait()
        pltpu.make_async_copy(w_tab.at[pl.ds(0, CHUNK), :], wrows,
                              sem_w).wait()

    def compute(c, slot):
        _, _, srows, rrows, wrows, _, _, _ = slot
        base = wid * ROWS_PER_W + c * CHUNK

        def group_body(g, carry):
            def row_body(j, acc_out):
                i = g * LANES + j
                acc = srows[i, pl.ds(0, LANES)] * wrows[i, pl.ds(0, LANES)]
                for k in range(1, S_K // LANES):
                    acc = acc + (srows[i, pl.ds(k * LANES, LANES)]
                                 * wrows[i, pl.ds(k * LANES, LANES)])
                for k in range(S_K // LANES):
                    acc = acc + (rrows[i, pl.ds(k * LANES, LANES)]
                                 * wrows[i, pl.ds(S_K + k * LANES, LANES)])
                for d in (8, 4, 2, 1):
                    acc = acc + _lane_shuffle(acc, lane ^ d)
                return jnp.where(lane == j, acc, acc_out)

            accs = lax.fori_loop(
                0, LANES, row_body, jnp.zeros((LANES,), jnp.float32)
            )
            outv[pl.ds(g * LANES, LANES)] = 1.0 / (1.0 + jnp.exp(-accs))
            return carry

        lax.fori_loop(0, CHUNK // LANES, group_body, 0)
        pltpu.sync_copy(outv, out.at[pl.ds(base, CHUNK)])

    issue(0, slots[0])
    for c in range(NCHUNK):
        if c + 1 < NCHUNK:
            issue(c + 1, slots[(c + 1) % NSLOT])
        drain(slots[c % NSLOT])
        compute(c, slots[c % NSLOT])


def kernel(X, s_embeds, r_embeds, w_embeds):
    xT = X.astype(jnp.int32).T
    return _sc_forward(xT, s_embeds, r_embeds, w_embeds)

# --- scband reference (transcript-rebuilt; emitter-appended) ---
"""Pipeline reference for scband-source-receiver-concat-model-49606872269400 (READ-ONLY COPY).

The authoritative reference and input builder live on the scoring server;
editing this copy changes nothing except your own understanding.
"""

import jax, jax.numpy as jnp
import numpy as np

S_CNT = 100000
R_CNT = 100000
W_CNT = 1000000
K_S = 64
K_R = 64
K_W = 128
BATCH = 16384


def setup_inputs(seed: int = 0) -> dict:
    key = jax.random.key(seed)
    k_x, k_s, k_r, k_w = jax.random.split(key, 4)
    X = jax.random.randint(k_x, (BATCH, 3), 0, 100000, dtype=jnp.int64)
    s_embeds = jax.random.normal(k_s, (S_CNT, K_S), dtype=jnp.float32)
    r_embeds = jax.random.normal(k_r, (R_CNT, K_R), dtype=jnp.float32)
    w_embeds = jax.random.normal(k_w, (W_CNT, K_W), dtype=jnp.float32)
    return {"X": X, "s_embeds": s_embeds, "r_embeds": r_embeds, "w_embeds": w_embeds}


def reference(X, s_embeds, r_embeds, w_embeds):
    # Embedding lookups (gather)
    s = jnp.take(s_embeds, X[:, 0], axis=0)  # [n, K_s]
    r = jnp.take(r_embeds, X[:, 1], axis=0)  # [n, K_r]
    w = jnp.take(w_embeds, X[:, 2], axis=0)  # [n, K_w]
    sr = jnp.concatenate([s, r], axis=1)     # [n, K_s + K_r] == [n, K_w]
    # batched dot product (bmm of [n,1,K_w] x [n,K_w,1])
    prod = jnp.sum(sr * w, axis=1)           # [n]
    return jax.nn.sigmoid(prod)

if __name__ == "__main__":
    import jax
    _d = setup_inputs()
    print(jax.jit(kernel)(*tuple(_d.values())))

</pallas_src>

<mosaic_0001>
#map = affine_map<(d0, d1) -> (0, 0)>
#map1 = affine_map<(d0, d1) -> (0)>
module attributes {stable_mosaic.version = 14 : i64} {
  func.func @_sc_forward(%arg0: i32, %arg1: i32, %arg2: memref<3x16384xi32, #tpu.memory_space<hbm>>, %arg3: memref<100000x64xf32, #tpu.memory_space<hbm>>, %arg4: memref<100000x64xf32, #tpu.memory_space<hbm>>, %arg5: memref<1000000x128xf32, #tpu.memory_space<hbm>>, %arg6: memref<16384xf32, #tpu.memory_space<hbm>>, %arg7: memref<3x144xi32, #tpu.memory_space<vmem>>, %arg8: memref<128xi32, #tpu.memory_space<vmem>>, %arg9: memref<128x64xf32, #tpu.memory_space<vmem>>, %arg10: memref<128x64xf32, #tpu.memory_space<vmem>>, %arg11: memref<128x128xf32, #tpu.memory_space<vmem>>, %arg12: memref<!tpu.dma_semaphore, #tpu.memory_space<semaphore_mem>>, %arg13: memref<!tpu.dma_semaphore, #tpu.memory_space<semaphore_mem>>, %arg14: memref<!tpu.dma_semaphore, #tpu.memory_space<semaphore_mem>>, %arg15: memref<3x144xi32, #tpu.memory_space<vmem>>, %arg16: memref<128xi32, #tpu.memory_space<vmem>>, %arg17: memref<128x64xf32, #tpu.memory_space<vmem>>, %arg18: memref<128x64xf32, #tpu.memory_space<vmem>>, %arg19: memref<128x128xf32, #tpu.memory_space<vmem>>, %arg20: memref<!tpu.dma_semaphore, #tpu.memory_space<semaphore_mem>>, %arg21: memref<!tpu.dma_semaphore, #tpu.memory_space<semaphore_mem>>, %arg22: memref<!tpu.dma_semaphore, #tpu.memory_space<semaphore_mem>>, %arg23: memref<128xf32, #tpu.memory_space<vmem>>) attributes {dimension_semantics = [#tpu.dimension_semantics<core_parallel>, #tpu.dimension_semantics<subcore_parallel>], iteration_bounds = array<i64: 2, 16>, scalar_prefetch = 0 : i64, scratch_operands = 17 : i64, tpu.core_type = #tpu.core_type<sc_vector_subcore>, window_params = [{transform_indices = #map}, {transform_indices = #map}, {transform_indices = #map}, {transform_indices = #map}, {transform_indices = #map1}]} {
    %mul3A = arith.constant 2 : i32
    %mul3A_0 = arith.muli %arg1, %mul3A : i32
    %add3A = arith.addi %mul3A_0, %arg0 : i32
    %iota3A = tpu.iota {dimensions = array<i32: 0>} : vector<16xi32>
    %mul3A_1 = arith.constant 512 : i32
    %mul3A_2 = arith.muli %add3A, %mul3A_1 : i32
    %add3A_3 = arith.constant 0 : i32
    %add3A_4 = arith.addi %mul3A_2, %add3A_3 : i32
    "tpu.region"() ({
      %run_scoped3A = tpu.sem_alloc : memref<!tpu.dma_semaphore, #tpu.memory_space<semaphore_mem>>
      %dma_start3A_186 = arith.constant 0 : i32
      %dma_start3A_187 = arith.constant 0 : i32
      %dma_start3A_188 = tpu.memref_slice %arg7[%dma_start3A_186, %dma_start3A_187] : memref<3x144xi32, #tpu.memory_space<vmem>> -> memref<1x128xi32, #tpu.memory_space<vmem>>
      %dma_start3A_189 = arith.constant 0 : i32
      %dma_start3A_190 = tpu.memref_slice %arg2[%dma_start3A_189, %add3A_4] : memref<3x16384xi32, #tpu.memory_space<hbm>> -> memref<1x128xi32, #tpu.memory_space<hbm>>
      %dma_start3A_191 = arith.constant 0 : i32
      %dma_start3A_192 = arith.constant 0 : i32
      %dma_start3A_193 = tpu.memref_slice %arg7[%dma_start3A_191, %dma_start3A_192] : memref<3x144xi32, #tpu.memory_space<vmem>> -> memref<1x128xi32, #tpu.memory_space<vmem>>
      %dma_start3A_194 = arith.constant 0 : i32
      %dma_start3A_195 = tpu.memref_slice %arg2[%dma_start3A_194, %add3A_4] : memref<3x16384xi32, #tpu.memory_space<hbm>> -> memref<1x128xi32, #tpu.memory_space<hbm>>
      tpu.enqueue_dma source(%dma_start3A_195 : memref<1x128xi32, #tpu.memory_space<hbm>>) target(%dma_start3A_193 : memref<1x128xi32, #tpu.memory_space<vmem>>) target_semaphore(%run_scoped3A : memref<!tpu.dma_semaphore, #tpu.memory_space<semaphore_mem>>)
      %dma_wait3A_196 = arith.constant 0 : i32
      %dma_wait3A_197 = arith.constant 0 : i32
      %dma_wait3A_198 = tpu.memref_slice %arg7[%dma_wait3A_196, %dma_wait3A_197] : memref<3x144xi32, #tpu.memory_space<vmem>> -> memref<1x128xi32, #tpu.memory_space<vmem>>
      %dma_wait3A_199 = arith.constant 0 : i32
      %dma_wait3A_200 = tpu.memref_slice %arg2[%dma_wait3A_199, %add3A_4] : memref<3x16384xi32, #tpu.memory_space<hbm>> -> memref<1x128xi32, #tpu.memory_space<hbm>>
      %dma_wait3A_201 = arith.constant 0 : i32
      %dma_wait3A_202 = arith.constant 0 : i32
      %dma_wait3A_203 = tpu.memref_slice %arg7[%dma_wait3A_201, %dma_wait3A_202] : memref<3x144xi32, #tpu.memory_space<vmem>> -> memref<1x128xi32, #tpu.memory_space<vmem>>
      %dma_wait3A_204 = arith.constant 0 : i32
      %dma_wait3A_205 = tpu.memref_slice %arg2[%dma_wait3A_204, %add3A_4] : memref<3x16384xi32, #tpu.memory_space<hbm>> -> memref<1x128xi32, #tpu.memory_space<hbm>>
      tpu.wait_dma2 semaphore(%run_scoped3A : memref<!tpu.dma_semaphore, #tpu.memory_space<semaphore_mem>>) src(%dma_wait3A_205 : memref<1x128xi32, #tpu.memory_space<hbm>>) dst(%dma_wait3A_203 : memref<1x128xi32, #tpu.memory_space<vmem>>)
      tpu.yield
    }) : () -> ()
    "tpu.region"() ({
      %run_scoped3A = tpu.sem_alloc : memref<!tpu.dma_semaphore, #tpu.memory_space<semaphore_mem>>
      %dma_start3A_186 = arith.constant 1 : i32
      %dma_start3A_187 = arith.constant 0 : i32
      %dma_start3A_188 = tpu.memref_slice %arg7[%dma_start3A_186, %dma_start3A_187] : memref<3x144xi32, #tpu.memory_space<vmem>> -> memref<1x128xi32, #tpu.memory_space<vmem>>
      %dma_start3A_189 = arith.constant 1 : i32
      %dma_start3A_190 = tpu.memref_slice %arg2[%dma_start3A_189, %add3A_4] : memref<3x16384xi32, #tpu.memory_space<hbm>> -> memref<1x128xi32, #tpu.memory_space<hbm>>
      %dma_start3A_191 = arith.constant 1 : i32
      %dma_start3A_192 = arith.constant 0 : i32
      %dma_start3A_193 = tpu.memref_slice %arg7[%dma_start3A_191, %dma_start3A_192] : memref<3x144xi32, #tpu.memory_space<vmem>> -> memref<1x128xi32, #tpu.memory_space<vmem>>
      %dma_start3A_194 = arith.constant 1 : i32
      %dma_start3A_195 = tpu.memref_slice %arg2[%dma_start3A_194, %add3A_4] : memref<3x16384xi32, #tpu.memory_space<hbm>> -> memref<1x128xi32, #tpu.memory_space<hbm>>
      tpu.enqueue_dma source(%dma_start3A_195 : memref<1x128xi32, #tpu.memory_space<hbm>>) target(%dma_start3A_193 : memref<1x128xi32, #tpu.memory_space<vmem>>) target_semaphore(%run_scoped3A : memref<!tpu.dma_semaphore, #tpu.memory_space<semaphore_mem>>)
      %dma_wait3A_196 = arith.constant 1 : i32
      %dma_wait3A_197 = arith.constant 0 : i32
      %dma_wait3A_198 = tpu.memref_slice %arg7[%dma_wait3A_196, %dma_wait3A_197] : memref<3x144xi32, #tpu.memory_space<vmem>> -> memref<1x128xi32, #tpu.memory_space<vmem>>
      %dma_wait3A_199 = arith.constant 1 : i32
      %dma_wait3A_200 = tpu.memref_slice %arg2[%dma_wait3A_199, %add3A_4] : memref<3x16384xi32, #tpu.memory_space<hbm>> -> memref<1x128xi32, #tpu.memory_space<hbm>>
      %dma_wait3A_201 = arith.constant 1 : i32
      %dma_wait3A_202 = arith.constant 0 : i32
      %dma_wait3A_203 = tpu.memref_slice %arg7[%dma_wait3A_201, %dma_wait3A_202] : memref<3x144xi32, #tpu.memory_space<vmem>> -> memref<1x128xi32, #tpu.memory_space<vmem>>
      %dma_wait3A_204 = arith.constant 1 : i32
      %dma_wait3A_205 = tpu.memref_slice %arg2[%dma_wait3A_204, %add3A_4] : memref<3x16384xi32, #tpu.memory_space<hbm>> -> memref<1x128xi32, #tpu.memory_space<hbm>>
      tpu.wait_dma2 semaphore(%run_scoped3A : memref<!tpu.dma_semaphore, #tpu.memory_space<semaphore_mem>>) src(%dma_wait3A_205 : memref<1x128xi32, #tpu.memory_space<hbm>>) dst(%dma_wait3A_203 : memref<1x128xi32, #tpu.memory_space<vmem>>)
      tpu.yield
    }) : () -> ()
    "tpu.region"() ({
      %run_scoped3A = tpu.sem_alloc : memref<!tpu.dma_semaphore, #tpu.memory_space<semaphore_mem>>
      %dma_start3A_186 = arith.constant 2 : i32
      %dma_start3A_187 = arith.constant 0 : i32
      %dma_start3A_188 = tpu.memref_slice %arg7[%dma_start3A_186, %dma_start3A_187] : memref<3x144xi32, #tpu.memory_space<vmem>> -> memref<1x128xi32, #tpu.memory_space<vmem>>
      %dma_start3A_189 = arith.constant 2 : i32
      %dma_start3A_190 = tpu.memref_slice %arg2[%dma_start3A_189, %add3A_4] : memref<3x16384xi32, #tpu.memory_space<hbm>> -> memref<1x128xi32, #tpu.memory_space<hbm>>
      %dma_start3A_191 = arith.constant 2 : i32
      %dma_start3A_192 = arith.constant 0 : i32
      %dma_start3A_193 = tpu.memref_slice %arg7[%dma_start3A_191, %dma_start3A_192] : memref<3x144xi32, #tpu.memory_space<vmem>> -> memref<1x128xi32, #tpu.memory_space<vmem>>
      %dma_start3A_194 = arith.constant 2 : i32
      %dma_start3A_195 = tpu.memref_slice %arg2[%dma_start3A_194, %add3A_4] : memref<3x16384xi32, #tpu.memory_space<hbm>> -> memref<1x128xi32, #tpu.memory_space<hbm>>
      tpu.enqueue_dma source(%dma_start3A_195 : memref<1x128xi32, #tpu.memory_space<hbm>>) target(%dma_start3A_193 : memref<1x128xi32, #tpu.memory_space<vmem>>) target_semaphore(%run_scoped3A : memref<!tpu.dma_semaphore, #tpu.memory_space<semaphore_mem>>)
      %dma_wait3A_196 = arith.constant 2 : i32
      %dma_wait3A_197 = arith.constant 0 : i32
      %dma_wait3A_198 = tpu.memref_slice %arg7[%dma_wait3A_196, %dma_wait3A_197] : memref<3x144xi32, #tpu.memory_space<vmem>> -> memref<1x128xi32, #tpu.memory_space<vmem>>
      %dma_wait3A_199 = arith.constant 2 : i32
      %dma_wait3A_200 = tpu.memref_slice %arg2[%dma_wait3A_199, %add3A_4] : memref<3x16384xi32, #tpu.memory_space<hbm>> -> memref<1x128xi32, #tpu.memory_space<hbm>>
      %dma_wait3A_201 = arith.constant 2 : i32
      %dma_wait3A_202 = arith.constant 0 : i32
      %dma_wait3A_203 = tpu.memref_slice %arg7[%dma_wait3A_201, %dma_wait3A_202] : memref<3x144xi32, #tpu.memory_space<vmem>> -> memref<1x128xi32, #tpu.memory_space<vmem>>
      %dma_wait3A_204 = arith.constant 2 : i32
      %dma_wait3A_205 = tpu.memref_slice %arg2[%dma_wait3A_204, %add3A_4] : memref<3x16384xi32, #tpu.memory_space<hbm>> -> memref<1x128xi32, #tpu.memory_space<hbm>>
      tpu.wait_dma2 semaphore(%run_scoped3A : memref<!tpu.dma_semaphore, #tpu.memory_space<semaphore_mem>>) src(%dma_wait3A_205 : memref<1x128xi32, #tpu.memory_space<hbm>>) dst(%dma_wait3A_203 : memref<1x128xi32, #tpu.memory_space<vmem>>)
      tpu.yield
    }) : () -> ()
    %scan3A = arith.constant 0 : i32
    %scan3A_5 = arith.constant 0 : i32
    %scan3A_6 = arith.constant 8 : i32
    %scan3A_7 = arith.addi %scan3A_5, %scan3A_6 : i32
    %scan3A_8 = arith.constant 1 : i32
    scf.for %scan3A_186 = %scan3A_5 to %scan3A_7 step %scan3A_8  : i32 {
      %mul3A_187 = arith.constant 16 : i32
      %mul3A_188 = arith.muli %scan3A_186, %mul3A_187 : i32
      %get3A = arith.constant 2 : i32
      %get3A_189 = arith.index_cast %get3A : i32 to index
      %get3A_190 = arith.index_cast %mul3A_188 : i32 to index
      %get3A_191 = tpu.vector_load %arg7[%get3A_189, %get3A_190] {strides = array<i32>} : memref<3x144xi32, #tpu.memory_space<vmem>>, vector<1x16xi32>,
      %get3A_192 = vector.shape_cast %get3A_191 : vector<1x16xi32> to vector<16xi32>
      %mul3A_193 = arith.constant 16 : i32
      %mul3A_194 = arith.muli %scan3A_186, %mul3A_193 : i32
      %swap3A = arith.index_cast %mul3A_194 : i32 to index
      %swap3A_195 = tpu.vector_load %arg8[%swap3A] {strides = array<i32>} : memref<128xi32, #tpu.memory_space<vmem>>, vector<16xi32>,
      %swap3A_196 = vector.shape_cast %swap3A_195 : vector<16xi32> to vector<16xi32>
      %swap3A_197 = vector.shape_cast %get3A_192 : vector<16xi32> to vector<16xi32>
      tpu.vector_store %arg8[%swap3A], %swap3A_197 {strides = array<i32>} : memref<128xi32, #tpu.memory_space<vmem>>, vector<16xi32>,
    }
    %scan3A_9 = arith.constant 8 : i32
    %dma_start3A = arith.constant 0 : i32
    %dma_start3A_10 = arith.constant 0 : i32
    %dma_start3A_11 = tpu.memref_slice %arg5[%dma_start3A, %dma_start3A_10] : memref<1000000x128xf32, #tpu.memory_space<hbm>> -> memref<1000000x128xf32, #tpu.memory_space<hbm>>
    tpu.enqueue_indirect_dma source(%dma_start3A_11 : memref<1000000x128xf32, #tpu.memory_space<hbm>>) target(%arg11 : memref<128x128xf32, #tpu.memory_space<vmem>>) offsets(%arg8 : memref<128xi32, #tpu.memory_space<vmem>>) semaphore(%arg14 : memref<!tpu.dma_semaphore, #tpu.memory_space<semaphore_mem>>)
    %scan3A_12 = arith.constant 0 : i32
    %scan3A_13 = arith.constant 0 : i32
    %scan3A_14 = arith.constant 8 : i32
    %scan3A_15 = arith.addi %scan3A_13, %scan3A_14 : i32
    %scan3A_16 = arith.constant 1 : i32
    scf.for %scan3A_186 = %scan3A_13 to %scan3A_15 step %scan3A_16  : i32 {
      %mul3A_187 = arith.constant 16 : i32
      %mul3A_188 = arith.muli %scan3A_186, %mul3A_187 : i32
      %get3A = arith.constant 0 : i32
      %get3A_189 = arith.index_cast %get3A : i32 to index
      %get3A_190 = arith.index_cast %mul3A_188 : i32 to index
      %get3A_191 = tpu.vector_load %arg7[%get3A_189, %get3A_190] {strides = array<i32>} : memref<3x144xi32, #tpu.memory_space<vmem>>, vector<1x16xi32>,
      %get3A_192 = vector.shape_cast %get3A_191 : vector<1x16xi32> to vector<16xi32>
      %mul3A_193 = arith.constant 16 : i32
      %mul3A_194 = arith.muli %scan3A_186, %mul3A_193 : i32
      %get3A_195 = arith.constant 1 : i32
      %get3A_196 = arith.index_cast %get3A_195 : i32 to index
      %get3A_197 = arith.index_cast %mul3A_194 : i32 to index
      %get3A_198 = tpu.vector_load %arg7[%get3A_196, %get3A_197] {strides = array<i32>} : memref<3x144xi32, #tpu.memory_space<vmem>>, vector<1x16xi32>,
      %get3A_199 = vector.shape_cast %get3A_198 : vector<1x16xi32> to vector<16xi32>
      %mul3A_200 = arith.constant 16 : i32
      %mul3A_201 = arith.muli %scan3A_186, %mul3A_200 : i32
      %add3A_202 = arith.constant 0 : i32
      %add3A_203 = arith.addi %mul3A_201, %add3A_202 : i32
      %slice3A = vector.extract_strided_slice %get3A_192 {offsets = [0], sizes = [1], strides = [1]} : vector<16xi32> to vector<1xi32>
      %squeeze3A = vector.extract %slice3A[0] : i32 from vector<1xi32>
      %dma_start3A_204 = arith.constant 0 : i32
      %dma_start3A_205 = tpu.memref_slice %arg9[%add3A_203, %dma_start3A_204] : memref<128x64xf32, #tpu.memory_space<vmem>> -> memref<1x64xf32, #tpu.memory_space<vmem>>
      %dma_start3A_206 = arith.constant 0 : i32
      %dma_start3A_207 = tpu.memref_slice %arg3[%squeeze3A, %dma_start3A_206] : memref<100000x64xf32, #tpu.memory_space<hbm>> -> memref<1x64xf32, #tpu.memory_space<hbm>>
      %dma_start3A_208 = arith.constant 0 : i32
      %dma_start3A_209 = tpu.memref_slice %arg9[%add3A_203, %dma_start3A_208] : memref<128x64xf32, #tpu.memory_space<vmem>> -> memref<1x64xf32, #tpu.memory_space<vmem>>
      %dma_start3A_210 = arith.constant 0 : i32
      %dma_start3A_211 = tpu.memref_slice %arg3[%squeeze3A, %dma_start3A_210] : memref<100000x64xf32, #tpu.memory_space<hbm>> -> memref<1x64xf32, #tpu.memory_space<hbm>>
      tpu.enqueue_dma source(%dma_start3A_211 : memref<1x64xf32, #tpu.memory_space<hbm>>) target(%dma_start3A_209 : memref<1x64xf32, #tpu.memory_space<vmem>>) target_semaphore(%arg12 : memref<!tpu.dma_semaphore, #tpu.memory_space<semaphore_mem>>)
      %slice3A_212 = vector.extract_strided_slice %get3A_199 {offsets = [0], sizes = [1], strides = [1]} : vector<16xi32> to vector<1xi32>
      %squeeze3A_213 = vector.extract %slice3A_212[0] : i32 from vector<1xi32>
      %dma_start3A_214 = arith.constant 0 : i32
      %dma_start3A_215 = tpu.memref_slice %arg10[%add3A_203, %dma_start3A_214] : memref<128x64xf32, #tpu.memory_space<vmem>> -> memref<1x64xf32, #tpu.memory_space<vmem>>
      %dma_start3A_216 = arith.constant 0 : i32
      %dma_start3A_217 = tpu.memref_slice %arg4[%squeeze3A_213, %dma_start3A_216] : memref<100000x64xf32, #tpu.memory_space<hbm>> -> memref<1x64xf32, #tpu.memory_space<hbm>>
      %dma_start3A_218 = arith.constant 0 : i32
      %dma_start3A_219 = tpu.memref_slice %arg10[%add3A_203, %dma_start3A_218] : memref<128x64xf32, #tpu.memory_space<vmem>> -> memref<1x64xf32, #tpu.memory_space<vmem>>
      %dma_start3A_220 = arith.constant 0 : i32
      %dma_start3A_221 = tpu.memref_slice %arg4[%squeeze3A_213, %dma_start3A_220] : memref<100000x64xf32, #tpu.memory_space<hbm>> -> memref<1x64xf32, #tpu.memory_space<hbm>>
      tpu.enqueue_dma source(%dma_start3A_221 : memref<1x64xf32, #tpu.memory_space<hbm>>) target(%dma_start3A_219 : memref<1x64xf32, #tpu.memory_space<vmem>>) target_semaphore(%arg13 : memref<!tpu.dma_semaphore, #tpu.memory_space<semaphore_mem>>)
      %mul3A_222 = arith.constant 16 : i32
      %mul3A_223 = arith.muli %scan3A_186, %mul3A_222 : i32
      %add3A_224 = arith.constant 1 : i32
      %add3A_225 = arith.addi %mul3A_223, %add3A_224 : i32
      %slice3A_226 = vector.extract_strided_slice %get3A_192 {offsets = [1], sizes = [1], strides = [1]} : vector<16xi32> to vector<1xi32>
      %squeeze3A_227 = vector.extract %slice3A_226[0] : i32 from vector<1xi32>
      %dma_start3A_228 = arith.constant 0 : i32
      %dma_start3A_229 = tpu.memref_slice %arg9[%add3A_225, %dma_start3A_228] : memref<128x64xf32, #tpu.memory_space<vmem>> -> memref<1x64xf32, #tpu.memory_space<vmem>>
      %dma_start3A_230 = arith.constant 0 : i32
      %dma_start3A_231 = tpu.memref_slice %arg3[%squeeze3A_227, %dma_start3A_230] : memref<100000x64xf32, #tpu.memory_space<hbm>> -> memref<1x64xf32, #tpu.memory_space<hbm>>
      %dma_start3A_232 = arith.constant 0 : i32
      %dma_start3A_233 = tpu.memref_slice %arg9[%add3A_225, %dma_start3A_232] : memref<128x64xf32, #tpu.memory_space<vmem>> -> memref<1x64xf32, #tpu.memory_space<vmem>>
      %dma_start3A_234 = arith.constant 0 : i32
      %dma_start3A_235 = tpu.memref_slice %arg3[%squeeze3A_227, %dma_start3A_234] : memref<100000x64xf32, #tpu.memory_space<hbm>> -> memref<1x64xf32, #tpu.memory_space<hbm>>
      tpu.enqueue_dma source(%dma_start3A_235 : memref<1x64xf32, #tpu.memory_space<hbm>>) target(%dma_start3A_233 : memref<1x64xf32, #tpu.memory_space<vmem>>) target_semaphore(%arg12 : memref<!tpu.dma_semaphore, #tpu.memory_space<semaphore_mem>>)
      %slice3A_236 = vector.extract_strided_slice %get3A_199 {offsets = [1], sizes = [1], strides = [1]} : vector<16xi32> to vector<1xi32>
      %squeeze3A_237 = vector.extract %slice3A_236[0] : i32 from vector<1xi32>
      %dma_start3A_238 = arith.constant 0 : i32
      %dma_start3A_239 = tpu.memref_slice %arg10[%add3A_225, %dma_start3A_238] : memref<128x64xf32, #tpu.memory_space<vmem>> -> memref<1x64xf32, #tpu.memory_space<vmem>>
      %dma_start3A_240 = arith.constant 0 : i32
      %dma_start3A_241 = tpu.memref_slice %arg4[%squeeze3A_237, %dma_start3A_240] : memref<100000x64xf32, #tpu.memory_space<hbm>> -> memref<1x64xf32, #tpu.memory_space<hbm>>
      %dma_start3A_242 = arith.constant 0 : i32
      %dma_start3A_243 = tpu.memref_slice %arg10[%add3A_225, %dma_start3A_242] : memref<128x64xf32, #tpu.memory_space<vmem>> -> memref<1x64xf32, #tpu.memory_space<vmem>>
      %dma_start3A_244 = arith.constant 0 : i32
      %dma_start3A_245 = tpu.memref_slice %arg4[%squeeze3A_237, %dma_start3A_244] : memref<100000x64xf32, #tpu.memory_space<hbm>> -> memref<1x64xf32, #tpu.memory_space<hbm>>
      tpu.enqueue_dma source(%dma_start3A_245 : memref<1x64xf32, #tpu.memory_space<hbm>>) target(%dma_start3A_243 : memref<1x64xf32, #tpu.memory_space<vmem>>) target_semaphore(%arg13 : memref<!tpu.dma_semaphore, #tpu.memory_space<semaphore_mem>>)
      %mul3A_246 = arith.constant 16 : i32
      %mul3A_247 = arith.muli %scan3A_186, %mul3A_246 : i32
      %add3A_248 = arith.constant 2 : i32
      %add3A_249 = arith.addi %mul3A_247, %add3A_248 : i32
      %slice3A_250 = vector.extract_strided_slice %get3A_192 {offsets = [2], sizes = [1], strides = [1]} : vector<16xi32> to vector<1xi32>
      %squeeze3A_251 = vector.extract %slice3A_250[0] : i32 from vector<1xi32>
      %dma_start3A_252 = arith.constant 0 : i32
      %dma_start3A_253 = tpu.memref_slice %arg9[%add3A_249, %dma_start3A_252] : memref<128x64xf32, #tpu.memory_space<vmem>> -> memref<1x64xf32, #tpu.memory_space<vmem>>
      %dma_start3A_254 = arith.constant 0 : i32
      %dma_start3A_255 = tpu.memref_slice %arg3[%squeeze3A_251, %dma_start3A_254] : memref<100000x64xf32, #tpu.memory_space<hbm>> -> memref<1x64xf32, #tpu.memory_space<hbm>>
      %dma_start3A_256 = arith.constant 0 : i32
      %dma_start3A_257 = tpu.memref_slice %arg9[%add3A_249, %dma_start3A_256] : memref<128x64xf32, #tpu.memory_space<vmem>> -> memref<1x64xf32, #tpu.memory_space<vmem>>
      %dma_start3A_258 = arith.constant 0 : i32
      %dma_start3A_259 = tpu.memref_slice %arg3[%squeeze3A_251, %dma_start3A_258] : memref<100000x64xf32, #tpu.memory_space<hbm>> -> memref<1x64xf32, #tpu.memory_space<hbm>>
      tpu.enqueue_dma source(%dma_start3A_259 : memref<1x64xf32, #tpu.memory_space<hbm>>) target(%dma_start3A_257 : memref<1x64xf32, #tpu.memory_space<vmem>>) target_semaphore(%arg12 : memref<!tpu.dma_semaphore, #tpu.memory_space<semaphore_mem>>)
      %slice3A_260 = vector.extract_strided_slice %get3A_199 {offsets = [2], sizes = [1], strides = [1]} : vector<16xi32> to vector<1xi32>
      %squeeze3A_261 = vector.extract %slice3A_260[0] : i32 from vector<1xi32>
      %dma_start3A_262 = arith.constant 0 : i32
      %dma_start3A_263 = tpu.memref_slice %arg10[%add3A_249, %dma_start3A_262] : memref<128x64xf32, #tpu.memory_space<vmem>> -> memref<1x64xf32, #tpu.memory_space<vmem>>
      %dma_start3A_264 = arith.constant 0 : i32
      %dma_start3A_265 = tpu.memref_slice %arg4[%squeeze3A_261, %dma_start3A_264] : memref<100000x64xf32, #tpu.memory_space<hbm>> -> memref<1x64xf32, #tpu.memory_space<hbm>>
      %dma_start3A_266 = arith.constant 0 : i32
      %dma_start3A_267 = tpu.memref_slice %arg10[%add3A_249, %dma_start3A_266] : memref<128x64xf32, #tpu.memory_space<vmem>> -> memref<1x64xf32, #tpu.memory_space<vmem>>
      %dma_start3A_268 = arith.constant 0 : i32
      %dma_start3A_269 = tpu.memref_slice %arg4[%squeeze3A_261, %dma_start3A_268] : memref<100000x64xf32, #tpu.memory_space<hbm>> -> memref<1x64xf32, #tpu.memory_space<hbm>>
      tpu.enqueue_dma source(%dma_start3A_269 : memref<1x64xf32, #tpu.memory_space<hbm>>) target(%dma_start3A_267 : memref<1x64xf32, #tpu.memory_space<vmem>>) target_semaphore(%arg13 : memref<!tpu.dma_semaphore, #tpu.memory_space<semaphore_mem>>)
      %mul3A_270 = arith.constant 16 : i32
      %mul3A_271 = arith.muli %scan3A_186, %mul3A_270 : i32
      %add3A_272 = arith.constant 3 : i32
      %add3A_273 = arith.addi %mul3A_271, %add3A_272 : i32
      %slice3A_274 = vector.extract_strided_slice %get3A_192 {offsets = [3], sizes = [1], strides = [1]} : vector<16xi32> to vector<1xi32>
      %squeeze3A_275 = vector.extract %slice3A_274[0] : i32 from vector<1xi32>
      %dma_start3A_276 = arith.constant 0 : i32
      %dma_start3A_277 = tpu.memref_slice %arg9[%add3A_273, %dma_start3A_276] : memref<128x64xf32, #tpu.memory_space<vmem>> -> memref<1x64xf32, #tpu.memory_space<vmem>>
      %dma_start3A_278 = arith.constant 0 : i32
      %dma_start3A_279 = tpu.memref_slice %arg3[%squeeze3A_275, %dma_start3A_278] : memref<100000x64xf32, #tpu.memory_space<hbm>> -> memref<1x64xf32, #tpu.memory_space<hbm>>
      %dma_start3A_280 = arith.constant 0 : i32
      %dma_start3A_281 = tpu.memref_slice %arg9[%add3A_273, %dma_start3A_280] : memref<128x64xf32, #tpu.memory_space<vmem>> -> memref<1x64xf32, #tpu.memory_space<vmem>>
      %dma_start3A_282 = arith.constant 0 : i32
      %dma_start3A_283 = tpu.memref_slice %arg3[%squeeze3A_275, %dma_start3A_282] : memref<100000x64xf32, #tpu.memory_space<hbm>> -> memref<1x64xf32, #tpu.memory_space<hbm>>
      tpu.enqueue_dma source(%dma_start3A_283 : memref<1x64xf32, #tpu.memory_space<hbm>>) target(%dma_start3A_281 : memref<1x64xf32, #tpu.memory_space<vmem>>) target_semaphore(%arg12 : memref<!tpu.dma_semaphore, #tpu.memory_space<semaphore_mem>>)
      %slice3A_284 = vector.extract_strided_slice %get3A_199 {offsets = [3], sizes = [1], strides = [1]} : vector<16xi32> to vector<1xi32>
      %squeeze3A_285 = vector.extract %slice3A_284[0] : i32 from vector<1xi32>
      %dma_start3A_286 = arith.constant 0 : i32
      %dma_start3A_287 = tpu.memref_slice %arg10[%add3A_273, %dma_start3A_286] : memref<128x64xf32, #tpu.memory_space<vmem>> -> memref<1x64xf32, #tpu.memory_space<vmem>>
      %dma_start3A_288 = arith.constant 0 : i32
      %dma_start3A_289 = tpu.memref_slice %arg4[%squeeze3A_285, %dma_start3A_288] : memref<100000x64xf32, #tpu.memory_space<hbm>> -> memref<1x64xf32, #tpu.memory_space<hbm>>
      %dma_start3A_290 = arith.constant 0 : i32
      %dma_start3A_291 = tpu.memref_slice %arg10[%add3A_273, %dma_start3A_290] : memref<128x64xf32, #tpu.memory_space<vmem>> -> memref<1x64xf32, #tpu.memory_space<vmem>>
      %dma_start3A_292 = arith.constant 0 : i32
      %dma_start3A_293 = tpu.memref_slice %arg4[%squeeze3A_285, %dma_start3A_292] : memref<100000x64xf32, #tpu.memory_space<hbm>> -> memref<1x64xf32, #tpu.memory_space<hbm>>
      tpu.enqueue_dma source(%dma_start3A_293 : memref<1x64xf32, #tpu.memory_space<hbm>>) target(%dma_start3A_291 : memref<1x64xf32, #tpu.memory_space<vmem>>) target_semaphore(%arg13 : memref<!tpu.dma_semaphore, #tpu.memory_space<semaphore_mem>>)
      %mul3A_294 = arith.constant 16 : i32
      %mul3A_295 = arith.muli %scan3A_186, %mul3A_294 : i32
      %add3A_296 = arith.constant 4 : i32
      %add3A_297 = arith.addi %mul3A_295, %add3A_296 : i32
      %slice3A_298 = vector.extract_strided_slice %get3A_192 {offsets = [4], sizes = [1], strides = [1]} : vector<16xi32> to vector<1xi32>
      %squeeze3A_299 = vector.extract %slice3A_298[0] : i32 from vector<1xi32>
      %dma_start3A_300 = arith.constant 0 : i32
      %dma_start3A_301 = tpu.memref_slice %arg9[%add3A_297, %dma_start3A_300] : memref<128x64xf32, #tpu.memory_space<vmem>> -> memref<1x64xf32, #tpu.memory_space<vmem>>
      %dma_start3A_302 = arith.constant 0 : i32
      %dma_start3A_303 = tpu.memref_slice %arg3[%squeeze3A_299, %dma_start3A_302] : memref<100000x64xf32, #tpu.memory_space<hbm>> -> memref<1x64xf32, #tpu.memory_space<hbm>>
      %dma_start3A_304 = arith.constant 0 : i32
      %dma_start3A_305 = tpu.memref_slice %arg9[%add3A_297, %dma_start3A_304] : memref<128x64xf32, #tpu.memory_space<vmem>> -> memref<1x64xf32, #tpu.memory_space<vmem>>
      %dma_start3A_306 = arith.constant 0 : i32
      %dma_start3A_307 = tpu.memref_slice %arg3[%squeeze3A_299, %dma_start3A_306] : memref<100000x64xf32, #tpu.memory_space<hbm>> -> memref<1x64xf32, #tpu.memory_space<hbm>>
      tpu.enqueue_dma source(%dma_start3A_307 : memref<1x64xf32, #tpu.memory_space<hbm>>) target(%dma_start3A_305 : memref<1x64xf32, #tpu.memory_space<vmem>>) target_semaphore(%arg12 : memref<!tpu.dma_semaphore, #tpu.memory_space<semaphore_mem>>)
      %slice3A_308 = vector.extract_strided_slice %get3A_199 {offsets = [4], sizes = [1], strides = [1]} : vector<16xi32> to vector<1xi32>
      %squeeze3A_309 = vector.extract %slice3A_308[0] : i32 from vector<1xi32>
      %dma_start3A_310 = arith.constant 0 : i32
      %dma_start3A_311 = tpu.memref_slice %arg10[%add3A_297, %dma_start3A_310] : memref<128x64xf32, #tpu.memory_space<vmem>> -> memref<1x64xf32, #tpu.memory_space<vmem>>
      %dma_start3A_312 = arith.constant 0 : i32
      %dma_start3A_313 = tpu.memref_slice %arg4[%squeeze3A_309, %dma_start3A_312] : memref<100000x64xf32, #tpu.memory_space<hbm>> -> memref<1x64xf32, #tpu.memory_space<hbm>>
      %dma_start3A_314 = arith.constant 0 : i32
      %dma_start3A_315 = tpu.memref_slice %arg10[%add3A_297, %dma_start3A_314] : memref<128x64xf32, #tpu.memory_space<vmem>> -> memref<1x64xf32, #tpu.memory_space<vmem>>
      %dma_start3A_316 = arith.constant 0 : i32
      %dma_start3A_317 = tpu.memref_slice %arg4[%squeeze3A_309, %dma_start3A_316] : memref<100000x64xf32, #tpu.memory_space<hbm>> -> memref<1x64xf32, #tpu.memory_space<hbm>>
      tpu.enqueue_dma source(%dma_start3A_317 : memref<1x64xf32, #tpu.memory_space<hbm>>) target(%dma_start3A_315 : memref<1x64xf32, #tpu.memory_space<vmem>>) target_semaphore(%arg13 : memref<!tpu.dma_semaphore, #tpu.memory_space<semaphore_mem>>)
      %mul3A_318 = arith.constant 16 : i32
      %mul3A_319 = arith.muli %scan3A_186, %mul3A_318 : i32
      %add3A_320 = arith.constant 5 : i32
      %add3A_321 = arith.addi %mul3A_319, %add3A_320 : i32
      %slice3A_322 = vector.extract_strided_slice %get3A_192 {offsets = [5], sizes = [1], strides = [1]} : vector<16xi32> to vector<1xi32>
      %squeeze3A_323 = vector.extract %slice3A_322[0] : i32 from vector<1xi32>
      %dma_start3A_324 = arith.constant 0 : i32
      %dma_start3A_325 = tpu.memref_slice %arg9[%add3A_321, %dma_start3A_324] : memref<128x64xf32, #tpu.memory_space<vmem>> -> memref<1x64xf32, #tpu.memory_space<vmem>>
      %dma_start3A_326 = arith.constant 0 : i32
      %dma_start3A_327 = tpu.memref_slice %arg3[%squeeze3A_323, %dma_start3A_326] : memref<100000x64xf32, #tpu.memory_space<hbm>> -> memref<1x64xf32, #tpu.memory_space<hbm>>
      %dma_start3A_328 = arith.constant 0 : i32
      %dma_start3A_329 = tpu.memref_slice %arg9[%add3A_321, %dma_start3A_328] : memref<128x64xf32, #tpu.memory_space<vmem>> -> memref<1x64xf32, #tpu.memory_space<vmem>>
      %dma_start3A_330 = arith.constant 0 : i32
      %dma_start3A_331 = tpu.memref_slice %arg3[%squeeze3A_323, %dma_start3A_330] : memref<100000x64xf32, #tpu.memory_space<hbm>> -> memref<1x64xf32, #tpu.memory_space<hbm>>
      tpu.enqueue_dma source(%dma_start3A_331 : memref<1x64xf32, #tpu.memory_space<hbm>>) target(%dma_start3A_329 : memref<1x64xf32, #tpu.memory_space<vmem>>) target_semaphore(%arg12 : memref<!tpu.dma_semaphore, #tpu.memory_space<semaphore_mem>>)
      %slice3A_332 = vector.extract_strided_slice %get3A_199 {offsets = [5], sizes = [1], strides = [1]} : vector<16xi32> to vector<1xi32>
      %squeeze3A_333 = vector.extract %slice3A_332[0] : i32 from vector<1xi32>
      %dma_start3A_334 = arith.constant 0 : i32
      %dma_start3A_335 = tpu.memref_slice %arg10[%add3A_321, %dma_start3A_334] : memref<128x64xf32, #tpu.memory_space<vmem>> -> memref<1x64xf32, #tpu.memory_space<vmem>>
      %dma_start3A_336 = arith.constant 0 : i32
      %dma_start3A_337 = tpu.memref_slice %arg4[%squeeze3A_333, %dma_start3A_336] : memref<100000x64xf32, #tpu.memory_space<hbm>> -> memref<1x64xf32, #tpu.memory_space<hbm>>
      %dma_start3A_338 = arith.constant 0 : i32
      %dma_start3A_339 = tpu.memref_slice %arg10[%add3A_321, %dma_start3A_338] : memref<128x64xf32, #tpu.memory_space<vmem>> -> memref<1x64xf32, #tpu.memory_space<vmem>>
      %dma_start3A_340 = arith.constant 0 : i32
      %dma_start3A_341 = tpu.memref_slice %arg4[%squeeze3A_333, %dma_start3A_340] : memref<100000x64xf32, #tpu.memory_space<hbm>> -> memref<1x64xf32, #tpu.memory_space<hbm>>
      tpu.enqueue_dma source(%dma_start3A_341 : memref<1x64xf32, #tpu.memory_space<hbm>>) target(%dma_start3A_339 : memref<1x64xf32, #tpu.memory_space<vmem>>) target_semaphore(%arg13 : memref<!tpu.dma_semaphore, #tpu.memory_space<semaphore_mem>>)
      %mul3A_342 = arith.constant 16 : i32
      %mul3A_343 = arith.muli %scan3A_186, %mul3A_342 : i32
      %add3A_344 = arith.constant 6 : i32
      %add3A_345 = arith.addi %mul3A_343, %add3A_344 : i32
      %slice3A_346 = vector.extract_strided_slice %get3A_192 {offsets = [6], sizes = [1], strides = [1]} : vector<16xi32> to vector<1xi32>
      %squeeze3A_347 = vector.extract %slice3A_346[0] : i32 from vector<1xi32>
      %dma_start3A_348 = arith.constant 0 : i32
      %dma_start3A_349 = tpu.memref_slice %arg9[%add3A_345, %dma_start3A_348] : memref<128x64xf32, #tpu.memory_space<vmem>> -> memref<1x64xf32, #tpu.memory_space<vmem>>
      %dma_start3A_350 = arith.constant 0 : i32
      %dma_start3A_351 = tpu.memref_slice %arg3[%squeeze3A_347, %dma_start3A_350] : memref<100000x64xf32, #tpu.memory_space<hbm>> -> memref<1x64xf32, #tpu.memory_space<hbm>>
      %dma_start3A_352 = arith.constant 0 : i32
      %dma_start3A_353 = tpu.memref_slice %arg9[%add3A_345, %dma_start3A_352] : memref<128x64xf32, #tpu.memory_space<vmem>> -> memref<1x64xf32, #tpu.memory_space<vmem>>
      %dma_start3A_354 = arith.constant 0 : i32
      %dma_start3A_355 = tpu.memref_slice %arg3[%squeeze3A_347, %dma_start3A_354] : memref<100000x64xf32, #tpu.memory_space<hbm>> -> memref<1x64xf32, #tpu.memory_space<hbm>>
      tpu.enqueue_dma source(%dma_start3A_355 : memref<1x64xf32, #tpu.memory_space<hbm>>) target(%dma_start3A_353 : memref<1x64xf32, #tpu.memory_space<vmem>>) target_semaphore(%arg12 : memref<!tpu.dma_semaphore, #tpu.memory_space<semaphore_mem>>)
      %slice3A_356 = vector.extract_strided_slice %get3A_199 {offsets = [6], sizes = [1], strides = [1]} : vector<16xi32> to vector<1xi32>
      %squeeze3A_357 = vector.extract %slice3A_356[0] : i32 from vector<1xi32>
      %dma_start3A_358 = arith.constant 0 : i32
      %dma_start3A_359 = tpu.memref_slice %arg10[%add3A_345, %dma_start3A_358] : memref<128x64xf32, #tpu.memory_space<vmem>> -> memref<1x64xf32, #tpu.memory_space<vmem>>
      %dma_start3A_360 = arith.constant 0 : i32
      %dma_start3A_361 = tpu.memref_slice %arg4[%squeeze3A_357, %dma_start3A_360] : memref<100000x64xf32, #tpu.memory_space<hbm>> -> memref<1x64xf32, #tpu.memory_space<hbm>>
      %dma_start3A_362 = arith.constant 0 : i32
      %dma_start3A_363 = tpu.memref_slice %arg10[%add3A_345, %dma_start3A_362] : memref<128x64xf32, #tpu.memory_space<vmem>> -> memref<1x64xf32, #tpu.memory_space<vmem>>
      %dma_start3A_364 = arith.constant 0 : i32
      %dma_start3A_365 = tpu.memref_slice %arg4[%squeeze3A_357, %dma_start3A_364] : memref<100000x64xf32, #tpu.memory_space<hbm>> -> memref<1x64xf32, #tpu.memory_space<hbm>>
      tpu.enqueue_dma source(%dma_start3A_365 : memref<1x64xf32, #tpu.memory_space<hbm>>) target(%dma_start3A_363 : memref<1x64xf32, #tpu.memory_space<vmem>>) target_semaphore(%arg13 : memref<!tpu.dma_semaphore, #tpu.memory_space<semaphore_mem>>)
      %mul3A_366 = arith.constant 16 : i32
      %mul3A_367 = arith.muli %scan3A_186, %mul3A_366 : i32
      %add3A_368 = arith.constant 7 : i32
      %add3A_369 = arith.addi %mul3A_367, %add3A_368 : i32
      %slice3A_370 = vector.extract_strided_slice %get3A_192 {offsets = [7], sizes = [1], strides = [1]} : vector<16xi32> to vector<1xi32>
      %squeeze3A_371 = vector.extract %slice3A_370[0] : i32 from vector<1xi32>
      %dma_start3A_372 = arith.constant 0 : i32
      %dma_start3A_373 = tpu.memref_slice %arg9[%add3A_369, %dma_start3A_372] : memref<128x64xf32, #tpu.memory_space<vmem>> -> memref<1x64xf32, #tpu.memory_space<vmem>>
      %dma_start3A_374 = arith.constant 0 : i32
      %dma_start3A_375 = tpu.memref_slice %arg3[%squeeze3A_371, %dma_start3A_374] : memref<100000x64xf32, #tpu.memory_space<hbm>> -> memref<1x64xf32, #tpu.memory_space<hbm>>
      %dma_start3A_376 = arith.constant 0 : i32
      %dma_start3A_377 = tpu.memref_slice %arg9[%add3A_369, %dma_start3A_376] : memref<128x64xf32, #tpu.memory_space<vmem>> -> memref<1x64xf32, #tpu.memory_space<vmem>>
      %dma_start3A_378 = arith.constant 0 : i32
      %dma_start3A_379 = tpu.memref_slice %arg3[%squeeze3A_371, %dma_start3A_378] : memref<100000x64xf32, #tpu.memory_space<hbm>> -> memref<1x64xf32, #tpu.memory_space<hbm>>
      tpu.enqueue_dma source(%dma_start3A_379 : memref<1x64xf32, #tpu.memory_space<hbm>>) target(%dma_start3A_377 : memref<1x64xf32, #tpu.memory_space<vmem>>) target_semaphore(%arg12 : memref<!tpu.dma_semaphore, #tpu.memory_space<semaphore_mem>>)
      %slice3A_380 = vector.extract_strided_slice %get3A_199 {offsets = [7], sizes = [1], strides = [1]} : vector<16xi32> to vector<1xi32>
      %squeeze3A_381 = vector.extract %slice3A_380[0] : i32 from vector<1xi32>
      %dma_start3A_382 = arith.constant 0 : i32
      %dma_start3A_383 = tpu.memref_slice %arg10[%add3A_369, %dma_start3A_382] : memref<128x64xf32, #tpu.memory_space<vmem>> -> memref<1x64xf32, #tpu.memory_space<vmem>>
      %dma_start3A_384 = arith.constant 0 : i32
      %dma_start3A_385 = tpu.memref_slice %arg4[%squeeze3A_381, %dma_start3A_384] : memref<100000x64xf32, #tpu.memory_space<hbm>> -> memref<1x64xf32, #tpu.memory_space<hbm>>
      %dma_start3A_386 = arith.constant 0 : i32
      %dma_start3A_387 = tpu.memref_slice %arg10[%add3A_369, %dma_start3A_386] : memref<128x64xf32, #tpu.memory_space<vmem>> -> memref<1x64xf32, #tpu.memory_space<vmem>>
      %dma_start3A_388 = arith.constant 0 : i32
      %dma_start3A_389 = tpu.memref_slice %arg4[%squeeze3A_381, %dma_start3A_388] : memref<100000x64xf32, #tpu.memory_space<hbm>> -> memref<1x64xf32, #tpu.memory_space<hbm>>
      tpu.enqueue_dma source(%dma_start3A_389 : memref<1x64xf32, #tpu.memory_space<hbm>>) target(%dma_start3A_387 : memref<1x64xf32, #tpu.memory_space<vmem>>) target_semaphore(%arg13 : memref<!tpu.dma_semaphore, #tpu.memory_space<semaphore_mem>>)
      %mul3A_390 = arith.constant 16 : i32
      %mul3A_391 = arith.muli %scan3A_186, %mul3A_390 : i32
      %add3A_392 = arith.constant 8 : i32
      %add3A_393 = arith.addi %mul3A_391, %add3A_392 : i32
      %slice3A_394 = vector.extract_strided_slice %get3A_192 {offsets = [8], sizes = [1], strides = [1]} : vector<16xi32> to vector<1xi32>
      %squeeze3A_395 = vector.extract %slice3A_394[0] : i32 from vector<1xi32>
      %dma_start3A_396 = arith.constant 0 : i32
      %dma_start3A_397 = tpu.memref_slice %arg9[%add3A_393, %dma_start3A_396] : memref<128x64xf32, #tpu.memory_space<vmem>> -> memref<1x64xf32, #tpu.memory_space<vmem>>
      %dma_start3A_398 = arith.constant 0 : i32
      %dma_start3A_399 = tpu.memref_slice %arg3[%squeeze3A_395, %dma_start3A_398] : memref<100000x64xf32, #tpu.memory_space<hbm>> -> memref<1x64xf32, #tpu.memory_space<hbm>>
      %dma_start3A_400 = arith.constant 0 : i32
      %dma_start3A_401 = tpu.memref_slice %arg9[%add3A_393, %dma_start3A_400] : memref<128x64xf32, #tpu.memory_space<vmem>> -> memref<1x64xf32, #tpu.memory_space<vmem>>
      %dma_start3A_402 = arith.constant 0 : i32
      %dma_start3A_403 = tpu.memref_slice %arg3[%squeeze3A_395, %dma_start3A_402] : memref<100000x64xf32, #tpu.memory_space<hbm>> -> memref<1x64xf32, #tpu.memory_space<hbm>>
      tpu.enqueue_dma source(%dma_start3A_403 : memref<1x64xf32, #tpu.memory_space<hbm>>) target(%dma_start3A_401 : memref<1x64xf32, #tpu.memory_space<vmem>>) target_semaphore(%arg12 : memref<!tpu.dma_semaphore, #tpu.memory_space<semaphore_mem>>)
      %slice3A_404 = vector.extract_strided_slice %get3A_199 {offsets = [8], sizes = [1], strides = [1]} : vector<16xi32> to vector<1xi32>
      %squeeze3A_405 = vector.extract %slice3A_404[0] : i32 from vector<1xi32>
      %dma_start3A_406 = arith.constant 0 : i32
      %dma_start3A_407 = tpu.memref_slice %arg10[%add3A_393, %dma_start3A_406] : memref<128x64xf32, #tpu.memory_space<vmem>> -> memref<1x64xf32, #tpu.memory_space<vmem>>
      %dma_start3A_408 = arith.constant 0 : i32
      %dma_start3A_409 = tpu.memref_slice %arg4[%squeeze3A_405, %dma_start3A_408] : memref<100000x64xf32, #tpu.memory_space<hbm>> -> memref<1x64xf32, #tpu.memory_space<hbm>>
      %dma_start3A_410 = arith.constant 0 : i32
      %dma_start3A_411 = tpu.memref_slice %arg10[%add3A_393, %dma_start3A_410] : memref<128x64xf32, #tpu.memory_space<vmem>> -> memref<1x64xf32, #tpu.memory_space<vmem>>
      %dma_start3A_412 = arith.constant 0 : i32
      %dma_start3A_413 = tpu.memref_slice %arg4[%squeeze3A_405, %dma_start3A_412] : memref<100000x64xf32, #tpu.memory_space<hbm>> -> memref<1x64xf32, #tpu.memory_space<hbm>>
      tpu.enqueue_dma source(%dma_start3A_413 : memref<1x64xf32, #tpu.memory_space<hbm>>) target(%dma_start3A_411 : memref<1x64xf32, #tpu.memory_space<vmem>>) target_semaphore(%arg13 : memref<!tpu.dma_semaphore, #tpu.memory_space<semaphore_mem>>)
      %mul3A_414 = arith.constant 16 : i32
      %mul3A_415 = arith.muli %scan3A_186, %mul3A_414 : i32
      %add3A_416 = arith.constant 9 : i32
      %add3A_417 = arith.addi %mul3A_415, %add3A_416 : i32
      %slice3A_418 = vector.extract_strided_slice %get3A_192 {offsets = [9], sizes = [1], strides = [1]} : vector<16xi32> to vector<1xi32>
      %squeeze3A_419 = vector.extract %slice3A_418[0] : i32 from vector<1xi32>
      %dma_start3A_420 = arith.constant 0 : i32
      %dma_start3A_421 = tpu.memref_slice %arg9[%add3A_417, %dma_start3A_420] : memref<128x64xf32, #tpu.memory_space<vmem>> -> memref<1x64xf32, #tpu.memory_space<vmem>>
      %dma_start3A_422 = arith.constant 0 : i32
      %dma_start3A_423 = tpu.memref_slice %arg3[%squeeze3A_419, %dma_start3A_422] : memref<100000x64xf32, #tpu.memory_space<hbm>> -> memref<1x64xf32, #tpu.memory_space<hbm>>
      %dma_start3A_424 = arith.constant 0 : i32
      %dma_start3A_425 = tpu.memref_slice %arg9[%add3A_417, %dma_start3A_424] : memref<128x64xf32, #tpu.memory_space<vmem>> -> memref<1x64xf32, #tpu.memory_space<vmem>>
      %dma_start3A_426 = arith.constant 0 : i32
      %dma_start3A_427 = tpu.memref_slice %arg3[%squeeze3A_419, %dma_start3A_426] : memref<100000x64xf32, #tpu.memory_space<hbm>> -> memref<1x64xf32, #tpu.memory_space<hbm>>
      tpu.enqueue_dma source(%dma_start3A_427 : memref<1x64xf32, #tpu.memory_space<hbm>>) target(%dma_start3A_425 : memref<1x64xf32, #tpu.memory_space<vmem>>) target_semaphore(%arg12 : memref<!tpu.dma_semaphore, #tpu.memory_space<semaphore_mem>>)
      %slice3A_428 = vector.extract_strided_slice %get3A_199 {offsets = [9], sizes = [1], strides = [1]} : vector<16xi32> to vector<1xi32>
      %squeeze3A_429 = vector.extract %slice3A_428[0] : i32 from vector<1xi32>
      %dma_start3A_430 = arith.constant 0 : i32
      %dma_start3A_431 = tpu.memref_slice %arg10[%add3A_417, %dma_start3A_430] : memref<128x64xf32, #tpu.memory_space<vmem>> -> memref<1x64xf32, #tpu.memory_space<vmem>>
      %dma_start3A_432 = arith.constant 0 : i32
      %dma_start3A_433 = tpu.memref_slice %arg4[%squeeze3A_429, %dma_start3A_432] : memref<100000x64xf32, #tpu.memory_space<hbm>> -> memref<1x64xf32, #tpu.memory_space<hbm>>
      %dma_start3A_434 = arith.constant 0 : i32
      %dma_start3A_435 = tpu.memref_slice %arg10[%add3A_417, %dma_start3A_434] : memref<128x64xf32, #tpu.memory_space<vmem>> -> memref<1x64xf32, #tpu.memory_space<vmem>>
      %dma_start3A_436 = arith.constant 0 : i32
      %dma_start3A_437 = tpu.memref_slice %arg4[%squeeze3A_429, %dma_start3A_436] : memref<100000x64xf32, #tpu.memory_space<hbm>> -> memref<1x64xf32, #tpu.memory_space<hbm>>
      tpu.enqueue_dma source(%dma_start3A_437 : memref<1x64xf32, #tpu.memory_space<hbm>>) target(%dma_start3A_435 : memref<1x64xf32, #tpu.memory_space<vmem>>) target_semaphore(%arg13 : memref<!tpu.dma_semaphore, #tpu.memory_space<semaphore_mem>>)
      %mul3A_438 = arith.constant 16 : i32
      %mul3A_439 = arith.muli %scan3A_186, %mul3A_438 : i32
      %add3A_440 = arith.constant 10 : i32
      %add3A_441 = arith.addi %mul3A_439, %add3A_440 : i32
      %slice3A_442 = vector.extract_strided_slice %get3A_192 {offsets = [10], sizes = [1], strides = [1]} : vector<16xi32> to vector<1xi32>
      %squeeze3A_443 = vector.extract %slice3A_442[0] : i32 from vector<1xi32>
      %dma_start3A_444 = arith.constant 0 : i32
      %dma_start3A_445 = tpu.memref_slice %arg9[%add3A_441, %dma_start3A_444] : memref<128x64xf32, #tpu.memory_space<vmem>> -> memref<1x64xf32, #tpu.memory_space<vmem>>
      %dma_start3A_446 = arith.constant 0 : i32
      %dma_start3A_447 = tpu.memref_slice %arg3[%squeeze3A_443, %dma_start3A_446] : memref<100000x64xf32, #tpu.memory_space<hbm>> -> memref<1x64xf32, #tpu.memory_space<hbm>>
      %dma_start3A_448 = arith.constant 0 : i32
      %dma_start3A_449 = tpu.memref_slice %arg9[%add3A_441, %dma_start3A_448] : memref<128x64xf32, #tpu.memory_space<vmem>> -> memref<1x64xf32, #tpu.memory_space<vmem>>
      %dma_start3A_450 = arith.constant 0 : i32
      %dma_start3A_451 = tpu.memref_slice %arg3[%squeeze3A_443, %dma_start3A_450] : memref<100000x64xf32, #tpu.memory_space<hbm>> -> memref<1x64xf32, #tpu.memory_space<hbm>>
      tpu.enqueue_dma source(%dma_start3A_451 : memref<1x64xf32, #tpu.memory_space<hbm>>) target(%dma_start3A_449 : memref<1x64xf32, #tpu.memory_space<vmem>>) target_semaphore(%arg12 : memref<!tpu.dma_semaphore, #tpu.memory_space<semaphore_mem>>)
      %slice3A_452 = vector.extract_strided_slice %get3A_199 {offsets = [10], sizes = [1], strides = [1]} : vector<16xi32> to vector<1xi32>
      %squeeze3A_453 = vector.extract %slice3A_452[0] : i32 from vector<1xi32>
      %dma_start3A_454 = arith.constant 0 : i32
      %dma_start3A_455 = tpu.memref_slice %arg10[%add3A_441, %dma_start3A_454] : memref<128x64xf32, #tpu.memory_space<vmem>> -> memref<1x64xf32, #tpu.memory_space<vmem>>
      %dma_start3A_456 = arith.constant 0 : i32
      %dma_start3A_457 = tpu.memref_slice %arg4[%squeeze3A_453, %dma_start3A_456] : memref<100000x64xf32, #tpu.memory_space<hbm>> -> memref<1x64xf32, #tpu.memory_space<hbm>>
      %dma_start3A_458 = arith.constant 0 : i32
      %dma_start3A_459 = tpu.memref_slice %arg10[%add3A_441, %dma_start3A_458] : memref<128x64xf32, #tpu.memory_space<vmem>> -> memref<1x64xf32, #tpu.memory_space<vmem>>
      %dma_start3A_460 = arith.constant 0 : i32
      %dma_start3A_461 = tpu.memref_slice %arg4[%squeeze3A_453, %dma_start3A_460] : memref<100000x64xf32, #tpu.memory_space<hbm>> -> memref<1x64xf32, #tpu.memory_space<hbm>>
      tpu.enqueue_dma source(%dma_start3A_461 : memref<1x64xf32, #tpu.memory_space<hbm>>) target(%dma_start3A_459 : memref<1x64xf32, #tpu.memory_space<vmem>>) target_semaphore(%arg13 : memref<!tpu.dma_semaphore, #tpu.memory_space<semaphore_mem>>)
      %mul3A_462 = arith.constant 16 : i32
      %mul3A_463 = arith.muli %scan3A_186, %mul3A_462 : i32
      %add3A_464 = arith.constant 11 : i32
      %add3A_465 = arith.addi %mul3A_463, %add3A_464 : i32
      %slice3A_466 = vector.extract_strided_slice %get3A_192 {offsets = [11], sizes = [1], strides = [1]} : vector<16xi32> to vector<1xi32>
      %squeeze3A_467 = vector.extract %slice3A_466[0] : i32 from vector<1xi32>
      %dma_start3A_468 = arith.constant 0 : i32
      %dma_start3A_469 = tpu.memref_slice %arg9[%add3A_465, %dma_start3A_468] : memref<128x64xf32, #tpu.memory_space<vmem>> -> memref<1x64xf32, #tpu.memory_space<vmem>>
      %dma_start3A_470 = arith.constant 0 : i32
      %dma_start3A_471 = tpu.memref_slice %arg3[%squeeze3A_467, %dma_start3A_470] : memref<100000x64xf32, #tpu.memory_space<hbm>> -> memref<1x64xf32, #tpu.memory_space<hbm>>
      %dma_start3A_472 = arith.constant 0 : i32
      %dma_start3A_473 = tpu.memref_slice %arg9[%add3A_465, %dma_start3A_472] : memref<128x64xf32, #tpu.memory_space<vmem>> -> memref<1x64xf32, #tpu.memory_space<vmem>>
      %dma_start3A_474 = arith.constant 0 : i32
      %dma_start3A_475 = tpu.memref_slice %arg3[%squeeze3A_467, %dma_start3A_474] : memref<100000x64xf32, #tpu.memory_space<hbm>> -> memref<1x64xf32, #tpu.memory_space<hbm>>
      tpu.enqueue_dma source(%dma_start3A_475 : memref<1x64xf32, #tpu.memory_space<hbm>>) target(%dma_start3A_473 : memref<1x64xf32, #tpu.memory_space<vmem>>) target_semaphore(%arg12 : memref<!tpu.dma_semaphore, #tpu.memory_space<semaphore_mem>>)
      %slice3A_476 = vector.extract_strided_slice %get3A_199 {offsets = [11], sizes = [1], strides = [1]} : vector<16xi32> to vector<1xi32>
      %squeeze3A_477 = vector.extract %slice3A_476[0] : i32 from vector<1xi32>
      %dma_start3A_478 = arith.constant 0 : i32
      %dma_start3A_479 = tpu.memref_slice %arg10[%add3A_465, %dma_start3A_478] : memref<128x64xf32, #tpu.memory_space<vmem>> -> memref<1x64xf32, #tpu.memory_space<vmem>>
      %dma_start3A_480 = arith.constant 0 : i32
      %dma_start3A_481 = tpu.memref_slice %arg4[%squeeze3A_477, %dma_start3A_480] : memref<100000x64xf32, #tpu.memory_space<hbm>> -> memref<1x64xf32, #tpu.memory_space<hbm>>
      %dma_start3A_482 = arith.constant 0 : i32
      %dma_start3A_483 = tpu.memref_slice %arg10[%add3A_465, %dma_start3A_482] : memref<128x64xf32, #tpu.memory_space<vmem>> -> memref<1x64xf32, #tpu.memory_space<vmem>>
      %dma_start3A_484 = arith.constant 0 : i32
      %dma_start3A_485 = tpu.memref_slice %arg4[%squeeze3A_477, %dma_start3A_484] : memref<100000x64xf32, #tpu.memory_space<hbm>> -> memref<1x64xf32, #tpu.memory_space<hbm>>
      tpu.enqueue_dma source(%dma_start3A_485 : memref<1x64xf32, #tpu.memory_space<hbm>>) target(%dma_start3A_483 : memref<1x64xf32, #tpu.memory_space<vmem>>) target_semaphore(%arg13 : memref<!tpu.dma_semaphore, #tpu.memory_space<semaphore_mem>>)
      %mul3A_486 = arith.constant 16 : i32
      %mul3A_487 = arith.muli %scan3A_186, %mul3A_486 : i32
      %add3A_488 = arith.constant 12 : i32
      %add3A_489 = arith.addi %mul3A_487, %add3A_488 : i32
      %slice3A_490 = vector.extract_strided_slice %get3A_192 {offsets = [12], sizes = [1], strides = [1]} : vector<16xi32> to vector<1xi32>
      %squeeze3A_491 = vector.extract %slice3A_490[0] : i32 from vector<1xi32>
      %dma_start3A_492 = arith.constant 0 : i32
      %dma_start3A_493 = tpu.memref_slice %arg9[%add3A_489, %dma_start3A_492] : memref<128x64xf32, #tpu.memory_space<vmem>> -> memref<1x64xf32, #tpu.memory_space<vmem>>
      %dma_start3A_494 = arith.constant 0 : i32
      %dma_start3A_495 = tpu.memref_slice %arg3[%squeeze3A_491, %dma_start3A_494] : memref<100000x64xf32, #tpu.memory_space<hbm>> -> memref<1x64xf32, #tpu.memory_space<hbm>>
      %dma_start3A_496 = arith.constant 0 : i32
      %dma_start3A_497 = tpu.memref_slice %arg9[%add3A_489, %dma_start3A_496] : memref<128x64xf32, #tpu.memory_space<vmem>> -> memref<1x64xf32, #tpu.memory_space<vmem>>
      %dma_start3A_498 = arith.constant 0 : i32
      %dma_start3A_499 = tpu.memref_slice %arg3[%squeeze3A_491, %dma_start3A_498] : memref<100000x64xf32, #tpu.memory_space<hbm>> -> memref<1x64xf32, #tpu.memory_space<hbm>>
      tpu.enqueue_dma source(%dma_start3A_499 : memref<1x64xf32, #tpu.memory_space<hbm>>) target(%dma_start3A_497 : memref<1x64xf32, #tpu.memory_space<vmem>>) target_semaphore(%arg12 : memref<!tpu.dma_semaphore, #tpu.memory_space<semaphore_mem>>)
      %slice3A_500 = vector.extract_strided_slice %get3A_199 {offsets = [12], sizes = [1], strides = [1]} : vector<16xi32> to vector<1xi32>
      %squeeze3A_501 = vector.extract %slice3A_500[0] : i32 from vector<1xi32>
      %dma_start3A_502 = arith.constant 0 : i32
      %dma_start3A_503 = tpu.memref_slice %arg10[%add3A_489, %dma_start3A_502] : memref<128x64xf32, #tpu.memory_space<vmem>> -> memref<1x64xf32, #tpu.memory_space<vmem>>
      %dma_start3A_504 = arith.constant 0 : i32
      %dma_start3A_505 = tpu.memref_slice %arg4[%squeeze3A_501, %dma_start3A_504] : memref<100000x64xf32, #tpu.memory_space<hbm>> -> memref<1x64xf32, #tpu.memory_space<hbm>>
      %dma_start3A_506 = arith.constant 0 : i32
      %dma_start3A_507 = tpu.memref_slice %arg10[%add3A_489, %dma_start3A_506] : memref<128x64xf32, #tpu.memory_space<vmem>> -> memref<1x64xf32, #tpu.memory_space<vmem>>
      %dma_start3A_508 = arith.constant 0 : i32
      %dma_start3A_509 = tpu.memref_slice %arg4[%squeeze3A_501, %dma_start3A_508] : memref<100000x64xf32, #tpu.memory_space<hbm>> -> memref<1x64xf32, #tpu.memory_space<hbm>>
      tpu.enqueue_dma source(%dma_start3A_509 : memref<1x64xf32, #tpu.memory_space<hbm>>) target(%dma_start3A_507 : memref<1x64xf32, #tpu.memory_space<vmem>>) target_semaphore(%arg13 : memref<!tpu.dma_semaphore, #tpu.memory_space<semaphore_mem>>)
      %mul3A_510 = arith.constant 16 : i32
      %mul3A_511 = arith.muli %scan3A_186, %mul3A_510 : i32
      %add3A_512 = arith.constant 13 : i32
      %add3A_513 = arith.addi %mul3A_511, %add3A_512 : i32
      %slice3A_514 = vector.extract_strided_slice %get3A_192 {offsets = [13], sizes = [1], strides = [1]} : vector<16xi32> to vector<1xi32>
      %squeeze3A_515 = vector.extract %slice3A_514[0] : i32 from vector<1xi32>
      %dma_start3A_516 = arith.constant 0 : i32
      %dma_start3A_517 = tpu.memref_slice %arg9[%add3A_513, %dma_start3A_516] : memref<128x64xf32, #tpu.memory_space<vmem>> -> memref<1x64xf32, #tpu.memory_space<vmem>>
      %dma_start3A_518 = arith.constant 0 : i32
      %dma_start3A_519 = tpu.memref_slice %arg3[%squeeze3A_515, %dma_start3A_518] : memref<100000x64xf32, #tpu.memory_space<hbm>> -> memref<1x64xf32, #tpu.memory_space<hbm>>
      %dma_start3A_520 = arith.constant 0 : i32
      %dma_start3A_521 = tpu.memref_slice %arg9[%add3A_513, %dma_start3A_520] : memref<128x64xf32, #tpu.memory_space<vmem>> -> memref<1x64xf32, #tpu.memory_space<vmem>>
      %dma_start3A_522 = arith.constant 0 : i32
      %dma_start3A_523 = tpu.memref_slice %arg3[%squeeze3A_515, %dma_start3A_522] : memref<100000x64xf32, #tpu.memory_space<hbm>> -> memref<1x64xf32, #tpu.memory_space<hbm>>
      tpu.enqueue_dma source(%dma_start3A_523 : memref<1x64xf32, #tpu.memory_space<hbm>>) target(%dma_start3A_521 : memref<1x64xf32, #tpu.memory_space<vmem>>) target_semaphore(%arg12 : memref<!tpu.dma_semaphore, #tpu.memory_space<semaphore_mem>>)
      %slice3A_524 = vector.extract_strided_slice %get3A_199 {offsets = [13], sizes = [1], strides = [1]} : vector<16xi32> to vector<1xi32>
      %squeeze3A_525 = vector.extract %slice3A_524[0] : i32 from vector<1xi32>
      %dma_start3A_526 = arith.constant 0 : i32
      %dma_start3A_527 = tpu.memref_slice %arg10[%add3A_513, %dma_start3A_526] : memref<128x64xf32, #tpu.memory_space<vmem>> -> memref<1x64xf32, #tpu.memory_space<vmem>>
      %dma_start3A_528 = arith.constant 0 : i32
      %dma_start3A_529 = tpu.memref_slice %arg4[%squeeze3A_525, %dma_start3A_528] : memref<100000x64xf32, #tpu.memory_space<hbm>> -> memref<1x64xf32, #tpu.memory_space<hbm>>
      %dma_start3A_530 = arith.constant 0 : i32
      %dma_start3A_531 = tpu.memref_slice %arg10[%add3A_513, %dma_start3A_530] : memref<128x64xf32, #tpu.memory_space<vmem>> -> memref<1x64xf32, #tpu.memory_space<vmem>>
      %dma_start3A_532 = arith.constant 0 : i32
      %dma_start3A_533 = tpu.memref_slice %arg4[%squeeze3A_525, %dma_start3A_532] : memref<100000x64xf32, #tpu.memory_space<hbm>> -> memref<1x64xf32, #tpu.memory_space<hbm>>
      tpu.enqueue_dma source(%dma_start3A_533 : memref<1x64xf32, #tpu.memory_space<hbm>>) target(%dma_start3A_531 : memref<1x64xf32, #tpu.memory_space<vmem>>) target_semaphore(%arg13 : memref<!tpu.dma_semaphore, #tpu.memory_space<semaphore_mem>>)
      %mul3A_534 = arith.constant 16 : i32
      %mul3A_535 = arith.muli %scan3A_186, %mul3A_534 : i32
      %add3A_536 = arith.constant 14 : i32
      %add3A_537 = arith.addi %mul3A_535, %add3A_536 : i32
      %slice3A_538 = vector.extract_strided_slice %get3A_192 {offsets = [14], sizes = [1], strides = [1]} : vector<16xi32> to vector<1xi32>
      %squeeze3A_539 = vector.extract %slice3A_538[0] : i32 from vector<1xi32>
      %dma_start3A_540 = arith.constant 0 : i32
      %dma_start3A_541 = tpu.memref_slice %arg9[%add3A_537, %dma_start3A_540] : memref<128x64xf32, #tpu.memory_space<vmem>> -> memref<1x64xf32, #tpu.memory_space<vmem>>
      %dma_start3A_542 = arith.constant 0 : i32
      %dma_start3A_543 = tpu.memref_slice %arg3[%squeeze3A_539, %dma_start3A_542] : memref<100000x64xf32, #tpu.memory_space<hbm>> -> memref<1x64xf32, #tpu.memory_space<hbm>>
      %dma_start3A_544 = arith.constant 0 : i32
      %dma_start3A_545 = tpu.memref_slice %arg9[%add3A_537, %dma_start3A_544] : memref<128x64xf32, #tpu.memory_space<vmem>> -> memref<1x64xf32, #tpu.memory_space<vmem>>
      %dma_start3A_546 = arith.constant 0 : i32
      %dma_start3A_547 = tpu.memref_slice %arg3[%squeeze3A_539, %dma_start3A_546] : memref<100000x64xf32, #tpu.memory_space<hbm>> -> memref<1x64xf32, #tpu.memory_space<hbm>>
      tpu.enqueue_dma source(%dma_start3A_547 : memref<1x64xf32, #tpu.memory_space<hbm>>) target(%dma_start3A_545 : memref<1x64xf32, #tpu.memory_space<vmem>>) target_semaphore(%arg12 : memref<!tpu.dma_semaphore, #tpu.memory_space<semaphore_mem>>)
      %slice3A_548 = vector.extract_strided_slice %get3A_199 {offsets = [14], sizes = [1], strides = [1]} : vector<16xi32> to vector<1xi32>
      %squeeze3A_549 = vector.extract %slice3A_548[0] : i32 from vector<1xi32>
      %dma_start3A_550 = arith.constant 0 : i32
      %dma_start3A_551 = tpu.memref_slice %arg10[%add3A_537, %dma_start3A_550] : memref<128x64xf32, #tpu.memory_space<vmem>> -> memref<1x64xf32, #tpu.memory_space<vmem>>
      %dma_start3A_552 = arith.constant 0 : i32
      %dma_start3A_553 = tpu.memref_slice %arg4[%squeeze3A_549, %dma_start3A_552] : memref<100000x64xf32, #tpu.memory_space<hbm>> -> memref<1x64xf32, #tpu.memory_space<hbm>>
      %dma_start3A_554 = arith.constant 0 : i32
      %dma_start3A_555 = tpu.memref_slice %arg10[%add3A_537, %dma_start3A_554] : memref<128x64xf32, #tpu.memory_space<vmem>> -> memref<1x64xf32, #tpu.memory_space<vmem>>
      %dma_start3A_556 = arith.constant 0 : i32
      %dma_start3A_557 = tpu.memref_slice %arg4[%squeeze3A_549, %dma_start3A_556] : memref<100000x64xf32, #tpu.memory_space<hbm>> -> memref<1x64xf32, #tpu.memory_space<hbm>>
      tpu.enqueue_dma source(%dma_start3A_557 : memref<1x64xf32, #tpu.memory_space<hbm>>) target(%dma_start3A_555 : memref<1x64xf32, #tpu.memory_space<vmem>>) target_semaphore(%arg13 : memref<!tpu.dma_semaphore, #tpu.memory_space<semaphore_mem>>)
      %mul3A_558 = arith.constant 16 : i32
      %mul3A_559 = arith.muli %scan3A_186, %mul3A_558 : i32
      %add3A_560 = arith.constant 15 : i32
      %add3A_561 = arith.addi %mul3A_559, %add3A_560 : i32
      %slice3A_562 = vector.extract_strided_slice %get3A_192 {offsets = [15], sizes = [1], strides = [1]} : vector<16xi32> to vector<1xi32>
      %squeeze3A_563 = vector.extract %slice3A_562[0] : i32 from vector<1xi32>
      %dma_start3A_564 = arith.constant 0 : i32
      %dma_start3A_565 = tpu.memref_slice %arg9[%add3A_561, %dma_start3A_564] : memref<128x64xf32, #tpu.memory_space<vmem>> -> memref<1x64xf32, #tpu.memory_space<vmem>>
      %dma_start3A_566 = arith.constant 0 : i32
      %dma_start3A_567 = tpu.memref_slice %arg3[%squeeze3A_563, %dma_start3A_566] : memref<100000x64xf32, #tpu.memory_space<hbm>> -> memref<1x64xf32, #tpu.memory_space<hbm>>
      %dma_start3A_568 = arith.constant 0 : i32
      %dma_start3A_569 = tpu.memref_slice %arg9[%add3A_561, %dma_start3A_568] : memref<128x64xf32, #tpu.memory_space<vmem>> -> memref<1x64xf32, #tpu.memory_space<vmem>>
      %dma_start3A_570 = arith.constant 0 : i32
      %dma_start3A_571 = tpu.memref_slice %arg3[%squeeze3A_563, %dma_start3A_570] : memref<100000x64xf32, #tpu.memory_space<hbm>> -> memref<1x64xf32, #tpu.memory_space<hbm>>
      tpu.enqueue_dma source(%dma_start3A_571 : memref<1x64xf32, #tpu.memory_space<hbm>>) target(%dma_start3A_569 : memref<1x64xf32, #tpu.memory_space<vmem>>) target_semaphore(%arg12 : memref<!tpu.dma_semaphore, #tpu.memory_space<semaphore_mem>>)
      %slice3A_572 = vector.extract_strided_slice %get3A_199 {offsets = [15], sizes = [1], strides = [1]} : vector<16xi32> to vector<1xi32>
      %squeeze3A_573 = vector.extract %slice3A_572[0] : i32 from vector<1xi32>
      %dma_start3A_574 = arith.constant 0 : i32
      %dma_start3A_575 = tpu.memref_slice %arg10[%add3A_561, %dma_start3A_574] : memref<128x64xf32, #tpu.memory_space<vmem>> -> memref<1x64xf32, #tpu.memory_space<vmem>>
      %dma_start3A_576 = arith.constant 0 : i32
      %dma_start3A_577 = tpu.memref_slice %arg4[%squeeze3A_573, %dma_start3A_576] : memref<100000x64xf32, #tpu.memory_space<hbm>> -> memref<1x64xf32, #tpu.memory_space<hbm>>
      %dma_start3A_578 = arith.constant 0 : i32
      %dma_start3A_579 = tpu.memref_slice %arg10[%add3A_561, %dma_start3A_578] : memref<128x64xf32, #tpu.memory_space<vmem>> -> memref<1x64xf32, #tpu.memory_space<vmem>>
      %dma_start3A_580 = arith.constant 0 : i32
      %dma_start3A_581 = tpu.memref_slice %arg4[%squeeze3A_573, %dma_start3A_580] : memref<100000x64xf32, #tpu.memory_space<hbm>> -> memref<1x64xf32, #tpu.memory_space<hbm>>
      tpu.enqueue_dma source(%dma_start3A_581 : memref<1x64xf32, #tpu.memory_space<hbm>>) target(%dma_start3A_579 : memref<1x64xf32, #tpu.memory_space<vmem>>) target_semaphore(%arg13 : memref<!tpu.dma_semaphore, #tpu.memory_space<semaphore_mem>>)
    }
    %scan3A_17 = arith.constant 8 : i32
    %mul3A_18 = arith.constant 512 : i32
    %mul3A_19 = arith.muli %add3A, %mul3A_18 : i32
    %add3A_20 = arith.constant 128 : i32
    %add3A_21 = arith.addi %mul3A_19, %add3A_20 : i32
    "tpu.region"() ({
      %run_scoped3A = tpu.sem_alloc : memref<!tpu.dma_semaphore, #tpu.memory_space<semaphore_mem>>
      %dma_start3A_186 = arith.constant 0 : i32
      %dma_start3A_187 = arith.constant 0 : i32
      %dma_start3A_188 = tpu.memref_slice %arg15[%dma_start3A_186, %dma_start3A_187] : memref<3x144xi32, #tpu.memory_space<vmem>> -> memref<1x128xi32, #tpu.memory_space<vmem>>
      %dma_start3A_189 = arith.constant 0 : i32
      %dma_start3A_190 = tpu.memref_slice %arg2[%dma_start3A_189, %add3A_21] : memref<3x16384xi32, #tpu.memory_space<hbm>> -> memref<1x128xi32, #tpu.memory_space<hbm>>
      %dma_start3A_191 = arith.constant 0 : i32
      %dma_start3A_192 = arith.constant 0 : i32
      %dma_start3A_193 = tpu.memref_slice %arg15[%dma_start3A_191, %dma_start3A_192] : memref<3x144xi32, #tpu.memory_space<vmem>> -> memref<1x128xi32, #tpu.memory_space<vmem>>
      %dma_start3A_194 = arith.constant 0 : i32
      %dma_start3A_195 = tpu.memref_slice %arg2[%dma_start3A_194, %add3A_21] : memref<3x16384xi32, #tpu.memory_space<hbm>> -> memref<1x128xi32, #tpu.memory_space<hbm>>
      tpu.enqueue_dma source(%dma_start3A_195 : memref<1x128xi32, #tpu.memory_space<hbm>>) target(%dma_start3A_193 : memref<1x128xi32, #tpu.memory_space<vmem>>) target_semaphore(%run_scoped3A : memref<!tpu.dma_semaphore, #tpu.memory_space<semaphore_mem>>)
      %dma_wait3A_196 = arith.constant 0 : i32
      %dma_wait3A_197 = arith.constant 0 : i32
      %dma_wait3A_198 = tpu.memref_slice %arg15[%dma_wait3A_196, %dma_wait3A_197] : memref<3x144xi32, #tpu.memory_space<vmem>> -> memref<1x128xi32, #tpu.memory_space<vmem>>
      %dma_wait3A_199 = arith.constant 0 : i32
      %dma_wait3A_200 = tpu.memref_slice %arg2[%dma_wait3A_199, %add3A_21] : memref<3x16384xi32, #tpu.memory_space<hbm>> -> memref<1x128xi32, #tpu.memory_space<hbm>>
      %dma_wait3A_201 = arith.constant 0 : i32
      %dma_wait3A_202 = arith.constant 0 : i32
      %dma_wait3A_203 = tpu.memref_slice %arg15[%dma_wait3A_201, %dma_wait3A_202] : memref<3x144xi32, #tpu.memory_space<vmem>> -> memref<1x128xi32, #tpu.memory_space<vmem>>
      %dma_wait3A_204 = arith.constant 0 : i32
      %dma_wait3A_205 = tpu.memref_slice %arg2[%dma_wait3A_204, %add3A_21] : memref<3x16384xi32, #tpu.memory_space<hbm>> -> memref<1x128xi32, #tpu.memory_space<hbm>>
      tpu.wait_dma2 semaphore(%run_scoped3A : memref<!tpu.dma_semaphore, #tpu.memory_space<semaphore_mem>>) src(%dma_wait3A_205 : memref<1x128xi32, #tpu.memory_space<hbm>>) dst(%dma_wait3A_203 : memref<1x128xi32, #tpu.memory_space<vmem>>)
      tpu.yield
    }) : () -> ()
    "tpu.region"() ({
      %run_scoped3A = tpu.sem_alloc : memref<!tpu.dma_semaphore, #tpu.memory_space<semaphore_mem>>
      %dma_start3A_186 = arith.constant 1 : i32
      %dma_start3A_187 = arith.constant 0 : i32
      %dma_start3A_188 = tpu.memref_slice %arg15[%dma_start3A_186, %dma_start3A_187] : memref<3x144xi32, #tpu.memory_space<vmem>> -> memref<1x128xi32, #tpu.memory_space<vmem>>
      %dma_start3A_189 = arith.constant 1 : i32
      %dma_start3A_190 = tpu.memref_slice %arg2[%dma_start3A_189, %add3A_21] : memref<3x16384xi32, #tpu.memory_space<hbm>> -> memref<1x128xi32, #tpu.memory_space<hbm>>
      %dma_start3A_191 = arith.constant 1 : i32
      %dma_start3A_192 = arith.constant 0 : i32
      %dma_start3A_193 = tpu.memref_slice %arg15[%dma_start3A_191, %dma_start3A_192] : memref<3x144xi32, #tpu.memory_space<vmem>> -> memref<1x128xi32, #tpu.memory_space<vmem>>
      %dma_start3A_194 = arith.constant 1 : i32
      %dma_start3A_195 = tpu.memref_slice %arg2[%dma_start3A_194, %add3A_21] : memref<3x16384xi32, #tpu.memory_space<hbm>> -> memref<1x128xi32, #tpu.memory_space<hbm>>
      tpu.enqueue_dma source(%dma_start3A_195 : memref<1x128xi32, #tpu.memory_space<hbm>>) target(%dma_start3A_193 : memref<1x128xi32, #tpu.memory_space<vmem>>) target_semaphore(%run_scoped3A : memref<!tpu.dma_semaphore, #tpu.memory_space<semaphore_mem>>)
      %dma_wait3A_196 = arith.constant 1 : i32
      %dma_wait3A_197 = arith.constant 0 : i32
      %dma_wait3A_198 = tpu.memref_slice %arg15[%dma_wait3A_196, %dma_wait3A_197] : memref<3x144xi32, #tpu.memory_space<vmem>> -> memref<1x128xi32, #tpu.memory_space<vmem>>
      %dma_wait3A_199 = arith.constant 1 : i32
      %dma_wait3A_200 = tpu.memref_slice %arg2[%dma_wait3A_199, %add3A_21] : memref<3x16384xi32, #tpu.memory_space<hbm>> -> memref<1x128xi32, #tpu.memory_space<hbm>>
      %dma_wait3A_201 = arith.constant 1 : i32
      %dma_wait3A_202 = arith.constant 0 : i32
      %dma_wait3A_203 = tpu.memref_slice %arg15[%dma_wait3A_201, %dma_wait3A_202] : memref<3x144xi32, #tpu.memory_space<vmem>> -> memref<1x128xi32, #tpu.memory_space<vmem>>
      %dma_wait3A_204 = arith.constant 1 : i32
      %dma_wait3A_205 = tpu.memref_slice %arg2[%dma_wait3A_204, %add3A_21] : memref<3x16384xi32, #tpu.memory_space<hbm>> -> memref<1x128xi32, #tpu.memory_space<hbm>>
      tpu.wait_dma2 semaphore(%run_scoped3A : memref<!tpu.dma_semaphore, #tpu.memory_space<semaphore_mem>>) src(%dma_wait3A_205 : memref<1x128xi32, #tpu.memory_space<hbm>>) dst(%dma_wait3A_203 : memref<1x128xi32, #tpu.memory_space<vmem>>)
      tpu.yield
    }) : () -> ()
    "tpu.region"() ({
      %run_scoped3A = tpu.sem_alloc : memref<!tpu.dma_semaphore, #tpu.memory_space<semaphore_mem>>
      %dma_start3A_186 = arith.constant 2 : i32
      %dma_start3A_187 = arith.constant 0 : i32
      %dma_start3A_188 = tpu.memref_slice %arg15[%dma_start3A_186, %dma_start3A_187] : memref<3x144xi32, #tpu.memory_space<vmem>> -> memref<1x128xi32, #tpu.memory_space<vmem>>
      %dma_start3A_189 = arith.constant 2 : i32
      %dma_start3A_190 = tpu.memref_slice %arg2[%dma_start3A_189, %add3A_21] : memref<3x16384xi32, #tpu.memory_space<hbm>> -> memref<1x128xi32, #tpu.memory_space<hbm>>
      %dma_start3A_191 = arith.constant 2 : i32
      %dma_start3A_192 = arith.constant 0 : i32
      %dma_start3A_193 = tpu.memref_slice %arg15[%dma_start3A_191, %dma_start3A_192] : memref<3x144xi32, #tpu.memory_space<vmem>> -> memref<1x128xi32, #tpu.memory_space<vmem>>
      %dma_start3A_194 = arith.constant 2 : i32
      %dma_start3A_195 = tpu.memref_slice %arg2[%dma_start3A_194, %add3A_21] : memref<3x16384xi32, #tpu.memory_space<hbm>> -> memref<1x128xi32, #tpu.memory_space<hbm>>
      tpu.enqueue_dma source(%dma_start3A_195 : memref<1x128xi32, #tpu.memory_space<hbm>>) target(%dma_start3A_193 : memref<1x128xi32, #tpu.memory_space<vmem>>) target_semaphore(%run_scoped3A : memref<!tpu.dma_semaphore, #tpu.memory_space<semaphore_mem>>)
      %dma_wait3A_196 = arith.constant 2 : i32
      %dma_wait3A_197 = arith.constant 0 : i32
      %dma_wait3A_198 = tpu.memref_slice %arg15[%dma_wait3A_196, %dma_wait3A_197] : memref<3x144xi32, #tpu.memory_space<vmem>> -> memref<1x128xi32, #tpu.memory_space<vmem>>
      %dma_wait3A_199 = arith.constant 2 : i32
      %dma_wait3A_200 = tpu.memref_slice %arg2[%dma_wait3A_199, %add3A_21] : memref<3x16384xi32, #tpu.memory_space<hbm>> -> memref<1x128xi32, #tpu.memory_space<hbm>>
      %dma_wait3A_201 = arith.constant 2 : i32
      %dma_wait3A_202 = arith.constant 0 : i32
      %dma_wait3A_203 = tpu.memref_slice %arg15[%dma_wait3A_201, %dma_wait3A_202] : memref<3x144xi32, #tpu.memory_space<vmem>> -> memref<1x128xi32, #tpu.memory_space<vmem>>
      %dma_wait3A_204 = arith.constant 2 : i32
      %dma_wait3A_205 = tpu.memref_slice %arg2[%dma_wait3A_204, %add3A_21] : memref<3x16384xi32, #tpu.memory_space<hbm>> -> memref<1x128xi32, #tpu.memory_space<hbm>>
      tpu.wait_dma2 semaphore(%run_scoped3A : memref<!tpu.dma_semaphore, #tpu.memory_space<semaphore_mem>>) src(%dma_wait3A_205 : memref<1x128xi32, #tpu.memory_space<hbm>>) dst(%dma_wait3A_203 : memref<1x128xi32, #tpu.memory_space<vmem>>)
      tpu.yield
    }) : () -> ()
    %scan3A_22 = arith.constant 0 : i32
    %scan3A_23 = arith.constant 0 : i32
    %scan3A_24 = arith.constant 8 : i32
    %scan3A_25 = arith.addi %scan3A_23, %scan3A_24 : i32
    %scan3A_26 = arith.constant 1 : i32
    scf.for %scan3A_186 = %scan3A_23 to %scan3A_25 step %scan3A_26  : i32 {
      %mul3A_187 = arith.constant 16 : i32
      %mul3A_188 = arith.muli %scan3A_186, %mul3A_187 : i32
      %get3A = arith.constant 2 : i32
      %get3A_189 = arith.index_cast %get3A : i32 to index
      %get3A_190 = arith.index_cast %mul3A_188 : i32 to index
      %get3A_191 = tpu.vector_load %arg15[%get3A_189, %get3A_190] {strides = array<i32>} : memref<3x144xi32, #tpu.memory_space<vmem>>, vector<1x16xi32>,
      %get3A_192 = vector.shape_cast %get3A_191 : vector<1x16xi32> to vector<16xi32>
      %mul3A_193 = arith.constant 16 : i32
      %mul3A_194 = arith.muli %scan3A_186, %mul3A_193 : i32
      %swap3A = arith.index_cast %mul3A_194 : i32 to index
      %swap3A_195 = tpu.vector_load %arg16[%swap3A] {strides = array<i32>} : memref<128xi32, #tpu.memory_space<vmem>>, vector<16xi32>,
      %swap3A_196 = vector.shape_cast %swap3A_195 : vector<16xi32> to vector<16xi32>
      %swap3A_197 = vector.shape_cast %get3A_192 : vector<16xi32> to vector<16xi32>
      tpu.vector_store %arg16[%swap3A], %swap3A_197 {strides = array<i32>} : memref<128xi32, #tpu.memory_space<vmem>>, vector<16xi32>,
    }
    %scan3A_27 = arith.constant 8 : i32
    %dma_start3A_28 = arith.constant 0 : i32
    %dma_start3A_29 = arith.constant 0 : i32
    %dma_start3A_30 = tpu.memref_slice %arg5[%dma_start3A_28, %dma_start3A_29] : memref<1000000x128xf32, #tpu.memory_space<hbm>> -> memref<1000000x128xf32, #tpu.memory_space<hbm>>
    tpu.enqueue_indirect_dma source(%dma_start3A_30 : memref<1000000x128xf32, #tpu.memory_space<hbm>>) target(%arg19 : memref<128x128xf32, #tpu.memory_space<vmem>>) offsets(%arg16 : memref<128xi32, #tpu.memory_space<vmem>>) semaphore(%arg22 : memref<!tpu.dma_semaphore, #tpu.memory_space<semaphore_mem>>)
    %scan3A_31 = arith.constant 0 : i32
    %scan3A_32 = arith.constant 0 : i32
    %scan3A_33 = arith.constant 8 : i32
    %scan3A_34 = arith.addi %scan3A_32, %scan3A_33 : i32
    %scan3A_35 = arith.constant 1 : i32
    scf.for %scan3A_186 = %scan3A_32 to %scan3A_34 step %scan3A_35  : i32 {
      %mul3A_187 = arith.constant 16 : i32
      %mul3A_188 = arith.muli %scan3A_186, %mul3A_187 : i32
      %get3A = arith.constant 0 : i32
      %get3A_189 = arith.index_cast %get3A : i32 to index
      %get3A_190 = arith.index_cast %mul3A_188 : i32 to index
      %get3A_191 = tpu.vector_load %arg15[%get3A_189, %get3A_190] {strides = array<i32>} : memref<3x144xi32, #tpu.memory_space<vmem>>, vector<1x16xi32>,
      %get3A_192 = vector.shape_cast %get3A_191 : vector<1x16xi32> to vector<16xi32>
      %mul3A_193 = arith.constant 16 : i32
      %mul3A_194 = arith.muli %scan3A_186, %mul3A_193 : i32
      %get3A_195 = arith.constant 1 : i32
      %get3A_196 = arith.index_cast %get3A_195 : i32 to index
      %get3A_197 = arith.index_cast %mul3A_194 : i32 to index
      %get3A_198 = tpu.vector_load %arg15[%get3A_196, %get3A_197] {strides = array<i32>} : memref<3x144xi32, #tpu.memory_space<vmem>>, vector<1x16xi32>,
      %get3A_199 = vector.shape_cast %get3A_198 : vector<1x16xi32> to vector<16xi32>
      %mul3A_200 = arith.constant 16 : i32
      %mul3A_201 = arith.muli %scan3A_186, %mul3A_200 : i32
      %add3A_202 = arith.constant 0 : i32
      %add3A_203 = arith.addi %mul3A_201, %add3A_202 : i32
      %slice3A = vector.extract_strided_slice %get3A_192 {offsets = [0], sizes = [1], strides = [1]} : vector<16xi32> to vector<1xi32>
      %squeeze3A = vector.extract %slice3A[0] : i32 from vector<1xi32>
      %dma_start3A_204 = arith.constant 0 : i32
      %dma_start3A_205 = tpu.memref_slice %arg17[%add3A_203, %dma_start3A_204] : memref<128x64xf32, #tpu.memory_space<vmem>> -> memref<1x64xf32, #tpu.memory_space<vmem>>
      %dma_start3A_206 = arith.constant 0 : i32
      %dma_start3A_207 = tpu.memref_slice %arg3[%squeeze3A, %dma_start3A_206] : memref<100000x64xf32, #tpu.memory_space<hbm>> -> memref<1x64xf32, #tpu.memory_space<hbm>>
      %dma_start3A_208 = arith.constant 0 : i32
      %dma_start3A_209 = tpu.memref_slice %arg17[%add3A_203, %dma_start3A_208] : memref<128x64xf32, #tpu.memory_space<vmem>> -> memref<1x64xf32, #tpu.memory_space<vmem>>
      %dma_start3A_210 = arith.constant 0 : i32
      %dma_start3A_211 = tpu.memref_slice %arg3[%squeeze3A, %dma_start3A_210] : memref<100000x64xf32, #tpu.memory_space<hbm>> -> memref<1x64xf32, #tpu.memory_space<hbm>>
      tpu.enqueue_dma source(%dma_start3A_211 : memref<1x64xf32, #tpu.memory_space<hbm>>) target(%dma_start3A_209 : memref<1x64xf32, #tpu.memory_space<vmem>>) target_semaphore(%arg20 : memref<!tpu.dma_semaphore, #tpu.memory_space<semaphore_mem>>)
      %slice3A_212 = vector.extract_strided_slice %get3A_199 {offsets = [0], sizes = [1], strides = [1]} : vector<16xi32> to vector<1xi32>
      %squeeze3A_213 = vector.extract %slice3A_212[0] : i32 from vector<1xi32>
      %dma_start3A_214 = arith.constant 0 : i32
      %dma_start3A_215 = tpu.memref_slice %arg18[%add3A_203, %dma_start3A_214] : memref<128x64xf32, #tpu.memory_space<vmem>> -> memref<1x64xf32, #tpu.memory_space<vmem>>
      %dma_start3A_216 = arith.constant 0 : i32
      %dma_start3A_217 = tpu.memref_slice %arg4[%squeeze3A_213, %dma_start3A_216] : memref<100000x64xf32, #tpu.memory_space<hbm>> -> memref<1x64xf32, #tpu.memory_space<hbm>>
      %dma_start3A_218 = arith.constant 0 : i32
      %dma_start3A_219 = tpu.memref_slice %arg18[%add3A_203, %dma_start3A_218] : memref<128x64xf32, #tpu.memory_space<vmem>> -> memref<1x64xf32, #tpu.memory_space<vmem>>
      %dma_start3A_220 = arith.constant 0 : i32
      %dma_start3A_221 = tpu.memref_slice %arg4[%squeeze3A_213, %dma_start3A_220] : memref<100000x64xf32, #tpu.memory_space<hbm>> -> memref<1x64xf32, #tpu.memory_space<hbm>>
      tpu.enqueue_dma source(%dma_start3A_221 : memref<1x64xf32, #tpu.memory_space<hbm>>) target(%dma_start3A_219 : memref<1x64xf32, #tpu.memory_space<vmem>>) target_semaphore(%arg21 : memref<!tpu.dma_semaphore, #tpu.memory_space<semaphore_mem>>)
      %mul3A_222 = arith.constant 16 : i32
      %mul3A_223 = arith.muli %scan3A_186, %mul3A_222 : i32
      %add3A_224 = arith.constant 1 : i32
      %add3A_225 = arith.addi %mul3A_223, %add3A_224 : i32
      %slice3A_226 = vector.extract_strided_slice %get3A_192 {offsets = [1], sizes = [1], strides = [1]} : vector<16xi32> to vector<1xi32>
      %squeeze3A_227 = vector.extract %slice3A_226[0] : i32 from vector<1xi32>
      %dma_start3A_228 = arith.constant 0 : i32
      %dma_start3A_229 = tpu.memref_slice %arg17[%add3A_225, %dma_start3A_228] : memref<128x64xf32, #tpu.memory_space<vmem>> -> memref<1x64xf32, #tpu.memory_space<vmem>>
      %dma_start3A_230 = arith.constant 0 : i32
      %dma_start3A_231 = tpu.memref_slice %arg3[%squeeze3A_227, %dma_start3A_230] : memref<100000x64xf32, #tpu.memory_space<hbm>> -> memref<1x64xf32, #tpu.memory_space<hbm>>
      %dma_start3A_232 = arith.constant 0 : i32
      %dma_start3A_233 = tpu.memref_slice %arg17[%add3A_225, %dma_start3A_232] : memref<128x64xf32, #tpu.memory_space<vmem>> -> memref<1x64xf32, #tpu.memory_space<vmem>>
      %dma_start3A_234 = arith.constant 0 : i32
      %dma_start3A_235 = tpu.memref_slice %arg3[%squeeze3A_227, %dma_start3A_234] : memref<100000x64xf32, #tpu.memory_space<hbm>> -> memref<1x64xf32, #tpu.memory_space<hbm>>
      tpu.enqueue_dma source(%dma_start3A_235 : memref<1x64xf32, #tpu.memory_space<hbm>>) target(%dma_start3A_233 : memref<1x64xf32, #tpu.memory_space<vmem>>) target_semaphore(%arg20 : memref<!tpu.dma_semaphore, #tpu.memory_space<semaphore_mem>>)
      %slice3A_236 = vector.extract_strided_slice %get3A_199 {offsets = [1], sizes = [1], strides = [1]} : vector<16xi32> to vector<1xi32>
      %squeeze3A_237 = vector.extract %slice3A_236[0] : i32 from vector<1xi32>
      %dma_start3A_238 = arith.constant 0 : i32
      %dma_start3A_239 = tpu.memref_slice %arg18[%add3A_225, %dma_start3A_238] : memref<128x64xf32, #tpu.memory_space<vmem>> -> memref<1x64xf32, #tpu.memory_space<vmem>>
      %dma_start3A_240 = arith.constant 0 : i32
      %dma_start3A_241 = tpu.memref_slice %arg4[%squeeze3A_237, %dma_start3A_240] : memref<100000x64xf32, #tpu.memory_space<hbm>> -> memref<1x64xf32, #tpu.memory_space<hbm>>
      %dma_start3A_242 = arith.constant 0 : i32
      %dma_start3A_243 = tpu.memref_slice %arg18[%add3A_225, %dma_start3A_242] : memref<128x64xf32, #tpu.memory_space<vmem>> -> memref<1x64xf32, #tpu.memory_space<vmem>>
      %dma_start3A_244 = arith.constant 0 : i32
      %dma_start3A_245 = tpu.memref_slice %arg4[%squeeze3A_237, %dma_start3A_244] : memref<100000x64xf32, #tpu.memory_space<hbm>> -> memref<1x64xf32, #tpu.memory_space<hbm>>
      tpu.enqueue_dma source(%dma_start3A_245 : memref<1x64xf32, #tpu.memory_space<hbm>>) target(%dma_start3A_243 : memref<1x64xf32, #tpu.memory_space<vmem>>) target_semaphore(%arg21 : memref<!tpu.dma_semaphore, #tpu.memory_space<semaphore_mem>>)
      %mul3A_246 = arith.constant 16 : i32
      %mul3A_247 = arith.muli %scan3A_186, %mul3A_246 : i32
      %add3A_248 = arith.constant 2 : i32
      %add3A_249 = arith.addi %mul3A_247, %add3A_248 : i32
      %slice3A_250 = vector.extract_strided_slice %get3A_192 {offsets = [2], sizes = [1], strides = [1]} : vector<16xi32> to vector<1xi32>
      %squeeze3A_251 = vector.extract %slice3A_250[0] : i32 from vector<1xi32>
      %dma_start3A_252 = arith.constant 0 : i32
      %dma_start3A_253 = tpu.memref_slice %arg17[%add3A_249, %dma_start3A_252] : memref<128x64xf32, #tpu.memory_space<vmem>> -> memref<1x64xf32, #tpu.memory_space<vmem>>
      %dma_start3A_254 = arith.constant 0 : i32
      %dma_start3A_255 = tpu.memref_slice %arg3[%squeeze3A_251, %dma_start3A_254] : memref<100000x64xf32, #tpu.memory_space<hbm>> -> memref<1x64xf32, #tpu.memory_space<hbm>>
      %dma_start3A_256 = arith.constant 0 : i32
      %dma_start3A_257 = tpu.memref_slice %arg17[%add3A_249, %dma_start3A_256] : memref<128x64xf32, #tpu.memory_space<vmem>> -> memref<1x64xf32, #tpu.memory_space<vmem>>
      %dma_start3A_258 = arith.constant 0 : i32
      %dma_start3A_259 = tpu.memref_slice %arg3[%squeeze3A_251, %dma_start3A_258] : memref<100000x64xf32, #tpu.memory_space<hbm>> -> memref<1x64xf32, #tpu.memory_space<hbm>>
      tpu.enqueue_dma source(%dma_start3A_259 : memref<1x64xf32, #tpu.memory_space<hbm>>) target(%dma_start3A_257 : memref<1x64xf32, #tpu.memory_space<vmem>>) target_semaphore(%arg20 : memref<!tpu.dma_semaphore, #tpu.memory_space<semaphore_mem>>)
      %slice3A_260 = vector.extract_strided_slice %get3A_199 {offsets = [2], sizes = [1], strides = [1]} : vector<16xi32> to vector<1xi32>
      %squeeze3A_261 = vector.extract %slice3A_260[0] : i32 from vector<1xi32>
      %dma_start3A_262 = arith.constant 0 : i32
      %dma_start3A_263 = tpu.memref_slice %arg18[%add3A_249, %dma_start3A_262] : memref<128x64xf32, #tpu.memory_space<vmem>> -> memref<1x64xf32, #tpu.memory_space<vmem>>
      %dma_start3A_264 = arith.constant 0 : i32
      %dma_start3A_265 = tpu.memref_slice %arg4[%squeeze3A_261, %dma_start3A_264] : memref<100000x64xf32, #tpu.memory_space<hbm>> -> memref<1x64xf32, #tpu.memory_space<hbm>>
      %dma_start3A_266 = arith.constant 0 : i32
      %dma_start3A_267 = tpu.memref_slice %arg18[%add3A_249, %dma_start3A_266] : memref<128x64xf32, #tpu.memory_space<vmem>> -> memref<1x64xf32, #tpu.memory_space<vmem>>
      %dma_start3A_268 = arith.constant 0 : i32
      %dma_start3A_269 = tpu.memref_slice %arg4[%squeeze3A_261, %dma_start3A_268] : memref<100000x64xf32, #tpu.memory_space<hbm>> -> memref<1x64xf32, #tpu.memory_space<hbm>>
      tpu.enqueue_dma source(%dma_start3A_269 : memref<1x64xf32, #tpu.memory_space<hbm>>) target(%dma_start3A_267 : memref<1x64xf32, #tpu.memory_space<vmem>>) target_semaphore(%arg21 : memref<!tpu.dma_semaphore, #tpu.memory_space<semaphore_mem>>)
      %mul3A_270 = arith.constant 16 : i32
      %mul3A_271 = arith.muli %scan3A_186, %mul3A_270 : i32
      %add3A_272 = arith.constant 3 : i32
      %add3A_273 = arith.addi %mul3A_271, %add3A_272 : i32
      %slice3A_274 = vector.extract_strided_slice %get3A_192 {offsets = [3], sizes = [1], strides = [1]} : vector<16xi32> to vector<1xi32>
      %squeeze3A_275 = vector.extract %slice3A_274[0] : i32 from vector<1xi32>
      %dma_start3A_276 = arith.constant 0 : i32
      %dma_start3A_277 = tpu.memref_slice %arg17[%add3A_273, %dma_start3A_276] : memref<128x64xf32, #tpu.memory_space<vmem>> -> memref<1x64xf32, #tpu.memory_space<vmem>>
      %dma_start3A_278 = arith.constant 0 : i32
      %dma_start3A_279 = tpu.memref_slice %arg3[%squeeze3A_275, %dma_start3A_278] : memref<100000x64xf32, #tpu.memory_space<hbm>> -> memref<1x64xf32, #tpu.memory_space<hbm>>
      %dma_start3A_280 = arith.constant 0 : i32
      %dma_start3A_281 = tpu.memref_slice %arg17[%add3A_273, %dma_start3A_280] : memref<128x64xf32, #tpu.memory_space<vmem>> -> memref<1x64xf32, #tpu.memory_space<vmem>>
      %dma_start3A_282 = arith.constant 0 : i32
      %dma_start3A_283 = tpu.memref_slice %arg3[%squeeze3A_275, %dma_start3A_282] : memref<100000x64xf32, #tpu.memory_space<hbm>> -> memref<1x64xf32, #tpu.memory_space<hbm>>
      tpu.enqueue_dma source(%dma_start3A_283 : memref<1x64xf32, #tpu.memory_space<hbm>>) target(%dma_start3A_281 : memref<1x64xf32, #tpu.memory_space<vmem>>) target_semaphore(%arg20 : memref<!tpu.dma_semaphore, #tpu.memory_space<semaphore_mem>>)
      %slice3A_284 = vector.extract_strided_slice %get3A_199 {offsets = [3], sizes = [1], strides = [1]} : vector<16xi32> to vector<1xi32>
      %squeeze3A_285 = vector.extract %slice3A_284[0] : i32 from vector<1xi32>
      %dma_start3A_286 = arith.constant 0 : i32
      %dma_start3A_287 = tpu.memref_slice %arg18[%add3A_273, %dma_start3A_286] : memref<128x64xf32, #tpu.memory_space<vmem>> -> memref<1x64xf32, #tpu.memory_space<vmem>>
      %dma_start3A_288 = arith.constant 0 : i32
      %dma_start3A_289 = tpu.memref_slice %arg4[%squeeze3A_285, %dma_start3A_288] : memref<100000x64xf32, #tpu.memory_space<hbm>> -> memref<1x64xf32, #tpu.memory_space<hbm>>
      %dma_start3A_290 = arith.constant 0 : i32
      %dma_start3A_291 = tpu.memref_slice %arg18[%add3A_273, %dma_start3A_290] : memref<128x64xf32, #tpu.memory_space<vmem>> -> memref<1x64xf32, #tpu.memory_space<vmem>>
      %dma_start3A_292 = arith.constant 0 : i32
      %dma_start3A_293 = tpu.memref_slice %arg4[%squeeze3A_285, %dma_start3A_292] : memref<100000x64xf32, #tpu.memory_space<hbm>> -> memref<1x64xf32, #tpu.memory_space<hbm>>
      tpu.enqueue_dma source(%dma_start3A_293 : memref<1x64xf32, #tpu.memory_space<hbm>>) target(%dma_start3A_291 : memref<1x64xf32, #tpu.memory_space<vmem>>) target_semaphore(%arg21 : memref<!tpu.dma_semaphore, #tpu.memory_space<semaphore_mem>>)
      %mul3A_294 = arith.constant 16 : i32
      %mul3A_295 = arith.muli %scan3A_186, %mul3A_294 : i32
      %add3A_296 = arith.constant 4 : i32
      %add3A_297 = arith.addi %mul3A_295, %add3A_296 : i32
      %slice3A_298 = vector.extract_strided_slice %get3A_192 {offsets = [4], sizes = [1], strides = [1]} : vector<16xi32> to vector<1xi32>
      %squeeze3A_299 = vector.extract %slice3A_298[0] : i32 from vector<1xi32>
      %dma_start3A_300 = arith.constant 0 : i32
      %dma_start3A_301 = tpu.memref_slice %arg17[%add3A_297, %dma_start3A_300] : memref<128x64xf32, #tpu.memory_space<vmem>> -> memref<1x64xf32, #tpu.memory_space<vmem>>
      %dma_start3A_302 = arith.constant 0 : i32
      %dma_start3A_303 = tpu.memref_slice %arg3[%squeeze3A_299, %dma_start3A_302] : memref<100000x64xf32, #tpu.memory_space<hbm>> -> memref<1x64xf32, #tpu.memory_space<hbm>>
      %dma_start3A_304 = arith.constant 0 : i32
      %dma_start3A_305 = tpu.memref_slice %arg17[%add3A_297, %dma_start3A_304] : memref<128x64xf32, #tpu.memory_space<vmem>> -> memref<1x64xf32, #tpu.memory_space<vmem>>
      %dma_start3A_306 = arith.constant 0 : i32
      %dma_start3A_307 = tpu.memref_slice %arg3[%squeeze3A_299, %dma_start3A_306] : memref<100000x64xf32, #tpu.memory_space<hbm>> -> memref<1x64xf32, #tpu.memory_space<hbm>>
      tpu.enqueue_dma source(%dma_start3A_307 : memref<1x64xf32, #tpu.memory_space<hbm>>) target(%dma_start3A_305 : memref<1x64xf32, #tpu.memory_space<vmem>>) target_semaphore(%arg20 : memref<!tpu.dma_semaphore, #tpu.memory_space<semaphore_mem>>)
      %slice3A_308 = vector.extract_strided_slice %get3A_199 {offsets = [4], sizes = [1], strides = [1]} : vector<16xi32> to vector<1xi32>
      %squeeze3A_309 = vector.extract %slice3A_308[0] : i32 from vector<1xi32>
      %dma_start3A_310 = arith.constant 0 : i32
      %dma_start3A_311 = tpu.memref_slice %arg18[%add3A_297, %dma_start3A_310] : memref<128x64xf32, #tpu.memory_space<vmem>> -> memref<1x64xf32, #tpu.memory_space<vmem>>
      %dma_start3A_312 = arith.constant 0 : i32
      %dma_start3A_313 = tpu.memref_slice %arg4[%squeeze3A_309, %dma_start3A_312] : memref<100000x64xf32, #tpu.memory_space<hbm>> -> memref<1x64xf32, #tpu.memory_space<hbm>>
      %dma_start3A_314 = arith.constant 0 : i32
      %dma_start3A_315 = tpu.memref_slice %arg18[%add3A_297, %dma_start3A_314] : memref<128x64xf32, #tpu.memory_space<vmem>> -> memref<1x64xf32, #tpu.memory_space<vmem>>
      %dma_start3A_316 = arith.constant 0 : i32
      %dma_start3A_317 = tpu.memref_slice %arg4[%squeeze3A_309, %dma_start3A_316] : memref<100000x64xf32, #tpu.memory_space<hbm>> -> memref<1x64xf32, #tpu.memory_space<hbm>>
      tpu.enqueue_dma source(%dma_start3A_317 : memref<1x64xf32, #tpu.memory_space<hbm>>) target(%dma_start3A_315 : memref<1x64xf32, #tpu.memory_space<vmem>>) target_semaphore(%arg21 : memref<!tpu.dma_semaphore, #tpu.memory_space<semaphore_mem>>)
      %mul3A_318 = arith.constant 16 : i32
      %mul3A_319 = arith.muli %scan3A_186, %mul3A_318 : i32
      %add3A_320 = arith.constant 5 : i32
      %add3A_321 = arith.addi %mul3A_319, %add3A_320 : i32
      %slice3A_322 = vector.extract_strided_slice %get3A_192 {offsets = [5], sizes = [1], strides = [1]} : vector<16xi32> to vector<1xi32>
      %squeeze3A_323 = vector.extract %slice3A_322[0] : i32 from vector<1xi32>
      %dma_start3A_324 = arith.constant 0 : i32
      %dma_start3A_325 = tpu.memref_slice %arg17[%add3A_321, %dma_start3A_324] : memref<128x64xf32, #tpu.memory_space<vmem>> -> memref<1x64xf32, #tpu.memory_space<vmem>>
      %dma_start3A_326 = arith.constant 0 : i32
      %dma_start3A_327 = tpu.memref_slice %arg3[%squeeze3A_323, %dma_start3A_326] : memref<100000x64xf32, #tpu.memory_space<hbm>> -> memref<1x64xf32, #tpu.memory_space<hbm>>
      %dma_start3A_328 = arith.constant 0 : i32
      %dma_start3A_329 = tpu.memref_slice %arg17[%add3A_321, %dma_start3A_328] : memref<128x64xf32, #tpu.memory_space<vmem>> -> memref<1x64xf32, #tpu.memory_space<vmem>>
      %dma_start3A_330 = arith.constant 0 : i32
      %dma_start3A_331 = tpu.memref_slice %arg3[%squeeze3A_323, %dma_start3A_330] : memref<100000x64xf32, #tpu.memory_space<hbm>> -> memref<1x64xf32, #tpu.memory_space<hbm>>
      tpu.enqueue_dma source(%dma_start3A_331 : memref<1x64xf32, #tpu.memory_space<hbm>>) target(%dma_start3A_329 : memref<1x64xf32, #tpu.memory_space<vmem>>) target_semaphore(%arg20 : memref<!tpu.dma_semaphore, #tpu.memory_space<semaphore_mem>>)
      %slice3A_332 = vector.extract_strided_slice %get3A_199 {offsets = [5], sizes = [1], strides = [1]} : vector<16xi32> to vector<1xi32>
      %squeeze3A_333 = vector.extract %slice3A_332[0] : i32 from vector<1xi32>
      %dma_start3A_334 = arith.constant 0 : i32
      %dma_start3A_335 = tpu.memref_slice %arg18[%add3A_321, %dma_start3A_334] : memref<128x64xf32, #tpu.memory_space<vmem>> -> memref<1x64xf32, #tpu.memory_space<vmem>>
      %dma_start3A_336 = arith.constant 0 : i32
      %dma_start3A_337 = tpu.memref_slice %arg4[%squeeze3A_333, %dma_start3A_336] : memref<100000x64xf32, #tpu.memory_space<hbm>> -> memref<1x64xf32, #tpu.memory_space<hbm>>
      %dma_start3A_338 = arith.constant 0 : i32
      %dma_start3A_339 = tpu.memref_slice %arg18[%add3A_321, %dma_start3A_338] : memref<128x64xf32, #tpu.memory_space<vmem>> -> memref<1x64xf32, #tpu.memory_space<vmem>>
      %dma_start3A_340 = arith.constant 0 : i32
      %dma_start3A_341 = tpu.memref_slice %arg4[%squeeze3A_333, %dma_start3A_340] : memref<100000x64xf32, #tpu.memory_space<hbm>> -> memref<1x64xf32, #tpu.memory_space<hbm>>
      tpu.enqueue_dma source(%dma_start3A_341 : memref<1x64xf32, #tpu.memory_space<hbm>>) target(%dma_start3A_339 : memref<1x64xf32, #tpu.memory_space<vmem>>) target_semaphore(%arg21 : memref<!tpu.dma_semaphore, #tpu.memory_space<semaphore_mem>>)
      %mul3A_342 = arith.constant 16 : i32
      %mul3A_343 = arith.muli %scan3A_186, %mul3A_342 : i32
      %add3A_344 = arith.constant 6 : i32
      %add3A_345 = arith.addi %mul3A_343, %add3A_344 : i32
      %slice3A_346 = vector.extract_strided_slice %get3A_192 {offsets = [6], sizes = [1], strides = [1]} : vector<16xi32> to vector<1xi32>
      %squeeze3A_347 = vector.extract %slice3A_346[0] : i32 from vector<1xi32>
      %dma_start3A_348 = arith.constant 0 : i32
      %dma_start3A_349 = tpu.memref_slice %arg17[%add3A_345, %dma_start3A_348] : memref<128x64xf32, #tpu.memory_space<vmem>> -> memref<1x64xf32, #tpu.memory_space<vmem>>
      %dma_start3A_350 = arith.constant 0 : i32
      %dma_start3A_351 = tpu.memref_slice %arg3[%squeeze3A_347, %dma_start3A_350] : memref<100000x64xf32, #tpu.memory_space<hbm>> -> memref<1x64xf32, #tpu.memory_space<hbm>>
      %dma_start3A_352 = arith.constant 0 : i32
      %dma_start3A_353 = tpu.memref_slice %arg17[%add3A_345, %dma_start3A_352] : memref<128x64xf32, #tpu.memory_space<vmem>> -> memref<1x64xf32, #tpu.memory_space<vmem>>
      %dma_start3A_354 = arith.constant 0 : i32
      %dma_start3A_355 = tpu.memref_slice %arg3[%squeeze3A_347, %dma_start3A_354] : memref<100000x64xf32, #tpu.memory_space<hbm>> -> memref<1x64xf32, #tpu.memory_space<hbm>>
      tpu.enqueue_dma source(%dma_start3A_355 : memref<1x64xf32, #tpu.memory_space<hbm>>) target(%dma_start3A_353 : memref<1x64xf32, #tpu.memory_space<vmem>>) target_semaphore(%arg20 : memref<!tpu.dma_semaphore, #tpu.memory_space<semaphore_mem>>)
      %slice3A_356 = vector.extract_strided_slice %get3A_199 {offsets = [6], sizes = [1], strides = [1]} : vector<16xi32> to vector<1xi32>
      %squeeze3A_357 = vector.extract %slice3A_356[0] : i32 from vector<1xi32>
      %dma_start3A_358 = arith.constant 0 : i32
      %dma_start3A_359 = tpu.memref_slice %arg18[%add3A_345, %dma_start3A_358] : memref<128x64xf32, #tpu.memory_space<vmem>> -> memref<1x64xf32, #tpu.memory_space<vmem>>
      %dma_start3A_360 = arith.constant 0 : i32
      %dma_start3A_361 = tpu.memref_slice %arg4[%squeeze3A_357, %dma_start3A_360] : memref<100000x64xf32, #tpu.memory_space<hbm>> -> memref<1x64xf32, #tpu.memory_space<hbm>>
      %dma_start3A_362 = arith.constant 0 : i32
      %dma_start3A_363 = tpu.memref_slice %arg18[%add3A_345, %dma_start3A_362] : memref<128x64xf32, #tpu.memory_space<vmem>> -> memref<1x64xf32, #tpu.memory_space<vmem>>
      %dma_start3A_364 = arith.constant 0 : i32
      %dma_start3A_365 = tpu.memref_slice %arg4[%squeeze3A_357, %dma_start3A_364] : memref<100000x64xf32, #tpu.memory_space<hbm>> -> memref<1x64xf32, #tpu.memory_space<hbm>>
      tpu.enqueue_dma source(%dma_start3A_365 : memref<1x64xf32, #tpu.memory_space<hbm>>) target(%dma_start3A_363 : memref<1x64xf32, #tpu.memory_space<vmem>>) target_semaphore(%arg21 : memref<!tpu.dma_semaphore, #tpu.memory_space<semaphore_mem>>)
      %mul3A_366 = arith.constant 16 : i32
      %mul3A_367 = arith.muli %scan3A_186, %mul3A_366 : i32
      %add3A_368 = arith.constant 7 : i32
      %add3A_369 = arith.addi %mul3A_367, %add3A_368 : i32
      %slice3A_370 = vector.extract_strided_slice %get3A_192 {offsets = [7], sizes = [1], strides = [1]} : vector<16xi32> to vector<1xi32>
      %squeeze3A_371 = vector.extract %slice3A_370[0] : i32 from vector<1xi32>
      %dma_start3A_372 = arith.constant 0 : i32
      %dma_start3A_373 = tpu.memref_slice %arg17[%add3A_369, %dma_start3A_372] : memref<128x64xf32, #tpu.memory_space<vmem>> -> memref<1x64xf32, #tpu.memory_space<vmem>>
      %dma_start3A_374 = arith.constant 0 : i32
      %dma_start3A_375 = tpu.memref_slice %arg3[%squeeze3A_371, %dma_start3A_374] : memref<100000x64xf32, #tpu.memory_space<hbm>> -> memref<1x64xf32, #tpu.memory_space<hbm>>
      %dma_start3A_376 = arith.constant 0 : i32
      %dma_start3A_377 = tpu.memref_slice %arg17[%add3A_369, %dma_start3A_376] : memref<128x64xf32, #tpu.memory_space<vmem>> -> memref<1x64xf32, #tpu.memory_space<vmem>>
      %dma_start3A_378 = arith.constant 0 : i32
      %dma_start3A_379 = tpu.memref_slice %arg3[%squeeze3A_371, %dma_start3A_378] : memref<100000x64xf32, #tpu.memory_space<hbm>> -> memref<1x64xf32, #tpu.memory_space<hbm>>
      tpu.enqueue_dma source(%dma_start3A_379 : memref<1x64xf32, #tpu.memory_space<hbm>>) target(%dma_start3A_377 : memref<1x64xf32, #tpu.memory_space<vmem>>) target_semaphore(%arg20 : memref<!tpu.dma_semaphore, #tpu.memory_space<semaphore_mem>>)
      %slice3A_380 = vector.extract_strided_slice %get3A_199 {offsets = [7], sizes = [1], strides = [1]} : vector<16xi32> to vector<1xi32>
      %squeeze3A_381 = vector.extract %slice3A_380[0] : i32 from vector<1xi32>
      %dma_start3A_382 = arith.constant 0 : i32
      %dma_start3A_383 = tpu.memref_slice %arg18[%add3A_369, %dma_start3A_382] : memref<128x64xf32, #tpu.memory_space<vmem>> -> memref<1x64xf32, #tpu.memory_space<vmem>>
      %dma_start3A_384 = arith.constant 0 : i32
      %dma_start3A_385 = tpu.memref_slice %arg4[%squeeze3A_381, %dma_start3A_384] : memref<100000x64xf32, #tpu.memory_space<hbm>> -> memref<1x64xf32, #tpu.memory_space<hbm>>
      %dma_start3A_386 = arith.constant 0 : i32
      %dma_start3A_387 = tpu.memref_slice %arg18[%add3A_369, %dma_start3A_386] : memref<128x64xf32, #tpu.memory_space<vmem>> -> memref<1x64xf32, #tpu.memory_space<vmem>>
      %dma_start3A_388 = arith.constant 0 : i32
      %dma_start3A_389 = tpu.memref_slice %arg4[%squeeze3A_381, %dma_start3A_388] : memref<100000x64xf32, #tpu.memory_space<hbm>> -> memref<1x64xf32, #tpu.memory_space<hbm>>
      tpu.enqueue_dma source(%dma_start3A_389 : memref<1x64xf32, #tpu.memory_space<hbm>>) target(%dma_start3A_387 : memref<1x64xf32, #tpu.memory_space<vmem>>) target_semaphore(%arg21 : memref<!tpu.dma_semaphore, #tpu.memory_space<semaphore_mem>>)
      %mul3A_390 = arith.constant 16 : i32
      %mul3A_391 = arith.muli %scan3A_186, %mul3A_390 : i32
      %add3A_392 = arith.constant 8 : i32
      %add3A_393 = arith.addi %mul3A_391, %add3A_392 : i32
      %slice3A_394 = vector.extract_strided_slice %get3A_192 {offsets = [8], sizes = [1], strides = [1]} : vector<16xi32> to vector<1xi32>
      %squeeze3A_395 = vector.extract %slice3A_394[0] : i32 from vector<1xi32>
      %dma_start3A_396 = arith.constant 0 : i32
      %dma_start3A_397 = tpu.memref_slice %arg17[%add3A_393, %dma_start3A_396] : memref<128x64xf32, #tpu.memory_space<vmem>> -> memref<1x64xf32, #tpu.memory_space<vmem>>
      %dma_start3A_398 = arith.constant 0 : i32
      %dma_start3A_399 = tpu.memref_slice %arg3[%squeeze3A_395, %dma_start3A_398] : memref<100000x64xf32, #tpu.memory_space<hbm>> -> memref<1x64xf32, #tpu.memory_space<hbm>>
      %dma_start3A_400 = arith.constant 0 : i32
      %dma_start3A_401 = tpu.memref_slice %arg17[%add3A_393, %dma_start3A_400] : memref<128x64xf32, #tpu.memory_space<vmem>> -> memref<1x64xf32, #tpu.memory_space<vmem>>
      %dma_start3A_402 = arith.constant 0 : i32
      %dma_start3A_403 = tpu.memref_slice %arg3[%squeeze3A_395, %dma_start3A_402] : memref<100000x64xf32, #tpu.memory_space<hbm>> -> memref<1x64xf32, #tpu.memory_space<hbm>>
      tpu.enqueue_dma source(%dma_start3A_403 : memref<1x64xf32, #tpu.memory_space<hbm>>) target(%dma_start3A_401 : memref<1x64xf32, #tpu.memory_space<vmem>>) target_semaphore(%arg20 : memref<!tpu.dma_semaphore, #tpu.memory_space<semaphore_mem>>)
      %slice3A_404 = vector.extract_strided_slice %get3A_199 {offsets = [8], sizes = [1], strides = [1]} : vector<16xi32> to vector<1xi32>
      %squeeze3A_405 = vector.extract %slice3A_404[0] : i32 from vector<1xi32>
      %dma_start3A_406 = arith.constant 0 : i32
      %dma_start3A_407 = tpu.memref_slice %arg18[%add3A_393, %dma_start3A_406] : memref<128x64xf32, #tpu.memory_space<vmem>> -> memref<1x64xf32, #tpu.memory_space<vmem>>
      %dma_start3A_408 = arith.constant 0 : i32
      %dma_start3A_409 = tpu.memref_slice %arg4[%squeeze3A_405, %dma_start3A_408] : memref<100000x64xf32, #tpu.memory_space<hbm>> -> memref<1x64xf32, #tpu.memory_space<hbm>>
      %dma_start3A_410 = arith.constant 0 : i32
      %dma_start3A_411 = tpu.memref_slice %arg18[%add3A_393, %dma_start3A_410] : memref<128x64xf32, #tpu.memory_space<vmem>> -> memref<1x64xf32, #tpu.memory_space<vmem>>
      %dma_start3A_412 = arith.constant 0 : i32
      %dma_start3A_413 = tpu.memref_slice %arg4[%squeeze3A_405, %dma_start3A_412] : memref<100000x64xf32, #tpu.memory_space<hbm>> -> memref<1x64xf32, #tpu.memory_space<hbm>>
      tpu.enqueue_dma source(%dma_start3A_413 : memref<1x64xf32, #tpu.memory_space<hbm>>) target(%dma_start3A_411 : memref<1x64xf32, #tpu.memory_space<vmem>>) target_semaphore(%arg21 : memref<!tpu.dma_semaphore, #tpu.memory_space<semaphore_mem>>)
      %mul3A_414 = arith.constant 16 : i32
      %mul3A_415 = arith.muli %scan3A_186, %mul3A_414 : i32
      %add3A_416 = arith.constant 9 : i32
      %add3A_417 = arith.addi %mul3A_415, %add3A_416 : i32
      %slice3A_418 = vector.extract_strided_slice %get3A_192 {offsets = [9], sizes = [1], strides = [1]} : vector<16xi32> to vector<1xi32>
      %squeeze3A_419 = vector.extract %slice3A_418[0] : i32 from vector<1xi32>
      %dma_start3A_420 = arith.constant 0 : i32
      %dma_start3A_421 = tpu.memref_slice %arg17[%add3A_417, %dma_start3A_420] : memref<128x64xf32, #tpu.memory_space<vmem>> -> memref<1x64xf32, #tpu.memory_space<vmem>>
      %dma_start3A_422 = arith.constant 0 : i32
      %dma_start3A_423 = tpu.memref_slice %arg3[%squeeze3A_419, %dma_start3A_422] : memref<100000x64xf32, #tpu.memory_space<hbm>> -> memref<1x64xf32, #tpu.memory_space<hbm>>
      %dma_start3A_424 = arith.constant 0 : i32
      %dma_start3A_425 = tpu.memref_slice %arg17[%add3A_417, %dma_start3A_424] : memref<128x64xf32, #tpu.memory_space<vmem>> -> memref<1x64xf32, #tpu.memory_space<vmem>>
      %dma_start3A_426 = arith.constant 0 : i32
      %dma_start3A_427 = tpu.memref_slice %arg3[%squeeze3A_419, %dma_start3A_426] : memref<100000x64xf32, #tpu.memory_space<hbm>> -> memref<1x64xf32, #tpu.memory_space<hbm>>
      tpu.enqueue_dma source(%dma_start3A_427 : memref<1x64xf32, #tpu.memory_space<hbm>>) target(%dma_start3A_425 : memref<1x64xf32, #tpu.memory_space<vmem>>) target_semaphore(%arg20 : memref<!tpu.dma_semaphore, #tpu.memory_space<semaphore_mem>>)
      %slice3A_428 = vector.extract_strided_slice %get3A_199 {offsets = [9], sizes = [1], strides = [1]} : vector<16xi32> to vector<1xi32>
      %squeeze3A_429 = vector.extract %slice3A_428[0] : i32 from vector<1xi32>
      %dma_start3A_430 = arith.constant 0 : i32
      %dma_start3A_431 = tpu.memref_slice %arg18[%add3A_417, %dma_start3A_430] : memref<128x64xf32, #tpu.memory_space<vmem>> -> memref<1x64xf32, #tpu.memory_space<vmem>>
      %dma_start3A_432 = arith.constant 0 : i32
      %dma_start3A_433 = tpu.memref_slice %arg4[%squeeze3A_429, %dma_start3A_432] : memref<100000x64xf32, #tpu.memory_space<hbm>> -> memref<1x64xf32, #tpu.memory_space<hbm>>
      %dma_start3A_434 = arith.constant 0 : i32
      %dma_start3A_435 = tpu.memref_slice %arg18[%add3A_417, %dma_start3A_434] : memref<128x64xf32, #tpu.memory_space<vmem>> -> memref<1x64xf32, #tpu.memory_space<vmem>>
      %dma_start3A_436 = arith.constant 0 : i32
      %dma_start3A_437 = tpu.memref_slice %arg4[%squeeze3A_429, %dma_start3A_436] : memref<100000x64xf32, #tpu.memory_space<hbm>> -> memref<1x64xf32, #tpu.memory_space<hbm>>
      tpu.enqueue_dma source(%dma_start3A_437 : memref<1x64xf32, #tpu.memory_space<hbm>>) target(%dma_start3A_435 : memref<1x64xf32, #tpu.memory_space<vmem>>) target_semaphore(%arg21 : memref<!tpu.dma_semaphore, #tpu.memory_space<semaphore_mem>>)
      %mul3A_438 = arith.constant 16 : i32
      %mul3A_439 = arith.muli %scan3A_186, %mul3A_438 : i32
      %add3A_440 = arith.constant 10 : i32
      %add3A_441 = arith.addi %mul3A_439, %add3A_440 : i32
      %slice3A_442 = vector.extract_strided_slice %get3A_192 {offsets = [10], sizes = [1], strides = [1]} : vector<16xi32> to vector<1xi32>
      %squeeze3A_443 = vector.extract %slice3A_442[0] : i32 from vector<1xi32>
      %dma_start3A_444 = arith.constant 0 : i32
      %dma_start3A_445 = tpu.memref_slice %arg17[%add3A_441, %dma_start3A_444] : memref<128x64xf32, #tpu.memory_space<vmem>> -> memref<1x64xf32, #tpu.memory_space<vmem>>
      %dma_start3A_446 = arith.constant 0 : i32
      %dma_start3A_447 = tpu.memref_slice %arg3[%squeeze3A_443, %dma_start3A_446] : memref<100000x64xf32, #tpu.memory_space<hbm>> -> memref<1x64xf32, #tpu.memory_space<hbm>>
      %dma_start3A_448 = arith.constant 0 : i32
      %dma_start3A_449 = tpu.memref_slice %arg17[%add3A_441, %dma_start3A_448] : memref<128x64xf32, #tpu.memory_space<vmem>> -> memref<1x64xf32, #tpu.memory_space<vmem>>
      %dma_start3A_450 = arith.constant 0 : i32
      %dma_start3A_451 = tpu.memref_slice %arg3[%squeeze3A_443, %dma_start3A_450] : memref<100000x64xf32, #tpu.memory_space<hbm>> -> memref<1x64xf32, #tpu.memory_space<hbm>>
      tpu.enqueue_dma source(%dma_start3A_451 : memref<1x64xf32, #tpu.memory_space<hbm>>) target(%dma_start3A_449 : memref<1x64xf32, #tpu.memory_space<vmem>>) target_semaphore(%arg20 : memref<!tpu.dma_semaphore, #tpu.memory_space<semaphore_mem>>)
      %slice3A_452 = vector.extract_strided_slice %get3A_199 {offsets = [10], sizes = [1], strides = [1]} : vector<16xi32> to vector<1xi32>
      %squeeze3A_453 = vector.extract %slice3A_452[0] : i32 from vector<1xi32>
      %dma_start3A_454 = arith.constant 0 : i32
      %dma_start3A_455 = tpu.memref_slice %arg18[%add3A_441, %dma_start3A_454] : memref<128x64xf32, #tpu.memory_space<vmem>> -> memref<1x64xf32, #tpu.memory_space<vmem>>
      %dma_start3A_456 = arith.constant 0 : i32
      %dma_start3A_457 = tpu.memref_slice %arg4[%squeeze3A_453, %dma_start3A_456] : memref<100000x64xf32, #tpu.memory_space<hbm>> -> memref<1x64xf32, #tpu.memory_space<hbm>>
      %dma_start3A_458 = arith.constant 0 : i32
      %dma_start3A_459 = tpu.memref_slice %arg18[%add3A_441, %dma_start3A_458] : memref<128x64xf32, #tpu.memory_space<vmem>> -> memref<1x64xf32, #tpu.memory_space<vmem>>
      %dma_start3A_460 = arith.constant 0 : i32
      %dma_start3A_461 = tpu.memref_slice %arg4[%squeeze3A_453, %dma_start3A_460] : memref<100000x64xf32, #tpu.memory_space<hbm>> -> memref<1x64xf32, #tpu.memory_space<hbm>>
      tpu.enqueue_dma source(%dma_start3A_461 : memref<1x64xf32, #tpu.memory_space<hbm>>) target(%dma_start3A_459 : memref<1x64xf32, #tpu.memory_space<vmem>>) target_semaphore(%arg21 : memref<!tpu.dma_semaphore, #tpu.memory_space<semaphore_mem>>)
      %mul3A_462 = arith.constant 16 : i32
      %mul3A_463 = arith.muli %scan3A_186, %mul3A_462 : i32
      %add3A_464 = arith.constant 11 : i32
      %add3A_465 = arith.addi %mul3A_463, %add3A_464 : i32
      %slice3A_466 = vector.extract_strided_slice %get3A_192 {offsets = [11], sizes = [1], strides = [1]} : vector<16xi32> to vector<1xi32>
      %squeeze3A_467 = vector.extract %slice3A_466[0] : i32 from vector<1xi32>
      %dma_start3A_468 = arith.constant 0 : i32
      %dma_start3A_469 = tpu.memref_slice %arg17[%add3A_465, %dma_start3A_468] : memref<128x64xf32, #tpu.memory_space<vmem>> -> memref<1x64xf32, #tpu.memory_space<vmem>>
      %dma_start3A_470 = arith.constant 0 : i32
      %dma_start3A_471 = tpu.memref_slice %arg3[%squeeze3A_467, %dma_start3A_470] : memref<100000x64xf32, #tpu.memory_space<hbm>> -> memref<1x64xf32, #tpu.memory_space<hbm>>
      %dma_start3A_472 = arith.constant 0 : i32
      %dma_start3A_473 = tpu.memref_slice %arg17[%add3A_465, %dma_start3A_472] : memref<128x64xf32, #tpu.memory_space<vmem>> -> memref<1x64xf32, #tpu.memory_space<vmem>>
      %dma_start3A_474 = arith.constant 0 : i32
      %dma_start3A_475 = tpu.memref_slice %arg3[%squeeze3A_467, %dma_start3A_474] : memref<100000x64xf32, #tpu.memory_space<hbm>> -> memref<1x64xf32, #tpu.memory_space<hbm>>
      tpu.enqueue_dma source(%dma_start3A_475 : memref<1x64xf32, #tpu.memory_space<hbm>>) target(%dma_start3A_473 : memref<1x64xf32, #tpu.memory_space<vmem>>) target_semaphore(%arg20 : memref<!tpu.dma_semaphore, #tpu.memory_space<semaphore_mem>>)
      %slice3A_476 = vector.extract_strided_slice %get3A_199 {offsets = [11], sizes = [1], strides = [1]} : vector<16xi32> to vector<1xi32>
      %squeeze3A_477 = vector.extract %slice3A_476[0] : i32 from vector<1xi32>
      %dma_start3A_478 = arith.constant 0 : i32
      %dma_start3A_479 = tpu.memref_slice %arg18[%add3A_465, %dma_start3A_478] : memref<128x64xf32, #tpu.memory_space<vmem>> -> memref<1x64xf32, #tpu.memory_space<vmem>>
      %dma_start3A_480 = arith.constant 0 : i32
      %dma_start3A_481 = tpu.memref_slice %arg4[%squeeze3A_477, %dma_start3A_480] : memref<100000x64xf32, #tpu.memory_space<hbm>> -> memref<1x64xf32, #tpu.memory_space<hbm>>
      %dma_start3A_482 = arith.constant 0 : i32
      %dma_start3A_483 = tpu.memref_slice %arg18[%add3A_465, %dma_start3A_482] : memref<128x64xf32, #tpu.memory_space<vmem>> -> memref<1x64xf32, #tpu.memory_space<vmem>>
      %dma_start3A_484 = arith.constant 0 : i32
      %dma_start3A_485 = tpu.memref_slice %arg4[%squeeze3A_477, %dma_start3A_484] : memref<100000x64xf32, #tpu.memory_space<hbm>> -> memref<1x64xf32, #tpu.memory_space<hbm>>
      tpu.enqueue_dma source(%dma_start3A_485 : memref<1x64xf32, #tpu.memory_space<hbm>>) target(%dma_start3A_483 : memref<1x64xf32, #tpu.memory_space<vmem>>) target_semaphore(%arg21 : memref<!tpu.dma_semaphore, #tpu.memory_space<semaphore_mem>>)
      %mul3A_486 = arith.constant 16 : i32
      %mul3A_487 = arith.muli %scan3A_186, %mul3A_486 : i32
      %add3A_488 = arith.constant 12 : i32
      %add3A_489 = arith.addi %mul3A_487, %add3A_488 : i32
      %slice3A_490 = vector.extract_strided_slice %get3A_192 {offsets = [12], sizes = [1], strides = [1]} : vector<16xi32> to vector<1xi32>
      %squeeze3A_491 = vector.extract %slice3A_490[0] : i32 from vector<1xi32>
      %dma_start3A_492 = arith.constant 0 : i32
      %dma_start3A_493 = tpu.memref_slice %arg17[%add3A_489, %dma_start3A_492] : memref<128x64xf32, #tpu.memory_space<vmem>> -> memref<1x64xf32, #tpu.memory_space<vmem>>
      %dma_start3A_494 = arith.constant 0 : i32
      %dma_start3A_495 = tpu.memref_slice %arg3[%squeeze3A_491, %dma_start3A_494] : memref<100000x64xf32, #tpu.memory_space<hbm>> -> memref<1x64xf32, #tpu.memory_space<hbm>>
      %dma_start3A_496 = arith.constant 0 : i32
      %dma_start3A_497 = tpu.memref_slice %arg17[%add3A_489, %dma_start3A_496] : memref<128x64xf32, #tpu.memory_space<vmem>> -> memref<1x64xf32, #tpu.memory_space<vmem>>
      %dma_start3A_498 = arith.constant 0 : i32
      %dma_start3A_499 = tpu.memref_slice %arg3[%squeeze3A_491, %dma_start3A_498] : memref<100000x64xf32, #tpu.memory_space<hbm>> -> memref<1x64xf32, #tpu.memory_space<hbm>>
      tpu.enqueue_dma source(%dma_start3A_499 : memref<1x64xf32, #tpu.memory_space<hbm>>) target(%dma_start3A_497 : memref<1x64xf32, #tpu.memory_space<vmem>>) target_semaphore(%arg20 : memref<!tpu.dma_semaphore, #tpu.memory_space<semaphore_mem>>)
      %slice3A_500 = vector.extract_strided_slice %get3A_199 {offsets = [12], sizes = [1], strides = [1]} : vector<16xi32> to vector<1xi32>
      %squeeze3A_501 = vector.extract %slice3A_500[0] : i32 from vector<1xi32>
      %dma_start3A_502 = arith.constant 0 : i32
      %dma_start3A_503 = tpu.memref_slice %arg18[%add3A_489, %dma_start3A_502] : memref<128x64xf32, #tpu.memory_space<vmem>> -> memref<1x64xf32, #tpu.memory_space<vmem>>
      %dma_start3A_504 = arith.constant 0 : i32
      %dma_start3A_505 = tpu.memref_slice %arg4[%squeeze3A_501, %dma_start3A_504] : memref<100000x64xf32, #tpu.memory_space<hbm>> -> memref<1x64xf32, #tpu.memory_space<hbm>>
      %dma_start3A_506 = arith.constant 0 : i32
      %dma_start3A_507 = tpu.memref_slice %arg18[%add3A_489, %dma_start3A_506] : memref<128x64xf32, #tpu.memory_space<vmem>> -> memref<1x64xf32, #tpu.memory_space<vmem>>
      %dma_start3A_508 = arith.constant 0 : i32
      %dma_start3A_509 = tpu.memref_slice %arg4[%squeeze3A_501, %dma_start3A_508] : memref<100000x64xf32, #tpu.memory_space<hbm>> -> memref<1x64xf32, #tpu.memory_space<hbm>>
      tpu.enqueue_dma source(%dma_start3A_509 : memref<1x64xf32, #tpu.memory_space<hbm>>) target(%dma_start3A_507 : memref<1x64xf32, #tpu.memory_space<vmem>>) target_semaphore(%arg21 : memref<!tpu.dma_semaphore, #tpu.memory_space<semaphore_mem>>)
      %mul3A_510 = arith.constant 16 : i32
      %mul3A_511 = arith.muli %scan3A_186, %mul3A_510 : i32
      %add3A_512 = arith.constant 13 : i32
      %add3A_513 = arith.addi %mul3A_511, %add3A_512 : i32
      %slice3A_514 = vector.extract_strided_slice %get3A_192 {offsets = [13], sizes = [1], strides = [1]} : vector<16xi32> to vector<1xi32>
      %squeeze3A_515 = vector.extract %slice3A_514[0] : i32 from vector<1xi32>
      %dma_start3A_516 = arith.constant 0 : i32
      %dma_start3A_517 = tpu.memref_slice %arg17[%add3A_513, %dma_start3A_516] : memref<128x64xf32, #tpu.memory_space<vmem>> -> memref<1x64xf32, #tpu.memory_space<vmem>>
      %dma_start3A_518 = arith.constant 0 : i32
      %dma_start3A_519 = tpu.memref_slice %arg3[%squeeze3A_515, %dma_start3A_518] : memref<100000x64xf32, #tpu.memory_space<hbm>> -> memref<1x64xf32, #tpu.memory_space<hbm>>
      %dma_start3A_520 = arith.constant 0 : i32
      %dma_start3A_521 = tpu.memref_slice %arg17[%add3A_513, %dma_start3A_520] : memref<128x64xf32, #tpu.memory_space<vmem>> -> memref<1x64xf32, #tpu.memory_space<vmem>>
      %dma_start3A_522 = arith.constant 0 : i32
      %dma_start3A_523 = tpu.memref_slice %arg3[%squeeze3A_515, %dma_start3A_522] : memref<100000x64xf32, #tpu.memory_space<hbm>> -> memref<1x64xf32, #tpu.memory_space<hbm>>
      tpu.enqueue_dma source(%dma_start3A_523 : memref<1x64xf32, #tpu.memory_space<hbm>>) target(%dma_start3A_521 : memref<1x64xf32, #tpu.memory_space<vmem>>) target_semaphore(%arg20 : memref<!tpu.dma_semaphore, #tpu.memory_space<semaphore_mem>>)
      %slice3A_524 = vector.extract_strided_slice %get3A_199 {offsets = [13], sizes = [1], strides = [1]} : vector<16xi32> to vector<1xi32>
      %squeeze3A_525 = vector.extract %slice3A_524[0] : i32 from vector<1xi32>
      %dma_start3A_526 = arith.constant 0 : i32
      %dma_start3A_527 = tpu.memref_slice %arg18[%add3A_513, %dma_start3A_526] : memref<128x64xf32, #tpu.memory_space<vmem>> -> memref<1x64xf32, #tpu.memory_space<vmem>>
      %dma_start3A_528 = arith.constant 0 : i32
      %dma_start3A_529 = tpu.memref_slice %arg4[%squeeze3A_525, %dma_start3A_528] : memref<100000x64xf32, #tpu.memory_space<hbm>> -> memref<1x64xf32, #tpu.memory_space<hbm>>
      %dma_start3A_530 = arith.constant 0 : i32
      %dma_start3A_531 = tpu.memref_slice %arg18[%add3A_513, %dma_start3A_530] : memref<128x64xf32, #tpu.memory_space<vmem>> -> memref<1x64xf32, #tpu.memory_space<vmem>>
      %dma_start3A_532 = arith.constant 0 : i32
      %dma_start3A_533 = tpu.memref_slice %arg4[%squeeze3A_525, %dma_start3A_532] : memref<100000x64xf32, #tpu.memory_space<hbm>> -> memref<1x64xf32, #tpu.memory_space<hbm>>
      tpu.enqueue_dma source(%dma_start3A_533 : memref<1x64xf32, #tpu.memory_space<hbm>>) target(%dma_start3A_531 : memref<1x64xf32, #tpu.memory_space<vmem>>) target_semaphore(%arg21 : memref<!tpu.dma_semaphore, #tpu.memory_space<semaphore_mem>>)
      %mul3A_534 = arith.constant 16 : i32
      %mul3A_535 = arith.muli %scan3A_186, %mul3A_534 : i32
      %add3A_536 = arith.constant 14 : i32
      %add3A_537 = arith.addi %mul3A_535, %add3A_536 : i32
      %slice3A_538 = vector.extract_strided_slice %get3A_192 {offsets = [14], sizes = [1], strides = [1]} : vector<16xi32> to vector<1xi32>
      %squeeze3A_539 = vector.extract %slice3A_538[0] : i32 from vector<1xi32>
      %dma_start3A_540 = arith.constant 0 : i32
      %dma_start3A_541 = tpu.memref_slice %arg17[%add3A_537, %dma_start3A_540] : memref<128x64xf32, #tpu.memory_space<vmem>> -> memref<1x64xf32, #tpu.memory_space<vmem>>
      %dma_start3A_542 = arith.constant 0 : i32
      %dma_start3A_543 = tpu.memref_slice %arg3[%squeeze3A_539, %dma_start3A_542] : memref<100000x64xf32, #tpu.memory_space<hbm>> -> memref<1x64xf32, #tpu.memory_space<hbm>>
      %dma_start3A_544 = arith.constant 0 : i32
      %dma_start3A_545 = tpu.memref_slice %arg17[%add3A_537, %dma_start3A_544] : memref<128x64xf32, #tpu.memory_space<vmem>> -> memref<1x64xf32, #tpu.memory_space<vmem>>
      %dma_start3A_546 = arith.constant 0 : i32
      %dma_start3A_547 = tpu.memref_slice %arg3[%squeeze3A_539, %dma_start3A_546] : memref<100000x64xf32, #tpu.memory_space<hbm>> -> memref<1x64xf32, #tpu.memory_space<hbm>>
      tpu.enqueue_dma source(%dma_start3A_547 : memref<1x64xf32, #tpu.memory_space<hbm>>) target(%dma_start3A_545 : memref<1x64xf32, #tpu.memory_space<vmem>>) target_semaphore(%arg20 : memref<!tpu.dma_semaphore, #tpu.memory_space<semaphore_mem>>)
      %slice3A_548 = vector.extract_strided_slice %get3A_199 {offsets = [14], sizes = [1], strides = [1]} : vector<16xi32> to vector<1xi32>
      %squeeze3A_549 = vector.extract %slice3A_548[0] : i32 from vector<1xi32>
      %dma_start3A_550 = arith.constant 0 : i32
      %dma_start3A_551 = tpu.memref_slice %arg18[%add3A_537, %dma_start3A_550] : memref<128x64xf32, #tpu.memory_space<vmem>> -> memref<1x64xf32, #tpu.memory_space<vmem>>
      %dma_start3A_552 = arith.constant 0 : i32
      %dma_start3A_553 = tpu.memref_slice %arg4[%squeeze3A_549, %dma_start3A_552] : memref<100000x64xf32, #tpu.memory_space<hbm>> -> memref<1x64xf32, #tpu.memory_space<hbm>>
      %dma_start3A_554 = arith.constant 0 : i32
      %dma_start3A_555 = tpu.memref_slice %arg18[%add3A_537, %dma_start3A_554] : memref<128x64xf32, #tpu.memory_space<vmem>> -> memref<1x64xf32, #tpu.memory_space<vmem>>
      %dma_start3A_556 = arith.constant 0 : i32
      %dma_start3A_557 = tpu.memref_slice %arg4[%squeeze3A_549, %dma_start3A_556] : memref<100000x64xf32, #tpu.memory_space<hbm>> -> memref<1x64xf32, #tpu.memory_space<hbm>>
      tpu.enqueue_dma source(%dma_start3A_557 : memref<1x64xf32, #tpu.memory_space<hbm>>) target(%dma_start3A_555 : memref<1x64xf32, #tpu.memory_space<vmem>>) target_semaphore(%arg21 : memref<!tpu.dma_semaphore, #tpu.memory_space<semaphore_mem>>)
      %mul3A_558 = arith.constant 16 : i32
      %mul3A_559 = arith.muli %scan3A_186, %mul3A_558 : i32
      %add3A_560 = arith.constant 15 : i32
      %add3A_561 = arith.addi %mul3A_559, %add3A_560 : i32
      %slice3A_562 = vector.extract_strided_slice %get3A_192 {offsets = [15], sizes = [1], strides = [1]} : vector<16xi32> to vector<1xi32>
      %squeeze3A_563 = vector.extract %slice3A_562[0] : i32 from vector<1xi32>
      %dma_start3A_564 = arith.constant 0 : i32
      %dma_start3A_565 = tpu.memref_slice %arg17[%add3A_561, %dma_start3A_564] : memref<128x64xf32, #tpu.memory_space<vmem>> -> memref<1x64xf32, #tpu.memory_space<vmem>>
      %dma_start3A_566 = arith.constant 0 : i32
      %dma_start3A_567 = tpu.memref_slice %arg3[%squeeze3A_563, %dma_start3A_566] : memref<100000x64xf32, #tpu.memory_space<hbm>> -> memref<1x64xf32, #tpu.memory_space<hbm>>
      %dma_start3A_568 = arith.constant 0 : i32
      %dma_start3A_569 = tpu.memref_slice %arg17[%add3A_561, %dma_start3A_568] : memref<128x64xf32, #tpu.memory_space<vmem>> -> memref<1x64xf32, #tpu.memory_space<vmem>>
      %dma_start3A_570 = arith.constant 0 : i32
      %dma_start3A_571 = tpu.memref_slice %arg3[%squeeze3A_563, %dma_start3A_570] : memref<100000x64xf32, #tpu.memory_space<hbm>> -> memref<1x64xf32, #tpu.memory_space<hbm>>
      tpu.enqueue_dma source(%dma_start3A_571 : memref<1x64xf32, #tpu.memory_space<hbm>>) target(%dma_start3A_569 : memref<1x64xf32, #tpu.memory_space<vmem>>) target_semaphore(%arg20 : memref<!tpu.dma_semaphore, #tpu.memory_space<semaphore_mem>>)
      %slice3A_572 = vector.extract_strided_slice %get3A_199 {offsets = [15], sizes = [1], strides = [1]} : vector<16xi32> to vector<1xi32>
      %squeeze3A_573 = vector.extract %slice3A_572[0] : i32 from vector<1xi32>
      %dma_start3A_574 = arith.constant 0 : i32
      %dma_start3A_575 = tpu.memref_slice %arg18[%add3A_561, %dma_start3A_574] : memref<128x64xf32, #tpu.memory_space<vmem>> -> memref<1x64xf32, #tpu.memory_space<vmem>>
      %dma_start3A_576 = arith.constant 0 : i32
      %dma_start3A_577 = tpu.memref_slice %arg4[%squeeze3A_573, %dma_start3A_576] : memref<100000x64xf32, #tpu.memory_space<hbm>> -> memref<1x64xf32, #tpu.memory_space<hbm>>
      %dma_start3A_578 = arith.constant 0 : i32
      %dma_start3A_579 = tpu.memref_slice %arg18[%add3A_561, %dma_start3A_578] : memref<128x64xf32, #tpu.memory_space<vmem>> -> memref<1x64xf32, #tpu.memory_space<vmem>>
      %dma_start3A_580 = arith.constant 0 : i32
      %dma_start3A_581 = tpu.memref_slice %arg4[%squeeze3A_573, %dma_start3A_580] : memref<100000x64xf32, #tpu.memory_space<hbm>> -> memref<1x64xf32, #tpu.memory_space<hbm>>
      tpu.enqueue_dma source(%dma_start3A_581 : memref<1x64xf32, #tpu.memory_space<hbm>>) target(%dma_start3A_579 : memref<1x64xf32, #tpu.memory_space<vmem>>) target_semaphore(%arg21 : memref<!tpu.dma_semaphore, #tpu.memory_space<semaphore_mem>>)
    }
    %scan3A_36 = arith.constant 8 : i32
    %dma_wait3A = arith.constant 0 : i32
    %dma_wait3A_37 = arith.constant 0 : i32
    %dma_wait3A_38 = tpu.memref_slice %arg3[%dma_wait3A, %dma_wait3A_37] : memref<100000x64xf32, #tpu.memory_space<hbm>> -> memref<128x64xf32, #tpu.memory_space<hbm>>
    %dma_wait3A_39 = arith.constant 0 : i32
    %dma_wait3A_40 = arith.constant 0 : i32
    %dma_wait3A_41 = tpu.memref_slice %arg3[%dma_wait3A_39, %dma_wait3A_40] : memref<100000x64xf32, #tpu.memory_space<hbm>> -> memref<128x64xf32, #tpu.memory_space<hbm>>
    tpu.wait_dma2 semaphore(%arg12 : memref<!tpu.dma_semaphore, #tpu.memory_space<semaphore_mem>>) src(%dma_wait3A_41 : memref<128x64xf32, #tpu.memory_space<hbm>>) dst(%arg9 : memref<128x64xf32, #tpu.memory_space<vmem>>)
    %dma_wait3A_42 = arith.constant 0 : i32
    %dma_wait3A_43 = arith.constant 0 : i32
    %dma_wait3A_44 = tpu.memref_slice %arg4[%dma_wait3A_42, %dma_wait3A_43] : memref<100000x64xf32, #tpu.memory_space<hbm>> -> memref<128x64xf32, #tpu.memory_space<hbm>>
    %dma_wait3A_45 = arith.constant 0 : i32
    %dma_wait3A_46 = arith.constant 0 : i32
    %dma_wait3A_47 = tpu.memref_slice %arg4[%dma_wait3A_45, %dma_wait3A_46] : memref<100000x64xf32, #tpu.memory_space<hbm>> -> memref<128x64xf32, #tpu.memory_space<hbm>>
    tpu.wait_dma2 semaphore(%arg13 : memref<!tpu.dma_semaphore, #tpu.memory_space<semaphore_mem>>) src(%dma_wait3A_47 : memref<128x64xf32, #tpu.memory_space<hbm>>) dst(%arg10 : memref<128x64xf32, #tpu.memory_space<vmem>>)
    %dma_wait3A_48 = arith.constant 0 : i32
    %dma_wait3A_49 = arith.constant 0 : i32
    %dma_wait3A_50 = tpu.memref_slice %arg5[%dma_wait3A_48, %dma_wait3A_49] : memref<1000000x128xf32, #tpu.memory_space<hbm>> -> memref<128x128xf32, #tpu.memory_space<hbm>>
    %dma_wait3A_51 = arith.constant 0 : i32
    %dma_wait3A_52 = arith.constant 0 : i32
    %dma_wait3A_53 = tpu.memref_slice %arg5[%dma_wait3A_51, %dma_wait3A_52] : memref<1000000x128xf32, #tpu.memory_space<hbm>> -> memref<128x128xf32, #tpu.memory_space<hbm>>
    tpu.wait_dma2 semaphore(%arg14 : memref<!tpu.dma_semaphore, #tpu.memory_space<semaphore_mem>>) src(%dma_wait3A_53 : memref<128x128xf32, #tpu.memory_space<hbm>>) dst(%arg11 : memref<128x128xf32, #tpu.memory_space<vmem>>)
    %mul3A_54 = arith.constant 512 : i32
    %mul3A_55 = arith.muli %add3A, %mul3A_54 : i32
    %add3A_56 = arith.constant 0 : i32
    %add3A_57 = arith.addi %mul3A_55, %add3A_56 : i32
    %scan3A_58 = arith.constant 0 : i32
    %scan3A_59 = arith.constant 0 : i32
    %scan3A_60 = arith.constant 8 : i32
    %scan3A_61 = arith.addi %scan3A_59, %scan3A_60 : i32
    %scan3A_62 = arith.constant 1 : i32
    scf.for %scan3A_186 = %scan3A_59 to %scan3A_61 step %scan3A_62  : i32 {
      %broadcast_in_dim3A = arith.constant 0.000000e+00 : f32
      %broadcast_in_dim3A_187 = vector.broadcast %broadcast_in_dim3A : f32 to vector<16xf32>
      %scan3A_188 = arith.constant 0 : i32
      %scan3A_189 = arith.constant 16 : i32
      %scan3A_190 = arith.addi %scan3A_188, %scan3A_189 : i32
      %scan3A_191 = arith.constant 1 : i32
      %scan3A_192 = scf.for %scan3A_206 = %scan3A_188 to %scan3A_190 step %scan3A_191 iter_args(%scan3A_207 = %broadcast_in_dim3A_187) -> (vector<16xf32>)  : i32 {
        %mul3A_208 = arith.constant 16 : i32
        %mul3A_209 = arith.muli %scan3A_186, %mul3A_208 : i32
        %add3A_210 = arith.addi %mul3A_209, %scan3A_206 : i32
        %get3A = arith.index_cast %add3A_210 : i32 to index
        %get3A_211 = arith.constant 0 : index
        %get3A_212 = tpu.vector_load %arg9[%get3A, %get3A_211] {strides = array<i32>} : memref<128x64xf32, #tpu.memory_space<vmem>>, vector<1x16xf32>,
        %get3A_213 = vector.shape_cast %get3A_212 : vector<1x16xf32> to vector<16xf32>
        %get3A_214 = arith.index_cast %add3A_210 : i32 to index
        %get3A_215 = arith.constant 0 : index
        %get3A_216 = tpu.vector_load %arg11[%get3A_214, %get3A_215] {strides = array<i32>} : memref<128x128xf32, #tpu.memory_space<vmem>>, vector<1x16xf32>,
        %get3A_217 = vector.shape_cast %get3A_216 : vector<1x16xf32> to vector<16xf32>
        %mul3A_218 = arith.mulf %get3A_213, %get3A_217 : vector<16xf32>
        %get3A_219 = arith.index_cast %add3A_210 : i32 to index
        %get3A_220 = arith.constant 16 : index
        %get3A_221 = tpu.vector_load %arg9[%get3A_219, %get3A_220] {strides = array<i32>} : memref<128x64xf32, #tpu.memory_space<vmem>>, vector<1x16xf32>,
        %get3A_222 = vector.shape_cast %get3A_221 : vector<1x16xf32> to vector<16xf32>
        %get3A_223 = arith.index_cast %add3A_210 : i32 to index
        %get3A_224 = arith.constant 16 : index
        %get3A_225 = tpu.vector_load %arg11[%get3A_223, %get3A_224] {strides = array<i32>} : memref<128x128xf32, #tpu.memory_space<vmem>>, vector<1x16xf32>,
        %get3A_226 = vector.shape_cast %get3A_225 : vector<1x16xf32> to vector<16xf32>
        %mul3A_227 = arith.mulf %get3A_222, %get3A_226 : vector<16xf32>
        %add3A_228 = arith.addf %mul3A_218, %mul3A_227 : vector<16xf32>
        %get3A_229 = arith.index_cast %add3A_210 : i32 to index
        %get3A_230 = arith.constant 32 : index
        %get3A_231 = tpu.vector_load %arg9[%get3A_229, %get3A_230] {strides = array<i32>} : memref<128x64xf32, #tpu.memory_space<vmem>>, vector<1x16xf32>,
        %get3A_232 = vector.shape_cast %get3A_231 : vector<1x16xf32> to vector<16xf32>
        %get3A_233 = arith.index_cast %add3A_210 : i32 to index
        %get3A_234 = arith.constant 32 : index
        %get3A_235 = tpu.vector_load %arg11[%get3A_233, %get3A_234] {strides = array<i32>} : memref<128x128xf32, #tpu.memory_space<vmem>>, vector<1x16xf32>,
        %get3A_236 = vector.shape_cast %get3A_235 : vector<1x16xf32> to vector<16xf32>
        %mul3A_237 = arith.mulf %get3A_232, %get3A_236 : vector<16xf32>
        %add3A_238 = arith.addf %add3A_228, %mul3A_237 : vector<16xf32>
        %get3A_239 = arith.index_cast %add3A_210 : i32 to index
        %get3A_240 = arith.constant 48 : index
        %get3A_241 = tpu.vector_load %arg9[%get3A_239, %get3A_240] {strides = array<i32>} : memref<128x64xf32, #tpu.memory_space<vmem>>, vector<1x16xf32>,
        %get3A_242 = vector.shape_cast %get3A_241 : vector<1x16xf32> to vector<16xf32>
        %get3A_243 = arith.index_cast %add3A_210 : i32 to index
        %get3A_244 = arith.constant 48 : index
        %get3A_245 = tpu.vector_load %arg11[%get3A_243, %get3A_244] {strides = array<i32>} : memref<128x128xf32, #tpu.memory_space<vmem>>, vector<1x16xf32>,
        %get3A_246 = vector.shape_cast %get3A_245 : vector<1x16xf32> to vector<16xf32>
        %mul3A_247 = arith.mulf %get3A_242, %get3A_246 : vector<16xf32>
        %add3A_248 = arith.addf %add3A_238, %mul3A_247 : vector<16xf32>
        %get3A_249 = arith.index_cast %add3A_210 : i32 to index
        %get3A_250 = arith.constant 0 : index
        %get3A_251 = tpu.vector_load %arg10[%get3A_249, %get3A_250] {strides = array<i32>} : memref<128x64xf32, #tpu.memory_space<vmem>>, vector<1x16xf32>,
        %get3A_252 = vector.shape_cast %get3A_251 : vector<1x16xf32> to vector<16xf32>
        %get3A_253 = arith.index_cast %add3A_210 : i32 to index
        %get3A_254 = arith.constant 64 : index
        %get3A_255 = tpu.vector_load %arg11[%get3A_253, %get3A_254] {strides = array<i32>} : memref<128x128xf32, #tpu.memory_space<vmem>>, vector<1x16xf32>,
        %get3A_256 = vector.shape_cast %get3A_255 : vector<1x16xf32> to vector<16xf32>
        %mul3A_257 = arith.mulf %get3A_252, %get3A_256 : vector<16xf32>
        %add3A_258 = arith.addf %add3A_248, %mul3A_257 : vector<16xf32>
        %get3A_259 = arith.index_cast %add3A_210 : i32 to index
        %get3A_260 = arith.constant 16 : index
        %get3A_261 = tpu.vector_load %arg10[%get3A_259, %get3A_260] {strides = array<i32>} : memref<128x64xf32, #tpu.memory_space<vmem>>, vector<1x16xf32>,
        %get3A_262 = vector.shape_cast %get3A_261 : vector<1x16xf32> to vector<16xf32>
        %get3A_263 = arith.index_cast %add3A_210 : i32 to index
        %get3A_264 = arith.constant 80 : index
        %get3A_265 = tpu.vector_load %arg11[%get3A_263, %get3A_264] {strides = array<i32>} : memref<128x128xf32, #tpu.memory_space<vmem>>, vector<1x16xf32>,
        %get3A_266 = vector.shape_cast %get3A_265 : vector<1x16xf32> to vector<16xf32>
        %mul3A_267 = arith.mulf %get3A_262, %get3A_266 : vector<16xf32>
        %add3A_268 = arith.addf %add3A_258, %mul3A_267 : vector<16xf32>
        %get3A_269 = arith.index_cast %add3A_210 : i32 to index
        %get3A_270 = arith.constant 32 : index
        %get3A_271 = tpu.vector_load %arg10[%get3A_269, %get3A_270] {strides = array<i32>} : memref<128x64xf32, #tpu.memory_space<vmem>>, vector<1x16xf32>,
        %get3A_272 = vector.shape_cast %get3A_271 : vector<1x16xf32> to vector<16xf32>
        %get3A_273 = arith.index_cast %add3A_210 : i32 to index
        %get3A_274 = arith.constant 96 : index
        %get3A_275 = tpu.vector_load %arg11[%get3A_273, %get3A_274] {strides = array<i32>} : memref<128x128xf32, #tpu.memory_space<vmem>>, vector<1x16xf32>,
        %get3A_276 = vector.shape_cast %get3A_275 : vector<1x16xf32> to vector<16xf32>
        %mul3A_277 = arith.mulf %get3A_272, %get3A_276 : vector<16xf32>
        %add3A_278 = arith.addf %add3A_268, %mul3A_277 : vector<16xf32>
        %get3A_279 = arith.index_cast %add3A_210 : i32 to index
        %get3A_280 = arith.constant 48 : index
        %get3A_281 = tpu.vector_load %arg10[%get3A_279, %get3A_280] {strides = array<i32>} : memref<128x64xf32, #tpu.memory_space<vmem>>, vector<1x16xf32>,
        %get3A_282 = vector.shape_cast %get3A_281 : vector<1x16xf32> to vector<16xf32>
        %get3A_283 = arith.index_cast %add3A_210 : i32 to index
        %get3A_284 = arith.constant 112 : index
        %get3A_285 = tpu.vector_load %arg11[%get3A_283, %get3A_284] {strides = array<i32>} : memref<128x128xf32, #tpu.memory_space<vmem>>, vector<1x16xf32>,
        %get3A_286 = vector.shape_cast %get3A_285 : vector<1x16xf32> to vector<16xf32>
        %mul3A_287 = arith.mulf %get3A_282, %get3A_286 : vector<16xf32>
        %add3A_288 = arith.addf %add3A_278, %mul3A_287 : vector<16xf32>
        %xor3A = arith.constant 8 : i32
        %xor3A_289 = vector.broadcast %xor3A : i32 to vector<16xi32>
        %xor3A_290 = arith.xori %iota3A, %xor3A_289 : vector<16xi32>
        %broadcast_in_dim3A_291 = vector.shape_cast %xor3A_290 : vector<16xi32> to vector<16x1xi32>
        %gather3A = vector.shape_cast %broadcast_in_dim3A_291 : vector<16x1xi32> to vector<16xi32>
        %gather3A_292 = tpu.dynamic_gather %add3A_288[%gather3A] in [0] : vector<16xf32>, vector<16xi32> -> vector<16xf32>
        %add3A_293 = arith.addf %add3A_288, %gather3A_292 : vector<16xf32>
        %xor3A_294 = arith.constant 4 : i32
        %xor3A_295 = vector.broadcast %xor3A_294 : i32 to vector<16xi32>
        %xor3A_296 = arith.xori %iota3A, %xor3A_295 : vector<16xi32>
        %broadcast_in_dim3A_297 = vector.shape_cast %xor3A_296 : vector<16xi32> to vector<16x1xi32>
        %gather3A_298 = vector.shape_cast %broadcast_in_dim3A_297 : vector<16x1xi32> to vector<16xi32>
        %gather3A_299 = tpu.dynamic_gather %add3A_293[%gather3A_298] in [0] : vector<16xf32>, vector<16xi32> -> vector<16xf32>
        %add3A_300 = arith.addf %add3A_293, %gather3A_299 : vector<16xf32>
        %xor3A_301 = arith.constant 2 : i32
        %xor3A_302 = vector.broadcast %xor3A_301 : i32 to vector<16xi32>
        %xor3A_303 = arith.xori %iota3A, %xor3A_302 : vector<16xi32>
        %broadcast_in_dim3A_304 = vector.shape_cast %xor3A_303 : vector<16xi32> to vector<16x1xi32>
        %gather3A_305 = vector.shape_cast %broadcast_in_dim3A_304 : vector<16x1xi32> to vector<16xi32>
        %gather3A_306 = tpu.dynamic_gather %add3A_300[%gather3A_305] in [0] : vector<16xf32>, vector<16xi32> -> vector<16xf32>
        %add3A_307 = arith.addf %add3A_300, %gather3A_306 : vector<16xf32>
        %xor3A_308 = arith.constant 1 : i32
        %xor3A_309 = vector.broadcast %xor3A_308 : i32 to vector<16xi32>
        %xor3A_310 = arith.xori %iota3A, %xor3A_309 : vector<16xi32>
        %broadcast_in_dim3A_311 = vector.shape_cast %xor3A_310 : vector<16xi32> to vector<16x1xi32>
        %gather3A_312 = vector.shape_cast %broadcast_in_dim3A_311 : vector<16x1xi32> to vector<16xi32>
        %gather3A_313 = tpu.dynamic_gather %add3A_307[%gather3A_312] in [0] : vector<16xf32>, vector<16xi32> -> vector<16xf32>
        %add3A_314 = arith.addf %add3A_307, %gather3A_313 : vector<16xf32>
        %eq3A = vector.broadcast %scan3A_206 : i32 to vector<16xi32>
        %eq3A_315 = arith.cmpi eq, %iota3A, %eq3A : vector<16xi32>
        %select_n3A = arith.select %eq3A_315, %add3A_314, %scan3A_207 : vector<16xi1>, vector<16xf32>
        scf.yield %select_n3A : vector<16xf32>
      }
      %scan3A_193 = arith.constant 16 : i32
      %neg3A = arith.constant 0.000000e+00 : f32
      %neg3A_194 = vector.broadcast %neg3A : f32 to vector<16xf32>
      %neg3A_195 = arith.subf %neg3A_194, %scan3A_192 : vector<16xf32>
      %exp3A = math.exp %neg3A_195 : vector<16xf32>
      %add3A_196 = arith.constant 1.000000e+00 : f32
      %add3A_197 = vector.broadcast %add3A_196 : f32 to vector<16xf32>
      %add3A_198 = arith.addf %add3A_197, %exp3A : vector<16xf32>
      %div3A = arith.constant 1.000000e+00 : f32
      %div3A_199 = vector.broadcast %div3A : f32 to vector<16xf32>
      %div3A_200 = arith.divf %div3A_199, %add3A_198 : vector<16xf32>
      %mul3A_201 = arith.constant 16 : i32
      %mul3A_202 = arith.muli %scan3A_186, %mul3A_201 : i32
      %swap3A = arith.index_cast %mul3A_202 : i32 to index
      %swap3A_203 = tpu.vector_load %arg23[%swap3A] {strides = array<i32>} : memref<128xf32, #tpu.memory_space<vmem>>, vector<16xf32>,
      %swap3A_204 = vector.shape_cast %swap3A_203 : vector<16xf32> to vector<16xf32>
      %swap3A_205 = vector.shape_cast %div3A_200 : vector<16xf32> to vector<16xf32>
      tpu.vector_store %arg23[%swap3A], %swap3A_205 {strides = array<i32>} : memref<128xf32, #tpu.memory_space<vmem>>, vector<16xf32>,
    }
    %scan3A_63 = arith.constant 8 : i32
    "tpu.region"() ({
      %run_scoped3A = tpu.sem_alloc : memref<!tpu.dma_semaphore, #tpu.memory_space<semaphore_mem>>
      %dma_start3A_186 = tpu.memref_slice %arg6[%add3A_57] : memref<16384xf32, #tpu.memory_space<hbm>> -> memref<128xf32, #tpu.memory_space<hbm>>
      %dma_start3A_187 = tpu.memref_slice %arg6[%add3A_57] : memref<16384xf32, #tpu.memory_space<hbm>> -> memref<128xf32, #tpu.memory_space<hbm>>
      tpu.enqueue_dma source(%arg23 : memref<128xf32, #tpu.memory_space<vmem>>) target(%dma_start3A_187 : memref<128xf32, #tpu.memory_space<hbm>>) target_semaphore(%run_scoped3A : memref<!tpu.dma_semaphore, #tpu.memory_space<semaphore_mem>>)
      %dma_wait3A_188 = tpu.memref_slice %arg6[%add3A_57] : memref<16384xf32, #tpu.memory_space<hbm>> -> memref<128xf32, #tpu.memory_space<hbm>>
      %dma_wait3A_189 = tpu.memref_slice %arg6[%add3A_57] : memref<16384xf32, #tpu.memory_space<hbm>> -> memref<128xf32, #tpu.memory_space<hbm>>
      tpu.wait_dma2 semaphore(%run_scoped3A : memref<!tpu.dma_semaphore, #tpu.memory_space<semaphore_mem>>) src(%arg23 : memref<128xf32, #tpu.memory_space<vmem>>) dst(%dma_wait3A_189 : memref<128xf32, #tpu.memory_space<hbm>>)
      tpu.yield
    }) : () -> ()
    %mul3A_64 = arith.constant 512 : i32
    %mul3A_65 = arith.muli %add3A, %mul3A_64 : i32
    %add3A_66 = arith.constant 256 : i32
    %add3A_67 = arith.addi %mul3A_65, %add3A_66 : i32
    "tpu.region"() ({
      %run_scoped3A = tpu.sem_alloc : memref<!tpu.dma_semaphore, #tpu.memory_space<semaphore_mem>>
      %dma_start3A_186 = arith.constant 0 : i32
      %dma_start3A_187 = arith.constant 0 : i32
      %dma_start3A_188 = tpu.memref_slice %arg7[%dma_start3A_186, %dma_start3A_187] : memref<3x144xi32, #tpu.memory_space<vmem>> -> memref<1x128xi32, #tpu.memory_space<vmem>>
      %dma_start3A_189 = arith.constant 0 : i32
      %dma_start3A_190 = tpu.memref_slice %arg2[%dma_start3A_189, %add3A_67] : memref<3x16384xi32, #tpu.memory_space<hbm>> -> memref<1x128xi32, #tpu.memory_space<hbm>>
      %dma_start3A_191 = arith.constant 0 : i32
      %dma_start3A_192 = arith.constant 0 : i32
      %dma_start3A_193 = tpu.memref_slice %arg7[%dma_start3A_191, %dma_start3A_192] : memref<3x144xi32, #tpu.memory_space<vmem>> -> memref<1x128xi32, #tpu.memory_space<vmem>>
      %dma_start3A_194 = arith.constant 0 : i32
      %dma_start3A_195 = tpu.memref_slice %arg2[%dma_start3A_194, %add3A_67] : memref<3x16384xi32, #tpu.memory_space<hbm>> -> memref<1x128xi32, #tpu.memory_space<hbm>>
      tpu.enqueue_dma source(%dma_start3A_195 : memref<1x128xi32, #tpu.memory_space<hbm>>) target(%dma_start3A_193 : memref<1x128xi32, #tpu.memory_space<vmem>>) target_semaphore(%run_scoped3A : memref<!tpu.dma_semaphore, #tpu.memory_space<semaphore_mem>>)
      %dma_wait3A_196 = arith.constant 0 : i32
      %dma_wait3A_197 = arith.constant 0 : i32
      %dma_wait3A_198 = tpu.memref_slice %arg7[%dma_wait3A_196, %dma_wait3A_197] : memref<3x144xi32, #tpu.memory_space<vmem>> -> memref<1x128xi32, #tpu.memory_space<vmem>>
      %dma_wait3A_199 = arith.constant 0 : i32
      %dma_wait3A_200 = tpu.memref_slice %arg2[%dma_wait3A_199, %add3A_67] : memref<3x16384xi32, #tpu.memory_space<hbm>> -> memref<1x128xi32, #tpu.memory_space<hbm>>
      %dma_wait3A_201 = arith.constant 0 : i32
      %dma_wait3A_202 = arith.constant 0 : i32
      %dma_wait3A_203 = tpu.memref_slice %arg7[%dma_wait3A_201, %dma_wait3A_202] : memref<3x144xi32, #tpu.memory_space<vmem>> -> memref<1x128xi32, #tpu.memory_space<vmem>>
      %dma_wait3A_204 = arith.constant 0 : i32
      %dma_wait3A_205 = tpu.memref_slice %arg2[%dma_wait3A_204, %add3A_67] : memref<3x16384xi32, #tpu.memory_space<hbm>> -> memref<1x128xi32, #tpu.memory_space<hbm>>
      tpu.wait_dma2 semaphore(%run_scoped3A : memref<!tpu.dma_semaphore, #tpu.memory_space<semaphore_mem>>) src(%dma_wait3A_205 : memref<1x128xi32, #tpu.memory_space<hbm>>) dst(%dma_wait3A_203 : memref<1x128xi32, #tpu.memory_space<vmem>>)
      tpu.yield
    }) : () -> ()
    "tpu.region"() ({
      %run_scoped3A = tpu.sem_alloc : memref<!tpu.dma_semaphore, #tpu.memory_space<semaphore_mem>>
      %dma_start3A_186 = arith.constant 1 : i32
      %dma_start3A_187 = arith.constant 0 : i32
      %dma_start3A_188 = tpu.memref_slice %arg7[%dma_start3A_186, %dma_start3A_187] : memref<3x144xi32, #tpu.memory_space<vmem>> -> memref<1x128xi32, #tpu.memory_space<vmem>>
      %dma_start3A_189 = arith.constant 1 : i32
      %dma_start3A_190 = tpu.memref_slice %arg2[%dma_start3A_189, %add3A_67] : memref<3x16384xi32, #tpu.memory_space<hbm>> -> memref<1x128xi32, #tpu.memory_space<hbm>>
      %dma_start3A_191 = arith.constant 1 : i32
      %dma_start3A_192 = arith.constant 0 : i32
      %dma_start3A_193 = tpu.memref_slice %arg7[%dma_start3A_191, %dma_start3A_192] : memref<3x144xi32, #tpu.memory_space<vmem>> -> memref<1x128xi32, #tpu.memory_space<vmem>>
      %dma_start3A_194 = arith.constant 1 : i32
      %dma_start3A_195 = tpu.memref_slice %arg2[%dma_start3A_194, %add3A_67] : memref<3x16384xi32, #tpu.memory_space<hbm>> -> memref<1x128xi32, #tpu.memory_space<hbm>>
      tpu.enqueue_dma source(%dma_start3A_195 : memref<1x128xi32, #tpu.memory_space<hbm>>) target(%dma_start3A_193 : memref<1x128xi32, #tpu.memory_space<vmem>>) target_semaphore(%run_scoped3A : memref<!tpu.dma_semaphore, #tpu.memory_space<semaphore_mem>>)
      %dma_wait3A_196 = arith.constant 1 : i32
      %dma_wait3A_197 = arith.constant 0 : i32
      %dma_wait3A_198 = tpu.memref_slice %arg7[%dma_wait3A_196, %dma_wait3A_197] : memref<3x144xi32, #tpu.memory_space<vmem>> -> memref<1x128xi32, #tpu.memory_space<vmem>>
      %dma_wait3A_199 = arith.constant 1 : i32
      %dma_wait3A_200 = tpu.memref_slice %arg2[%dma_wait3A_199, %add3A_67] : memref<3x16384xi32, #tpu.memory_space<hbm>> -> memref<1x128xi32, #tpu.memory_space<hbm>>
      %dma_wait3A_201 = arith.constant 1 : i32
      %dma_wait3A_202 = arith.constant 0 : i32
      %dma_wait3A_203 = tpu.memref_slice %arg7[%dma_wait3A_201, %dma_wait3A_202] : memref<3x144xi32, #tpu.memory_space<vmem>> -> memref<1x128xi32, #tpu.memory_space<vmem>>
      %dma_wait3A_204 = arith.constant 1 : i32
      %dma_wait3A_205 = tpu.memref_slice %arg2[%dma_wait3A_204, %add3A_67] : memref<3x16384xi32, #tpu.memory_space<hbm>> -> memref<1x128xi32, #tpu.memory_space<hbm>>
      tpu.wait_dma2 semaphore(%run_scoped3A : memref<!tpu.dma_semaphore, #tpu.memory_space<semaphore_mem>>) src(%dma_wait3A_205 : memref<1x128xi32, #tpu.memory_space<hbm>>) dst(%dma_wait3A_203 : memref<1x128xi32, #tpu.memory_space<vmem>>)
      tpu.yield
    }) : () -> ()
    "tpu.region"() ({
      %run_scoped3A = tpu.sem_alloc : memref<!tpu.dma_semaphore, #tpu.memory_space<semaphore_mem>>
      %dma_start3A_186 = arith.constant 2 : i32
      %dma_start3A_187 = arith.constant 0 : i32
      %dma_start3A_188 = tpu.memref_slice %arg7[%dma_start3A_186, %dma_start3A_187] : memref<3x144xi32, #tpu.memory_space<vmem>> -> memref<1x128xi32, #tpu.memory_space<vmem>>
      %dma_start3A_189 = arith.constant 2 : i32
      %dma_start3A_190 = tpu.memref_slice %arg2[%dma_start3A_189, %add3A_67] : memref<3x16384xi32, #tpu.memory_space<hbm>> -> memref<1x128xi32, #tpu.memory_space<hbm>>
      %dma_start3A_191 = arith.constant 2 : i32
      %dma_start3A_192 = arith.constant 0 : i32
      %dma_start3A_193 = tpu.memref_slice %arg7[%dma_start3A_191, %dma_start3A_192] : memref<3x144xi32, #tpu.memory_space<vmem>> -> memref<1x128xi32, #tpu.memory_space<vmem>>
      %dma_start3A_194 = arith.constant 2 : i32
      %dma_start3A_195 = tpu.memref_slice %arg2[%dma_start3A_194, %add3A_67] : memref<3x16384xi32, #tpu.memory_space<hbm>> -> memref<1x128xi32, #tpu.memory_space<hbm>>
      tpu.enqueue_dma source(%dma_start3A_195 : memref<1x128xi32, #tpu.memory_space<hbm>>) target(%dma_start3A_193 : memref<1x128xi32, #tpu.memory_space<vmem>>) target_semaphore(%run_scoped3A : memref<!tpu.dma_semaphore, #tpu.memory_space<semaphore_mem>>)
      %dma_wait3A_196 = arith.constant 2 : i32
      %dma_wait3A_197 = arith.constant 0 : i32
      %dma_wait3A_198 = tpu.memref_slice %arg7[%dma_wait3A_196, %dma_wait3A_197] : memref<3x144xi32, #tpu.memory_space<vmem>> -> memref<1x128xi32, #tpu.memory_space<vmem>>
      %dma_wait3A_199 = arith.constant 2 : i32
      %dma_wait3A_200 = tpu.memref_slice %arg2[%dma_wait3A_199, %add3A_67] : memref<3x16384xi32, #tpu.memory_space<hbm>> -> memref<1x128xi32, #tpu.memory_space<hbm>>
      %dma_wait3A_201 = arith.constant 2 : i32
      %dma_wait3A_202 = arith.constant 0 : i32
      %dma_wait3A_203 = tpu.memref_slice %arg7[%dma_wait3A_201, %dma_wait3A_202] : memref<3x144xi32, #tpu.memory_space<vmem>> -> memref<1x128xi32, #tpu.memory_space<vmem>>
      %dma_wait3A_204 = arith.constant 2 : i32
      %dma_wait3A_205 = tpu.memref_slice %arg2[%dma_wait3A_204, %add3A_67] : memref<3x16384xi32, #tpu.memory_space<hbm>> -> memref<1x128xi32, #tpu.memory_space<hbm>>
      tpu.wait_dma2 semaphore(%run_scoped3A : memref<!tpu.dma_semaphore, #tpu.memory_space<semaphore_mem>>) src(%dma_wait3A_205 : memref<1x128xi32, #tpu.memory_space<hbm>>) dst(%dma_wait3A_203 : memref<1x128xi32, #tpu.memory_space<vmem>>)
      tpu.yield
    }) : () -> ()
    %scan3A_68 = arith.constant 0 : i32
    %scan3A_69 = arith.constant 0 : i32
    %scan3A_70 = arith.constant 8 : i32
    %scan3A_71 = arith.addi %scan3A_69, %scan3A_70 : i32
    %scan3A_72 = arith.constant 1 : i32
    scf.for %scan3A_186 = %scan3A_69 to %scan3A_71 step %scan3A_72  : i32 {
      %mul3A_187 = arith.constant 16 : i32
      %mul3A_188 = arith.muli %scan3A_186, %mul3A_187 : i32
      %get3A = arith.constant 2 : i32
      %get3A_189 = arith.index_cast %get3A : i32 to index
      %get3A_190 = arith.index_cast %mul3A_188 : i32 to index
      %get3A_191 = tpu.vector_load %arg7[%get3A_189, %get3A_190] {strides = array<i32>} : memref<3x144xi32, #tpu.memory_space<vmem>>, vector<1x16xi32>,
      %get3A_192 = vector.shape_cast %get3A_191 : vector<1x16xi32> to vector<16xi32>
      %mul3A_193 = arith.constant 16 : i32
      %mul3A_194 = arith.muli %scan3A_186, %mul3A_193 : i32
      %swap3A = arith.index_cast %mul3A_194 : i32 to index
      %swap3A_195 = tpu.vector_load %arg8[%swap3A] {strides = array<i32>} : memref<128xi32, #tpu.memory_space<vmem>>, vector<16xi32>,
      %swap3A_196 = vector.shape_cast %swap3A_195 : vector<16xi32> to vector<16xi32>
      %swap3A_197 = vector.shape_cast %get3A_192 : vector<16xi32> to vector<16xi32>
      tpu.vector_store %arg8[%swap3A], %swap3A_197 {strides = array<i32>} : memref<128xi32, #tpu.memory_space<vmem>>, vector<16xi32>,
    }
    %scan3A_73 = arith.constant 8 : i32
    %dma_start3A_74 = arith.constant 0 : i32
    %dma_start3A_75 = arith.constant 0 : i32
    %dma_start3A_76 = tpu.memref_slice %arg5[%dma_start3A_74, %dma_start3A_75] : memref<1000000x128xf32, #tpu.memory_space<hbm>> -> memref<1000000x128xf32, #tpu.memory_space<hbm>>
    tpu.enqueue_indirect_dma source(%dma_start3A_76 : memref<1000000x128xf32, #tpu.memory_space<hbm>>) target(%arg11 : memref<128x128xf32, #tpu.memory_space<vmem>>) offsets(%arg8 : memref<128xi32, #tpu.memory_space<vmem>>) semaphore(%arg14 : memref<!tpu.dma_semaphore, #tpu.memory_space<semaphore_mem>>)
    %scan3A_77 = arith.constant 0 : i32
    %scan3A_78 = arith.constant 0 : i32
    %scan3A_79 = arith.constant 8 : i32
    %scan3A_80 = arith.addi %scan3A_78, %scan3A_79 : i32
    %scan3A_81 = arith.constant 1 : i32
    scf.for %scan3A_186 = %scan3A_78 to %scan3A_80 step %scan3A_81  : i32 {
      %mul3A_187 = arith.constant 16 : i32
      %mul3A_188 = arith.muli %scan3A_186, %mul3A_187 : i32
      %get3A = arith.constant 0 : i32
      %get3A_189 = arith.index_cast %get3A : i32 to index
      %get3A_190 = arith.index_cast %mul3A_188 : i32 to index
      %get3A_191 = tpu.vector_load %arg7[%get3A_189, %get3A_190] {strides = array<i32>} : memref<3x144xi32, #tpu.memory_space<vmem>>, vector<1x16xi32>,
      %get3A_192 = vector.shape_cast %get3A_191 : vector<1x16xi32> to vector<16xi32>
      %mul3A_193 = arith.constant 16 : i32
      %mul3A_194 = arith.muli %scan3A_186, %mul3A_193 : i32
      %get3A_195 = arith.constant 1 : i32
      %get3A_196 = arith.index_cast %get3A_195 : i32 to index
      %get3A_197 = arith.index_cast %mul3A_194 : i32 to index
      %get3A_198 = tpu.vector_load %arg7[%get3A_196, %get3A_197] {strides = array<i32>} : memref<3x144xi32, #tpu.memory_space<vmem>>, vector<1x16xi32>,
      %get3A_199 = vector.shape_cast %get3A_198 : vector<1x16xi32> to vector<16xi32>
      %mul3A_200 = arith.constant 16 : i32
      %mul3A_201 = arith.muli %scan3A_186, %mul3A_200 : i32
      %add3A_202 = arith.constant 0 : i32
      %add3A_203 = arith.addi %mul3A_201, %add3A_202 : i32
      %slice3A = vector.extract_strided_slice %get3A_192 {offsets = [0], sizes = [1], strides = [1]} : vector<16xi32> to vector<1xi32>
      %squeeze3A = vector.extract %slice3A[0] : i32 from vector<1xi32>
      %dma_start3A_204 = arith.constant 0 : i32
      %dma_start3A_205 = tpu.memref_slice %arg9[%add3A_203, %dma_start3A_204] : memref<128x64xf32, #tpu.memory_space<vmem>> -> memref<1x64xf32, #tpu.memory_space<vmem>>
      %dma_start3A_206 = arith.constant 0 : i32
      %dma_start3A_207 = tpu.memref_slice %arg3[%squeeze3A, %dma_start3A_206] : memref<100000x64xf32, #tpu.memory_space<hbm>> -> memref<1x64xf32, #tpu.memory_space<hbm>>
      %dma_start3A_208 = arith.constant 0 : i32
      %dma_start3A_209 = tpu.memref_slice %arg9[%add3A_203, %dma_start3A_208] : memref<128x64xf32, #tpu.memory_space<vmem>> -> memref<1x64xf32, #tpu.memory_space<vmem>>
      %dma_start3A_210 = arith.constant 0 : i32
      %dma_start3A_211 = tpu.memref_slice %arg3[%squeeze3A, %dma_start3A_210] : memref<100000x64xf32, #tpu.memory_space<hbm>> -> memref<1x64xf32, #tpu.memory_space<hbm>>
      tpu.enqueue_dma source(%dma_start3A_211 : memref<1x64xf32, #tpu.memory_space<hbm>>) target(%dma_start3A_209 : memref<1x64xf32, #tpu.memory_space<vmem>>) target_semaphore(%arg12 : memref<!tpu.dma_semaphore, #tpu.memory_space<semaphore_mem>>)
      %slice3A_212 = vector.extract_strided_slice %get3A_199 {offsets = [0], sizes = [1], strides = [1]} : vector<16xi32> to vector<1xi32>
      %squeeze3A_213 = vector.extract %slice3A_212[0] : i32 from vector<1xi32>
      %dma_start3A_214 = arith.constant 0 : i32
      %dma_start3A_215 = tpu.memref_slice %arg10[%add3A_203, %dma_start3A_214] : memref<128x64xf32, #tpu.memory_space<vmem>> -> memref<1x64xf32, #tpu.memory_space<vmem>>
      %dma_start3A_216 = arith.constant 0 : i32
      %dma_start3A_217 = tpu.memref_slice %arg4[%squeeze3A_213, %dma_start3A_216] : memref<100000x64xf32, #tpu.memory_space<hbm>> -> memref<1x64xf32, #tpu.memory_space<hbm>>
      %dma_start3A_218 = arith.constant 0 : i32
      %dma_start3A_219 = tpu.memref_slice %arg10[%add3A_203, %dma_start3A_218] : memref<128x64xf32, #tpu.memory_space<vmem>> -> memref<1x64xf32, #tpu.memory_space<vmem>>
      %dma_start3A_220 = arith.constant 0 : i32
      %dma_start3A_221 = tpu.memref_slice %arg4[%squeeze3A_213, %dma_start3A_220] : memref<100000x64xf32, #tpu.memory_space<hbm>> -> memref<1x64xf32, #tpu.memory_space<hbm>>
      tpu.enqueue_dma source(%dma_start3A_221 : memref<1x64xf32, #tpu.memory_space<hbm>>) target(%dma_start3A_219 : memref<1x64xf32, #tpu.memory_space<vmem>>) target_semaphore(%arg13 : memref<!tpu.dma_semaphore, #tpu.memory_space<semaphore_mem>>)
      %mul3A_222 = arith.constant 16 : i32
      %mul3A_223 = arith.muli %scan3A_186, %mul3A_222 : i32
      %add3A_224 = arith.constant 1 : i32
      %add3A_225 = arith.addi %mul3A_223, %add3A_224 : i32
      %slice3A_226 = vector.extract_strided_slice %get3A_192 {offsets = [1], sizes = [1], strides = [1]} : vector<16xi32> to vector<1xi32>
      %squeeze3A_227 = vector.extract %slice3A_226[0] : i32 from vector<1xi32>
      %dma_start3A_228 = arith.constant 0 : i32
      %dma_start3A_229 = tpu.memref_slice %arg9[%add3A_225, %dma_start3A_228] : memref<128x64xf32, #tpu.memory_space<vmem>> -> memref<1x64xf32, #tpu.memory_space<vmem>>
      %dma_start3A_230 = arith.constant 0 : i32
      %dma_start3A_231 = tpu.memref_slice %arg3[%squeeze3A_227, %dma_start3A_230] : memref<100000x64xf32, #tpu.memory_space<hbm>> -> memref<1x64xf32, #tpu.memory_space<hbm>>
      %dma_start3A_232 = arith.constant 0 : i32
      %dma_start3A_233 = tpu.memref_slice %arg9[%add3A_225, %dma_start3A_232] : memref<128x64xf32, #tpu.memory_space<vmem>> -> memref<1x64xf32, #tpu.memory_space<vmem>>
      %dma_start3A_234 = arith.constant 0 : i32
      %dma_start3A_235 = tpu.memref_slice %arg3[%squeeze3A_227, %dma_start3A_234] : memref<100000x64xf32, #tpu.memory_space<hbm>> -> memref<1x64xf32, #tpu.memory_space<hbm>>
      tpu.enqueue_dma source(%dma_start3A_235 : memref<1x64xf32, #tpu.memory_space<hbm>>) target(%dma_start3A_233 : memref<1x64xf32, #tpu.memory_space<vmem>>) target_semaphore(%arg12 : memref<!tpu.dma_semaphore, #tpu.memory_space<semaphore_mem>>)
      %slice3A_236 = vector.extract_strided_slice %get3A_199 {offsets = [1], sizes = [1], strides = [1]} : vector<16xi32> to vector<1xi32>
      %squeeze3A_237 = vector.extract %slice3A_236[0] : i32 from vector<1xi32>
      %dma_start3A_238 = arith.constant 0 : i32
      %dma_start3A_239 = tpu.memref_slice %arg10[%add3A_225, %dma_start3A_238] : memref<128x64xf32, #tpu.memory_space<vmem>> -> memref<1x64xf32, #tpu.memory_space<vmem>>
      %dma_start3A_240 = arith.constant 0 : i32
      %dma_start3A_241 = tpu.memref_slice %arg4[%squeeze3A_237, %dma_start3A_240] : memref<100000x64xf32, #tpu.memory_space<hbm>> -> memref<1x64xf32, #tpu.memory_space<hbm>>
      %dma_start3A_242 = arith.constant 0 : i32
      %dma_start3A_243 = tpu.memref_slice %arg10[%add3A_225, %dma_start3A_242] : memref<128x64xf32, #tpu.memory_space<vmem>> -> memref<1x64xf32, #tpu.memory_space<vmem>>
      %dma_start3A_244 = arith.constant 0 : i32
      %dma_start3A_245 = tpu.memref_slice %arg4[%squeeze3A_237, %dma_start3A_244] : memref<100000x64xf32, #tpu.memory_space<hbm>> -> memref<1x64xf32, #tpu.memory_space<hbm>>
      tpu.enqueue_dma source(%dma_start3A_245 : memref<1x64xf32, #tpu.memory_space<hbm>>) target(%dma_start3A_243 : memref<1x64xf32, #tpu.memory_space<vmem>>) target_semaphore(%arg13 : memref<!tpu.dma_semaphore, #tpu.memory_space<semaphore_mem>>)
      %mul3A_246 = arith.constant 16 : i32
      %mul3A_247 = arith.muli %scan3A_186, %mul3A_246 : i32
      %add3A_248 = arith.constant 2 : i32
      %add3A_249 = arith.addi %mul3A_247, %add3A_248 : i32
      %slice3A_250 = vector.extract_strided_slice %get3A_192 {offsets = [2], sizes = [1], strides = [1]} : vector<16xi32> to vector<1xi32>
      %squeeze3A_251 = vector.extract %slice3A_250[0] : i32 from vector<1xi32>
      %dma_start3A_252 = arith.constant 0 : i32
      %dma_start3A_253 = tpu.memref_slice %arg9[%add3A_249, %dma_start3A_252] : memref<128x64xf32, #tpu.memory_space<vmem>> -> memref<1x64xf32, #tpu.memory_space<vmem>>
      %dma_start3A_254 = arith.constant 0 : i32
      %dma_start3A_255 = tpu.memref_slice %arg3[%squeeze3A_251, %dma_start3A_254] : memref<100000x64xf32, #tpu.memory_space<hbm>> -> memref<1x64xf32, #tpu.memory_space<hbm>>
      %dma_start3A_256 = arith.constant 0 : i32
      %dma_start3A_257 = tpu.memref_slice %arg9[%add3A_249, %dma_start3A_256] : memref<128x64xf32, #tpu.memory_space<vmem>> -> memref<1x64xf32, #tpu.memory_space<vmem>>
      %dma_start3A_258 = arith.constant 0 : i32
      %dma_start3A_259 = tpu.memref_slice %arg3[%squeeze3A_251, %dma_start3A_258] : memref<100000x64xf32, #tpu.memory_space<hbm>> -> memref<1x64xf32, #tpu.memory_space<hbm>>
      tpu.enqueue_dma source(%dma_start3A_259 : memref<1x64xf32, #tpu.memory_space<hbm>>) target(%dma_start3A_257 : memref<1x64xf32, #tpu.memory_space<vmem>>) target_semaphore(%arg12 : memref<!tpu.dma_semaphore, #tpu.memory_space<semaphore_mem>>)
      %slice3A_260 = vector.extract_strided_slice %get3A_199 {offsets = [2], sizes = [1], strides = [1]} : vector<16xi32> to vector<1xi32>
      %squeeze3A_261 = vector.extract %slice3A_260[0] : i32 from vector<1xi32>
      %dma_start3A_262 = arith.constant 0 : i32
      %dma_start3A_263 = tpu.memref_slice %arg10[%add3A_249, %dma_start3A_262] : memref<128x64xf32, #tpu.memory_space<vmem>> -> memref<1x64xf32, #tpu.memory_space<vmem>>
      %dma_start3A_264 = arith.constant 0 : i32
      %dma_start3A_265 = tpu.memref_slice %arg4[%squeeze3A_261, %dma_start3A_264] : memref<100000x64xf32, #tpu.memory_space<hbm>> -> memref<1x64xf32, #tpu.memory_space<hbm>>
      %dma_start3A_266 = arith.constant 0 : i32
      %dma_start3A_267 = tpu.memref_slice %arg10[%add3A_249, %dma_start3A_266] : memref<128x64xf32, #tpu.memory_space<vmem>> -> memref<1x64xf32, #tpu.memory_space<vmem>>
      %dma_start3A_268 = arith.constant 0 : i32
      %dma_start3A_269 = tpu.memref_slice %arg4[%squeeze3A_261, %dma_start3A_268] : memref<100000x64xf32, #tpu.memory_space<hbm>> -> memref<1x64xf32, #tpu.memory_space<hbm>>
      tpu.enqueue_dma source(%dma_start3A_269 : memref<1x64xf32, #tpu.memory_space<hbm>>) target(%dma_start3A_267 : memref<1x64xf32, #tpu.memory_space<vmem>>) target_semaphore(%arg13 : memref<!tpu.dma_semaphore, #tpu.memory_space<semaphore_mem>>)
      %mul3A_270 = arith.constant 16 : i32
      %mul3A_271 = arith.muli %scan3A_186, %mul3A_270 : i32
      %add3A_272 = arith.constant 3 : i32
      %add3A_273 = arith.addi %mul3A_271, %add3A_272 : i32
      %slice3A_274 = vector.extract_strided_slice %get3A_192 {offsets = [3], sizes = [1], strides = [1]} : vector<16xi32> to vector<1xi32>
      %squeeze3A_275 = vector.extract %slice3A_274[0] : i32 from vector<1xi32>
      %dma_start3A_276 = arith.constant 0 : i32
      %dma_start3A_277 = tpu.memref_slice %arg9[%add3A_273, %dma_start3A_276] : memref<128x64xf32, #tpu.memory_space<vmem>> -> memref<1x64xf32, #tpu.memory_space<vmem>>
      %dma_start3A_278 = arith.constant 0 : i32
      %dma_start3A_279 = tpu.memref_slice %arg3[%squeeze3A_275, %dma_start3A_278] : memref<100000x64xf32, #tpu.memory_space<hbm>> -> memref<1x64xf32, #tpu.memory_space<hbm>>
      %dma_start3A_280 = arith.constant 0 : i32
      %dma_start3A_281 = tpu.memref_slice %arg9[%add3A_273, %dma_start3A_280] : memref<128x64xf32, #tpu.memory_space<vmem>> -> memref<1x64xf32, #tpu.memory_space<vmem>>
      %dma_start3A_282 = arith.constant 0 : i32
      %dma_start3A_283 = tpu.memref_slice %arg3[%squeeze3A_275, %dma_start3A_282] : memref<100000x64xf32, #tpu.memory_space<hbm>> -> memref<1x64xf32, #tpu.memory_space<hbm>>
      tpu.enqueue_dma source(%dma_start3A_283 : memref<1x64xf32, #tpu.memory_space<hbm>>) target(%dma_start3A_281 : memref<1x64xf32, #tpu.memory_space<vmem>>) target_semaphore(%arg12 : memref<!tpu.dma_semaphore, #tpu.memory_space<semaphore_mem>>)
      %slice3A_284 = vector.extract_strided_slice %get3A_199 {offsets = [3], sizes = [1], strides = [1]} : vector<16xi32> to vector<1xi32>
      %squeeze3A_285 = vector.extract %slice3A_284[0] : i32 from vector<1xi32>
      %dma_start3A_286 = arith.constant 0 : i32
      %dma_start3A_287 = tpu.memref_slice %arg10[%add3A_273, %dma_start3A_286] : memref<128x64xf32, #tpu.memory_space<vmem>> -> memref<1x64xf32, #tpu.memory_space<vmem>>
      %dma_start3A_288 = arith.constant 0 : i32
      %dma_start3A_289 = tpu.memref_slice %arg4[%squeeze3A_285, %dma_start3A_288] : memref<100000x64xf32, #tpu.memory_space<hbm>> -> memref<1x64xf32, #tpu.memory_space<hbm>>
      %dma_start3A_290 = arith.constant 0 : i32
      %dma_start3A_291 = tpu.memref_slice %arg10[%add3A_273, %dma_start3A_290] : memref<128x64xf32, #tpu.memory_space<vmem>> -> memref<1x64xf32, #tpu.memory_space<vmem>>
      %dma_start3A_292 = arith.constant 0 : i32
      %dma_start3A_293 = tpu.memref_slice %arg4[%squeeze3A_285, %dma_start3A_292] : memref<100000x64xf32, #tpu.memory_space<hbm>> -> memref<1x64xf32, #tpu.memory_space<hbm>>
      tpu.enqueue_dma source(%dma_start3A_293 : memref<1x64xf32, #tpu.memory_space<hbm>>) target(%dma_start3A_291 : memref<1x64xf32, #tpu.memory_space<vmem>>) target_semaphore(%arg13 : memref<!tpu.dma_semaphore, #tpu.memory_space<semaphore_mem>>)
      %mul3A_294 = arith.constant 16 : i32
      %mul3A_295 = arith.muli %scan3A_186, %mul3A_294 : i32
      %add3A_296 = arith.constant 4 : i32
      %add3A_297 = arith.addi %mul3A_295, %add3A_296 : i32
      %slice3A_298 = vector.extract_strided_slice %get3A_192 {offsets = [4], sizes = [1], strides = [1]} : vector<16xi32> to vector<1xi32>
      %squeeze3A_299 = vector.extract %slice3A_298[0] : i32 from vector<1xi32>
      %dma_start3A_300 = arith.constant 0 : i32
      %dma_start3A_301 = tpu.memref_slice %arg9[%add3A_297, %dma_start3A_300] : memref<128x64xf32, #tpu.memory_space<vmem>> -> memref<1x64xf32, #tpu.memory_space<vmem>>
      %dma_start3A_302 = arith.constant 0 : i32
      %dma_start3A_303 = tpu.memref_slice %arg3[%squeeze3A_299, %dma_start3A_302] : memref<100000x64xf32, #tpu.memory_space<hbm>> -> memref<1x64xf32, #tpu.memory_space<hbm>>
      %dma_start3A_304 = arith.constant 0 : i32
      %dma_start3A_305 = tpu.memref_slice %arg9[%add3A_297, %dma_start3A_304] : memref<128x64xf32, #tpu.memory_space<vmem>> -> memref<1x64xf32, #tpu.memory_space<vmem>>
      %dma_start3A_306 = arith.constant 0 : i32
      %dma_start3A_307 = tpu.memref_slice %arg3[%squeeze3A_299, %dma_start3A_306] : memref<100000x64xf32, #tpu.memory_space<hbm>> -> memref<1x64xf32, #tpu.memory_space<hbm>>
      tpu.enqueue_dma source(%dma_start3A_307 : memref<1x64xf32, #tpu.memory_space<hbm>>) target(%dma_start3A_305 : memref<1x64xf32, #tpu.memory_space<vmem>>) target_semaphore(%arg12 : memref<!tpu.dma_semaphore, #tpu.memory_space<semaphore_mem>>)
      %slice3A_308 = vector.extract_strided_slice %get3A_199 {offsets = [4], sizes = [1], strides = [1]} : vector<16xi32> to vector<1xi32>
      %squeeze3A_309 = vector.extract %slice3A_308[0] : i32 from vector<1xi32>
      %dma_start3A_310 = arith.constant 0 : i32
      %dma_start3A_311 = tpu.memref_slice %arg10[%add3A_297, %dma_start3A_310] : memref<128x64xf32, #tpu.memory_space<vmem>> -> memref<1x64xf32, #tpu.memory_space<vmem>>
      %dma_start3A_312 = arith.constant 0 : i32
      %dma_start3A_313 = tpu.memref_slice %arg4[%squeeze3A_309, %dma_start3A_312] : memref<100000x64xf32, #tpu.memory_space<hbm>> -> memref<1x64xf32, #tpu.memory_space<hbm>>
      %dma_start3A_314 = arith.constant 0 : i32
      %dma_start3A_315 = tpu.memref_slice %arg10[%add3A_297, %dma_start3A_314] : memref<128x64xf32, #tpu.memory_space<vmem>> -> memref<1x64xf32, #tpu.memory_space<vmem>>
      %dma_start3A_316 = arith.constant 0 : i32
      %dma_start3A_317 = tpu.memref_slice %arg4[%squeeze3A_309, %dma_start3A_316] : memref<100000x64xf32, #tpu.memory_space<hbm>> -> memref<1x64xf32, #tpu.memory_space<hbm>>
      tpu.enqueue_dma source(%dma_start3A_317 : memref<1x64xf32, #tpu.memory_space<hbm>>) target(%dma_start3A_315 : memref<1x64xf32, #tpu.memory_space<vmem>>) target_semaphore(%arg13 : memref<!tpu.dma_semaphore, #tpu.memory_space<semaphore_mem>>)
      %mul3A_318 = arith.constant 16 : i32
      %mul3A_319 = arith.muli %scan3A_186, %mul3A_318 : i32
      %add3A_320 = arith.constant 5 : i32
      %add3A_321 = arith.addi %mul3A_319, %add3A_320 : i32
      %slice3A_322 = vector.extract_strided_slice %get3A_192 {offsets = [5], sizes = [1], strides = [1]} : vector<16xi32> to vector<1xi32>
      %squeeze3A_323 = vector.extract %slice3A_322[0] : i32 from vector<1xi32>
      %dma_start3A_324 = arith.constant 0 : i32
      %dma_start3A_325 = tpu.memref_slice %arg9[%add3A_321, %dma_start3A_324] : memref<128x64xf32, #tpu.memory_space<vmem>> -> memref<1x64xf32, #tpu.memory_space<vmem>>
      %dma_start3A_326 = arith.constant 0 : i32
      %dma_start3A_327 = tpu.memref_slice %arg3[%squeeze3A_323, %dma_start3A_326] : memref<100000x64xf32, #tpu.memory_space<hbm>> -> memref<1x64xf32, #tpu.memory_space<hbm>>
      %dma_start3A_328 = arith.constant 0 : i32
      %dma_start3A_329 = tpu.memref_slice %arg9[%add3A_321, %dma_start3A_328] : memref<128x64xf32, #tpu.memory_space<vmem>> -> memref<1x64xf32, #tpu.memory_space<vmem>>
      %dma_start3A_330 = arith.constant 0 : i32
      %dma_start3A_331 = tpu.memref_slice %arg3[%squeeze3A_323, %dma_start3A_330] : memref<100000x64xf32, #tpu.memory_space<hbm>> -> memref<1x64xf32, #tpu.memory_space<hbm>>
      tpu.enqueue_dma source(%dma_start3A_331 : memref<1x64xf32, #tpu.memory_space<hbm>>) target(%dma_start3A_329 : memref<1x64xf32, #tpu.memory_space<vmem>>) target_semaphore(%arg12 : memref<!tpu.dma_semaphore, #tpu.memory_space<semaphore_mem>>)
      %slice3A_332 = vector.extract_strided_slice %get3A_199 {offsets = [5], sizes = [1], strides = [1]} : vector<16xi32> to vector<1xi32>
      %squeeze3A_333 = vector.extract %slice3A_332[0] : i32 from vector<1xi32>
      %dma_start3A_334 = arith.constant 0 : i32
      %dma_start3A_335 = tpu.memref_slice %arg10[%add3A_321, %dma_start3A_334] : memref<128x64xf32, #tpu.memory_space<vmem>> -> memref<1x64xf32, #tpu.memory_space<vmem>>
      %dma_start3A_336 = arith.constant 0 : i32
      %dma_start3A_337 = tpu.memref_slice %arg4[%squeeze3A_333, %dma_start3A_336] : memref<100000x64xf32, #tpu.memory_space<hbm>> -> memref<1x64xf32, #tpu.memory_space<hbm>>
      %dma_start3A_338 = arith.constant 0 : i32
      %dma_start3A_339 = tpu.memref_slice %arg10[%add3A_321, %dma_start3A_338] : memref<128x64xf32, #tpu.memory_space<vmem>> -> memref<1x64xf32, #tpu.memory_space<vmem>>
      %dma_start3A_340 = arith.constant 0 : i32
      %dma_start3A_341 = tpu.memref_slice %arg4[%squeeze3A_333, %dma_start3A_340] : memref<100000x64xf32, #tpu.memory_space<hbm>> -> memref<1x64xf32, #tpu.memory_space<hbm>>
      tpu.enqueue_dma source(%dma_start3A_341 : memref<1x64xf32, #tpu.memory_space<hbm>>) target(%dma_start3A_339 : memref<1x64xf32, #tpu.memory_space<vmem>>) target_semaphore(%arg13 : memref<!tpu.dma_semaphore, #tpu.memory_space<semaphore_mem>>)
      %mul3A_342 = arith.constant 16 : i32
      %mul3A_343 = arith.muli %scan3A_186, %mul3A_342 : i32
      %add3A_344 = arith.constant 6 : i32
      %add3A_345 = arith.addi %mul3A_343, %add3A_344 : i32
      %slice3A_346 = vector.extract_strided_slice %get3A_192 {offsets = [6], sizes = [1], strides = [1]} : vector<16xi32> to vector<1xi32>
      %squeeze3A_347 = vector.extract %slice3A_346[0] : i32 from vector<1xi32>
      %dma_start3A_348 = arith.constant 0 : i32
      %dma_start3A_349 = tpu.memref_slice %arg9[%add3A_345, %dma_start3A_348] : memref<128x64xf32, #tpu.memory_space<vmem>> -> memref<1x64xf32, #tpu.memory_space<vmem>>
      %dma_start3A_350 = arith.constant 0 : i32
      %dma_start3A_351 = tpu.memref_slice %arg3[%squeeze3A_347, %dma_start3A_350] : memref<100000x64xf32, #tpu.memory_space<hbm>> -> memref<1x64xf32, #tpu.memory_space<hbm>>
      %dma_start3A_352 = arith.constant 0 : i32
      %dma_start3A_353 = tpu.memref_slice %arg9[%add3A_345, %dma_start3A_352] : memref<128x64xf32, #tpu.memory_space<vmem>> -> memref<1x64xf32, #tpu.memory_space<vmem>>
      %dma_start3A_354 = arith.constant 0 : i32
      %dma_start3A_355 = tpu.memref_slice %arg3[%squeeze3A_347, %dma_start3A_354] : memref<100000x64xf32, #tpu.memory_space<hbm>> -> memref<1x64xf32, #tpu.memory_space<hbm>>
      tpu.enqueue_dma source(%dma_start3A_355 : memref<1x64xf32, #tpu.memory_space<hbm>>) target(%dma_start3A_353 : memref<1x64xf32, #tpu.memory_space<vmem>>) target_semaphore(%arg12 : memref<!tpu.dma_semaphore, #tpu.memory_space<semaphore_mem>>)
      %slice3A_356 = vector.extract_strided_slice %get3A_199 {offsets = [6], sizes = [1], strides = [1]} : vector<16xi32> to vector<1xi32>
      %squeeze3A_357 = vector.extract %slice3A_356[0] : i32 from vector<1xi32>
      %dma_start3A_358 = arith.constant 0 : i32
      %dma_start3A_359 = tpu.memref_slice %arg10[%add3A_345, %dma_start3A_358] : memref<128x64xf32, #tpu.memory_space<vmem>> -> memref<1x64xf32, #tpu.memory_space<vmem>>
      %dma_start3A_360 = arith.constant 0 : i32
      %dma_start3A_361 = tpu.memref_slice %arg4[%squeeze3A_357, %dma_start3A_360] : memref<100000x64xf32, #tpu.memory_space<hbm>> -> memref<1x64xf32, #tpu.memory_space<hbm>>
      %dma_start3A_362 = arith.constant 0 : i32
      %dma_start3A_363 = tpu.memref_slice %arg10[%add3A_345, %dma_start3A_362] : memref<128x64xf32, #tpu.memory_space<vmem>> -> memref<1x64xf32, #tpu.memory_space<vmem>>
      %dma_start3A_364 = arith.constant 0 : i32
      %dma_start3A_365 = tpu.memref_slice %arg4[%squeeze3A_357, %dma_start3A_364] : memref<100000x64xf32, #tpu.memory_space<hbm>> -> memref<1x64xf32, #tpu.memory_space<hbm>>
      tpu.enqueue_dma source(%dma_start3A_365 : memref<1x64xf32, #tpu.memory_space<hbm>>) target(%dma_start3A_363 : memref<1x64xf32, #tpu.memory_space<vmem>>) target_semaphore(%arg13 : memref<!tpu.dma_semaphore, #tpu.memory_space<semaphore_mem>>)
      %mul3A_366 = arith.constant 16 : i32
      %mul3A_367 = arith.muli %scan3A_186, %mul3A_366 : i32
      %add3A_368 = arith.constant 7 : i32
      %add3A_369 = arith.addi %mul3A_367, %add3A_368 : i32
      %slice3A_370 = vector.extract_strided_slice %get3A_192 {offsets = [7], sizes = [1], strides = [1]} : vector<16xi32> to vector<1xi32>
      %squeeze3A_371 = vector.extract %slice3A_370[0] : i32 from vector<1xi32>
      %dma_start3A_372 = arith.constant 0 : i32
      %dma_start3A_373 = tpu.memref_slice %arg9[%add3A_369, %dma_start3A_372] : memref<128x64xf32, #tpu.memory_space<vmem>> -> memref<1x64xf32, #tpu.memory_space<vmem>>
      %dma_start3A_374 = arith.constant 0 : i32
      %dma_start3A_375 = tpu.memref_slice %arg3[%squeeze3A_371, %dma_start3A_374] : memref<100000x64xf32, #tpu.memory_space<hbm>> -> memref<1x64xf32, #tpu.memory_space<hbm>>
      %dma_start3A_376 = arith.constant 0 : i32
      %dma_start3A_377 = tpu.memref_slice %arg9[%add3A_369, %dma_start3A_376] : memref<128x64xf32, #tpu.memory_space<vmem>> -> memref<1x64xf32, #tpu.memory_space<vmem>>
      %dma_start3A_378 = arith.constant 0 : i32
      %dma_start3A_379 = tpu.memref_slice %arg3[%squeeze3A_371, %dma_start3A_378] : memref<100000x64xf32, #tpu.memory_space<hbm>> -> memref<1x64xf32, #tpu.memory_space<hbm>>
      tpu.enqueue_dma source(%dma_start3A_379 : memref<1x64xf32, #tpu.memory_space<hbm>>) target(%dma_start3A_377 : memref<1x64xf32, #tpu.memory_space<vmem>>) target_semaphore(%arg12 : memref<!tpu.dma_semaphore, #tpu.memory_space<semaphore_mem>>)
      %slice3A_380 = vector.extract_strided_slice %get3A_199 {offsets = [7], sizes = [1], strides = [1]} : vector<16xi32> to vector<1xi32>
      %squeeze3A_381 = vector.extract %slice3A_380[0] : i32 from vector<1xi32>
      %dma_start3A_382 = arith.constant 0 : i32
      %dma_start3A_383 = tpu.memref_slice %arg10[%add3A_369, %dma_start3A_382] : memref<128x64xf32, #tpu.memory_space<vmem>> -> memref<1x64xf32, #tpu.memory_space<vmem>>
      %dma_start3A_384 = arith.constant 0 : i32
      %dma_start3A_385 = tpu.memref_slice %arg4[%squeeze3A_381, %dma_start3A_384] : memref<100000x64xf32, #tpu.memory_space<hbm>> -> memref<1x64xf32, #tpu.memory_space<hbm>>
      %dma_start3A_386 = arith.constant 0 : i32
      %dma_start3A_387 = tpu.memref_slice %arg10[%add3A_369, %dma_start3A_386] : memref<128x64xf32, #tpu.memory_space<vmem>> -> memref<1x64xf32, #tpu.memory_space<vmem>>
      %dma_start3A_388 = arith.constant 0 : i32
      %dma_start3A_389 = tpu.memref_slice %arg4[%squeeze3A_381, %dma_start3A_388] : memref<100000x64xf32, #tpu.memory_space<hbm>> -> memref<1x64xf32, #tpu.memory_space<hbm>>
      tpu.enqueue_dma source(%dma_start3A_389 : memref<1x64xf32, #tpu.memory_space<hbm>>) target(%dma_start3A_387 : memref<1x64xf32, #tpu.memory_space<vmem>>) target_semaphore(%arg13 : memref<!tpu.dma_semaphore, #tpu.memory_space<semaphore_mem>>)
      %mul3A_390 = arith.constant 16 : i32
      %mul3A_391 = arith.muli %scan3A_186, %mul3A_390 : i32
      %add3A_392 = arith.constant 8 : i32
      %add3A_393 = arith.addi %mul3A_391, %add3A_392 : i32
      %slice3A_394 = vector.extract_strided_slice %get3A_192 {offsets = [8], sizes = [1], strides = [1]} : vector<16xi32> to vector<1xi32>
      %squeeze3A_395 = vector.extract %slice3A_394[0] : i32 from vector<1xi32>
      %dma_start3A_396 = arith.constant 0 : i32
      %dma_start3A_397 = tpu.memref_slice %arg9[%add3A_393, %dma_start3A_396] : memref<128x64xf32, #tpu.memory_space<vmem>> -> memref<1x64xf32, #tpu.memory_space<vmem>>
      %dma_start3A_398 = arith.constant 0 : i32
      %dma_start3A_399 = tpu.memref_slice %arg3[%squeeze3A_395, %dma_start3A_398] : memref<100000x64xf32, #tpu.memory_space<hbm>> -> memref<1x64xf32, #tpu.memory_space<hbm>>
      %dma_start3A_400 = arith.constant 0 : i32
      %dma_start3A_401 = tpu.memref_slice %arg9[%add3A_393, %dma_start3A_400] : memref<128x64xf32, #tpu.memory_space<vmem>> -> memref<1x64xf32, #tpu.memory_space<vmem>>
      %dma_start3A_402 = arith.constant 0 : i32
      %dma_start3A_403 = tpu.memref_slice %arg3[%squeeze3A_395, %dma_start3A_402] : memref<100000x64xf32, #tpu.memory_space<hbm>> -> memref<1x64xf32, #tpu.memory_space<hbm>>
      tpu.enqueue_dma source(%dma_start3A_403 : memref<1x64xf32, #tpu.memory_space<hbm>>) target(%dma_start3A_401 : memref<1x64xf32, #tpu.memory_space<vmem>>) target_semaphore(%arg12 : memref<!tpu.dma_semaphore, #tpu.memory_space<semaphore_mem>>)
      %slice3A_404 = vector.extract_strided_slice %get3A_199 {offsets = [8], sizes = [1], strides = [1]} : vector<16xi32> to vector<1xi32>
      %squeeze3A_405 = vector.extract %slice3A_404[0] : i32 from vector<1xi32>
      %dma_start3A_406 = arith.constant 0 : i32
      %dma_start3A_407 = tpu.memref_slice %arg10[%add3A_393, %dma_start3A_406] : memref<128x64xf32, #tpu.memory_space<vmem>> -> memref<1x64xf32, #tpu.memory_space<vmem>>
      %dma_start3A_408 = arith.constant 0 : i32
      %dma_start3A_409 = tpu.memref_slice %arg4[%squeeze3A_405, %dma_start3A_408] : memref<100000x64xf32, #tpu.memory_space<hbm>> -> memref<1x64xf32, #tpu.memory_space<hbm>>
      %dma_start3A_410 = arith.constant 0 : i32
      %dma_start3A_411 = tpu.memref_slice %arg10[%add3A_393, %dma_start3A_410] : memref<128x64xf32, #tpu.memory_space<vmem>> -> memref<1x64xf32, #tpu.memory_space<vmem>>
      %dma_start3A_412 = arith.constant 0 : i32
      %dma_start3A_413 = tpu.memref_slice %arg4[%squeeze3A_405, %dma_start3A_412] : memref<100000x64xf32, #tpu.memory_space<hbm>> -> memref<1x64xf32, #tpu.memory_space<hbm>>
      tpu.enqueue_dma source(%dma_start3A_413 : memref<1x64xf32, #tpu.memory_space<hbm>>) target(%dma_start3A_411 : memref<1x64xf32, #tpu.memory_space<vmem>>) target_semaphore(%arg13 : memref<!tpu.dma_semaphore, #tpu.memory_space<semaphore_mem>>)
      %mul3A_414 = arith.constant 16 : i32
      %mul3A_415 = arith.muli %scan3A_186, %mul3A_414 : i32
      %add3A_416 = arith.constant 9 : i32
      %add3A_417 = arith.addi %mul3A_415, %add3A_416 : i32
      %slice3A_418 = vector.extract_strided_slice %get3A_192 {offsets = [9], sizes = [1], strides = [1]} : vector<16xi32> to vector<1xi32>
      %squeeze3A_419 = vector.extract %slice3A_418[0] : i32 from vector<1xi32>
      %dma_start3A_420 = arith.constant 0 : i32
      %dma_start3A_421 = tpu.memref_slice %arg9[%add3A_417, %dma_start3A_420] : memref<128x64xf32, #tpu.memory_space<vmem>> -> memref<1x64xf32, #tpu.memory_space<vmem>>
      %dma_start3A_422 = arith.constant 0 : i32
      %dma_start3A_423 = tpu.memref_slice %arg3[%squeeze3A_419, %dma_start3A_422] : memref<100000x64xf32, #tpu.memory_space<hbm>> -> memref<1x64xf32, #tpu.memory_space<hbm>>
      %dma_start3A_424 = arith.constant 0 : i32
      %dma_start3A_425 = tpu.memref_slice %arg9[%add3A_417, %dma_start3A_424] : memref<128x64xf32, #tpu.memory_space<vmem>> -> memref<1x64xf32, #tpu.memory_space<vmem>>
      %dma_start3A_426 = arith.constant 0 : i32
      %dma_start3A_427 = tpu.memref_slice %arg3[%squeeze3A_419, %dma_start3A_426] : memref<100000x64xf32, #tpu.memory_space<hbm>> -> memref<1x64xf32, #tpu.memory_space<hbm>>
      tpu.enqueue_dma source(%dma_start3A_427 : memref<1x64xf32, #tpu.memory_space<hbm>>) target(%dma_start3A_425 : memref<1x64xf32, #tpu.memory_space<vmem>>) target_semaphore(%arg12 : memref<!tpu.dma_semaphore, #tpu.memory_space<semaphore_mem>>)
      %slice3A_428 = vector.extract_strided_slice %get3A_199 {offsets = [9], sizes = [1], strides = [1]} : vector<16xi32> to vector<1xi32>
      %squeeze3A_429 = vector.extract %slice3A_428[0] : i32 from vector<1xi32>
      %dma_start3A_430 = arith.constant 0 : i32
      %dma_start3A_431 = tpu.memref_slice %arg10[%add3A_417, %dma_start3A_430] : memref<128x64xf32, #tpu.memory_space<vmem>> -> memref<1x64xf32, #tpu.memory_space<vmem>>
      %dma_start3A_432 = arith.constant 0 : i32
      %dma_start3A_433 = tpu.memref_slice %arg4[%squeeze3A_429, %dma_start3A_432] : memref<100000x64xf32, #tpu.memory_space<hbm>> -> memref<1x64xf32, #tpu.memory_space<hbm>>
      %dma_start3A_434 = arith.constant 0 : i32
      %dma_start3A_435 = tpu.memref_slice %arg10[%add3A_417, %dma_start3A_434] : memref<128x64xf32, #tpu.memory_space<vmem>> -> memref<1x64xf32, #tpu.memory_space<vmem>>
      %dma_start3A_436 = arith.constant 0 : i32
      %dma_start3A_437 = tpu.memref_slice %arg4[%squeeze3A_429, %dma_start3A_436] : memref<100000x64xf32, #tpu.memory_space<hbm>> -> memref<1x64xf32, #tpu.memory_space<hbm>>
      tpu.enqueue_dma source(%dma_start3A_437 : memref<1x64xf32, #tpu.memory_space<hbm>>) target(%dma_start3A_435 : memref<1x64xf32, #tpu.memory_space<vmem>>) target_semaphore(%arg13 : memref<!tpu.dma_semaphore, #tpu.memory_space<semaphore_mem>>)
      %mul3A_438 = arith.constant 16 : i32
      %mul3A_439 = arith.muli %scan3A_186, %mul3A_438 : i32
      %add3A_440 = arith.constant 10 : i32
      %add3A_441 = arith.addi %mul3A_439, %add3A_440 : i32
      %slice3A_442 = vector.extract_strided_slice %get3A_192 {offsets = [10], sizes = [1], strides = [1]} : vector<16xi32> to vector<1xi32>
      %squeeze3A_443 = vector.extract %slice3A_442[0] : i32 from vector<1xi32>
      %dma_start3A_444 = arith.constant 0 : i32
      %dma_start3A_445 = tpu.memref_slice %arg9[%add3A_441, %dma_start3A_444] : memref<128x64xf32, #tpu.memory_space<vmem>> -> memref<1x64xf32, #tpu.memory_space<vmem>>
      %dma_start3A_446 = arith.constant 0 : i32
      %dma_start3A_447 = tpu.memref_slice %arg3[%squeeze3A_443, %dma_start3A_446] : memref<100000x64xf32, #tpu.memory_space<hbm>> -> memref<1x64xf32, #tpu.memory_space<hbm>>
      %dma_start3A_448 = arith.constant 0 : i32
      %dma_start3A_449 = tpu.memref_slice %arg9[%add3A_441, %dma_start3A_448] : memref<128x64xf32, #tpu.memory_space<vmem>> -> memref<1x64xf32, #tpu.memory_space<vmem>>
      %dma_start3A_450 = arith.constant 0 : i32
      %dma_start3A_451 = tpu.memref_slice %arg3[%squeeze3A_443, %dma_start3A_450] : memref<100000x64xf32, #tpu.memory_space<hbm>> -> memref<1x64xf32, #tpu.memory_space<hbm>>
      tpu.enqueue_dma source(%dma_start3A_451 : memref<1x64xf32, #tpu.memory_space<hbm>>) target(%dma_start3A_449 : memref<1x64xf32, #tpu.memory_space<vmem>>) target_semaphore(%arg12 : memref<!tpu.dma_semaphore, #tpu.memory_space<semaphore_mem>>)
      %slice3A_452 = vector.extract_strided_slice %get3A_199 {offsets = [10], sizes = [1], strides = [1]} : vector<16xi32> to vector<1xi32>
      %squeeze3A_453 = vector.extract %slice3A_452[0] : i32 from vector<1xi32>
      %dma_start3A_454 = arith.constant 0 : i32
      %dma_start3A_455 = tpu.memref_slice %arg10[%add3A_441, %dma_start3A_454] : memref<128x64xf32, #tpu.memory_space<vmem>> -> memref<1x64xf32, #tpu.memory_space<vmem>>
      %dma_start3A_456 = arith.constant 0 : i32
      %dma_start3A_457 = tpu.memref_slice %arg4[%squeeze3A_453, %dma_start3A_456] : memref<100000x64xf32, #tpu.memory_space<hbm>> -> memref<1x64xf32, #tpu.memory_space<hbm>>
      %dma_start3A_458 = arith.constant 0 : i32
      %dma_start3A_459 = tpu.memref_slice %arg10[%add3A_441, %dma_start3A_458] : memref<128x64xf32, #tpu.memory_space<vmem>> -> memref<1x64xf32, #tpu.memory_space<vmem>>
      %dma_start3A_460 = arith.constant 0 : i32
      %dma_start3A_461 = tpu.memref_slice %arg4[%squeeze3A_453, %dma_start3A_460] : memref<100000x64xf32, #tpu.memory_space<hbm>> -> memref<1x64xf32, #tpu.memory_space<hbm>>
      tpu.enqueue_dma source(%dma_start3A_461 : memref<1x64xf32, #tpu.memory_space<hbm>>) target(%dma_start3A_459 : memref<1x64xf32, #tpu.memory_space<vmem>>) target_semaphore(%arg13 : memref<!tpu.dma_semaphore, #tpu.memory_space<semaphore_mem>>)
      %mul3A_462 = arith.constant 16 : i32
      %mul3A_463 = arith.muli %scan3A_186, %mul3A_462 : i32
      %add3A_464 = arith.constant 11 : i32
      %add3A_465 = arith.addi %mul3A_463, %add3A_464 : i32
      %slice3A_466 = vector.extract_strided_slice %get3A_192 {offsets = [11], sizes = [1], strides = [1]} : vector<16xi32> to vector<1xi32>
      %squeeze3A_467 = vector.extract %slice3A_466[0] : i32 from vector<1xi32>
      %dma_start3A_468 = arith.constant 0 : i32
      %dma_start3A_469 = tpu.memref_slice %arg9[%add3A_465, %dma_start3A_468] : memref<128x64xf32, #tpu.memory_space<vmem>> -> memref<1x64xf32, #tpu.memory_space<vmem>>
      %dma_start3A_470 = arith.constant 0 : i32
      %dma_start3A_471 = tpu.memref_slice %arg3[%squeeze3A_467, %dma_start3A_470] : memref<100000x64xf32, #tpu.memory_space<hbm>> -> memref<1x64xf32, #tpu.memory_space<hbm>>
      %dma_start3A_472 = arith.constant 0 : i32
      %dma_start3A_473 = tpu.memref_slice %arg9[%add3A_465, %dma_start3A_472] : memref<128x64xf32, #tpu.memory_space<vmem>> -> memref<1x64xf32, #tpu.memory_space<vmem>>
      %dma_start3A_474 = arith.constant 0 : i32
      %dma_start3A_475 = tpu.memref_slice %arg3[%squeeze3A_467, %dma_start3A_474] : memref<100000x64xf32, #tpu.memory_space<hbm>> -> memref<1x64xf32, #tpu.memory_space<hbm>>
      tpu.enqueue_dma source(%dma_start3A_475 : memref<1x64xf32, #tpu.memory_space<hbm>>) target(%dma_start3A_473 : memref<1x64xf32, #tpu.memory_space<vmem>>) target_semaphore(%arg12 : memref<!tpu.dma_semaphore, #tpu.memory_space<semaphore_mem>>)
      %slice3A_476 = vector.extract_strided_slice %get3A_199 {offsets = [11], sizes = [1], strides = [1]} : vector<16xi32> to vector<1xi32>
      %squeeze3A_477 = vector.extract %slice3A_476[0] : i32 from vector<1xi32>
      %dma_start3A_478 = arith.constant 0 : i32
      %dma_start3A_479 = tpu.memref_slice %arg10[%add3A_465, %dma_start3A_478] : memref<128x64xf32, #tpu.memory_space<vmem>> -> memref<1x64xf32, #tpu.memory_space<vmem>>
      %dma_start3A_480 = arith.constant 0 : i32
      %dma_start3A_481 = tpu.memref_slice %arg4[%squeeze3A_477, %dma_start3A_480] : memref<100000x64xf32, #tpu.memory_space<hbm>> -> memref<1x64xf32, #tpu.memory_space<hbm>>
      %dma_start3A_482 = arith.constant 0 : i32
      %dma_start3A_483 = tpu.memref_slice %arg10[%add3A_465, %dma_start3A_482] : memref<128x64xf32, #tpu.memory_space<vmem>> -> memref<1x64xf32, #tpu.memory_space<vmem>>
      %dma_start3A_484 = arith.constant 0 : i32
      %dma_start3A_485 = tpu.memref_slice %arg4[%squeeze3A_477, %dma_start3A_484] : memref<100000x64xf32, #tpu.memory_space<hbm>> -> memref<1x64xf32, #tpu.memory_space<hbm>>
      tpu.enqueue_dma source(%dma_start3A_485 : memref<1x64xf32, #tpu.memory_space<hbm>>) target(%dma_start3A_483 : memref<1x64xf32, #tpu.memory_space<vmem>>) target_semaphore(%arg13 : memref<!tpu.dma_semaphore, #tpu.memory_space<semaphore_mem>>)
      %mul3A_486 = arith.constant 16 : i32
      %mul3A_487 = arith.muli %scan3A_186, %mul3A_486 : i32
      %add3A_488 = arith.constant 12 : i32
      %add3A_489 = arith.addi %mul3A_487, %add3A_488 : i32
      %slice3A_490 = vector.extract_strided_slice %get3A_192 {offsets = [12], sizes = [1], strides = [1]} : vector<16xi32> to vector<1xi32>
      %squeeze3A_491 = vector.extract %slice3A_490[0] : i32 from vector<1xi32>
      %dma_start3A_492 = arith.constant 0 : i32
      %dma_start3A_493 = tpu.memref_slice %arg9[%add3A_489, %dma_start3A_492] : memref<128x64xf32, #tpu.memory_space<vmem>> -> memref<1x64xf32, #tpu.memory_space<vmem>>
      %dma_start3A_494 = arith.constant 0 : i32
      %dma_start3A_495 = tpu.memref_slice %arg3[%squeeze3A_491, %dma_start3A_494] : memref<100000x64xf32, #tpu.memory_space<hbm>> -> memref<1x64xf32, #tpu.memory_space<hbm>>
      %dma_start3A_496 = arith.constant 0 : i32
      %dma_start3A_497 = tpu.memref_slice %arg9[%add3A_489, %dma_start3A_496] : memref<128x64xf32, #tpu.memory_space<vmem>> -> memref<1x64xf32, #tpu.memory_space<vmem>>
      %dma_start3A_498 = arith.constant 0 : i32
      %dma_start3A_499 = tpu.memref_slice %arg3[%squeeze3A_491, %dma_start3A_498] : memref<100000x64xf32, #tpu.memory_space<hbm>> -> memref<1x64xf32, #tpu.memory_space<hbm>>
      tpu.enqueue_dma source(%dma_start3A_499 : memref<1x64xf32, #tpu.memory_space<hbm>>) target(%dma_start3A_497 : memref<1x64xf32, #tpu.memory_space<vmem>>) target_semaphore(%arg12 : memref<!tpu.dma_semaphore, #tpu.memory_space<semaphore_mem>>)
      %slice3A_500 = vector.extract_strided_slice %get3A_199 {offsets = [12], sizes = [1], strides = [1]} : vector<16xi32> to vector<1xi32>
      %squeeze3A_501 = vector.extract %slice3A_500[0] : i32 from vector<1xi32>
      %dma_start3A_502 = arith.constant 0 : i32
      %dma_start3A_503 = tpu.memref_slice %arg10[%add3A_489, %dma_start3A_502] : memref<128x64xf32, #tpu.memory_space<vmem>> -> memref<1x64xf32, #tpu.memory_space<vmem>>
      %dma_start3A_504 = arith.constant 0 : i32
      %dma_start3A_505 = tpu.memref_slice %arg4[%squeeze3A_501, %dma_start3A_504] : memref<100000x64xf32, #tpu.memory_space<hbm>> -> memref<1x64xf32, #tpu.memory_space<hbm>>
      %dma_start3A_506 = arith.constant 0 : i32
      %dma_start3A_507 = tpu.memref_slice %arg10[%add3A_489, %dma_start3A_506] : memref<128x64xf32, #tpu.memory_space<vmem>> -> memref<1x64xf32, #tpu.memory_space<vmem>>
      %dma_start3A_508 = arith.constant 0 : i32
      %dma_start3A_509 = tpu.memref_slice %arg4[%squeeze3A_501, %dma_start3A_508] : memref<100000x64xf32, #tpu.memory_space<hbm>> -> memref<1x64xf32, #tpu.memory_space<hbm>>
      tpu.enqueue_dma source(%dma_start3A_509 : memref<1x64xf32, #tpu.memory_space<hbm>>) target(%dma_start3A_507 : memref<1x64xf32, #tpu.memory_space<vmem>>) target_semaphore(%arg13 : memref<!tpu.dma_semaphore, #tpu.memory_space<semaphore_mem>>)
      %mul3A_510 = arith.constant 16 : i32
      %mul3A_511 = arith.muli %scan3A_186, %mul3A_510 : i32
      %add3A_512 = arith.constant 13 : i32
      %add3A_513 = arith.addi %mul3A_511, %add3A_512 : i32
      %slice3A_514 = vector.extract_strided_slice %get3A_192 {offsets = [13], sizes = [1], strides = [1]} : vector<16xi32> to vector<1xi32>
      %squeeze3A_515 = vector.extract %slice3A_514[0] : i32 from vector<1xi32>
      %dma_start3A_516 = arith.constant 0 : i32
      %dma_start3A_517 = tpu.memref_slice %arg9[%add3A_513, %dma_start3A_516] : memref<128x64xf32, #tpu.memory_space<vmem>> -> memref<1x64xf32, #tpu.memory_space<vmem>>
      %dma_start3A_518 = arith.constant 0 : i32
      %dma_start3A_519 = tpu.memref_slice %arg3[%squeeze3A_515, %dma_start3A_518] : memref<100000x64xf32, #tpu.memory_space<hbm>> -> memref<1x64xf32, #tpu.memory_space<hbm>>
      %dma_start3A_520 = arith.constant 0 : i32
      %dma_start3A_521 = tpu.memref_slice %arg9[%add3A_513, %dma_start3A_520] : memref<128x64xf32, #tpu.memory_space<vmem>> -> memref<1x64xf32, #tpu.memory_space<vmem>>
      %dma_start3A_522 = arith.constant 0 : i32
      %dma_start3A_523 = tpu.memref_slice %arg3[%squeeze3A_515, %dma_start3A_522] : memref<100000x64xf32, #tpu.memory_space<hbm>> -> memref<1x64xf32, #tpu.memory_space<hbm>>
      tpu.enqueue_dma source(%dma_start3A_523 : memref<1x64xf32, #tpu.memory_space<hbm>>) target(%dma_start3A_521 : memref<1x64xf32, #tpu.memory_space<vmem>>) target_semaphore(%arg12 : memref<!tpu.dma_semaphore, #tpu.memory_space<semaphore_mem>>)
      %slice3A_524 = vector.extract_strided_slice %get3A_199 {offsets = [13], sizes = [1], strides = [1]} : vector<16xi32> to vector<1xi32>
      %squeeze3A_525 = vector.extract %slice3A_524[0] : i32 from vector<1xi32>
      %dma_start3A_526 = arith.constant 0 : i32
      %dma_start3A_527 = tpu.memref_slice %arg10[%add3A_513, %dma_start3A_526] : memref<128x64xf32, #tpu.memory_space<vmem>> -> memref<1x64xf32, #tpu.memory_space<vmem>>
      %dma_start3A_528 = arith.constant 0 : i32
      %dma_start3A_529 = tpu.memref_slice %arg4[%squeeze3A_525, %dma_start3A_528] : memref<100000x64xf32, #tpu.memory_space<hbm>> -> memref<1x64xf32, #tpu.memory_space<hbm>>
      %dma_start3A_530 = arith.constant 0 : i32
      %dma_start3A_531 = tpu.memref_slice %arg10[%add3A_513, %dma_start3A_530] : memref<128x64xf32, #tpu.memory_space<vmem>> -> memref<1x64xf32, #tpu.memory_space<vmem>>
      %dma_start3A_532 = arith.constant 0 : i32
      %dma_start3A_533 = tpu.memref_slice %arg4[%squeeze3A_525, %dma_start3A_532] : memref<100000x64xf32, #tpu.memory_space<hbm>> -> memref<1x64xf32, #tpu.memory_space<hbm>>
      tpu.enqueue_dma source(%dma_start3A_533 : memref<1x64xf32, #tpu.memory_space<hbm>>) target(%dma_start3A_531 : memref<1x64xf32, #tpu.memory_space<vmem>>) target_semaphore(%arg13 : memref<!tpu.dma_semaphore, #tpu.memory_space<semaphore_mem>>)
      %mul3A_534 = arith.constant 16 : i32
      %mul3A_535 = arith.muli %scan3A_186, %mul3A_534 : i32
      %add3A_536 = arith.constant 14 : i32
      %add3A_537 = arith.addi %mul3A_535, %add3A_536 : i32
      %slice3A_538 = vector.extract_strided_slice %get3A_192 {offsets = [14], sizes = [1], strides = [1]} : vector<16xi32> to vector<1xi32>
      %squeeze3A_539 = vector.extract %slice3A_538[0] : i32 from vector<1xi32>
      %dma_start3A_540 = arith.constant 0 : i32
      %dma_start3A_541 = tpu.memref_slice %arg9[%add3A_537, %dma_start3A_540] : memref<128x64xf32, #tpu.memory_space<vmem>> -> memref<1x64xf32, #tpu.memory_space<vmem>>
      %dma_start3A_542 = arith.constant 0 : i32
      %dma_start3A_543 = tpu.memref_slice %arg3[%squeeze3A_539, %dma_start3A_542] : memref<100000x64xf32, #tpu.memory_space<hbm>> -> memref<1x64xf32, #tpu.memory_space<hbm>>
      %dma_start3A_544 = arith.constant 0 : i32
      %dma_start3A_545 = tpu.memref_slice %arg9[%add3A_537, %dma_start3A_544] : memref<128x64xf32, #tpu.memory_space<vmem>> -> memref<1x64xf32, #tpu.memory_space<vmem>>
      %dma_start3A_546 = arith.constant 0 : i32
      %dma_start3A_547 = tpu.memref_slice %arg3[%squeeze3A_539, %dma_start3A_546] : memref<100000x64xf32, #tpu.memory_space<hbm>> -> memref<1x64xf32, #tpu.memory_space<hbm>>
      tpu.enqueue_dma source(%dma_start3A_547 : memref<1x64xf32, #tpu.memory_space<hbm>>) target(%dma_start3A_545 : memref<1x64xf32, #tpu.memory_space<vmem>>) target_semaphore(%arg12 : memref<!tpu.dma_semaphore, #tpu.memory_space<semaphore_mem>>)
      %slice3A_548 = vector.extract_strided_slice %get3A_199 {offsets = [14], sizes = [1], strides = [1]} : vector<16xi32> to vector<1xi32>
      %squeeze3A_549 = vector.extract %slice3A_548[0] : i32 from vector<1xi32>
      %dma_start3A_550 = arith.constant 0 : i32
      %dma_start3A_551 = tpu.memref_slice %arg10[%add3A_537, %dma_start3A_550] : memref<128x64xf32, #tpu.memory_space<vmem>> -> memref<1x64xf32, #tpu.memory_space<vmem>>
      %dma_start3A_552 = arith.constant 0 : i32
      %dma_start3A_553 = tpu.memref_slice %arg4[%squeeze3A_549, %dma_start3A_552] : memref<100000x64xf32, #tpu.memory_space<hbm>> -> memref<1x64xf32, #tpu.memory_space<hbm>>
      %dma_start3A_554 = arith.constant 0 : i32
      %dma_start3A_555 = tpu.memref_slice %arg10[%add3A_537, %dma_start3A_554] : memref<128x64xf32, #tpu.memory_space<vmem>> -> memref<1x64xf32, #tpu.memory_space<vmem>>
      %dma_start3A_556 = arith.constant 0 : i32
      %dma_start3A_557 = tpu.memref_slice %arg4[%squeeze3A_549, %dma_start3A_556] : memref<100000x64xf32, #tpu.memory_space<hbm>> -> memref<1x64xf32, #tpu.memory_space<hbm>>
      tpu.enqueue_dma source(%dma_start3A_557 : memref<1x64xf32, #tpu.memory_space<hbm>>) target(%dma_start3A_555 : memref<1x64xf32, #tpu.memory_space<vmem>>) target_semaphore(%arg13 : memref<!tpu.dma_semaphore, #tpu.memory_space<semaphore_mem>>)
      %mul3A_558 = arith.constant 16 : i32
      %mul3A_559 = arith.muli %scan3A_186, %mul3A_558 : i32
      %add3A_560 = arith.constant 15 : i32
      %add3A_561 = arith.addi %mul3A_559, %add3A_560 : i32
      %slice3A_562 = vector.extract_strided_slice %get3A_192 {offsets = [15], sizes = [1], strides = [1]} : vector<16xi32> to vector<1xi32>
      %squeeze3A_563 = vector.extract %slice3A_562[0] : i32 from vector<1xi32>
      %dma_start3A_564 = arith.constant 0 : i32
      %dma_start3A_565 = tpu.memref_slice %arg9[%add3A_561, %dma_start3A_564] : memref<128x64xf32, #tpu.memory_space<vmem>> -> memref<1x64xf32, #tpu.memory_space<vmem>>
      %dma_start3A_566 = arith.constant 0 : i32
      %dma_start3A_567 = tpu.memref_slice %arg3[%squeeze3A_563, %dma_start3A_566] : memref<100000x64xf32, #tpu.memory_space<hbm>> -> memref<1x64xf32, #tpu.memory_space<hbm>>
      %dma_start3A_568 = arith.constant 0 : i32
      %dma_start3A_569 = tpu.memref_slice %arg9[%add3A_561, %dma_start3A_568] : memref<128x64xf32, #tpu.memory_space<vmem>> -> memref<1x64xf32, #tpu.memory_space<vmem>>
      %dma_start3A_570 = arith.constant 0 : i32
      %dma_start3A_571 = tpu.memref_slice %arg3[%squeeze3A_563, %dma_start3A_570] : memref<100000x64xf32, #tpu.memory_space<hbm>> -> memref<1x64xf32, #tpu.memory_space<hbm>>
      tpu.enqueue_dma source(%dma_start3A_571 : memref<1x64xf32, #tpu.memory_space<hbm>>) target(%dma_start3A_569 : memref<1x64xf32, #tpu.memory_space<vmem>>) target_semaphore(%arg12 : memref<!tpu.dma_semaphore, #tpu.memory_space<semaphore_mem>>)
      %slice3A_572 = vector.extract_strided_slice %get3A_199 {offsets = [15], sizes = [1], strides = [1]} : vector<16xi32> to vector<1xi32>
      %squeeze3A_573 = vector.extract %slice3A_572[0] : i32 from vector<1xi32>
      %dma_start3A_574 = arith.constant 0 : i32
      %dma_start3A_575 = tpu.memref_slice %arg10[%add3A_561, %dma_start3A_574] : memref<128x64xf32, #tpu.memory_space<vmem>> -> memref<1x64xf32, #tpu.memory_space<vmem>>
      %dma_start3A_576 = arith.constant 0 : i32
      %dma_start3A_577 = tpu.memref_slice %arg4[%squeeze3A_573, %dma_start3A_576] : memref<100000x64xf32, #tpu.memory_space<hbm>> -> memref<1x64xf32, #tpu.memory_space<hbm>>
      %dma_start3A_578 = arith.constant 0 : i32
      %dma_start3A_579 = tpu.memref_slice %arg10[%add3A_561, %dma_start3A_578] : memref<128x64xf32, #tpu.memory_space<vmem>> -> memref<1x64xf32, #tpu.memory_space<vmem>>
      %dma_start3A_580 = arith.constant 0 : i32
      %dma_start3A_581 = tpu.memref_slice %arg4[%squeeze3A_573, %dma_start3A_580] : memref<100000x64xf32, #tpu.memory_space<hbm>> -> memref<1x64xf32, #tpu.memory_space<hbm>>
      tpu.enqueue_dma source(%dma_start3A_581 : memref<1x64xf32, #tpu.memory_space<hbm>>) target(%dma_start3A_579 : memref<1x64xf32, #tpu.memory_space<vmem>>) target_semaphore(%arg13 : memref<!tpu.dma_semaphore, #tpu.memory_space<semaphore_mem>>)
    }
    %scan3A_82 = arith.constant 8 : i32
    %dma_wait3A_83 = arith.constant 0 : i32
    %dma_wait3A_84 = arith.constant 0 : i32
    %dma_wait3A_85 = tpu.memref_slice %arg3[%dma_wait3A_83, %dma_wait3A_84] : memref<100000x64xf32, #tpu.memory_space<hbm>> -> memref<128x64xf32, #tpu.memory_space<hbm>>
    %dma_wait3A_86 = arith.constant 0 : i32
    %dma_wait3A_87 = arith.constant 0 : i32
    %dma_wait3A_88 = tpu.memref_slice %arg3[%dma_wait3A_86, %dma_wait3A_87] : memref<100000x64xf32, #tpu.memory_space<hbm>> -> memref<128x64xf32, #tpu.memory_space<hbm>>
    tpu.wait_dma2 semaphore(%arg20 : memref<!tpu.dma_semaphore, #tpu.memory_space<semaphore_mem>>) src(%dma_wait3A_88 : memref<128x64xf32, #tpu.memory_space<hbm>>) dst(%arg17 : memref<128x64xf32, #tpu.memory_space<vmem>>)
    %dma_wait3A_89 = arith.constant 0 : i32
    %dma_wait3A_90 = arith.constant 0 : i32
    %dma_wait3A_91 = tpu.memref_slice %arg4[%dma_wait3A_89, %dma_wait3A_90] : memref<100000x64xf32, #tpu.memory_space<hbm>> -> memref<128x64xf32, #tpu.memory_space<hbm>>
    %dma_wait3A_92 = arith.constant 0 : i32
    %dma_wait3A_93 = arith.constant 0 : i32
    %dma_wait3A_94 = tpu.memref_slice %arg4[%dma_wait3A_92, %dma_wait3A_93] : memref<100000x64xf32, #tpu.memory_space<hbm>> -> memref<128x64xf32, #tpu.memory_space<hbm>>
    tpu.wait_dma2 semaphore(%arg21 : memref<!tpu.dma_semaphore, #tpu.memory_space<semaphore_mem>>) src(%dma_wait3A_94 : memref<128x64xf32, #tpu.memory_space<hbm>>) dst(%arg18 : memref<128x64xf32, #tpu.memory_space<vmem>>)
    %dma_wait3A_95 = arith.constant 0 : i32
    %dma_wait3A_96 = arith.constant 0 : i32
    %dma_wait3A_97 = tpu.memref_slice %arg5[%dma_wait3A_95, %dma_wait3A_96] : memref<1000000x128xf32, #tpu.memory_space<hbm>> -> memref<128x128xf32, #tpu.memory_space<hbm>>
    %dma_wait3A_98 = arith.constant 0 : i32
    %dma_wait3A_99 = arith.constant 0 : i32
    %dma_wait3A_100 = tpu.memref_slice %arg5[%dma_wait3A_98, %dma_wait3A_99] : memref<1000000x128xf32, #tpu.memory_space<hbm>> -> memref<128x128xf32, #tpu.memory_space<hbm>>
    tpu.wait_dma2 semaphore(%arg22 : memref<!tpu.dma_semaphore, #tpu.memory_space<semaphore_mem>>) src(%dma_wait3A_100 : memref<128x128xf32, #tpu.memory_space<hbm>>) dst(%arg19 : memref<128x128xf32, #tpu.memory_space<vmem>>)
    %mul3A_101 = arith.constant 512 : i32
    %mul3A_102 = arith.muli %add3A, %mul3A_101 : i32
    %add3A_103 = arith.constant 128 : i32
    %add3A_104 = arith.addi %mul3A_102, %add3A_103 : i32
    %scan3A_105 = arith.constant 0 : i32
    %scan3A_106 = arith.constant 0 : i32
    %scan3A_107 = arith.constant 8 : i32
    %scan3A_108 = arith.addi %scan3A_106, %scan3A_107 : i32
    %scan3A_109 = arith.constant 1 : i32
    scf.for %scan3A_186 = %scan3A_106 to %scan3A_108 step %scan3A_109  : i32 {
      %broadcast_in_dim3A = arith.constant 0.000000e+00 : f32
      %broadcast_in_dim3A_187 = vector.broadcast %broadcast_in_dim3A : f32 to vector<16xf32>
      %scan3A_188 = arith.constant 0 : i32
      %scan3A_189 = arith.constant 16 : i32
      %scan3A_190 = arith.addi %scan3A_188, %scan3A_189 : i32
      %scan3A_191 = arith.constant 1 : i32
      %scan3A_192 = scf.for %scan3A_206 = %scan3A_188 to %scan3A_190 step %scan3A_191 iter_args(%scan3A_207 = %broadcast_in_dim3A_187) -> (vector<16xf32>)  : i32 {
        %mul3A_208 = arith.constant 16 : i32
        %mul3A_209 = arith.muli %scan3A_186, %mul3A_208 : i32
        %add3A_210 = arith.addi %mul3A_209, %scan3A_206 : i32
        %get3A = arith.index_cast %add3A_210 : i32 to index
        %get3A_211 = arith.constant 0 : index
        %get3A_212 = tpu.vector_load %arg17[%get3A, %get3A_211] {strides = array<i32>} : memref<128x64xf32, #tpu.memory_space<vmem>>, vector<1x16xf32>,
        %get3A_213 = vector.shape_cast %get3A_212 : vector<1x16xf32> to vector<16xf32>
        %get3A_214 = arith.index_cast %add3A_210 : i32 to index
        %get3A_215 = arith.constant 0 : index
        %get3A_216 = tpu.vector_load %arg19[%get3A_214, %get3A_215] {strides = array<i32>} : memref<128x128xf32, #tpu.memory_space<vmem>>, vector<1x16xf32>,
        %get3A_217 = vector.shape_cast %get3A_216 : vector<1x16xf32> to vector<16xf32>
        %mul3A_218 = arith.mulf %get3A_213, %get3A_217 : vector<16xf32>
        %get3A_219 = arith.index_cast %add3A_210 : i32 to index
        %get3A_220 = arith.constant 16 : index
        %get3A_221 = tpu.vector_load %arg17[%get3A_219, %get3A_220] {strides = array<i32>} : memref<128x64xf32, #tpu.memory_space<vmem>>, vector<1x16xf32>,
        %get3A_222 = vector.shape_cast %get3A_221 : vector<1x16xf32> to vector<16xf32>
        %get3A_223 = arith.index_cast %add3A_210 : i32 to index
        %get3A_224 = arith.constant 16 : index
        %get3A_225 = tpu.vector_load %arg19[%get3A_223, %get3A_224] {strides = array<i32>} : memref<128x128xf32, #tpu.memory_space<vmem>>, vector<1x16xf32>,
        %get3A_226 = vector.shape_cast %get3A_225 : vector<1x16xf32> to vector<16xf32>
        %mul3A_227 = arith.mulf %get3A_222, %get3A_226 : vector<16xf32>
        %add3A_228 = arith.addf %mul3A_218, %mul3A_227 : vector<16xf32>
        %get3A_229 = arith.index_cast %add3A_210 : i32 to index
        %get3A_230 = arith.constant 32 : index
        %get3A_231 = tpu.vector_load %arg17[%get3A_229, %get3A_230] {strides = array<i32>} : memref<128x64xf32, #tpu.memory_space<vmem>>, vector<1x16xf32>,
        %get3A_232 = vector.shape_cast %get3A_231 : vector<1x16xf32> to vector<16xf32>
        %get3A_233 = arith.index_cast %add3A_210 : i32 to index
        %get3A_234 = arith.constant 32 : index
        %get3A_235 = tpu.vector_load %arg19[%get3A_233, %get3A_234] {strides = array<i32>} : memref<128x128xf32, #tpu.memory_space<vmem>>, vector<1x16xf32>,
        %get3A_236 = vector.shape_cast %get3A_235 : vector<1x16xf32> to vector<16xf32>
        %mul3A_237 = arith.mulf %get3A_232, %get3A_236 : vector<16xf32>
        %add3A_238 = arith.addf %add3A_228, %mul3A_237 : vector<16xf32>
        %get3A_239 = arith.index_cast %add3A_210 : i32 to index
        %get3A_240 = arith.constant 48 : index
        %get3A_241 = tpu.vector_load %arg17[%get3A_239, %get3A_240] {strides = array<i32>} : memref<128x64xf32, #tpu.memory_space<vmem>>, vector<1x16xf32>,
        %get3A_242 = vector.shape_cast %get3A_241 : vector<1x16xf32> to vector<16xf32>
        %get3A_243 = arith.index_cast %add3A_210 : i32 to index
        %get3A_244 = arith.constant 48 : index
        %get3A_245 = tpu.vector_load %arg19[%get3A_243, %get3A_244] {strides = array<i32>} : memref<128x128xf32, #tpu.memory_space<vmem>>, vector<1x16xf32>,
        %get3A_246 = vector.shape_cast %get3A_245 : vector<1x16xf32> to vector<16xf32>
        %mul3A_247 = arith.mulf %get3A_242, %get3A_246 : vector<16xf32>
        %add3A_248 = arith.addf %add3A_238, %mul3A_247 : vector<16xf32>
        %get3A_249 = arith.index_cast %add3A_210 : i32 to index
        %get3A_250 = arith.constant 0 : index
        %get3A_251 = tpu.vector_load %arg18[%get3A_249, %get3A_250] {strides = array<i32>} : memref<128x64xf32, #tpu.memory_space<vmem>>, vector<1x16xf32>,
        %get3A_252 = vector.shape_cast %get3A_251 : vector<1x16xf32> to vector<16xf32>
        %get3A_253 = arith.index_cast %add3A_210 : i32 to index
        %get3A_254 = arith.constant 64 : index
        %get3A_255 = tpu.vector_load %arg19[%get3A_253, %get3A_254] {strides = array<i32>} : memref<128x128xf32, #tpu.memory_space<vmem>>, vector<1x16xf32>,
        %get3A_256 = vector.shape_cast %get3A_255 : vector<1x16xf32> to vector<16xf32>
        %mul3A_257 = arith.mulf %get3A_252, %get3A_256 : vector<16xf32>
        %add3A_258 = arith.addf %add3A_248, %mul3A_257 : vector<16xf32>
        %get3A_259 = arith.index_cast %add3A_210 : i32 to index
        %get3A_260 = arith.constant 16 : index
        %get3A_261 = tpu.vector_load %arg18[%get3A_259, %get3A_260] {strides = array<i32>} : memref<128x64xf32, #tpu.memory_space<vmem>>, vector<1x16xf32>,
        %get3A_262 = vector.shape_cast %get3A_261 : vector<1x16xf32> to vector<16xf32>
        %get3A_263 = arith.index_cast %add3A_210 : i32 to index
        %get3A_264 = arith.constant 80 : index
        %get3A_265 = tpu.vector_load %arg19[%get3A_263, %get3A_264] {strides = array<i32>} : memref<128x128xf32, #tpu.memory_space<vmem>>, vector<1x16xf32>,
        %get3A_266 = vector.shape_cast %get3A_265 : vector<1x16xf32> to vector<16xf32>
        %mul3A_267 = arith.mulf %get3A_262, %get3A_266 : vector<16xf32>
        %add3A_268 = arith.addf %add3A_258, %mul3A_267 : vector<16xf32>
        %get3A_269 = arith.index_cast %add3A_210 : i32 to index
        %get3A_270 = arith.constant 32 : index
        %get3A_271 = tpu.vector_load %arg18[%get3A_269, %get3A_270] {strides = array<i32>} : memref<128x64xf32, #tpu.memory_space<vmem>>, vector<1x16xf32>,
        %get3A_272 = vector.shape_cast %get3A_271 : vector<1x16xf32> to vector<16xf32>
        %get3A_273 = arith.index_cast %add3A_210 : i32 to index
        %get3A_274 = arith.constant 96 : index
        %get3A_275 = tpu.vector_load %arg19[%get3A_273, %get3A_274] {strides = array<i32>} : memref<128x128xf32, #tpu.memory_space<vmem>>, vector<1x16xf32>,
        %get3A_276 = vector.shape_cast %get3A_275 : vector<1x16xf32> to vector<16xf32>
        %mul3A_277 = arith.mulf %get3A_272, %get3A_276 : vector<16xf32>
        %add3A_278 = arith.addf %add3A_268, %mul3A_277 : vector<16xf32>
        %get3A_279 = arith.index_cast %add3A_210 : i32 to index
        %get3A_280 = arith.constant 48 : index
        %get3A_281 = tpu.vector_load %arg18[%get3A_279, %get3A_280] {strides = array<i32>} : memref<128x64xf32, #tpu.memory_space<vmem>>, vector<1x16xf32>,
        %get3A_282 = vector.shape_cast %get3A_281 : vector<1x16xf32> to vector<16xf32>
        %get3A_283 = arith.index_cast %add3A_210 : i32 to index
        %get3A_284 = arith.constant 112 : index
        %get3A_285 = tpu.vector_load %arg19[%get3A_283, %get3A_284] {strides = array<i32>} : memref<128x128xf32, #tpu.memory_space<vmem>>, vector<1x16xf32>,
        %get3A_286 = vector.shape_cast %get3A_285 : vector<1x16xf32> to vector<16xf32>
        %mul3A_287 = arith.mulf %get3A_282, %get3A_286 : vector<16xf32>
        %add3A_288 = arith.addf %add3A_278, %mul3A_287 : vector<16xf32>
        %xor3A = arith.constant 8 : i32
        %xor3A_289 = vector.broadcast %xor3A : i32 to vector<16xi32>
        %xor3A_290 = arith.xori %iota3A, %xor3A_289 : vector<16xi32>
        %broadcast_in_dim3A_291 = vector.shape_cast %xor3A_290 : vector<16xi32> to vector<16x1xi32>
        %gather3A = vector.shape_cast %broadcast_in_dim3A_291 : vector<16x1xi32> to vector<16xi32>
        %gather3A_292 = tpu.dynamic_gather %add3A_288[%gather3A] in [0] : vector<16xf32>, vector<16xi32> -> vector<16xf32>
        %add3A_293 = arith.addf %add3A_288, %gather3A_292 : vector<16xf32>
        %xor3A_294 = arith.constant 4 : i32
        %xor3A_295 = vector.broadcast %xor3A_294 : i32 to vector<16xi32>
        %xor3A_296 = arith.xori %iota3A, %xor3A_295 : vector<16xi32>
        %broadcast_in_dim3A_297 = vector.shape_cast %xor3A_296 : vector<16xi32> to vector<16x1xi32>
        %gather3A_298 = vector.shape_cast %broadcast_in_dim3A_297 : vector<16x1xi32> to vector<16xi32>
        %gather3A_299 = tpu.dynamic_gather %add3A_293[%gather3A_298] in [0] : vector<16xf32>, vector<16xi32> -> vector<16xf32>
        %add3A_300 = arith.addf %add3A_293, %gather3A_299 : vector<16xf32>
        %xor3A_301 = arith.constant 2 : i32
        %xor3A_302 = vector.broadcast %xor3A_301 : i32 to vector<16xi32>
        %xor3A_303 = arith.xori %iota3A, %xor3A_302 : vector<16xi32>
        %broadcast_in_dim3A_304 = vector.shape_cast %xor3A_303 : vector<16xi32> to vector<16x1xi32>
        %gather3A_305 = vector.shape_cast %broadcast_in_dim3A_304 : vector<16x1xi32> to vector<16xi32>
        %gather3A_306 = tpu.dynamic_gather %add3A_300[%gather3A_305] in [0] : vector<16xf32>, vector<16xi32> -> vector<16xf32>
        %add3A_307 = arith.addf %add3A_300, %gather3A_306 : vector<16xf32>
        %xor3A_308 = arith.constant 1 : i32
        %xor3A_309 = vector.broadcast %xor3A_308 : i32 to vector<16xi32>
        %xor3A_310 = arith.xori %iota3A, %xor3A_309 : vector<16xi32>
        %broadcast_in_dim3A_311 = vector.shape_cast %xor3A_310 : vector<16xi32> to vector<16x1xi32>
        %gather3A_312 = vector.shape_cast %broadcast_in_dim3A_311 : vector<16x1xi32> to vector<16xi32>
        %gather3A_313 = tpu.dynamic_gather %add3A_307[%gather3A_312] in [0] : vector<16xf32>, vector<16xi32> -> vector<16xf32>
        %add3A_314 = arith.addf %add3A_307, %gather3A_313 : vector<16xf32>
        %eq3A = vector.broadcast %scan3A_206 : i32 to vector<16xi32>
        %eq3A_315 = arith.cmpi eq, %iota3A, %eq3A : vector<16xi32>
        %select_n3A = arith.select %eq3A_315, %add3A_314, %scan3A_207 : vector<16xi1>, vector<16xf32>
        scf.yield %select_n3A : vector<16xf32>
      }
      %scan3A_193 = arith.constant 16 : i32
      %neg3A = arith.constant 0.000000e+00 : f32
      %neg3A_194 = vector.broadcast %neg3A : f32 to vector<16xf32>
      %neg3A_195 = arith.subf %neg3A_194, %scan3A_192 : vector<16xf32>
      %exp3A = math.exp %neg3A_195 : vector<16xf32>
      %add3A_196 = arith.constant 1.000000e+00 : f32
      %add3A_197 = vector.broadcast %add3A_196 : f32 to vector<16xf32>
      %add3A_198 = arith.addf %add3A_197, %exp3A : vector<16xf32>
      %div3A = arith.constant 1.000000e+00 : f32
      %div3A_199 = vector.broadcast %div3A : f32 to vector<16xf32>
      %div3A_200 = arith.divf %div3A_199, %add3A_198 : vector<16xf32>
      %mul3A_201 = arith.constant 16 : i32
      %mul3A_202 = arith.muli %scan3A_186, %mul3A_201 : i32
      %swap3A = arith.index_cast %mul3A_202 : i32 to index
      %swap3A_203 = tpu.vector_load %arg23[%swap3A] {strides = array<i32>} : memref<128xf32, #tpu.memory_space<vmem>>, vector<16xf32>,
      %swap3A_204 = vector.shape_cast %swap3A_203 : vector<16xf32> to vector<16xf32>
      %swap3A_205 = vector.shape_cast %div3A_200 : vector<16xf32> to vector<16xf32>
      tpu.vector_store %arg23[%swap3A], %swap3A_205 {strides = array<i32>} : memref<128xf32, #tpu.memory_space<vmem>>, vector<16xf32>,
    }
    %scan3A_110 = arith.constant 8 : i32
    "tpu.region"() ({
      %run_scoped3A = tpu.sem_alloc : memref<!tpu.dma_semaphore, #tpu.memory_space<semaphore_mem>>
      %dma_start3A_186 = tpu.memref_slice %arg6[%add3A_104] : memref<16384xf32, #tpu.memory_space<hbm>> -> memref<128xf32, #tpu.memory_space<hbm>>
      %dma_start3A_187 = tpu.memref_slice %arg6[%add3A_104] : memref<16384xf32, #tpu.memory_space<hbm>> -> memref<128xf32, #tpu.memory_space<hbm>>
      tpu.enqueue_dma source(%arg23 : memref<128xf32, #tpu.memory_space<vmem>>) target(%dma_start3A_187 : memref<128xf32, #tpu.memory_space<hbm>>) target_semaphore(%run_scoped3A : memref<!tpu.dma_semaphore, #tpu.memory_space<semaphore_mem>>)
      %dma_wait3A_188 = tpu.memref_slice %arg6[%add3A_104] : memref<16384xf32, #tpu.memory_space<hbm>> -> memref<128xf32, #tpu.memory_space<hbm>>
      %dma_wait3A_189 = tpu.memref_slice %arg6[%add3A_104] : memref<16384xf32, #tpu.memory_space<hbm>> -> memref<128xf32, #tpu.memory_space<hbm>>
      tpu.wait_dma2 semaphore(%run_scoped3A : memref<!tpu.dma_semaphore, #tpu.memory_space<semaphore_mem>>) src(%arg23 : memref<128xf32, #tpu.memory_space<vmem>>) dst(%dma_wait3A_189 : memref<128xf32, #tpu.memory_space<hbm>>)
      tpu.yield
    }) : () -> ()
    %mul3A_111 = arith.constant 512 : i32
    %mul3A_112 = arith.muli %add3A, %mul3A_111 : i32
    %add3A_113 = arith.constant 384 : i32
    %add3A_114 = arith.addi %mul3A_112, %add3A_113 : i32
    "tpu.region"() ({
      %run_scoped3A = tpu.sem_alloc : memref<!tpu.dma_semaphore, #tpu.memory_space<semaphore_mem>>
      %dma_start3A_186 = arith.constant 0 : i32
      %dma_start3A_187 = arith.constant 0 : i32
      %dma_start3A_188 = tpu.memref_slice %arg15[%dma_start3A_186, %dma_start3A_187] : memref<3x144xi32, #tpu.memory_space<vmem>> -> memref<1x128xi32, #tpu.memory_space<vmem>>
      %dma_start3A_189 = arith.constant 0 : i32
      %dma_start3A_190 = tpu.memref_slice %arg2[%dma_start3A_189, %add3A_114] : memref<3x16384xi32, #tpu.memory_space<hbm>> -> memref<1x128xi32, #tpu.memory_space<hbm>>
      %dma_start3A_191 = arith.constant 0 : i32
      %dma_start3A_192 = arith.constant 0 : i32
      %dma_start3A_193 = tpu.memref_slice %arg15[%dma_start3A_191, %dma_start3A_192] : memref<3x144xi32, #tpu.memory_space<vmem>> -> memref<1x128xi32, #tpu.memory_space<vmem>>
      %dma_start3A_194 = arith.constant 0 : i32
      %dma_start3A_195 = tpu.memref_slice %arg2[%dma_start3A_194, %add3A_114] : memref<3x16384xi32, #tpu.memory_space<hbm>> -> memref<1x128xi32, #tpu.memory_space<hbm>>
      tpu.enqueue_dma source(%dma_start3A_195 : memref<1x128xi32, #tpu.memory_space<hbm>>) target(%dma_start3A_193 : memref<1x128xi32, #tpu.memory_space<vmem>>) target_semaphore(%run_scoped3A : memref<!tpu.dma_semaphore, #tpu.memory_space<semaphore_mem>>)
      %dma_wait3A_196 = arith.constant 0 : i32
      %dma_wait3A_197 = arith.constant 0 : i32
      %dma_wait3A_198 = tpu.memref_slice %arg15[%dma_wait3A_196, %dma_wait3A_197] : memref<3x144xi32, #tpu.memory_space<vmem>> -> memref<1x128xi32, #tpu.memory_space<vmem>>
      %dma_wait3A_199 = arith.constant 0 : i32
      %dma_wait3A_200 = tpu.memref_slice %arg2[%dma_wait3A_199, %add3A_114] : memref<3x16384xi32, #tpu.memory_space<hbm>> -> memref<1x128xi32, #tpu.memory_space<hbm>>
      %dma_wait3A_201 = arith.constant 0 : i32
      %dma_wait3A_202 = arith.constant 0 : i32
      %dma_wait3A_203 = tpu.memref_slice %arg15[%dma_wait3A_201, %dma_wait3A_202] : memref<3x144xi32, #tpu.memory_space<vmem>> -> memref<1x128xi32, #tpu.memory_space<vmem>>
      %dma_wait3A_204 = arith.constant 0 : i32
      %dma_wait3A_205 = tpu.memref_slice %arg2[%dma_wait3A_204, %add3A_114] : memref<3x16384xi32, #tpu.memory_space<hbm>> -> memref<1x128xi32, #tpu.memory_space<hbm>>
      tpu.wait_dma2 semaphore(%run_scoped3A : memref<!tpu.dma_semaphore, #tpu.memory_space<semaphore_mem>>) src(%dma_wait3A_205 : memref<1x128xi32, #tpu.memory_space<hbm>>) dst(%dma_wait3A_203 : memref<1x128xi32, #tpu.memory_space<vmem>>)
      tpu.yield
    }) : () -> ()
    "tpu.region"() ({
      %run_scoped3A = tpu.sem_alloc : memref<!tpu.dma_semaphore, #tpu.memory_space<semaphore_mem>>
      %dma_start3A_186 = arith.constant 1 : i32
      %dma_start3A_187 = arith.constant 0 : i32
      %dma_start3A_188 = tpu.memref_slice %arg15[%dma_start3A_186, %dma_start3A_187] : memref<3x144xi32, #tpu.memory_space<vmem>> -> memref<1x128xi32, #tpu.memory_space<vmem>>
      %dma_start3A_189 = arith.constant 1 : i32
      %dma_start3A_190 = tpu.memref_slice %arg2[%dma_start3A_189, %add3A_114] : memref<3x16384xi32, #tpu.memory_space<hbm>> -> memref<1x128xi32, #tpu.memory_space<hbm>>
      %dma_start3A_191 = arith.constant 1 : i32
      %dma_start3A_192 = arith.constant 0 : i32
      %dma_start3A_193 = tpu.memref_slice %arg15[%dma_start3A_191, %dma_start3A_192] : memref<3x144xi32, #tpu.memory_space<vmem>> -> memref<1x128xi32, #tpu.memory_space<vmem>>
      %dma_start3A_194 = arith.constant 1 : i32
      %dma_start3A_195 = tpu.memref_slice %arg2[%dma_start3A_194, %add3A_114] : memref<3x16384xi32, #tpu.memory_space<hbm>> -> memref<1x128xi32, #tpu.memory_space<hbm>>
      tpu.enqueue_dma source(%dma_start3A_195 : memref<1x128xi32, #tpu.memory_space<hbm>>) target(%dma_start3A_193 : memref<1x128xi32, #tpu.memory_space<vmem>>) target_semaphore(%run_scoped3A : memref<!tpu.dma_semaphore, #tpu.memory_space<semaphore_mem>>)
      %dma_wait3A_196 = arith.constant 1 : i32
      %dma_wait3A_197 = arith.constant 0 : i32
      %dma_wait3A_198 = tpu.memref_slice %arg15[%dma_wait3A_196, %dma_wait3A_197] : memref<3x144xi32, #tpu.memory_space<vmem>> -> memref<1x128xi32, #tpu.memory_space<vmem>>
      %dma_wait3A_199 = arith.constant 1 : i32
      %dma_wait3A_200 = tpu.memref_slice %arg2[%dma_wait3A_199, %add3A_114] : memref<3x16384xi32, #tpu.memory_space<hbm>> -> memref<1x128xi32, #tpu.memory_space<hbm>>
      %dma_wait3A_201 = arith.constant 1 : i32
      %dma_wait3A_202 = arith.constant 0 : i32
      %dma_wait3A_203 = tpu.memref_slice %arg15[%dma_wait3A_201, %dma_wait3A_202] : memref<3x144xi32, #tpu.memory_space<vmem>> -> memref<1x128xi32, #tpu.memory_space<vmem>>
      %dma_wait3A_204 = arith.constant 1 : i32
      %dma_wait3A_205 = tpu.memref_slice %arg2[%dma_wait3A_204, %add3A_114] : memref<3x16384xi32, #tpu.memory_space<hbm>> -> memref<1x128xi32, #tpu.memory_space<hbm>>
      tpu.wait_dma2 semaphore(%run_scoped3A : memref<!tpu.dma_semaphore, #tpu.memory_space<semaphore_mem>>) src(%dma_wait3A_205 : memref<1x128xi32, #tpu.memory_space<hbm>>) dst(%dma_wait3A_203 : memref<1x128xi32, #tpu.memory_space<vmem>>)
      tpu.yield
    }) : () -> ()
    "tpu.region"() ({
      %run_scoped3A = tpu.sem_alloc : memref<!tpu.dma_semaphore, #tpu.memory_space<semaphore_mem>>
      %dma_start3A_186 = arith.constant 2 : i32
      %dma_start3A_187 = arith.constant 0 : i32
      %dma_start3A_188 = tpu.memref_slice %arg15[%dma_start3A_186, %dma_start3A_187] : memref<3x144xi32, #tpu.memory_space<vmem>> -> memref<1x128xi32, #tpu.memory_space<vmem>>
      %dma_start3A_189 = arith.constant 2 : i32
      %dma_start3A_190 = tpu.memref_slice %arg2[%dma_start3A_189, %add3A_114] : memref<3x16384xi32, #tpu.memory_space<hbm>> -> memref<1x128xi32, #tpu.memory_space<hbm>>
      %dma_start3A_191 = arith.constant 2 : i32
      %dma_start3A_192 = arith.constant 0 : i32
      %dma_start3A_193 = tpu.memref_slice %arg15[%dma_start3A_191, %dma_start3A_192] : memref<3x144xi32, #tpu.memory_space<vmem>> -> memref<1x128xi32, #tpu.memory_space<vmem>>
      %dma_start3A_194 = arith.constant 2 : i32
      %dma_start3A_195 = tpu.memref_slice %arg2[%dma_start3A_194, %add3A_114] : memref<3x16384xi32, #tpu.memory_space<hbm>> -> memref<1x128xi32, #tpu.memory_space<hbm>>
      tpu.enqueue_dma source(%dma_start3A_195 : memref<1x128xi32, #tpu.memory_space<hbm>>) target(%dma_start3A_193 : memref<1x128xi32, #tpu.memory_space<vmem>>) target_semaphore(%run_scoped3A : memref<!tpu.dma_semaphore, #tpu.memory_space<semaphore_mem>>)
      %dma_wait3A_196 = arith.constant 2 : i32
      %dma_wait3A_197 = arith.constant 0 : i32
      %dma_wait3A_198 = tpu.memref_slice %arg15[%dma_wait3A_196, %dma_wait3A_197] : memref<3x144xi32, #tpu.memory_space<vmem>> -> memref<1x128xi32, #tpu.memory_space<vmem>>
      %dma_wait3A_199 = arith.constant 2 : i32
      %dma_wait3A_200 = tpu.memref_slice %arg2[%dma_wait3A_199, %add3A_114] : memref<3x16384xi32, #tpu.memory_space<hbm>> -> memref<1x128xi32, #tpu.memory_space<hbm>>
      %dma_wait3A_201 = arith.constant 2 : i32
      %dma_wait3A_202 = arith.constant 0 : i32
      %dma_wait3A_203 = tpu.memref_slice %arg15[%dma_wait3A_201, %dma_wait3A_202] : memref<3x144xi32, #tpu.memory_space<vmem>> -> memref<1x128xi32, #tpu.memory_space<vmem>>
      %dma_wait3A_204 = arith.constant 2 : i32
      %dma_wait3A_205 = tpu.memref_slice %arg2[%dma_wait3A_204, %add3A_114] : memref<3x16384xi32, #tpu.memory_space<hbm>> -> memref<1x128xi32, #tpu.memory_space<hbm>>
      tpu.wait_dma2 semaphore(%run_scoped3A : memref<!tpu.dma_semaphore, #tpu.memory_space<semaphore_mem>>) src(%dma_wait3A_205 : memref<1x128xi32, #tpu.memory_space<hbm>>) dst(%dma_wait3A_203 : memref<1x128xi32, #tpu.memory_space<vmem>>)
      tpu.yield
    }) : () -> ()
    %scan3A_115 = arith.constant 0 : i32
    %scan3A_116 = arith.constant 0 : i32
    %scan3A_117 = arith.constant 8 : i32
    %scan3A_118 = arith.addi %scan3A_116, %scan3A_117 : i32
    %scan3A_119 = arith.constant 1 : i32
    scf.for %scan3A_186 = %scan3A_116 to %scan3A_118 step %scan3A_119  : i32 {
      %mul3A_187 = arith.constant 16 : i32
      %mul3A_188 = arith.muli %scan3A_186, %mul3A_187 : i32
      %get3A = arith.constant 2 : i32
      %get3A_189 = arith.index_cast %get3A : i32 to index
      %get3A_190 = arith.index_cast %mul3A_188 : i32 to index
      %get3A_191 = tpu.vector_load %arg15[%get3A_189, %get3A_190] {strides = array<i32>} : memref<3x144xi32, #tpu.memory_space<vmem>>, vector<1x16xi32>,
      %get3A_192 = vector.shape_cast %get3A_191 : vector<1x16xi32> to vector<16xi32>
      %mul3A_193 = arith.constant 16 : i32
      %mul3A_194 = arith.muli %scan3A_186, %mul3A_193 : i32
      %swap3A = arith.index_cast %mul3A_194 : i32 to index
      %swap3A_195 = tpu.vector_load %arg16[%swap3A] {strides = array<i32>} : memref<128xi32, #tpu.memory_space<vmem>>, vector<16xi32>,
      %swap3A_196 = vector.shape_cast %swap3A_195 : vector<16xi32> to vector<16xi32>
      %swap3A_197 = vector.shape_cast %get3A_192 : vector<16xi32> to vector<16xi32>
      tpu.vector_store %arg16[%swap3A], %swap3A_197 {strides = array<i32>} : memref<128xi32, #tpu.memory_space<vmem>>, vector<16xi32>,
    }
    %scan3A_120 = arith.constant 8 : i32
    %dma_start3A_121 = arith.constant 0 : i32
    %dma_start3A_122 = arith.constant 0 : i32
    %dma_start3A_123 = tpu.memref_slice %arg5[%dma_start3A_121, %dma_start3A_122] : memref<1000000x128xf32, #tpu.memory_space<hbm>> -> memref<1000000x128xf32, #tpu.memory_space<hbm>>
    tpu.enqueue_indirect_dma source(%dma_start3A_123 : memref<1000000x128xf32, #tpu.memory_space<hbm>>) target(%arg19 : memref<128x128xf32, #tpu.memory_space<vmem>>) offsets(%arg16 : memref<128xi32, #tpu.memory_space<vmem>>) semaphore(%arg22 : memref<!tpu.dma_semaphore, #tpu.memory_space<semaphore_mem>>)
    %scan3A_124 = arith.constant 0 : i32
    %scan3A_125 = arith.constant 0 : i32
    %scan3A_126 = arith.constant 8 : i32
    %scan3A_127 = arith.addi %scan3A_125, %scan3A_126 : i32
    %scan3A_128 = arith.constant 1 : i32
    scf.for %scan3A_186 = %scan3A_125 to %scan3A_127 step %scan3A_128  : i32 {
      %mul3A_187 = arith.constant 16 : i32
      %mul3A_188 = arith.muli %scan3A_186, %mul3A_187 : i32
      %get3A = arith.constant 0 : i32
      %get3A_189 = arith.index_cast %get3A : i32 to index
      %get3A_190 = arith.index_cast %mul3A_188 : i32 to index
      %get3A_191 = tpu.vector_load %arg15[%get3A_189, %get3A_190] {strides = array<i32>} : memref<3x144xi32, #tpu.memory_space<vmem>>, vector<1x16xi32>,
      %get3A_192 = vector.shape_cast %get3A_191 : vector<1x16xi32> to vector<16xi32>
      %mul3A_193 = arith.constant 16 : i32
      %mul3A_194 = arith.muli %scan3A_186, %mul3A_193 : i32
      %get3A_195 = arith.constant 1 : i32
      %get3A_196 = arith.index_cast %get3A_195 : i32 to index
      %get3A_197 = arith.index_cast %mul3A_194 : i32 to index
      %get3A_198 = tpu.vector_load %arg15[%get3A_196, %get3A_197] {strides = array<i32>} : memref<3x144xi32, #tpu.memory_space<vmem>>, vector<1x16xi32>,
      %get3A_199 = vector.shape_cast %get3A_198 : vector<1x16xi32> to vector<16xi32>
      %mul3A_200 = arith.constant 16 : i32
      %mul3A_201 = arith.muli %scan3A_186, %mul3A_200 : i32
      %add3A_202 = arith.constant 0 : i32
      %add3A_203 = arith.addi %mul3A_201, %add3A_202 : i32
      %slice3A = vector.extract_strided_slice %get3A_192 {offsets = [0], sizes = [1], strides = [1]} : vector<16xi32> to vector<1xi32>
      %squeeze3A = vector.extract %slice3A[0] : i32 from vector<1xi32>
      %dma_start3A_204 = arith.constant 0 : i32
      %dma_start3A_205 = tpu.memref_slice %arg17[%add3A_203, %dma_start3A_204] : memref<128x64xf32, #tpu.memory_space<vmem>> -> memref<1x64xf32, #tpu.memory_space<vmem>>
      %dma_start3A_206 = arith.constant 0 : i32
      %dma_start3A_207 = tpu.memref_slice %arg3[%squeeze3A, %dma_start3A_206] : memref<100000x64xf32, #tpu.memory_space<hbm>> -> memref<1x64xf32, #tpu.memory_space<hbm>>
      %dma_start3A_208 = arith.constant 0 : i32
      %dma_start3A_209 = tpu.memref_slice %arg17[%add3A_203, %dma_start3A_208] : memref<128x64xf32, #tpu.memory_space<vmem>> -> memref<1x64xf32, #tpu.memory_space<vmem>>
      %dma_start3A_210 = arith.constant 0 : i32
      %dma_start3A_211 = tpu.memref_slice %arg3[%squeeze3A, %dma_start3A_210] : memref<100000x64xf32, #tpu.memory_space<hbm>> -> memref<1x64xf32, #tpu.memory_space<hbm>>
      tpu.enqueue_dma source(%dma_start3A_211 : memref<1x64xf32, #tpu.memory_space<hbm>>) target(%dma_start3A_209 : memref<1x64xf32, #tpu.memory_space<vmem>>) target_semaphore(%arg20 : memref<!tpu.dma_semaphore, #tpu.memory_space<semaphore_mem>>)
      %slice3A_212 = vector.extract_strided_slice %get3A_199 {offsets = [0], sizes = [1], strides = [1]} : vector<16xi32> to vector<1xi32>
      %squeeze3A_213 = vector.extract %slice3A_212[0] : i32 from vector<1xi32>
      %dma_start3A_214 = arith.constant 0 : i32
      %dma_start3A_215 = tpu.memref_slice %arg18[%add3A_203, %dma_start3A_214] : memref<128x64xf32, #tpu.memory_space<vmem>> -> memref<1x64xf32, #tpu.memory_space<vmem>>
      %dma_start3A_216 = arith.constant 0 : i32
      %dma_start3A_217 = tpu.memref_slice %arg4[%squeeze3A_213, %dma_start3A_216] : memref<100000x64xf32, #tpu.memory_space<hbm>> -> memref<1x64xf32, #tpu.memory_space<hbm>>
      %dma_start3A_218 = arith.constant 0 : i32
      %dma_start3A_219 = tpu.memref_slice %arg18[%add3A_203, %dma_start3A_218] : memref<128x64xf32, #tpu.memory_space<vmem>> -> memref<1x64xf32, #tpu.memory_space<vmem>>
      %dma_start3A_220 = arith.constant 0 : i32
      %dma_start3A_221 = tpu.memref_slice %arg4[%squeeze3A_213, %dma_start3A_220] : memref<100000x64xf32, #tpu.memory_space<hbm>> -> memref<1x64xf32, #tpu.memory_space<hbm>>
      tpu.enqueue_dma source(%dma_start3A_221 : memref<1x64xf32, #tpu.memory_space<hbm>>) target(%dma_start3A_219 : memref<1x64xf32, #tpu.memory_space<vmem>>) target_semaphore(%arg21 : memref<!tpu.dma_semaphore, #tpu.memory_space<semaphore_mem>>)
      %mul3A_222 = arith.constant 16 : i32
      %mul3A_223 = arith.muli %scan3A_186, %mul3A_222 : i32
      %add3A_224 = arith.constant 1 : i32
      %add3A_225 = arith.addi %mul3A_223, %add3A_224 : i32
      %slice3A_226 = vector.extract_strided_slice %get3A_192 {offsets = [1], sizes = [1], strides = [1]} : vector<16xi32> to vector<1xi32>
      %squeeze3A_227 = vector.extract %slice3A_226[0] : i32 from vector<1xi32>
      %dma_start3A_228 = arith.constant 0 : i32
      %dma_start3A_229 = tpu.memref_slice %arg17[%add3A_225, %dma_start3A_228] : memref<128x64xf32, #tpu.memory_space<vmem>> -> memref<1x64xf32, #tpu.memory_space<vmem>>
      %dma_start3A_230 = arith.constant 0 : i32
      %dma_start3A_231 = tpu.memref_slice %arg3[%squeeze3A_227, %dma_start3A_230] : memref<100000x64xf32, #tpu.memory_space<hbm>> -> memref<1x64xf32, #tpu.memory_space<hbm>>
      %dma_start3A_232 = arith.constant 0 : i32
      %dma_start3A_233 = tpu.memref_slice %arg17[%add3A_225, %dma_start3A_232] : memref<128x64xf32, #tpu.memory_space<vmem>> -> memref<1x64xf32, #tpu.memory_space<vmem>>
      %dma_start3A_234 = arith.constant 0 : i32
      %dma_start3A_235 = tpu.memref_slice %arg3[%squeeze3A_227, %dma_start3A_234] : memref<100000x64xf32, #tpu.memory_space<hbm>> -> memref<1x64xf32, #tpu.memory_space<hbm>>
      tpu.enqueue_dma source(%dma_start3A_235 : memref<1x64xf32, #tpu.memory_space<hbm>>) target(%dma_start3A_233 : memref<1x64xf32, #tpu.memory_space<vmem>>) target_semaphore(%arg20 : memref<!tpu.dma_semaphore, #tpu.memory_space<semaphore_mem>>)
      %slice3A_236 = vector.extract_strided_slice %get3A_199 {offsets = [1], sizes = [1], strides = [1]} : vector<16xi32> to vector<1xi32>
      %squeeze3A_237 = vector.extract %slice3A_236[0] : i32 from vector<1xi32>
      %dma_start3A_238 = arith.constant 0 : i32
      %dma_start3A_239 = tpu.memref_slice %arg18[%add3A_225, %dma_start3A_238] : memref<128x64xf32, #tpu.memory_space<vmem>> -> memref<1x64xf32, #tpu.memory_space<vmem>>
      %dma_start3A_240 = arith.constant 0 : i32
      %dma_start3A_241 = tpu.memref_slice %arg4[%squeeze3A_237, %dma_start3A_240] : memref<100000x64xf32, #tpu.memory_space<hbm>> -> memref<1x64xf32, #tpu.memory_space<hbm>>
      %dma_start3A_242 = arith.constant 0 : i32
      %dma_start3A_243 = tpu.memref_slice %arg18[%add3A_225, %dma_start3A_242] : memref<128x64xf32, #tpu.memory_space<vmem>> -> memref<1x64xf32, #tpu.memory_space<vmem>>
      %dma_start3A_244 = arith.constant 0 : i32
      %dma_start3A_245 = tpu.memref_slice %arg4[%squeeze3A_237, %dma_start3A_244] : memref<100000x64xf32, #tpu.memory_space<hbm>> -> memref<1x64xf32, #tpu.memory_space<hbm>>
      tpu.enqueue_dma source(%dma_start3A_245 : memref<1x64xf32, #tpu.memory_space<hbm>>) target(%dma_start3A_243 : memref<1x64xf32, #tpu.memory_space<vmem>>) target_semaphore(%arg21 : memref<!tpu.dma_semaphore, #tpu.memory_space<semaphore_mem>>)
      %mul3A_246 = arith.constant 16 : i32
      %mul3A_247 = arith.muli %scan3A_186, %mul3A_246 : i32
      %add3A_248 = arith.constant 2 : i32
      %add3A_249 = arith.addi %mul3A_247, %add3A_248 : i32
      %slice3A_250 = vector.extract_strided_slice %get3A_192 {offsets = [2], sizes = [1], strides = [1]} : vector<16xi32> to vector<1xi32>
      %squeeze3A_251 = vector.extract %slice3A_250[0] : i32 from vector<1xi32>
      %dma_start3A_252 = arith.constant 0 : i32
      %dma_start3A_253 = tpu.memref_slice %arg17[%add3A_249, %dma_start3A_252] : memref<128x64xf32, #tpu.memory_space<vmem>> -> memref<1x64xf32, #tpu.memory_space<vmem>>
      %dma_start3A_254 = arith.constant 0 : i32
      %dma_start3A_255 = tpu.memref_slice %arg3[%squeeze3A_251, %dma_start3A_254] : memref<100000x64xf32, #tpu.memory_space<hbm>> -> memref<1x64xf32, #tpu.memory_space<hbm>>
      %dma_start3A_256 = arith.constant 0 : i32
      %dma_start3A_257 = tpu.memref_slice %arg17[%add3A_249, %dma_start3A_256] : memref<128x64xf32, #tpu.memory_space<vmem>> -> memref<1x64xf32, #tpu.memory_space<vmem>>
      %dma_start3A_258 = arith.constant 0 : i32
      %dma_start3A_259 = tpu.memref_slice %arg3[%squeeze3A_251, %dma_start3A_258] : memref<100000x64xf32, #tpu.memory_space<hbm>> -> memref<1x64xf32, #tpu.memory_space<hbm>>
      tpu.enqueue_dma source(%dma_start3A_259 : memref<1x64xf32, #tpu.memory_space<hbm>>) target(%dma_start3A_257 : memref<1x64xf32, #tpu.memory_space<vmem>>) target_semaphore(%arg20 : memref<!tpu.dma_semaphore, #tpu.memory_space<semaphore_mem>>)
      %slice3A_260 = vector.extract_strided_slice %get3A_199 {offsets = [2], sizes = [1], strides = [1]} : vector<16xi32> to vector<1xi32>
      %squeeze3A_261 = vector.extract %slice3A_260[0] : i32 from vector<1xi32>
      %dma_start3A_262 = arith.constant 0 : i32
      %dma_start3A_263 = tpu.memref_slice %arg18[%add3A_249, %dma_start3A_262] : memref<128x64xf32, #tpu.memory_space<vmem>> -> memref<1x64xf32, #tpu.memory_space<vmem>>
      %dma_start3A_264 = arith.constant 0 : i32
      %dma_start3A_265 = tpu.memref_slice %arg4[%squeeze3A_261, %dma_start3A_264] : memref<100000x64xf32, #tpu.memory_space<hbm>> -> memref<1x64xf32, #tpu.memory_space<hbm>>
      %dma_start3A_266 = arith.constant 0 : i32
      %dma_start3A_267 = tpu.memref_slice %arg18[%add3A_249, %dma_start3A_266] : memref<128x64xf32, #tpu.memory_space<vmem>> -> memref<1x64xf32, #tpu.memory_space<vmem>>
      %dma_start3A_268 = arith.constant 0 : i32
      %dma_start3A_269 = tpu.memref_slice %arg4[%squeeze3A_261, %dma_start3A_268] : memref<100000x64xf32, #tpu.memory_space<hbm>> -> memref<1x64xf32, #tpu.memory_space<hbm>>
      tpu.enqueue_dma source(%dma_start3A_269 : memref<1x64xf32, #tpu.memory_space<hbm>>) target(%dma_start3A_267 : memref<1x64xf32, #tpu.memory_space<vmem>>) target_semaphore(%arg21 : memref<!tpu.dma_semaphore, #tpu.memory_space<semaphore_mem>>)
      %mul3A_270 = arith.constant 16 : i32
      %mul3A_271 = arith.muli %scan3A_186, %mul3A_270 : i32
      %add3A_272 = arith.constant 3 : i32
      %add3A_273 = arith.addi %mul3A_271, %add3A_272 : i32
      %slice3A_274 = vector.extract_strided_slice %get3A_192 {offsets = [3], sizes = [1], strides = [1]} : vector<16xi32> to vector<1xi32>
      %squeeze3A_275 = vector.extract %slice3A_274[0] : i32 from vector<1xi32>
      %dma_start3A_276 = arith.constant 0 : i32
      %dma_start3A_277 = tpu.memref_slice %arg17[%add3A_273, %dma_start3A_276] : memref<128x64xf32, #tpu.memory_space<vmem>> -> memref<1x64xf32, #tpu.memory_space<vmem>>
      %dma_start3A_278 = arith.constant 0 : i32
      %dma_start3A_279 = tpu.memref_slice %arg3[%squeeze3A_275, %dma_start3A_278] : memref<100000x64xf32, #tpu.memory_space<hbm>> -> memref<1x64xf32, #tpu.memory_space<hbm>>
      %dma_start3A_280 = arith.constant 0 : i32
      %dma_start3A_281 = tpu.memref_slice %arg17[%add3A_273, %dma_start3A_280] : memref<128x64xf32, #tpu.memory_space<vmem>> -> memref<1x64xf32, #tpu.memory_space<vmem>>
      %dma_start3A_282 = arith.constant 0 : i32
      %dma_start3A_283 = tpu.memref_slice %arg3[%squeeze3A_275, %dma_start3A_282] : memref<100000x64xf32, #tpu.memory_space<hbm>> -> memref<1x64xf32, #tpu.memory_space<hbm>>
      tpu.enqueue_dma source(%dma_start3A_283 : memref<1x64xf32, #tpu.memory_space<hbm>>) target(%dma_start3A_281 : memref<1x64xf32, #tpu.memory_space<vmem>>) target_semaphore(%arg20 : memref<!tpu.dma_semaphore, #tpu.memory_space<semaphore_mem>>)
      %slice3A_284 = vector.extract_strided_slice %get3A_199 {offsets = [3], sizes = [1], strides = [1]} : vector<16xi32> to vector<1xi32>
      %squeeze3A_285 = vector.extract %slice3A_284[0] : i32 from vector<1xi32>
      %dma_start3A_286 = arith.constant 0 : i32
      %dma_start3A_287 = tpu.memref_slice %arg18[%add3A_273, %dma_start3A_286] : memref<128x64xf32, #tpu.memory_space<vmem>> -> memref<1x64xf32, #tpu.memory_space<vmem>>
      %dma_start3A_288 = arith.constant 0 : i32
      %dma_start3A_289 = tpu.memref_slice %arg4[%squeeze3A_285, %dma_start3A_288] : memref<100000x64xf32, #tpu.memory_space<hbm>> -> memref<1x64xf32, #tpu.memory_space<hbm>>
      %dma_start3A_290 = arith.constant 0 : i32
      %dma_start3A_291 = tpu.memref_slice %arg18[%add3A_273, %dma_start3A_290] : memref<128x64xf32, #tpu.memory_space<vmem>> -> memref<1x64xf32, #tpu.memory_space<vmem>>
      %dma_start3A_292 = arith.constant 0 : i32
      %dma_start3A_293 = tpu.memref_slice %arg4[%squeeze3A_285, %dma_start3A_292] : memref<100000x64xf32, #tpu.memory_space<hbm>> -> memref<1x64xf32, #tpu.memory_space<hbm>>
      tpu.enqueue_dma source(%dma_start3A_293 : memref<1x64xf32, #tpu.memory_space<hbm>>) target(%dma_start3A_291 : memref<1x64xf32, #tpu.memory_space<vmem>>) target_semaphore(%arg21 : memref<!tpu.dma_semaphore, #tpu.memory_space<semaphore_mem>>)
      %mul3A_294 = arith.constant 16 : i32
      %mul3A_295 = arith.muli %scan3A_186, %mul3A_294 : i32
      %add3A_296 = arith.constant 4 : i32
      %add3A_297 = arith.addi %mul3A_295, %add3A_296 : i32
      %slice3A_298 = vector.extract_strided_slice %get3A_192 {offsets = [4], sizes = [1], strides = [1]} : vector<16xi32> to vector<1xi32>
      %squeeze3A_299 = vector.extract %slice3A_298[0] : i32 from vector<1xi32>
      %dma_start3A_300 = arith.constant 0 : i32
      %dma_start3A_301 = tpu.memref_slice %arg17[%add3A_297, %dma_start3A_300] : memref<128x64xf32, #tpu.memory_space<vmem>> -> memref<1x64xf32, #tpu.memory_space<vmem>>
      %dma_start3A_302 = arith.constant 0 : i32
      %dma_start3A_303 = tpu.memref_slice %arg3[%squeeze3A_299, %dma_start3A_302] : memref<100000x64xf32, #tpu.memory_space<hbm>> -> memref<1x64xf32, #tpu.memory_space<hbm>>
      %dma_start3A_304 = arith.constant 0 : i32
      %dma_start3A_305 = tpu.memref_slice %arg17[%add3A_297, %dma_start3A_304] : memref<128x64xf32, #tpu.memory_space<vmem>> -> memref<1x64xf32, #tpu.memory_space<vmem>>
      %dma_start3A_306 = arith.constant 0 : i32
      %dma_start3A_307 = tpu.memref_slice %arg3[%squeeze3A_299, %dma_start3A_306] : memref<100000x64xf32, #tpu.memory_space<hbm>> -> memref<1x64xf32, #tpu.memory_space<hbm>>
      tpu.enqueue_dma source(%dma_start3A_307 : memref<1x64xf32, #tpu.memory_space<hbm>>) target(%dma_start3A_305 : memref<1x64xf32, #tpu.memory_space<vmem>>) target_semaphore(%arg20 : memref<!tpu.dma_semaphore, #tpu.memory_space<semaphore_mem>>)
      %slice3A_308 = vector.extract_strided_slice %get3A_199 {offsets = [4], sizes = [1], strides = [1]} : vector<16xi32> to vector<1xi32>
      %squeeze3A_309 = vector.extract %slice3A_308[0] : i32 from vector<1xi32>
      %dma_start3A_310 = arith.constant 0 : i32
      %dma_start3A_311 = tpu.memref_slice %arg18[%add3A_297, %dma_start3A_310] : memref<128x64xf32, #tpu.memory_space<vmem>> -> memref<1x64xf32, #tpu.memory_space<vmem>>
      %dma_start3A_312 = arith.constant 0 : i32
      %dma_start3A_313 = tpu.memref_slice %arg4[%squeeze3A_309, %dma_start3A_312] : memref<100000x64xf32, #tpu.memory_space<hbm>> -> memref<1x64xf32, #tpu.memory_space<hbm>>
      %dma_start3A_314 = arith.constant 0 : i32
      %dma_start3A_315 = tpu.memref_slice %arg18[%add3A_297, %dma_start3A_314] : memref<128x64xf32, #tpu.memory_space<vmem>> -> memref<1x64xf32, #tpu.memory_space<vmem>>
      %dma_start3A_316 = arith.constant 0 : i32
      %dma_start3A_317 = tpu.memref_slice %arg4[%squeeze3A_309, %dma_start3A_316] : memref<100000x64xf32, #tpu.memory_space<hbm>> -> memref<1x64xf32, #tpu.memory_space<hbm>>
      tpu.enqueue_dma source(%dma_start3A_317 : memref<1x64xf32, #tpu.memory_space<hbm>>) target(%dma_start3A_315 : memref<1x64xf32, #tpu.memory_space<vmem>>) target_semaphore(%arg21 : memref<!tpu.dma_semaphore, #tpu.memory_space<semaphore_mem>>)
      %mul3A_318 = arith.constant 16 : i32
      %mul3A_319 = arith.muli %scan3A_186, %mul3A_318 : i32
      %add3A_320 = arith.constant 5 : i32
      %add3A_321 = arith.addi %mul3A_319, %add3A_320 : i32
      %slice3A_322 = vector.extract_strided_slice %get3A_192 {offsets = [5], sizes = [1], strides = [1]} : vector<16xi32> to vector<1xi32>
      %squeeze3A_323 = vector.extract %slice3A_322[0] : i32 from vector<1xi32>
      %dma_start3A_324 = arith.constant 0 : i32
      %dma_start3A_325 = tpu.memref_slice %arg17[%add3A_321, %dma_start3A_324] : memref<128x64xf32, #tpu.memory_space<vmem>> -> memref<1x64xf32, #tpu.memory_space<vmem>>
      %dma_start3A_326 = arith.constant 0 : i32
      %dma_start3A_327 = tpu.memref_slice %arg3[%squeeze3A_323, %dma_start3A_326] : memref<100000x64xf32, #tpu.memory_space<hbm>> -> memref<1x64xf32, #tpu.memory_space<hbm>>
      %dma_start3A_328 = arith.constant 0 : i32
      %dma_start3A_329 = tpu.memref_slice %arg17[%add3A_321, %dma_start3A_328] : memref<128x64xf32, #tpu.memory_space<vmem>> -> memref<1x64xf32, #tpu.memory_space<vmem>>
      %dma_start3A_330 = arith.constant 0 : i32
      %dma_start3A_331 = tpu.memref_slice %arg3[%squeeze3A_323, %dma_start3A_330] : memref<100000x64xf32, #tpu.memory_space<hbm>> -> memref<1x64xf32, #tpu.memory_space<hbm>>
      tpu.enqueue_dma source(%dma_start3A_331 : memref<1x64xf32, #tpu.memory_space<hbm>>) target(%dma_start3A_329 : memref<1x64xf32, #tpu.memory_space<vmem>>) target_semaphore(%arg20 : memref<!tpu.dma_semaphore, #tpu.memory_space<semaphore_mem>>)
      %slice3A_332 = vector.extract_strided_slice %get3A_199 {offsets = [5], sizes = [1], strides = [1]} : vector<16xi32> to vector<1xi32>
      %squeeze3A_333 = vector.extract %slice3A_332[0] : i32 from vector<1xi32>
      %dma_start3A_334 = arith.constant 0 : i32
      %dma_start3A_335 = tpu.memref_slice %arg18[%add3A_321, %dma_start3A_334] : memref<128x64xf32, #tpu.memory_space<vmem>> -> memref<1x64xf32, #tpu.memory_space<vmem>>
      %dma_start3A_336 = arith.constant 0 : i32
      %dma_start3A_337 = tpu.memref_slice %arg4[%squeeze3A_333, %dma_start3A_336] : memref<100000x64xf32, #tpu.memory_space<hbm>> -> memref<1x64xf32, #tpu.memory_space<hbm>>
      %dma_start3A_338 = arith.constant 0 : i32
      %dma_start3A_339 = tpu.memref_slice %arg18[%add3A_321, %dma_start3A_338] : memref<128x64xf32, #tpu.memory_space<vmem>> -> memref<1x64xf32, #tpu.memory_space<vmem>>
      %dma_start3A_340 = arith.constant 0 : i32
      %dma_start3A_341 = tpu.memref_slice %arg4[%squeeze3A_333, %dma_start3A_340] : memref<100000x64xf32, #tpu.memory_space<hbm>> -> memref<1x64xf32, #tpu.memory_space<hbm>>
      tpu.enqueue_dma source(%dma_start3A_341 : memref<1x64xf32, #tpu.memory_space<hbm>>) target(%dma_start3A_339 : memref<1x64xf32, #tpu.memory_space<vmem>>) target_semaphore(%arg21 : memref<!tpu.dma_semaphore, #tpu.memory_space<semaphore_mem>>)
      %mul3A_342 = arith.constant 16 : i32
      %mul3A_343 = arith.muli %scan3A_186, %mul3A_342 : i32
      %add3A_344 = arith.constant 6 : i32
      %add3A_345 = arith.addi %mul3A_343, %add3A_344 : i32
      %slice3A_346 = vector.extract_strided_slice %get3A_192 {offsets = [6], sizes = [1], strides = [1]} : vector<16xi32> to vector<1xi32>
      %squeeze3A_347 = vector.extract %slice3A_346[0] : i32 from vector<1xi32>
      %dma_start3A_348 = arith.constant 0 : i32
      %dma_start3A_349 = tpu.memref_slice %arg17[%add3A_345, %dma_start3A_348] : memref<128x64xf32, #tpu.memory_space<vmem>> -> memref<1x64xf32, #tpu.memory_space<vmem>>
      %dma_start3A_350 = arith.constant 0 : i32
      %dma_start3A_351 = tpu.memref_slice %arg3[%squeeze3A_347, %dma_start3A_350] : memref<100000x64xf32, #tpu.memory_space<hbm>> -> memref<1x64xf32, #tpu.memory_space<hbm>>
      %dma_start3A_352 = arith.constant 0 : i32
      %dma_start3A_353 = tpu.memref_slice %arg17[%add3A_345, %dma_start3A_352] : memref<128x64xf32, #tpu.memory_space<vmem>> -> memref<1x64xf32, #tpu.memory_space<vmem>>
      %dma_start3A_354 = arith.constant 0 : i32
      %dma_start3A_355 = tpu.memref_slice %arg3[%squeeze3A_347, %dma_start3A_354] : memref<100000x64xf32, #tpu.memory_space<hbm>> -> memref<1x64xf32, #tpu.memory_space<hbm>>
      tpu.enqueue_dma source(%dma_start3A_355 : memref<1x64xf32, #tpu.memory_space<hbm>>) target(%dma_start3A_353 : memref<1x64xf32, #tpu.memory_space<vmem>>) target_semaphore(%arg20 : memref<!tpu.dma_semaphore, #tpu.memory_space<semaphore_mem>>)
      %slice3A_356 = vector.extract_strided_slice %get3A_199 {offsets = [6], sizes = [1], strides = [1]} : vector<16xi32> to vector<1xi32>
      %squeeze3A_357 = vector.extract %slice3A_356[0] : i32 from vector<1xi32>
      %dma_start3A_358 = arith.constant 0 : i32
      %dma_start3A_359 = tpu.memref_slice %arg18[%add3A_345, %dma_start3A_358] : memref<128x64xf32, #tpu.memory_space<vmem>> -> memref<1x64xf32, #tpu.memory_space<vmem>>
      %dma_start3A_360 = arith.constant 0 : i32
      %dma_start3A_361 = tpu.memref_slice %arg4[%squeeze3A_357, %dma_start3A_360] : memref<100000x64xf32, #tpu.memory_space<hbm>> -> memref<1x64xf32, #tpu.memory_space<hbm>>
      %dma_start3A_362 = arith.constant 0 : i32
      %dma_start3A_363 = tpu.memref_slice %arg18[%add3A_345, %dma_start3A_362] : memref<128x64xf32, #tpu.memory_space<vmem>> -> memref<1x64xf32, #tpu.memory_space<vmem>>
      %dma_start3A_364 = arith.constant 0 : i32
      %dma_start3A_365 = tpu.memref_slice %arg4[%squeeze3A_357, %dma_start3A_364] : memref<100000x64xf32, #tpu.memory_space<hbm>> -> memref<1x64xf32, #tpu.memory_space<hbm>>
      tpu.enqueue_dma source(%dma_start3A_365 : memref<1x64xf32, #tpu.memory_space<hbm>>) target(%dma_start3A_363 : memref<1x64xf32, #tpu.memory_space<vmem>>) target_semaphore(%arg21 : memref<!tpu.dma_semaphore, #tpu.memory_space<semaphore_mem>>)
      %mul3A_366 = arith.constant 16 : i32
      %mul3A_367 = arith.muli %scan3A_186, %mul3A_366 : i32
      %add3A_368 = arith.constant 7 : i32
      %add3A_369 = arith.addi %mul3A_367, %add3A_368 : i32
      %slice3A_370 = vector.extract_strided_slice %get3A_192 {offsets = [7], sizes = [1], strides = [1]} : vector<16xi32> to vector<1xi32>
      %squeeze3A_371 = vector.extract %slice3A_370[0] : i32 from vector<1xi32>
      %dma_start3A_372 = arith.constant 0 : i32
      %dma_start3A_373 = tpu.memref_slice %arg17[%add3A_369, %dma_start3A_372] : memref<128x64xf32, #tpu.memory_space<vmem>> -> memref<1x64xf32, #tpu.memory_space<vmem>>
      %dma_start3A_374 = arith.constant 0 : i32
      %dma_start3A_375 = tpu.memref_slice %arg3[%squeeze3A_371, %dma_start3A_374] : memref<100000x64xf32, #tpu.memory_space<hbm>> -> memref<1x64xf32, #tpu.memory_space<hbm>>
      %dma_start3A_376 = arith.constant 0 : i32
      %dma_start3A_377 = tpu.memref_slice %arg17[%add3A_369, %dma_start3A_376] : memref<128x64xf32, #tpu.memory_space<vmem>> -> memref<1x64xf32, #tpu.memory_space<vmem>>
      %dma_start3A_378 = arith.constant 0 : i32
      %dma_start3A_379 = tpu.memref_slice %arg3[%squeeze3A_371, %dma_start3A_378] : memref<100000x64xf32, #tpu.memory_space<hbm>> -> memref<1x64xf32, #tpu.memory_space<hbm>>
      tpu.enqueue_dma source(%dma_start3A_379 : memref<1x64xf32, #tpu.memory_space<hbm>>) target(%dma_start3A_377 : memref<1x64xf32, #tpu.memory_space<vmem>>) target_semaphore(%arg20 : memref<!tpu.dma_semaphore, #tpu.memory_space<semaphore_mem>>)
      %slice3A_380 = vector.extract_strided_slice %get3A_199 {offsets = [7], sizes = [1], strides = [1]} : vector<16xi32> to vector<1xi32>
      %squeeze3A_381 = vector.extract %slice3A_380[0] : i32 from vector<1xi32>
      %dma_start3A_382 = arith.constant 0 : i32
      %dma_start3A_383 = tpu.memref_slice %arg18[%add3A_369, %dma_start3A_382] : memref<128x64xf32, #tpu.memory_space<vmem>> -> memref<1x64xf32, #tpu.memory_space<vmem>>
      %dma_start3A_384 = arith.constant 0 : i32
      %dma_start3A_385 = tpu.memref_slice %arg4[%squeeze3A_381, %dma_start3A_384] : memref<100000x64xf32, #tpu.memory_space<hbm>> -> memref<1x64xf32, #tpu.memory_space<hbm>>
      %dma_start3A_386 = arith.constant 0 : i32
      %dma_start3A_387 = tpu.memref_slice %arg18[%add3A_369, %dma_start3A_386] : memref<128x64xf32, #tpu.memory_space<vmem>> -> memref<1x64xf32, #tpu.memory_space<vmem>>
      %dma_start3A_388 = arith.constant 0 : i32
      %dma_start3A_389 = tpu.memref_slice %arg4[%squeeze3A_381, %dma_start3A_388] : memref<100000x64xf32, #tpu.memory_space<hbm>> -> memref<1x64xf32, #tpu.memory_space<hbm>>
      tpu.enqueue_dma source(%dma_start3A_389 : memref<1x64xf32, #tpu.memory_space<hbm>>) target(%dma_start3A_387 : memref<1x64xf32, #tpu.memory_space<vmem>>) target_semaphore(%arg21 : memref<!tpu.dma_semaphore, #tpu.memory_space<semaphore_mem>>)
      %mul3A_390 = arith.constant 16 : i32
      %mul3A_391 = arith.muli %scan3A_186, %mul3A_390 : i32
      %add3A_392 = arith.constant 8 : i32
      %add3A_393 = arith.addi %mul3A_391, %add3A_392 : i32
      %slice3A_394 = vector.extract_strided_slice %get3A_192 {offsets = [8], sizes = [1], strides = [1]} : vector<16xi32> to vector<1xi32>
      %squeeze3A_395 = vector.extract %slice3A_394[0] : i32 from vector<1xi32>
      %dma_start3A_396 = arith.constant 0 : i32
      %dma_start3A_397 = tpu.memref_slice %arg17[%add3A_393, %dma_start3A_396] : memref<128x64xf32, #tpu.memory_space<vmem>> -> memref<1x64xf32, #tpu.memory_space<vmem>>
      %dma_start3A_398 = arith.constant 0 : i32
      %dma_start3A_399 = tpu.memref_slice %arg3[%squeeze3A_395, %dma_start3A_398] : memref<100000x64xf32, #tpu.memory_space<hbm>> -> memref<1x64xf32, #tpu.memory_space<hbm>>
      %dma_start3A_400 = arith.constant 0 : i32
      %dma_start3A_401 = tpu.memref_slice %arg17[%add3A_393, %dma_start3A_400] : memref<128x64xf32, #tpu.memory_space<vmem>> -> memref<1x64xf32, #tpu.memory_space<vmem>>
      %dma_start3A_402 = arith.constant 0 : i32
      %dma_start3A_403 = tpu.memref_slice %arg3[%squeeze3A_395, %dma_start3A_402] : memref<100000x64xf32, #tpu.memory_space<hbm>> -> memref<1x64xf32, #tpu.memory_space<hbm>>
      tpu.enqueue_dma source(%dma_start3A_403 : memref<1x64xf32, #tpu.memory_space<hbm>>) target(%dma_start3A_401 : memref<1x64xf32, #tpu.memory_space<vmem>>) target_semaphore(%arg20 : memref<!tpu.dma_semaphore, #tpu.memory_space<semaphore_mem>>)
      %slice3A_404 = vector.extract_strided_slice %get3A_199 {offsets = [8], sizes = [1], strides = [1]} : vector<16xi32> to vector<1xi32>
      %squeeze3A_405 = vector.extract %slice3A_404[0] : i32 from vector<1xi32>
      %dma_start3A_406 = arith.constant 0 : i32
      %dma_start3A_407 = tpu.memref_slice %arg18[%add3A_393, %dma_start3A_406] : memref<128x64xf32, #tpu.memory_space<vmem>> -> memref<1x64xf32, #tpu.memory_space<vmem>>
      %dma_start3A_408 = arith.constant 0 : i32
      %dma_start3A_409 = tpu.memref_slice %arg4[%squeeze3A_405, %dma_start3A_408] : memref<100000x64xf32, #tpu.memory_space<hbm>> -> memref<1x64xf32, #tpu.memory_space<hbm>>
      %dma_start3A_410 = arith.constant 0 : i32
      %dma_start3A_411 = tpu.memref_slice %arg18[%add3A_393, %dma_start3A_410] : memref<128x64xf32, #tpu.memory_space<vmem>> -> memref<1x64xf32, #tpu.memory_space<vmem>>
      %dma_start3A_412 = arith.constant 0 : i32
      %dma_start3A_413 = tpu.memref_slice %arg4[%squeeze3A_405, %dma_start3A_412] : memref<100000x64xf32, #tpu.memory_space<hbm>> -> memref<1x64xf32, #tpu.memory_space<hbm>>
      tpu.enqueue_dma source(%dma_start3A_413 : memref<1x64xf32, #tpu.memory_space<hbm>>) target(%dma_start3A_411 : memref<1x64xf32, #tpu.memory_space<vmem>>) target_semaphore(%arg21 : memref<!tpu.dma_semaphore, #tpu.memory_space<semaphore_mem>>)
      %mul3A_414 = arith.constant 16 : i32
      %mul3A_415 = arith.muli %scan3A_186, %mul3A_414 : i32
      %add3A_416 = arith.constant 9 : i32
      %add3A_417 = arith.addi %mul3A_415, %add3A_416 : i32
      %slice3A_418 = vector.extract_strided_slice %get3A_192 {offsets = [9], sizes = [1], strides = [1]} : vector<16xi32> to vector<1xi32>
      %squeeze3A_419 = vector.extract %slice3A_418[0] : i32 from vector<1xi32>
      %dma_start3A_420 = arith.constant 0 : i32
      %dma_start3A_421 = tpu.memref_slice %arg17[%add3A_417, %dma_start3A_420] : memref<128x64xf32, #tpu.memory_space<vmem>> -> memref<1x64xf32, #tpu.memory_space<vmem>>
      %dma_start3A_422 = arith.constant 0 : i32
      %dma_start3A_423 = tpu.memref_slice %arg3[%squeeze3A_419, %dma_start3A_422] : memref<100000x64xf32, #tpu.memory_space<hbm>> -> memref<1x64xf32, #tpu.memory_space<hbm>>
      %dma_start3A_424 = arith.constant 0 : i32
      %dma_start3A_425 = tpu.memref_slice %arg17[%add3A_417, %dma_start3A_424] : memref<128x64xf32, #tpu.memory_space<vmem>> -> memref<1x64xf32, #tpu.memory_space<vmem>>
      %dma_start3A_426 = arith.constant 0 : i32
      %dma_start3A_427 = tpu.memref_slice %arg3[%squeeze3A_419, %dma_start3A_426] : memref<100000x64xf32, #tpu.memory_space<hbm>> -> memref<1x64xf32, #tpu.memory_space<hbm>>
      tpu.enqueue_dma source(%dma_start3A_427 : memref<1x64xf32, #tpu.memory_space<hbm>>) target(%dma_start3A_425 : memref<1x64xf32, #tpu.memory_space<vmem>>) target_semaphore(%arg20 : memref<!tpu.dma_semaphore, #tpu.memory_space<semaphore_mem>>)
      %slice3A_428 = vector.extract_strided_slice %get3A_199 {offsets = [9], sizes = [1], strides = [1]} : vector<16xi32> to vector<1xi32>
      %squeeze3A_429 = vector.extract %slice3A_428[0] : i32 from vector<1xi32>
      %dma_start3A_430 = arith.constant 0 : i32
      %dma_start3A_431 = tpu.memref_slice %arg18[%add3A_417, %dma_start3A_430] : memref<128x64xf32, #tpu.memory_space<vmem>> -> memref<1x64xf32, #tpu.memory_space<vmem>>
      %dma_start3A_432 = arith.constant 0 : i32
      %dma_start3A_433 = tpu.memref_slice %arg4[%squeeze3A_429, %dma_start3A_432] : memref<100000x64xf32, #tpu.memory_space<hbm>> -> memref<1x64xf32, #tpu.memory_space<hbm>>
      %dma_start3A_434 = arith.constant 0 : i32
      %dma_start3A_435 = tpu.memref_slice %arg18[%add3A_417, %dma_start3A_434] : memref<128x64xf32, #tpu.memory_space<vmem>> -> memref<1x64xf32, #tpu.memory_space<vmem>>
      %dma_start3A_436 = arith.constant 0 : i32
      %dma_start3A_437 = tpu.memref_slice %arg4[%squeeze3A_429, %dma_start3A_436] : memref<100000x64xf32, #tpu.memory_space<hbm>> -> memref<1x64xf32, #tpu.memory_space<hbm>>
      tpu.enqueue_dma source(%dma_start3A_437 : memref<1x64xf32, #tpu.memory_space<hbm>>) target(%dma_start3A_435 : memref<1x64xf32, #tpu.memory_space<vmem>>) target_semaphore(%arg21 : memref<!tpu.dma_semaphore, #tpu.memory_space<semaphore_mem>>)
      %mul3A_438 = arith.constant 16 : i32
      %mul3A_439 = arith.muli %scan3A_186, %mul3A_438 : i32
      %add3A_440 = arith.constant 10 : i32
      %add3A_441 = arith.addi %mul3A_439, %add3A_440 : i32
      %slice3A_442 = vector.extract_strided_slice %get3A_192 {offsets = [10], sizes = [1], strides = [1]} : vector<16xi32> to vector<1xi32>
      %squeeze3A_443 = vector.extract %slice3A_442[0] : i32 from vector<1xi32>
      %dma_start3A_444 = arith.constant 0 : i32
      %dma_start3A_445 = tpu.memref_slice %arg17[%add3A_441, %dma_start3A_444] : memref<128x64xf32, #tpu.memory_space<vmem>> -> memref<1x64xf32, #tpu.memory_space<vmem>>
      %dma_start3A_446 = arith.constant 0 : i32
      %dma_start3A_447 = tpu.memref_slice %arg3[%squeeze3A_443, %dma_start3A_446] : memref<100000x64xf32, #tpu.memory_space<hbm>> -> memref<1x64xf32, #tpu.memory_space<hbm>>
      %dma_start3A_448 = arith.constant 0 : i32
      %dma_start3A_449 = tpu.memref_slice %arg17[%add3A_441, %dma_start3A_448] : memref<128x64xf32, #tpu.memory_space<vmem>> -> memref<1x64xf32, #tpu.memory_space<vmem>>
      %dma_start3A_450 = arith.constant 0 : i32
      %dma_start3A_451 = tpu.memref_slice %arg3[%squeeze3A_443, %dma_start3A_450] : memref<100000x64xf32, #tpu.memory_space<hbm>> -> memref<1x64xf32, #tpu.memory_space<hbm>>
      tpu.enqueue_dma source(%dma_start3A_451 : memref<1x64xf32, #tpu.memory_space<hbm>>) target(%dma_start3A_449 : memref<1x64xf32, #tpu.memory_space<vmem>>) target_semaphore(%arg20 : memref<!tpu.dma_semaphore, #tpu.memory_space<semaphore_mem>>)
      %slice3A_452 = vector.extract_strided_slice %get3A_199 {offsets = [10], sizes = [1], strides = [1]} : vector<16xi32> to vector<1xi32>
      %squeeze3A_453 = vector.extract %slice3A_452[0] : i32 from vector<1xi32>
      %dma_start3A_454 = arith.constant 0 : i32
      %dma_start3A_455 = tpu.memref_slice %arg18[%add3A_441, %dma_start3A_454] : memref<128x64xf32, #tpu.memory_space<vmem>> -> memref<1x64xf32, #tpu.memory_space<vmem>>
      %dma_start3A_456 = arith.constant 0 : i32
      %dma_start3A_457 = tpu.memref_slice %arg4[%squeeze3A_453, %dma_start3A_456] : memref<100000x64xf32, #tpu.memory_space<hbm>> -> memref<1x64xf32, #tpu.memory_space<hbm>>
      %dma_start3A_458 = arith.constant 0 : i32
      %dma_start3A_459 = tpu.memref_slice %arg18[%add3A_441, %dma_start3A_458] : memref<128x64xf32, #tpu.memory_space<vmem>> -> memref<1x64xf32, #tpu.memory_space<vmem>>
      %dma_start3A_460 = arith.constant 0 : i32
      %dma_start3A_461 = tpu.memref_slice %arg4[%squeeze3A_453, %dma_start3A_460] : memref<100000x64xf32, #tpu.memory_space<hbm>> -> memref<1x64xf32, #tpu.memory_space<hbm>>
      tpu.enqueue_dma source(%dma_start3A_461 : memref<1x64xf32, #tpu.memory_space<hbm>>) target(%dma_start3A_459 : memref<1x64xf32, #tpu.memory_space<vmem>>) target_semaphore(%arg21 : memref<!tpu.dma_semaphore, #tpu.memory_space<semaphore_mem>>)
      %mul3A_462 = arith.constant 16 : i32
      %mul3A_463 = arith.muli %scan3A_186, %mul3A_462 : i32
      %add3A_464 = arith.constant 11 : i32
      %add3A_465 = arith.addi %mul3A_463, %add3A_464 : i32
      %slice3A_466 = vector.extract_strided_slice %get3A_192 {offsets = [11], sizes = [1], strides = [1]} : vector<16xi32> to vector<1xi32>
      %squeeze3A_467 = vector.extract %slice3A_466[0] : i32 from vector<1xi32>
      %dma_start3A_468 = arith.constant 0 : i32
      %dma_start3A_469 = tpu.memref_slice %arg17[%add3A_465, %dma_start3A_468] : memref<128x64xf32, #tpu.memory_space<vmem>> -> memref<1x64xf32, #tpu.memory_space<vmem>>
      %dma_start3A_470 = arith.constant 0 : i32
      %dma_start3A_471 = tpu.memref_slice %arg3[%squeeze3A_467, %dma_start3A_470] : memref<100000x64xf32, #tpu.memory_space<hbm>> -> memref<1x64xf32, #tpu.memory_space<hbm>>
      %dma_start3A_472 = arith.constant 0 : i32
      %dma_start3A_473 = tpu.memref_slice %arg17[%add3A_465, %dma_start3A_472] : memref<128x64xf32, #tpu.memory_space<vmem>> -> memref<1x64xf32, #tpu.memory_space<vmem>>
      %dma_start3A_474 = arith.constant 0 : i32
      %dma_start3A_475 = tpu.memref_slice %arg3[%squeeze3A_467, %dma_start3A_474] : memref<100000x64xf32, #tpu.memory_space<hbm>> -> memref<1x64xf32, #tpu.memory_space<hbm>>
      tpu.enqueue_dma source(%dma_start3A_475 : memref<1x64xf32, #tpu.memory_space<hbm>>) target(%dma_start3A_473 : memref<1x64xf32, #tpu.memory_space<vmem>>) target_semaphore(%arg20 : memref<!tpu.dma_semaphore, #tpu.memory_space<semaphore_mem>>)
      %slice3A_476 = vector.extract_strided_slice %get3A_199 {offsets = [11], sizes = [1], strides = [1]} : vector<16xi32> to vector<1xi32>
      %squeeze3A_477 = vector.extract %slice3A_476[0] : i32 from vector<1xi32>
      %dma_start3A_478 = arith.constant 0 : i32
      %dma_start3A_479 = tpu.memref_slice %arg18[%add3A_465, %dma_start3A_478] : memref<128x64xf32, #tpu.memory_space<vmem>> -> memref<1x64xf32, #tpu.memory_space<vmem>>
      %dma_start3A_480 = arith.constant 0 : i32
      %dma_start3A_481 = tpu.memref_slice %arg4[%squeeze3A_477, %dma_start3A_480] : memref<100000x64xf32, #tpu.memory_space<hbm>> -> memref<1x64xf32, #tpu.memory_space<hbm>>
      %dma_start3A_482 = arith.constant 0 : i32
      %dma_start3A_483 = tpu.memref_slice %arg18[%add3A_465, %dma_start3A_482] : memref<128x64xf32, #tpu.memory_space<vmem>> -> memref<1x64xf32, #tpu.memory_space<vmem>>
      %dma_start3A_484 = arith.constant 0 : i32
      %dma_start3A_485 = tpu.memref_slice %arg4[%squeeze3A_477, %dma_start3A_484] : memref<100000x64xf32, #tpu.memory_space<hbm>> -> memref<1x64xf32, #tpu.memory_space<hbm>>
      tpu.enqueue_dma source(%dma_start3A_485 : memref<1x64xf32, #tpu.memory_space<hbm>>) target(%dma_start3A_483 : memref<1x64xf32, #tpu.memory_space<vmem>>) target_semaphore(%arg21 : memref<!tpu.dma_semaphore, #tpu.memory_space<semaphore_mem>>)
      %mul3A_486 = arith.constant 16 : i32
      %mul3A_487 = arith.muli %scan3A_186, %mul3A_486 : i32
      %add3A_488 = arith.constant 12 : i32
      %add3A_489 = arith.addi %mul3A_487, %add3A_488 : i32
      %slice3A_490 = vector.extract_strided_slice %get3A_192 {offsets = [12], sizes = [1], strides = [1]} : vector<16xi32> to vector<1xi32>
      %squeeze3A_491 = vector.extract %slice3A_490[0] : i32 from vector<1xi32>
      %dma_start3A_492 = arith.constant 0 : i32
      %dma_start3A_493 = tpu.memref_slice %arg17[%add3A_489, %dma_start3A_492] : memref<128x64xf32, #tpu.memory_space<vmem>> -> memref<1x64xf32, #tpu.memory_space<vmem>>
      %dma_start3A_494 = arith.constant 0 : i32
      %dma_start3A_495 = tpu.memref_slice %arg3[%squeeze3A_491, %dma_start3A_494] : memref<100000x64xf32, #tpu.memory_space<hbm>> -> memref<1x64xf32, #tpu.memory_space<hbm>>
      %dma_start3A_496 = arith.constant 0 : i32
      %dma_start3A_497 = tpu.memref_slice %arg17[%add3A_489, %dma_start3A_496] : memref<128x64xf32, #tpu.memory_space<vmem>> -> memref<1x64xf32, #tpu.memory_space<vmem>>
      %dma_start3A_498 = arith.constant 0 : i32
      %dma_start3A_499 = tpu.memref_slice %arg3[%squeeze3A_491, %dma_start3A_498] : memref<100000x64xf32, #tpu.memory_space<hbm>> -> memref<1x64xf32, #tpu.memory_space<hbm>>
      tpu.enqueue_dma source(%dma_start3A_499 : memref<1x64xf32, #tpu.memory_space<hbm>>) target(%dma_start3A_497 : memref<1x64xf32, #tpu.memory_space<vmem>>) target_semaphore(%arg20 : memref<!tpu.dma_semaphore, #tpu.memory_space<semaphore_mem>>)
      %slice3A_500 = vector.extract_strided_slice %get3A_199 {offsets = [12], sizes = [1], strides = [1]} : vector<16xi32> to vector<1xi32>
      %squeeze3A_501 = vector.extract %slice3A_500[0] : i32 from vector<1xi32>
      %dma_start3A_502 = arith.constant 0 : i32
      %dma_start3A_503 = tpu.memref_slice %arg18[%add3A_489, %dma_start3A_502] : memref<128x64xf32, #tpu.memory_space<vmem>> -> memref<1x64xf32, #tpu.memory_space<vmem>>
      %dma_start3A_504 = arith.constant 0 : i32
      %dma_start3A_505 = tpu.memref_slice %arg4[%squeeze3A_501, %dma_start3A_504] : memref<100000x64xf32, #tpu.memory_space<hbm>> -> memref<1x64xf32, #tpu.memory_space<hbm>>
      %dma_start3A_506 = arith.constant 0 : i32
      %dma_start3A_507 = tpu.memref_slice %arg18[%add3A_489, %dma_start3A_506] : memref<128x64xf32, #tpu.memory_space<vmem>> -> memref<1x64xf32, #tpu.memory_space<vmem>>
      %dma_start3A_508 = arith.constant 0 : i32
      %dma_start3A_509 = tpu.memref_slice %arg4[%squeeze3A_501, %dma_start3A_508] : memref<100000x64xf32, #tpu.memory_space<hbm>> -> memref<1x64xf32, #tpu.memory_space<hbm>>
      tpu.enqueue_dma source(%dma_start3A_509 : memref<1x64xf32, #tpu.memory_space<hbm>>) target(%dma_start3A_507 : memref<1x64xf32, #tpu.memory_space<vmem>>) target_semaphore(%arg21 : memref<!tpu.dma_semaphore, #tpu.memory_space<semaphore_mem>>)
      %mul3A_510 = arith.constant 16 : i32
      %mul3A_511 = arith.muli %scan3A_186, %mul3A_510 : i32
      %add3A_512 = arith.constant 13 : i32
      %add3A_513 = arith.addi %mul3A_511, %add3A_512 : i32
      %slice3A_514 = vector.extract_strided_slice %get3A_192 {offsets = [13], sizes = [1], strides = [1]} : vector<16xi32> to vector<1xi32>
      %squeeze3A_515 = vector.extract %slice3A_514[0] : i32 from vector<1xi32>
      %dma_start3A_516 = arith.constant 0 : i32
      %dma_start3A_517 = tpu.memref_slice %arg17[%add3A_513, %dma_start3A_516] : memref<128x64xf32, #tpu.memory_space<vmem>> -> memref<1x64xf32, #tpu.memory_space<vmem>>
      %dma_start3A_518 = arith.constant 0 : i32
      %dma_start3A_519 = tpu.memref_slice %arg3[%squeeze3A_515, %dma_start3A_518] : memref<100000x64xf32, #tpu.memory_space<hbm>> -> memref<1x64xf32, #tpu.memory_space<hbm>>
      %dma_start3A_520 = arith.constant 0 : i32
      %dma_start3A_521 = tpu.memref_slice %arg17[%add3A_513, %dma_start3A_520] : memref<128x64xf32, #tpu.memory_space<vmem>> -> memref<1x64xf32, #tpu.memory_space<vmem>>
      %dma_start3A_522 = arith.constant 0 : i32
      %dma_start3A_523 = tpu.memref_slice %arg3[%squeeze3A_515, %dma_start3A_522] : memref<100000x64xf32, #tpu.memory_space<hbm>> -> memref<1x64xf32, #tpu.memory_space<hbm>>
      tpu.enqueue_dma source(%dma_start3A_523 : memref<1x64xf32, #tpu.memory_space<hbm>>) target(%dma_start3A_521 : memref<1x64xf32, #tpu.memory_space<vmem>>) target_semaphore(%arg20 : memref<!tpu.dma_semaphore, #tpu.memory_space<semaphore_mem>>)
      %slice3A_524 = vector.extract_strided_slice %get3A_199 {offsets = [13], sizes = [1], strides = [1]} : vector<16xi32> to vector<1xi32>
      %squeeze3A_525 = vector.extract %slice3A_524[0] : i32 from vector<1xi32>
      %dma_start3A_526 = arith.constant 0 : i32
      %dma_start3A_527 = tpu.memref_slice %arg18[%add3A_513, %dma_start3A_526] : memref<128x64xf32, #tpu.memory_space<vmem>> -> memref<1x64xf32, #tpu.memory_space<vmem>>
      %dma_start3A_528 = arith.constant 0 : i32
      %dma_start3A_529 = tpu.memref_slice %arg4[%squeeze3A_525, %dma_start3A_528] : memref<100000x64xf32, #tpu.memory_space<hbm>> -> memref<1x64xf32, #tpu.memory_space<hbm>>
      %dma_start3A_530 = arith.constant 0 : i32
      %dma_start3A_531 = tpu.memref_slice %arg18[%add3A_513, %dma_start3A_530] : memref<128x64xf32, #tpu.memory_space<vmem>> -> memref<1x64xf32, #tpu.memory_space<vmem>>
      %dma_start3A_532 = arith.constant 0 : i32
      %dma_start3A_533 = tpu.memref_slice %arg4[%squeeze3A_525, %dma_start3A_532] : memref<100000x64xf32, #tpu.memory_space<hbm>> -> memref<1x64xf32, #tpu.memory_space<hbm>>
      tpu.enqueue_dma source(%dma_start3A_533 : memref<1x64xf32, #tpu.memory_space<hbm>>) target(%dma_start3A_531 : memref<1x64xf32, #tpu.memory_space<vmem>>) target_semaphore(%arg21 : memref<!tpu.dma_semaphore, #tpu.memory_space<semaphore_mem>>)
      %mul3A_534 = arith.constant 16 : i32
      %mul3A_535 = arith.muli %scan3A_186, %mul3A_534 : i32
      %add3A_536 = arith.constant 14 : i32
      %add3A_537 = arith.addi %mul3A_535, %add3A_536 : i32
      %slice3A_538 = vector.extract_strided_slice %get3A_192 {offsets = [14], sizes = [1], strides = [1]} : vector<16xi32> to vector<1xi32>
      %squeeze3A_539 = vector.extract %slice3A_538[0] : i32 from vector<1xi32>
      %dma_start3A_540 = arith.constant 0 : i32
      %dma_start3A_541 = tpu.memref_slice %arg17[%add3A_537, %dma_start3A_540] : memref<128x64xf32, #tpu.memory_space<vmem>> -> memref<1x64xf32, #tpu.memory_space<vmem>>
      %dma_start3A_542 = arith.constant 0 : i32
      %dma_start3A_543 = tpu.memref_slice %arg3[%squeeze3A_539, %dma_start3A_542] : memref<100000x64xf32, #tpu.memory_space<hbm>> -> memref<1x64xf32, #tpu.memory_space<hbm>>
      %dma_start3A_544 = arith.constant 0 : i32
      %dma_start3A_545 = tpu.memref_slice %arg17[%add3A_537, %dma_start3A_544] : memref<128x64xf32, #tpu.memory_space<vmem>> -> memref<1x64xf32, #tpu.memory_space<vmem>>
      %dma_start3A_546 = arith.constant 0 : i32
      %dma_start3A_547 = tpu.memref_slice %arg3[%squeeze3A_539, %dma_start3A_546] : memref<100000x64xf32, #tpu.memory_space<hbm>> -> memref<1x64xf32, #tpu.memory_space<hbm>>
      tpu.enqueue_dma source(%dma_start3A_547 : memref<1x64xf32, #tpu.memory_space<hbm>>) target(%dma_start3A_545 : memref<1x64xf32, #tpu.memory_space<vmem>>) target_semaphore(%arg20 : memref<!tpu.dma_semaphore, #tpu.memory_space<semaphore_mem>>)
      %slice3A_548 = vector.extract_strided_slice %get3A_199 {offsets = [14], sizes = [1], strides = [1]} : vector<16xi32> to vector<1xi32>
      %squeeze3A_549 = vector.extract %slice3A_548[0] : i32 from vector<1xi32>
      %dma_start3A_550 = arith.constant 0 : i32
      %dma_start3A_551 = tpu.memref_slice %arg18[%add3A_537, %dma_start3A_550] : memref<128x64xf32, #tpu.memory_space<vmem>> -> memref<1x64xf32, #tpu.memory_space<vmem>>
      %dma_start3A_552 = arith.constant 0 : i32
      %dma_start3A_553 = tpu.memref_slice %arg4[%squeeze3A_549, %dma_start3A_552] : memref<100000x64xf32, #tpu.memory_space<hbm>> -> memref<1x64xf32, #tpu.memory_space<hbm>>
      %dma_start3A_554 = arith.constant 0 : i32
      %dma_start3A_555 = tpu.memref_slice %arg18[%add3A_537, %dma_start3A_554] : memref<128x64xf32, #tpu.memory_space<vmem>> -> memref<1x64xf32, #tpu.memory_space<vmem>>
      %dma_start3A_556 = arith.constant 0 : i32
      %dma_start3A_557 = tpu.memref_slice %arg4[%squeeze3A_549, %dma_start3A_556] : memref<100000x64xf32, #tpu.memory_space<hbm>> -> memref<1x64xf32, #tpu.memory_space<hbm>>
      tpu.enqueue_dma source(%dma_start3A_557 : memref<1x64xf32, #tpu.memory_space<hbm>>) target(%dma_start3A_555 : memref<1x64xf32, #tpu.memory_space<vmem>>) target_semaphore(%arg21 : memref<!tpu.dma_semaphore, #tpu.memory_space<semaphore_mem>>)
      %mul3A_558 = arith.constant 16 : i32
      %mul3A_559 = arith.muli %scan3A_186, %mul3A_558 : i32
      %add3A_560 = arith.constant 15 : i32
      %add3A_561 = arith.addi %mul3A_559, %add3A_560 : i32
      %slice3A_562 = vector.extract_strided_slice %get3A_192 {offsets = [15], sizes = [1], strides = [1]} : vector<16xi32> to vector<1xi32>
      %squeeze3A_563 = vector.extract %slice3A_562[0] : i32 from vector<1xi32>
      %dma_start3A_564 = arith.constant 0 : i32
      %dma_start3A_565 = tpu.memref_slice %arg17[%add3A_561, %dma_start3A_564] : memref<128x64xf32, #tpu.memory_space<vmem>> -> memref<1x64xf32, #tpu.memory_space<vmem>>
      %dma_start3A_566 = arith.constant 0 : i32
      %dma_start3A_567 = tpu.memref_slice %arg3[%squeeze3A_563, %dma_start3A_566] : memref<100000x64xf32, #tpu.memory_space<hbm>> -> memref<1x64xf32, #tpu.memory_space<hbm>>
      %dma_start3A_568 = arith.constant 0 : i32
      %dma_start3A_569 = tpu.memref_slice %arg17[%add3A_561, %dma_start3A_568] : memref<128x64xf32, #tpu.memory_space<vmem>> -> memref<1x64xf32, #tpu.memory_space<vmem>>
      %dma_start3A_570 = arith.constant 0 : i32
      %dma_start3A_571 = tpu.memref_slice %arg3[%squeeze3A_563, %dma_start3A_570] : memref<100000x64xf32, #tpu.memory_space<hbm>> -> memref<1x64xf32, #tpu.memory_space<hbm>>
      tpu.enqueue_dma source(%dma_start3A_571 : memref<1x64xf32, #tpu.memory_space<hbm>>) target(%dma_start3A_569 : memref<1x64xf32, #tpu.memory_space<vmem>>) target_semaphore(%arg20 : memref<!tpu.dma_semaphore, #tpu.memory_space<semaphore_mem>>)
      %slice3A_572 = vector.extract_strided_slice %get3A_199 {offsets = [15], sizes = [1], strides = [1]} : vector<16xi32> to vector<1xi32>
      %squeeze3A_573 = vector.extract %slice3A_572[0] : i32 from vector<1xi32>
      %dma_start3A_574 = arith.constant 0 : i32
      %dma_start3A_575 = tpu.memref_slice %arg18[%add3A_561, %dma_start3A_574] : memref<128x64xf32, #tpu.memory_space<vmem>> -> memref<1x64xf32, #tpu.memory_space<vmem>>
      %dma_start3A_576 = arith.constant 0 : i32
      %dma_start3A_577 = tpu.memref_slice %arg4[%squeeze3A_573, %dma_start3A_576] : memref<100000x64xf32, #tpu.memory_space<hbm>> -> memref<1x64xf32, #tpu.memory_space<hbm>>
      %dma_start3A_578 = arith.constant 0 : i32
      %dma_start3A_579 = tpu.memref_slice %arg18[%add3A_561, %dma_start3A_578] : memref<128x64xf32, #tpu.memory_space<vmem>> -> memref<1x64xf32, #tpu.memory_space<vmem>>
      %dma_start3A_580 = arith.constant 0 : i32
      %dma_start3A_581 = tpu.memref_slice %arg4[%squeeze3A_573, %dma_start3A_580] : memref<100000x64xf32, #tpu.memory_space<hbm>> -> memref<1x64xf32, #tpu.memory_space<hbm>>
      tpu.enqueue_dma source(%dma_start3A_581 : memref<1x64xf32, #tpu.memory_space<hbm>>) target(%dma_start3A_579 : memref<1x64xf32, #tpu.memory_space<vmem>>) target_semaphore(%arg21 : memref<!tpu.dma_semaphore, #tpu.memory_space<semaphore_mem>>)
    }
    %scan3A_129 = arith.constant 8 : i32
    %dma_wait3A_130 = arith.constant 0 : i32
    %dma_wait3A_131 = arith.constant 0 : i32
    %dma_wait3A_132 = tpu.memref_slice %arg3[%dma_wait3A_130, %dma_wait3A_131] : memref<100000x64xf32, #tpu.memory_space<hbm>> -> memref<128x64xf32, #tpu.memory_space<hbm>>
    %dma_wait3A_133 = arith.constant 0 : i32
    %dma_wait3A_134 = arith.constant 0 : i32
    %dma_wait3A_135 = tpu.memref_slice %arg3[%dma_wait3A_133, %dma_wait3A_134] : memref<100000x64xf32, #tpu.memory_space<hbm>> -> memref<128x64xf32, #tpu.memory_space<hbm>>
    tpu.wait_dma2 semaphore(%arg12 : memref<!tpu.dma_semaphore, #tpu.memory_space<semaphore_mem>>) src(%dma_wait3A_135 : memref<128x64xf32, #tpu.memory_space<hbm>>) dst(%arg9 : memref<128x64xf32, #tpu.memory_space<vmem>>)
    %dma_wait3A_136 = arith.constant 0 : i32
    %dma_wait3A_137 = arith.constant 0 : i32
    %dma_wait3A_138 = tpu.memref_slice %arg4[%dma_wait3A_136, %dma_wait3A_137] : memref<100000x64xf32, #tpu.memory_space<hbm>> -> memref<128x64xf32, #tpu.memory_space<hbm>>
    %dma_wait3A_139 = arith.constant 0 : i32
    %dma_wait3A_140 = arith.constant 0 : i32
    %dma_wait3A_141 = tpu.memref_slice %arg4[%dma_wait3A_139, %dma_wait3A_140] : memref<100000x64xf32, #tpu.memory_space<hbm>> -> memref<128x64xf32, #tpu.memory_space<hbm>>
    tpu.wait_dma2 semaphore(%arg13 : memref<!tpu.dma_semaphore, #tpu.memory_space<semaphore_mem>>) src(%dma_wait3A_141 : memref<128x64xf32, #tpu.memory_space<hbm>>) dst(%arg10 : memref<128x64xf32, #tpu.memory_space<vmem>>)
    %dma_wait3A_142 = arith.constant 0 : i32
    %dma_wait3A_143 = arith.constant 0 : i32
    %dma_wait3A_144 = tpu.memref_slice %arg5[%dma_wait3A_142, %dma_wait3A_143] : memref<1000000x128xf32, #tpu.memory_space<hbm>> -> memref<128x128xf32, #tpu.memory_space<hbm>>
    %dma_wait3A_145 = arith.constant 0 : i32
    %dma_wait3A_146 = arith.constant 0 : i32
    %dma_wait3A_147 = tpu.memref_slice %arg5[%dma_wait3A_145, %dma_wait3A_146] : memref<1000000x128xf32, #tpu.memory_space<hbm>> -> memref<128x128xf32, #tpu.memory_space<hbm>>
    tpu.wait_dma2 semaphore(%arg14 : memref<!tpu.dma_semaphore, #tpu.memory_space<semaphore_mem>>) src(%dma_wait3A_147 : memref<128x128xf32, #tpu.memory_space<hbm>>) dst(%arg11 : memref<128x128xf32, #tpu.memory_space<vmem>>)
    %mul3A_148 = arith.constant 512 : i32
    %mul3A_149 = arith.muli %add3A, %mul3A_148 : i32
    %add3A_150 = arith.constant 256 : i32
    %add3A_151 = arith.addi %mul3A_149, %add3A_150 : i32
    %scan3A_152 = arith.constant 0 : i32
    %scan3A_153 = arith.constant 0 : i32
    %scan3A_154 = arith.constant 8 : i32
    %scan3A_155 = arith.addi %scan3A_153, %scan3A_154 : i32
    %scan3A_156 = arith.constant 1 : i32
    scf.for %scan3A_186 = %scan3A_153 to %scan3A_155 step %scan3A_156  : i32 {
      %broadcast_in_dim3A = arith.constant 0.000000e+00 : f32
      %broadcast_in_dim3A_187 = vector.broadcast %broadcast_in_dim3A : f32 to vector<16xf32>
      %scan3A_188 = arith.constant 0 : i32
      %scan3A_189 = arith.constant 16 : i32
      %scan3A_190 = arith.addi %scan3A_188, %scan3A_189 : i32
      %scan3A_191 = arith.constant 1 : i32
      %scan3A_192 = scf.for %scan3A_206 = %scan3A_188 to %scan3A_190 step %scan3A_191 iter_args(%scan3A_207 = %broadcast_in_dim3A_187) -> (vector<16xf32>)  : i32 {
        %mul3A_208 = arith.constant 16 : i32
        %mul3A_209 = arith.muli %scan3A_186, %mul3A_208 : i32
        %add3A_210 = arith.addi %mul3A_209, %scan3A_206 : i32
        %get3A = arith.index_cast %add3A_210 : i32 to index
        %get3A_211 = arith.constant 0 : index
        %get3A_212 = tpu.vector_load %arg9[%get3A, %get3A_211] {strides = array<i32>} : memref<128x64xf32, #tpu.memory_space<vmem>>, vector<1x16xf32>,
        %get3A_213 = vector.shape_cast %get3A_212 : vector<1x16xf32> to vector<16xf32>
        %get3A_214 = arith.index_cast %add3A_210 : i32 to index
        %get3A_215 = arith.constant 0 : index
        %get3A_216 = tpu.vector_load %arg11[%get3A_214, %get3A_215] {strides = array<i32>} : memref<128x128xf32, #tpu.memory_space<vmem>>, vector<1x16xf32>,
        %get3A_217 = vector.shape_cast %get3A_216 : vector<1x16xf32> to vector<16xf32>
        %mul3A_218 = arith.mulf %get3A_213, %get3A_217 : vector<16xf32>
        %get3A_219 = arith.index_cast %add3A_210 : i32 to index
        %get3A_220 = arith.constant 16 : index
        %get3A_221 = tpu.vector_load %arg9[%get3A_219, %get3A_220] {strides = array<i32>} : memref<128x64xf32, #tpu.memory_space<vmem>>, vector<1x16xf32>,
        %get3A_222 = vector.shape_cast %get3A_221 : vector<1x16xf32> to vector<16xf32>
        %get3A_223 = arith.index_cast %add3A_210 : i32 to index
        %get3A_224 = arith.constant 16 : index
        %get3A_225 = tpu.vector_load %arg11[%get3A_223, %get3A_224] {strides = array<i32>} : memref<128x128xf32, #tpu.memory_space<vmem>>, vector<1x16xf32>,
        %get3A_226 = vector.shape_cast %get3A_225 : vector<1x16xf32> to vector<16xf32>
        %mul3A_227 = arith.mulf %get3A_222, %get3A_226 : vector<16xf32>
        %add3A_228 = arith.addf %mul3A_218, %mul3A_227 : vector<16xf32>
        %get3A_229 = arith.index_cast %add3A_210 : i32 to index
        %get3A_230 = arith.constant 32 : index
        %get3A_231 = tpu.vector_load %arg9[%get3A_229, %get3A_230] {strides = array<i32>} : memref<128x64xf32, #tpu.memory_space<vmem>>, vector<1x16xf32>,
        %get3A_232 = vector.shape_cast %get3A_231 : vector<1x16xf32> to vector<16xf32>
        %get3A_233 = arith.index_cast %add3A_210 : i32 to index
        %get3A_234 = arith.constant 32 : index
        %get3A_235 = tpu.vector_load %arg11[%get3A_233, %get3A_234] {strides = array<i32>} : memref<128x128xf32, #tpu.memory_space<vmem>>, vector<1x16xf32>,
        %get3A_236 = vector.shape_cast %get3A_235 : vector<1x16xf32> to vector<16xf32>
        %mul3A_237 = arith.mulf %get3A_232, %get3A_236 : vector<16xf32>
        %add3A_238 = arith.addf %add3A_228, %mul3A_237 : vector<16xf32>
        %get3A_239 = arith.index_cast %add3A_210 : i32 to index
        %get3A_240 = arith.constant 48 : index
        %get3A_241 = tpu.vector_load %arg9[%get3A_239, %get3A_240] {strides = array<i32>} : memref<128x64xf32, #tpu.memory_space<vmem>>, vector<1x16xf32>,
        %get3A_242 = vector.shape_cast %get3A_241 : vector<1x16xf32> to vector<16xf32>
        %get3A_243 = arith.index_cast %add3A_210 : i32 to index
        %get3A_244 = arith.constant 48 : index
        %get3A_245 = tpu.vector_load %arg11[%get3A_243, %get3A_244] {strides = array<i32>} : memref<128x128xf32, #tpu.memory_space<vmem>>, vector<1x16xf32>,
        %get3A_246 = vector.shape_cast %get3A_245 : vector<1x16xf32> to vector<16xf32>
        %mul3A_247 = arith.mulf %get3A_242, %get3A_246 : vector<16xf32>
        %add3A_248 = arith.addf %add3A_238, %mul3A_247 : vector<16xf32>
        %get3A_249 = arith.index_cast %add3A_210 : i32 to index
        %get3A_250 = arith.constant 0 : index
        %get3A_251 = tpu.vector_load %arg10[%get3A_249, %get3A_250] {strides = array<i32>} : memref<128x64xf32, #tpu.memory_space<vmem>>, vector<1x16xf32>,
        %get3A_252 = vector.shape_cast %get3A_251 : vector<1x16xf32> to vector<16xf32>
        %get3A_253 = arith.index_cast %add3A_210 : i32 to index
        %get3A_254 = arith.constant 64 : index
        %get3A_255 = tpu.vector_load %arg11[%get3A_253, %get3A_254] {strides = array<i32>} : memref<128x128xf32, #tpu.memory_space<vmem>>, vector<1x16xf32>,
        %get3A_256 = vector.shape_cast %get3A_255 : vector<1x16xf32> to vector<16xf32>
        %mul3A_257 = arith.mulf %get3A_252, %get3A_256 : vector<16xf32>
        %add3A_258 = arith.addf %add3A_248, %mul3A_257 : vector<16xf32>
        %get3A_259 = arith.index_cast %add3A_210 : i32 to index
        %get3A_260 = arith.constant 16 : index
        %get3A_261 = tpu.vector_load %arg10[%get3A_259, %get3A_260] {strides = array<i32>} : memref<128x64xf32, #tpu.memory_space<vmem>>, vector<1x16xf32>,
        %get3A_262 = vector.shape_cast %get3A_261 : vector<1x16xf32> to vector<16xf32>
        %get3A_263 = arith.index_cast %add3A_210 : i32 to index
        %get3A_264 = arith.constant 80 : index
        %get3A_265 = tpu.vector_load %arg11[%get3A_263, %get3A_264] {strides = array<i32>} : memref<128x128xf32, #tpu.memory_space<vmem>>, vector<1x16xf32>,
        %get3A_266 = vector.shape_cast %get3A_265 : vector<1x16xf32> to vector<16xf32>
        %mul3A_267 = arith.mulf %get3A_262, %get3A_266 : vector<16xf32>
        %add3A_268 = arith.addf %add3A_258, %mul3A_267 : vector<16xf32>
        %get3A_269 = arith.index_cast %add3A_210 : i32 to index
        %get3A_270 = arith.constant 32 : index
        %get3A_271 = tpu.vector_load %arg10[%get3A_269, %get3A_270] {strides = array<i32>} : memref<128x64xf32, #tpu.memory_space<vmem>>, vector<1x16xf32>,
        %get3A_272 = vector.shape_cast %get3A_271 : vector<1x16xf32> to vector<16xf32>
        %get3A_273 = arith.index_cast %add3A_210 : i32 to index
        %get3A_274 = arith.constant 96 : index
        %get3A_275 = tpu.vector_load %arg11[%get3A_273, %get3A_274] {strides = array<i32>} : memref<128x128xf32, #tpu.memory_space<vmem>>, vector<1x16xf32>,
        %get3A_276 = vector.shape_cast %get3A_275 : vector<1x16xf32> to vector<16xf32>
        %mul3A_277 = arith.mulf %get3A_272, %get3A_276 : vector<16xf32>
        %add3A_278 = arith.addf %add3A_268, %mul3A_277 : vector<16xf32>
        %get3A_279 = arith.index_cast %add3A_210 : i32 to index
        %get3A_280 = arith.constant 48 : index
        %get3A_281 = tpu.vector_load %arg10[%get3A_279, %get3A_280] {strides = array<i32>} : memref<128x64xf32, #tpu.memory_space<vmem>>, vector<1x16xf32>,
        %get3A_282 = vector.shape_cast %get3A_281 : vector<1x16xf32> to vector<16xf32>
        %get3A_283 = arith.index_cast %add3A_210 : i32 to index
        %get3A_284 = arith.constant 112 : index
        %get3A_285 = tpu.vector_load %arg11[%get3A_283, %get3A_284] {strides = array<i32>} : memref<128x128xf32, #tpu.memory_space<vmem>>, vector<1x16xf32>,
        %get3A_286 = vector.shape_cast %get3A_285 : vector<1x16xf32> to vector<16xf32>
        %mul3A_287 = arith.mulf %get3A_282, %get3A_286 : vector<16xf32>
        %add3A_288 = arith.addf %add3A_278, %mul3A_287 : vector<16xf32>
        %xor3A = arith.constant 8 : i32
        %xor3A_289 = vector.broadcast %xor3A : i32 to vector<16xi32>
        %xor3A_290 = arith.xori %iota3A, %xor3A_289 : vector<16xi32>
        %broadcast_in_dim3A_291 = vector.shape_cast %xor3A_290 : vector<16xi32> to vector<16x1xi32>
        %gather3A = vector.shape_cast %broadcast_in_dim3A_291 : vector<16x1xi32> to vector<16xi32>
        %gather3A_292 = tpu.dynamic_gather %add3A_288[%gather3A] in [0] : vector<16xf32>, vector<16xi32> -> vector<16xf32>
        %add3A_293 = arith.addf %add3A_288, %gather3A_292 : vector<16xf32>
        %xor3A_294 = arith.constant 4 : i32
        %xor3A_295 = vector.broadcast %xor3A_294 : i32 to vector<16xi32>
        %xor3A_296 = arith.xori %iota3A, %xor3A_295 : vector<16xi32>
        %broadcast_in_dim3A_297 = vector.shape_cast %xor3A_296 : vector<16xi32> to vector<16x1xi32>
        %gather3A_298 = vector.shape_cast %broadcast_in_dim3A_297 : vector<16x1xi32> to vector<16xi32>
        %gather3A_299 = tpu.dynamic_gather %add3A_293[%gather3A_298] in [0] : vector<16xf32>, vector<16xi32> -> vector<16xf32>
        %add3A_300 = arith.addf %add3A_293, %gather3A_299 : vector<16xf32>
        %xor3A_301 = arith.constant 2 : i32
        %xor3A_302 = vector.broadcast %xor3A_301 : i32 to vector<16xi32>
        %xor3A_303 = arith.xori %iota3A, %xor3A_302 : vector<16xi32>
        %broadcast_in_dim3A_304 = vector.shape_cast %xor3A_303 : vector<16xi32> to vector<16x1xi32>
        %gather3A_305 = vector.shape_cast %broadcast_in_dim3A_304 : vector<16x1xi32> to vector<16xi32>
        %gather3A_306 = tpu.dynamic_gather %add3A_300[%gather3A_305] in [0] : vector<16xf32>, vector<16xi32> -> vector<16xf32>
        %add3A_307 = arith.addf %add3A_300, %gather3A_306 : vector<16xf32>
        %xor3A_308 = arith.constant 1 : i32
        %xor3A_309 = vector.broadcast %xor3A_308 : i32 to vector<16xi32>
        %xor3A_310 = arith.xori %iota3A, %xor3A_309 : vector<16xi32>
        %broadcast_in_dim3A_311 = vector.shape_cast %xor3A_310 : vector<16xi32> to vector<16x1xi32>
        %gather3A_312 = vector.shape_cast %broadcast_in_dim3A_311 : vector<16x1xi32> to vector<16xi32>
        %gather3A_313 = tpu.dynamic_gather %add3A_307[%gather3A_312] in [0] : vector<16xf32>, vector<16xi32> -> vector<16xf32>
        %add3A_314 = arith.addf %add3A_307, %gather3A_313 : vector<16xf32>
        %eq3A = vector.broadcast %scan3A_206 : i32 to vector<16xi32>
        %eq3A_315 = arith.cmpi eq, %iota3A, %eq3A : vector<16xi32>
        %select_n3A = arith.select %eq3A_315, %add3A_314, %scan3A_207 : vector<16xi1>, vector<16xf32>
        scf.yield %select_n3A : vector<16xf32>
      }
      %scan3A_193 = arith.constant 16 : i32
      %neg3A = arith.constant 0.000000e+00 : f32
      %neg3A_194 = vector.broadcast %neg3A : f32 to vector<16xf32>
      %neg3A_195 = arith.subf %neg3A_194, %scan3A_192 : vector<16xf32>
      %exp3A = math.exp %neg3A_195 : vector<16xf32>
      %add3A_196 = arith.constant 1.000000e+00 : f32
      %add3A_197 = vector.broadcast %add3A_196 : f32 to vector<16xf32>
      %add3A_198 = arith.addf %add3A_197, %exp3A : vector<16xf32>
      %div3A = arith.constant 1.000000e+00 : f32
      %div3A_199 = vector.broadcast %div3A : f32 to vector<16xf32>
      %div3A_200 = arith.divf %div3A_199, %add3A_198 : vector<16xf32>
      %mul3A_201 = arith.constant 16 : i32
      %mul3A_202 = arith.muli %scan3A_186, %mul3A_201 : i32
      %swap3A = arith.index_cast %mul3A_202 : i32 to index
      %swap3A_203 = tpu.vector_load %arg23[%swap3A] {strides = array<i32>} : memref<128xf32, #tpu.memory_space<vmem>>, vector<16xf32>,
      %swap3A_204 = vector.shape_cast %swap3A_203 : vector<16xf32> to vector<16xf32>
      %swap3A_205 = vector.shape_cast %div3A_200 : vector<16xf32> to vector<16xf32>
      tpu.vector_store %arg23[%swap3A], %swap3A_205 {strides = array<i32>} : memref<128xf32, #tpu.memory_space<vmem>>, vector<16xf32>,
    }
    %scan3A_157 = arith.constant 8 : i32
    "tpu.region"() ({
      %run_scoped3A = tpu.sem_alloc : memref<!tpu.dma_semaphore, #tpu.memory_space<semaphore_mem>>
      %dma_start3A_186 = tpu.memref_slice %arg6[%add3A_151] : memref<16384xf32, #tpu.memory_space<hbm>> -> memref<128xf32, #tpu.memory_space<hbm>>
      %dma_start3A_187 = tpu.memref_slice %arg6[%add3A_151] : memref<16384xf32, #tpu.memory_space<hbm>> -> memref<128xf32, #tpu.memory_space<hbm>>
      tpu.enqueue_dma source(%arg23 : memref<128xf32, #tpu.memory_space<vmem>>) target(%dma_start3A_187 : memref<128xf32, #tpu.memory_space<hbm>>) target_semaphore(%run_scoped3A : memref<!tpu.dma_semaphore, #tpu.memory_space<semaphore_mem>>)
      %dma_wait3A_188 = tpu.memref_slice %arg6[%add3A_151] : memref<16384xf32, #tpu.memory_space<hbm>> -> memref<128xf32, #tpu.memory_space<hbm>>
      %dma_wait3A_189 = tpu.memref_slice %arg6[%add3A_151] : memref<16384xf32, #tpu.memory_space<hbm>> -> memref<128xf32, #tpu.memory_space<hbm>>
      tpu.wait_dma2 semaphore(%run_scoped3A : memref<!tpu.dma_semaphore, #tpu.memory_space<semaphore_mem>>) src(%arg23 : memref<128xf32, #tpu.memory_space<vmem>>) dst(%dma_wait3A_189 : memref<128xf32, #tpu.memory_space<hbm>>)
      tpu.yield
    }) : () -> ()
    %dma_wait3A_158 = arith.constant 0 : i32
    %dma_wait3A_159 = arith.constant 0 : i32
    %dma_wait3A_160 = tpu.memref_slice %arg3[%dma_wait3A_158, %dma_wait3A_159] : memref<100000x64xf32, #tpu.memory_space<hbm>> -> memref<128x64xf32, #tpu.memory_space<hbm>>
    %dma_wait3A_161 = arith.constant 0 : i32
    %dma_wait3A_162 = arith.constant 0 : i32
    %dma_wait3A_163 = tpu.memref_slice %arg3[%dma_wait3A_161, %dma_wait3A_162] : memref<100000x64xf32, #tpu.memory_space<hbm>> -> memref<128x64xf32, #tpu.memory_space<hbm>>
    tpu.wait_dma2 semaphore(%arg20 : memref<!tpu.dma_semaphore, #tpu.memory_space<semaphore_mem>>) src(%dma_wait3A_163 : memref<128x64xf32, #tpu.memory_space<hbm>>) dst(%arg17 : memref<128x64xf32, #tpu.memory_space<vmem>>)
    %dma_wait3A_164 = arith.constant 0 : i32
    %dma_wait3A_165 = arith.constant 0 : i32
    %dma_wait3A_166 = tpu.memref_slice %arg4[%dma_wait3A_164, %dma_wait3A_165] : memref<100000x64xf32, #tpu.memory_space<hbm>> -> memref<128x64xf32, #tpu.memory_space<hbm>>
    %dma_wait3A_167 = arith.constant 0 : i32
    %dma_wait3A_168 = arith.constant 0 : i32
    %dma_wait3A_169 = tpu.memref_slice %arg4[%dma_wait3A_167, %dma_wait3A_168] : memref<100000x64xf32, #tpu.memory_space<hbm>> -> memref<128x64xf32, #tpu.memory_space<hbm>>
    tpu.wait_dma2 semaphore(%arg21 : memref<!tpu.dma_semaphore, #tpu.memory_space<semaphore_mem>>) src(%dma_wait3A_169 : memref<128x64xf32, #tpu.memory_space<hbm>>) dst(%arg18 : memref<128x64xf32, #tpu.memory_space<vmem>>)
    %dma_wait3A_170 = arith.constant 0 : i32
    %dma_wait3A_171 = arith.constant 0 : i32
    %dma_wait3A_172 = tpu.memref_slice %arg5[%dma_wait3A_170, %dma_wait3A_171] : memref<1000000x128xf32, #tpu.memory_space<hbm>> -> memref<128x128xf32, #tpu.memory_space<hbm>>
    %dma_wait3A_173 = arith.constant 0 : i32
    %dma_wait3A_174 = arith.constant 0 : i32
    %dma_wait3A_175 = tpu.memref_slice %arg5[%dma_wait3A_173, %dma_wait3A_174] : memref<1000000x128xf32, #tpu.memory_space<hbm>> -> memref<128x128xf32, #tpu.memory_space<hbm>>
    tpu.wait_dma2 semaphore(%arg22 : memref<!tpu.dma_semaphore, #tpu.memory_space<semaphore_mem>>) src(%dma_wait3A_175 : memref<128x128xf32, #tpu.memory_space<hbm>>) dst(%arg19 : memref<128x128xf32, #tpu.memory_space<vmem>>)
    %mul3A_176 = arith.constant 512 : i32
    %mul3A_177 = arith.muli %add3A, %mul3A_176 : i32
    %add3A_178 = arith.constant 384 : i32
    %add3A_179 = arith.addi %mul3A_177, %add3A_178 : i32
    %scan3A_180 = arith.constant 0 : i32
    %scan3A_181 = arith.constant 0 : i32
    %scan3A_182 = arith.constant 8 : i32
    %scan3A_183 = arith.addi %scan3A_181, %scan3A_182 : i32
    %scan3A_184 = arith.constant 1 : i32
    scf.for %scan3A_186 = %scan3A_181 to %scan3A_183 step %scan3A_184  : i32 {
      %broadcast_in_dim3A = arith.constant 0.000000e+00 : f32
      %broadcast_in_dim3A_187 = vector.broadcast %broadcast_in_dim3A : f32 to vector<16xf32>
      %scan3A_188 = arith.constant 0 : i32
      %scan3A_189 = arith.constant 16 : i32
      %scan3A_190 = arith.addi %scan3A_188, %scan3A_189 : i32
      %scan3A_191 = arith.constant 1 : i32
      %scan3A_192 = scf.for %scan3A_206 = %scan3A_188 to %scan3A_190 step %scan3A_191 iter_args(%scan3A_207 = %broadcast_in_dim3A_187) -> (vector<16xf32>)  : i32 {
        %mul3A_208 = arith.constant 16 : i32
        %mul3A_209 = arith.muli %scan3A_186, %mul3A_208 : i32
        %add3A_210 = arith.addi %mul3A_209, %scan3A_206 : i32
        %get3A = arith.index_cast %add3A_210 : i32 to index
        %get3A_211 = arith.constant 0 : index
        %get3A_212 = tpu.vector_load %arg17[%get3A, %get3A_211] {strides = array<i32>} : memref<128x64xf32, #tpu.memory_space<vmem>>, vector<1x16xf32>,
        %get3A_213 = vector.shape_cast %get3A_212 : vector<1x16xf32> to vector<16xf32>
        %get3A_214 = arith.index_cast %add3A_210 : i32 to index
        %get3A_215 = arith.constant 0 : index
        %get3A_216 = tpu.vector_load %arg19[%get3A_214, %get3A_215] {strides = array<i32>} : memref<128x128xf32, #tpu.memory_space<vmem>>, vector<1x16xf32>,
        %get3A_217 = vector.shape_cast %get3A_216 : vector<1x16xf32> to vector<16xf32>
        %mul3A_218 = arith.mulf %get3A_213, %get3A_217 : vector<16xf32>
        %get3A_219 = arith.index_cast %add3A_210 : i32 to index
        %get3A_220 = arith.constant 16 : index
        %get3A_221 = tpu.vector_load %arg17[%get3A_219, %get3A_220] {strides = array<i32>} : memref<128x64xf32, #tpu.memory_space<vmem>>, vector<1x16xf32>,
        %get3A_222 = vector.shape_cast %get3A_221 : vector<1x16xf32> to vector<16xf32>
        %get3A_223 = arith.index_cast %add3A_210 : i32 to index
        %get3A_224 = arith.constant 16 : index
        %get3A_225 = tpu.vector_load %arg19[%get3A_223, %get3A_224] {strides = array<i32>} : memref<128x128xf32, #tpu.memory_space<vmem>>, vector<1x16xf32>,
        %get3A_226 = vector.shape_cast %get3A_225 : vector<1x16xf32> to vector<16xf32>
        %mul3A_227 = arith.mulf %get3A_222, %get3A_226 : vector<16xf32>
        %add3A_228 = arith.addf %mul3A_218, %mul3A_227 : vector<16xf32>
        %get3A_229 = arith.index_cast %add3A_210 : i32 to index
        %get3A_230 = arith.constant 32 : index
        %get3A_231 = tpu.vector_load %arg17[%get3A_229, %get3A_230] {strides = array<i32>} : memref<128x64xf32, #tpu.memory_space<vmem>>, vector<1x16xf32>,
        %get3A_232 = vector.shape_cast %get3A_231 : vector<1x16xf32> to vector<16xf32>
        %get3A_233 = arith.index_cast %add3A_210 : i32 to index
        %get3A_234 = arith.constant 32 : index
        %get3A_235 = tpu.vector_load %arg19[%get3A_233, %get3A_234] {strides = array<i32>} : memref<128x128xf32, #tpu.memory_space<vmem>>, vector<1x16xf32>,
        %get3A_236 = vector.shape_cast %get3A_235 : vector<1x16xf32> to vector<16xf32>
        %mul3A_237 = arith.mulf %get3A_232, %get3A_236 : vector<16xf32>
        %add3A_238 = arith.addf %add3A_228, %mul3A_237 : vector<16xf32>
        %get3A_239 = arith.index_cast %add3A_210 : i32 to index
        %get3A_240 = arith.constant 48 : index
        %get3A_241 = tpu.vector_load %arg17[%get3A_239, %get3A_240] {strides = array<i32>} : memref<128x64xf32, #tpu.memory_space<vmem>>, vector<1x16xf32>,
        %get3A_242 = vector.shape_cast %get3A_241 : vector<1x16xf32> to vector<16xf32>
        %get3A_243 = arith.index_cast %add3A_210 : i32 to index
        %get3A_244 = arith.constant 48 : index
        %get3A_245 = tpu.vector_load %arg19[%get3A_243, %get3A_244] {strides = array<i32>} : memref<128x128xf32, #tpu.memory_space<vmem>>, vector<1x16xf32>,
        %get3A_246 = vector.shape_cast %get3A_245 : vector<1x16xf32> to vector<16xf32>
        %mul3A_247 = arith.mulf %get3A_242, %get3A_246 : vector<16xf32>
        %add3A_248 = arith.addf %add3A_238, %mul3A_247 : vector<16xf32>
        %get3A_249 = arith.index_cast %add3A_210 : i32 to index
        %get3A_250 = arith.constant 0 : index
        %get3A_251 = tpu.vector_load %arg18[%get3A_249, %get3A_250] {strides = array<i32>} : memref<128x64xf32, #tpu.memory_space<vmem>>, vector<1x16xf32>,
        %get3A_252 = vector.shape_cast %get3A_251 : vector<1x16xf32> to vector<16xf32>
        %get3A_253 = arith.index_cast %add3A_210 : i32 to index
        %get3A_254 = arith.constant 64 : index
        %get3A_255 = tpu.vector_load %arg19[%get3A_253, %get3A_254] {strides = array<i32>} : memref<128x128xf32, #tpu.memory_space<vmem>>, vector<1x16xf32>,
        %get3A_256 = vector.shape_cast %get3A_255 : vector<1x16xf32> to vector<16xf32>
        %mul3A_257 = arith.mulf %get3A_252, %get3A_256 : vector<16xf32>
        %add3A_258 = arith.addf %add3A_248, %mul3A_257 : vector<16xf32>
        %get3A_259 = arith.index_cast %add3A_210 : i32 to index
        %get3A_260 = arith.constant 16 : index
        %get3A_261 = tpu.vector_load %arg18[%get3A_259, %get3A_260] {strides = array<i32>} : memref<128x64xf32, #tpu.memory_space<vmem>>, vector<1x16xf32>,
        %get3A_262 = vector.shape_cast %get3A_261 : vector<1x16xf32> to vector<16xf32>
        %get3A_263 = arith.index_cast %add3A_210 : i32 to index
        %get3A_264 = arith.constant 80 : index
        %get3A_265 = tpu.vector_load %arg19[%get3A_263, %get3A_264] {strides = array<i32>} : memref<128x128xf32, #tpu.memory_space<vmem>>, vector<1x16xf32>,
        %get3A_266 = vector.shape_cast %get3A_265 : vector<1x16xf32> to vector<16xf32>
        %mul3A_267 = arith.mulf %get3A_262, %get3A_266 : vector<16xf32>
        %add3A_268 = arith.addf %add3A_258, %mul3A_267 : vector<16xf32>
        %get3A_269 = arith.index_cast %add3A_210 : i32 to index
        %get3A_270 = arith.constant 32 : index
        %get3A_271 = tpu.vector_load %arg18[%get3A_269, %get3A_270] {strides = array<i32>} : memref<128x64xf32, #tpu.memory_space<vmem>>, vector<1x16xf32>,
        %get3A_272 = vector.shape_cast %get3A_271 : vector<1x16xf32> to vector<16xf32>
        %get3A_273 = arith.index_cast %add3A_210 : i32 to index
        %get3A_274 = arith.constant 96 : index
        %get3A_275 = tpu.vector_load %arg19[%get3A_273, %get3A_274] {strides = array<i32>} : memref<128x128xf32, #tpu.memory_space<vmem>>, vector<1x16xf32>,
        %get3A_276 = vector.shape_cast %get3A_275 : vector<1x16xf32> to vector<16xf32>
        %mul3A_277 = arith.mulf %get3A_272, %get3A_276 : vector<16xf32>
        %add3A_278 = arith.addf %add3A_268, %mul3A_277 : vector<16xf32>
        %get3A_279 = arith.index_cast %add3A_210 : i32 to index
        %get3A_280 = arith.constant 48 : index
        %get3A_281 = tpu.vector_load %arg18[%get3A_279, %get3A_280] {strides = array<i32>} : memref<128x64xf32, #tpu.memory_space<vmem>>, vector<1x16xf32>,
        %get3A_282 = vector.shape_cast %get3A_281 : vector<1x16xf32> to vector<16xf32>
        %get3A_283 = arith.index_cast %add3A_210 : i32 to index
        %get3A_284 = arith.constant 112 : index
        %get3A_285 = tpu.vector_load %arg19[%get3A_283, %get3A_284] {strides = array<i32>} : memref<128x128xf32, #tpu.memory_space<vmem>>, vector<1x16xf32>,
        %get3A_286 = vector.shape_cast %get3A_285 : vector<1x16xf32> to vector<16xf32>
        %mul3A_287 = arith.mulf %get3A_282, %get3A_286 : vector<16xf32>
        %add3A_288 = arith.addf %add3A_278, %mul3A_287 : vector<16xf32>
        %xor3A = arith.constant 8 : i32
        %xor3A_289 = vector.broadcast %xor3A : i32 to vector<16xi32>
        %xor3A_290 = arith.xori %iota3A, %xor3A_289 : vector<16xi32>
        %broadcast_in_dim3A_291 = vector.shape_cast %xor3A_290 : vector<16xi32> to vector<16x1xi32>
        %gather3A = vector.shape_cast %broadcast_in_dim3A_291 : vector<16x1xi32> to vector<16xi32>
        %gather3A_292 = tpu.dynamic_gather %add3A_288[%gather3A] in [0] : vector<16xf32>, vector<16xi32> -> vector<16xf32>
        %add3A_293 = arith.addf %add3A_288, %gather3A_292 : vector<16xf32>
        %xor3A_294 = arith.constant 4 : i32
        %xor3A_295 = vector.broadcast %xor3A_294 : i32 to vector<16xi32>
        %xor3A_296 = arith.xori %iota3A, %xor3A_295 : vector<16xi32>
        %broadcast_in_dim3A_297 = vector.shape_cast %xor3A_296 : vector<16xi32> to vector<16x1xi32>
        %gather3A_298 = vector.shape_cast %broadcast_in_dim3A_297 : vector<16x1xi32> to vector<16xi32>
        %gather3A_299 = tpu.dynamic_gather %add3A_293[%gather3A_298] in [0] : vector<16xf32>, vector<16xi32> -> vector<16xf32>
        %add3A_300 = arith.addf %add3A_293, %gather3A_299 : vector<16xf32>
        %xor3A_301 = arith.constant 2 : i32
        %xor3A_302 = vector.broadcast %xor3A_301 : i32 to vector<16xi32>
        %xor3A_303 = arith.xori %iota3A, %xor3A_302 : vector<16xi32>
        %broadcast_in_dim3A_304 = vector.shape_cast %xor3A_303 : vector<16xi32> to vector<16x1xi32>
        %gather3A_305 = vector.shape_cast %broadcast_in_dim3A_304 : vector<16x1xi32> to vector<16xi32>
        %gather3A_306 = tpu.dynamic_gather %add3A_300[%gather3A_305] in [0] : vector<16xf32>, vector<16xi32> -> vector<16xf32>
        %add3A_307 = arith.addf %add3A_300, %gather3A_306 : vector<16xf32>
        %xor3A_308 = arith.constant 1 : i32
        %xor3A_309 = vector.broadcast %xor3A_308 : i32 to vector<16xi32>
        %xor3A_310 = arith.xori %iota3A, %xor3A_309 : vector<16xi32>
        %broadcast_in_dim3A_311 = vector.shape_cast %xor3A_310 : vector<16xi32> to vector<16x1xi32>
        %gather3A_312 = vector.shape_cast %broadcast_in_dim3A_311 : vector<16x1xi32> to vector<16xi32>
        %gather3A_313 = tpu.dynamic_gather %add3A_307[%gather3A_312] in [0] : vector<16xf32>, vector<16xi32> -> vector<16xf32>
        %add3A_314 = arith.addf %add3A_307, %gather3A_313 : vector<16xf32>
        %eq3A = vector.broadcast %scan3A_206 : i32 to vector<16xi32>
        %eq3A_315 = arith.cmpi eq, %iota3A, %eq3A : vector<16xi32>
        %select_n3A = arith.select %eq3A_315, %add3A_314, %scan3A_207 : vector<16xi1>, vector<16xf32>
        scf.yield %select_n3A : vector<16xf32>
      }
      %scan3A_193 = arith.constant 16 : i32
      %neg3A = arith.constant 0.000000e+00 : f32
      %neg3A_194 = vector.broadcast %neg3A : f32 to vector<16xf32>
      %neg3A_195 = arith.subf %neg3A_194, %scan3A_192 : vector<16xf32>
      %exp3A = math.exp %neg3A_195 : vector<16xf32>
      %add3A_196 = arith.constant 1.000000e+00 : f32
      %add3A_197 = vector.broadcast %add3A_196 : f32 to vector<16xf32>
      %add3A_198 = arith.addf %add3A_197, %exp3A : vector<16xf32>
      %div3A = arith.constant 1.000000e+00 : f32
      %div3A_199 = vector.broadcast %div3A : f32 to vector<16xf32>
      %div3A_200 = arith.divf %div3A_199, %add3A_198 : vector<16xf32>
      %mul3A_201 = arith.constant 16 : i32
      %mul3A_202 = arith.muli %scan3A_186, %mul3A_201 : i32
      %swap3A = arith.index_cast %mul3A_202 : i32 to index
      %swap3A_203 = tpu.vector_load %arg23[%swap3A] {strides = array<i32>} : memref<128xf32, #tpu.memory_space<vmem>>, vector<16xf32>,
      %swap3A_204 = vector.shape_cast %swap3A_203 : vector<16xf32> to vector<16xf32>
      %swap3A_205 = vector.shape_cast %div3A_200 : vector<16xf32> to vector<16xf32>
      tpu.vector_store %arg23[%swap3A], %swap3A_205 {strides = array<i32>} : memref<128xf32, #tpu.memory_space<vmem>>, vector<16xf32>,
    }
    %scan3A_185 = arith.constant 8 : i32
    "tpu.region"() ({
      %run_scoped3A = tpu.sem_alloc : memref<!tpu.dma_semaphore, #tpu.memory_space<semaphore_mem>>
      %dma_start3A_186 = tpu.memref_slice %arg6[%add3A_179] : memref<16384xf32, #tpu.memory_space<hbm>> -> memref<128xf32, #tpu.memory_space<hbm>>
      %dma_start3A_187 = tpu.memref_slice %arg6[%add3A_179] : memref<16384xf32, #tpu.memory_space<hbm>> -> memref<128xf32, #tpu.memory_space<hbm>>
      tpu.enqueue_dma source(%arg23 : memref<128xf32, #tpu.memory_space<vmem>>) target(%dma_start3A_187 : memref<128xf32, #tpu.memory_space<hbm>>) target_semaphore(%run_scoped3A : memref<!tpu.dma_semaphore, #tpu.memory_space<semaphore_mem>>)
      %dma_wait3A_188 = tpu.memref_slice %arg6[%add3A_179] : memref<16384xf32, #tpu.memory_space<hbm>> -> memref<128xf32, #tpu.memory_space<hbm>>
      %dma_wait3A_189 = tpu.memref_slice %arg6[%add3A_179] : memref<16384xf32, #tpu.memory_space<hbm>> -> memref<128xf32, #tpu.memory_space<hbm>>
      tpu.wait_dma2 semaphore(%run_scoped3A : memref<!tpu.dma_semaphore, #tpu.memory_space<semaphore_mem>>) src(%arg23 : memref<128xf32, #tpu.memory_space<vmem>>) dst(%dma_wait3A_189 : memref<128xf32, #tpu.memory_space<hbm>>)
      tpu.yield
    }) : () -> ()
    return
  }
}

</mosaic_0001>

<sc_bundles>
// kernel: kernel.3.cloned.1.call-start
scs
__scs_entry_jumppad:
0x0: {  	(pc) =	sbr.rel $0x88, $3  }
0x1: {  	(tag) =	ssettag $0x0;
	lr =	simm.s32 $0x1  }
0x2: {  	[smem:$0x3F9D] =	sst lr;
	_ =	strace $0xD0000000  }
0x3: {  	_ = 	snop  }
0x4: {  	_ = 	snop  }
0x5: {  	_ = 	snop  }
0x6: {  	_ = 	snop  }
0x7: {  	_ = 	snop  }
__scs_overlays_trampoline_lowered:
0x8: {  	[smem:$0x3FAC] =	sst s0  }
0x9: {  	[smem:$0x3FAD] =	sst s1  }
0xa: {  	[smem:$0x3FAE] =	sst s2  }
0xb: {  	[smem:$0x3FAF] =	sst s3  }
0xc: {  	[smem:$0x3FB0] =	sst s4  }
0xd: {  	[smem:$0x3FB1] =	sst s5  }
0xe: {  	[smem:$0x3FB2] =	sst s6  }
0xf: {  	[smem:$0x3FB3] =	sst s7  }
0x10: {  	[smem:$0x3FB4] =	sst s8  }
0x11: {  	[smem:$0x3FB5] =	sst s9;
	s0 =	simm.s32 @!p0 $0x0  }
0x12: {  	s1 =	sld [smem:$0x3F9B];
	s0 =	simm.s32 @p0 $0x1  }
0x13: {  	[smem:$0x3FB6] =	sst s0;
	s0 =	simm.s32 @!p1 $0x0  }
0x14: {  	s2 =	sld [smem:$0x3F9A];
	s0 =	simm.s32 @p1 $0x1  }
0x15: {  	[smem:$0x3FB7] =	sst s0;
	s0 =	simm.s32 @!p2 $0x0  }
0x16: {  	s3 =	sld [smem:$0x3FDB];
	s0 =	simm.s32 @p2 $0x1  }
0x17: {  	s4 =	simm.s32 $0x1BF5;
	[smem:$0x3FB9] =	sst s0  }
0x18: {  	s0 =	sld [smem:$0x3F9C];
	_ =	swait.ge [sflag:s4], $0x0  }
0x19: {  	s7 =	sld [smem:$0x3F9D]  }
0x1a: {  	s8 =	sadd.s32 $0xFFFFE003, lr  }
0x1b: {  	s9 =	sadd.s32 $0xFFFFFEF7, lr;
	s5 =	simm.s32 $0xFFFFFFFF;
	p2 =	slt.u32 s8, $0xFFFFF086  }
0x1c: {  	p1 =	slt.u32 s9, $0xF7A;
	s5 =	simm.s32 @!p2 $0x0  }
0x1d: {  	s5 =	simm.s32 @p1 $0x1;
	p0 =	seq.s32 s7, s2  }
0x1e: {  	s7 =	smul.u32 @!p0 $0xF7A, s2;
	p2 =	seq.s32 @!p0 s5, $0x0  }
0x1f: {  	s9 =	smul.u32 $0xF7A, s1;
	s8 =	simm.s32 @!p0 $0x1BF5;
	p2 =	por !p2, p0  }
0x20: {  	[sflag:s8] =	ssyncset.s32 @!p0 $0xFFFFF086;
	s6 =	sadd.s32 @!p0 s3, s7;
	s7 =	simm.s32 @!p0 $0x108  }
0x21: {  	s3 =	sadd.s32 s3, s9;
	s6 =	sadd.s32 @!p0 $0x88, s6;
	s7 =	simm.s32 @p2 $0x1082  }
0x22: {  	[simem:s7], [sflag:s8] =	dma.local @!p0 [hbm:s6], $0xF7A  }
0x23: {  	s9 =	sor.u32 $0xD0000000, s2;
	s6 =	simm.s32 $0x108;
	_ =	swait.ge @!p0 [sflag:s8], $0x0  }
0x24: {  	s3 =	sadd.s32 $0x88, s3;
	s6 =	simm.s32 @!p1 $0x1082;
	[sflag:s4] =	ssyncset.s32 $0xFFFFF086  }
0x25: {  	[simem:s6], [sflag:s4] =	dma.local [hbm:s3], $0xF7A  }
0x26: {  	[smem:$0x3F9D] =	sst s1;
	(tag) =	ssettag s2;
	_ =	strace s9  }
0x27: {  	s1 =	sld [smem:$0x3FAD]  }
0x28: {  	s2 =	sld [smem:$0x3FAE]  }
0x29: {  	s4 =	sld [smem:$0x3FB0]  }
0x2a: {  	p0 =	seq.s32 s5, $0x0;
	s5 =	sld [smem:$0x3FB1]  }
0x2b: {  	s6 =	sld [smem:$0x3FB2]  }
0x2c: {  	s7 =	sld [smem:$0x3FB3]  }
0x2d: {  	s3 =	simm.s32 $0x108;
	s8 =	sld [smem:$0x3FB4]  }
0x2e: {  	s3 =	simm.s32 @!p0 $0x1082;
	s9 =	sld [smem:$0x3FB5]  }
0x2f: {  	lr =	sadd.s32 s0, s3;
	s0 =	sld [smem:$0x3FAC]  }
0x30: {  	s3 =	sld [smem:$0x3FAF]  }
0x31: {  	[smem:$0x3FB8] =	sst s10  }
0x32: {  	s10 =	sld [smem:$0x3FB6];
	_ =	sdelay $0x3  }
0x33: {  	p0 =	seq.s32 s10, $0x1;
	s10 =	sld [smem:$0x3FB8];
	_ =	sdelay $0x3  }
0x34: {  	[smem:$0x3FB8] =	sst s10  }
0x35: {  	s10 =	sld [smem:$0x3FB7];
	_ =	sdelay $0x3  }
0x36: {  	p1 =	seq.s32 s10, $0x1;
	s10 =	sld [smem:$0x3FB8];
	_ =	sdelay $0x3  }
0x37: {  	[smem:$0x3FB8] =	sst s10  }
0x38: {  	s10 =	sld [smem:$0x3FB9]  }
0x39: {  	_ = 	snop;
	(pc) =	sbr.ind lr, $3  }
0x3a: {  	_ = 	snop  }
0x3b: {  	_ = 	snop  }
0x3c: {  	p2 =	seq.s32 s10, $0x1;
	s10 =	sld [smem:$0x3FB8]  }
0x3d: {  	_ =	shalt  }
0x3e: {  	_ =	shalt  }
0x3f: {  	_ =	shalt  }
0x40: {  	_ =	shalt  }
0x41: {  	_ =	shalt  }
0x42: {  	_ =	shalt  }
0x43: {  	_ =	shalt  }
0x44: {  	_ =	shalt  }
0x45: {  	_ =	shalt  }
0x46: {  	_ =	shalt  }
0x47: {  	_ =	shalt  }
0x48: {  	_ =	shalt  }
0x49: {  	_ =	shalt  }
0x4a: {  	_ =	shalt  }
0x4b: {  	_ =	shalt  }
0x4c: {  	_ =	shalt  }
0x4d: {  	_ =	shalt  }
0x4e: {  	_ =	shalt  }
0x4f: {  	_ =	shalt  }
0x50: {  	_ =	shalt  }
0x51: {  	_ =	shalt  }
0x52: {  	_ =	shalt  }
0x53: {  	_ =	shalt  }
0x54: {  	_ =	shalt  }
0x55: {  	_ =	shalt  }
0x56: {  	_ =	shalt  }
0x57: {  	_ =	shalt  }
0x58: {  	_ =	shalt  }
0x59: {  	_ =	shalt  }
0x5a: {  	_ =	shalt  }
0x5b: {  	_ =	shalt  }
0x5c: {  	_ =	shalt  }
0x5d: {  	_ =	shalt  }
0x5e: {  	_ =	shalt  }
0x5f: {  	_ =	shalt  }
0x60: {  	_ =	shalt  }
0x61: {  	_ =	shalt  }
0x62: {  	_ =	shalt  }
0x63: {  	_ =	shalt  }
0x64: {  	_ =	shalt  }
0x65: {  	_ =	shalt  }
0x66: {  	_ =	shalt  }
0x67: {  	_ =	shalt  }
0x68: {  	_ =	shalt  }
0x69: {  	_ =	shalt  }
0x6a: {  	_ =	shalt  }
0x6b: {  	_ =	shalt  }
0x6c: {  	_ =	shalt  }
0x6d: {  	_ =	shalt  }
0x6e: {  	_ =	shalt  }
0x6f: {  	_ =	shalt  }
0x70: {  	_ =	shalt  }
0x71: {  	_ =	shalt  }
0x72: {  	_ =	shalt  }
0x73: {  	_ =	shalt  }
0x74: {  	_ =	shalt  }
0x75: {  	_ =	shalt  }
0x76: {  	_ =	shalt  }
0x77: {  	_ =	shalt  }
0x78: {  	_ =	shalt  }
0x79: {  	_ =	shalt  }
0x7a: {  	_ =	shalt  }
0x7b: {  	_ =	shalt  }
0x7c: {  	_ =	shalt  }
0x7d: {  	_ =	shalt  }
0x7e: {  	_ =	shalt  }
0x7f: {  	_ =	shalt  }
0x80: {  	_ =	shalt  }
0x81: {  	_ =	shalt  }
0x82: {  	_ =	shalt  }
0x83: {  	_ =	shalt  }
0x84: {  	_ =	shalt  }
0x85: {  	_ =	shalt  }
0x86: {  	_ =	shalt  }
0x87: {  	_ =	shalt  }
.Lfunc_end0:
.L_simem_size_0:
called_computation_lowered:
.L_overlay_start_0:
0x88: {  	s2 =	sld [smem:$0x3FD9]  }
0x89: {  	s3 =	sld [smem:$0x3FFE];
	_ =	sdelay $0x1  }
0x8a: {  	s1 =	srdreg.scid  }
0x8b: {  	s0 =	sand.u32 $0x1, s1  }
0x8c: {  	s17 =	sshll.u32 s0, $0xA;
	s2 =	sadd.s32 s3, s2  }
0x8d: {  	s2 =	sadd.s32 s2, s17  }
0x8e: {  	[smem:$0x3FC4] =	sst s2  }
0x8f: {  	_ = 	snop  }
0x90: {  	s2 =	sld [smem:$0x3FC9]  }
0x91: {  	s18 =	sld [smem:$0x3FC6]  }
0x92: {  	s4 =	sld [smem:$0x3FD0];
	(tm) =	ssettm $0x1  }
0x93: {  	s5 =	sld [smem:$0x3FFB];
	_ =	sdelay $0x3  }
0x94: {  	_ =	strace s5  }
0x95: {  	s5 =	sld [smem:$0x3FFC];
	_ =	sdelay $0x3  }
0x96: {  	_ =	strace s5  }
0x97: {  	s5 =	sld [smem:$0x3FFD];
	_ =	sdelay $0x3  }
0x98: {  	_ =	strace s5  }
0x99: {  	_ =	strace $0x8FFFFFFF  }
0x9a: {  	s19 =	sld [smem:$0x3FDB];
	_ =	sdelay $0x1  }
0x9b: {  	s6 =	simm.s32 $_scs_section_size  }
0x9c: {  	s7 =	simm.s32 $_size__tile_overlayer_lowered;
	s8 =	simm.s32 $_tile_overlayer_lowered  }
0x9d: {  	s22 =	simm.s32 $0x1BFF;
	s21 =	sshll.u32 s8, $0x1;
	s5 =	sadd.s32 s6, s19  }
0x9e: {  	s9 =	simm.s32 $0x0;
	s20 =	sshll.u32 s7, $0x1;
	s7 =	sadd.s32 s21, s5  }
0x9f: {  	[timem:s9], [sflag:s22] =	dma.local [hbm:s7], s20  }
0xa0: {  	_ =	swait.ge [sflag:s22], s20  }
0xa1: {  	s6 =	ssub.s32 $0x0, s20;
	[sflag:s22] =	ssyncset.done $0x0  }
0xa2: {  	[sflag:s22] =	ssyncadd.s32 s6;
	_ =	sdelay $0x1  }
0xa3: {  	s23 =	simm.s32 $0x1B8B  }
0xa4: {  	_ =	swait.ge [sflag:s23], $0x1  }
0xa5: {  	[sflag:s23] =	ssyncset.done $0x0  }
0xa6: {  	s25 =	simm.s32 $0x1B8E;
	s24 =	sld [smem:$0x3FFE];
	[sflag:s23] =	ssyncadd.s32 $0xFFFFFFFF  }
0xa7: {  	s26 =	simm.s32 $execute0_lowered;
	[smem:$0x3FD2] =	sst s25  }
0xa8: {  	s7 =	sshll.u32 s26, $0x1;
	_ =	strace $0x80000046;
	[dreg:$0x1] =	wrdreg $0xFFFFFFFF  }
0xa9: {  	s28 =	simm.s32 $_size_execute0_lowered;
	s5 =	sadd.s32 s5, s7;
	[dreg:$0x0] =	wrdreg $0x0  }
0xaa: {  	s7 =	sshll.u32 s28, $0x1;
	[dreg:$0x2] =	wrdreg s5  }
0xab: {  	[dreg:$0x3] =	wrdreg s7  }
0xac: {  	[dreg:$0x4] =	wrdreg $0xC0  }
0xad: {  	_ =	task [dreg:s9], $0x5FFFF  }
0xae: {  	[dreg:$0x1] =	wrdreg $0xFFFFFFFF  }
0xaf: {  	[dreg:$0x0] =	wrdreg $0x60  }
0xb0: {  	[dreg:$0x2] =	wrdreg s2  }
0xb1: {  	[dreg:$0x3] =	wrdreg s24  }
0xb2: {  	[dreg:$0x4] =	wrdreg s18  }
0xb3: {  	[dreg:$0x5] =	wrdreg s4  }
0xb4: {  	[dreg:$0x6] =	wrdreg $0x9  }
0xb5: {  	_ =	task.clear_ibuf [dreg:s9], $0x7FFFF;
	_ =	strace $0x90000046  }
0xb6: {  	s29 =	simm.s32 $0x9;
	_ =	strace $0x80000048  }
0xb7: {  	_ =	swait.ge [sflag:s29], $0x1  }
0xb8: {  	[sflag:s29] =	ssyncadd.s32 $0xFFFFFFFF  }
0xb9: {  	_ =	strace $0x90000048  }
0xba: {  	_ =	sfence  }
0xbb: {  	s30 =	sld [smem:$0x0];
	_ =	sdelay $0x2  }
0xbc: {  	s31 =	sshll.u32 s1, $0xD;
	s1 =	sshrl.u32 s1, $0x2  }
0xbd: {  	s3 =	sand.u32 $0x4000, s31;
	s1 =	sadd.s32 s1, s30  }
0xbe: {  	s0 =	sor.u32 s3, s0;
	s1 =	sshll.u32 s1, $0x11  }
0xbf: {  	s0 =	sor.u32 s1, s0  }
0xc0: {  	s0 =	sadd.s32 $0x8F2B, s0  }
0xc1: {  	[sflag:s0] =	ssyncadd.remote.s32 $0x1  }
0xc2: {  	_ =	sfence.sel $0xFFFF  }
0xc3: {  	[dreg:$0x0] =	wrdreg $0xFFFFFFFF;
	(pc) =	sbr.abs _section_cstart, $3  }
0xc4: {  	[dreg:$0x1] =	wrdreg $0xFFFFFFFF  }
0xc5: {  	_ =	task.clear_ibuf [dreg:s9], $0x2FFFF;
	_ =	strace $0x9FFFFFFF  }
0xc6: {  	(tm) =	ssettm $0x7FFFFFFF  }
0xc7: {  	_ =	shalt  }
tec
execute0_lowered:
.L_overlay_start_1:
0x0: {  	(tag) =	ssettag $0x1  }
0x1: {  	s0 =	rddreg [dreg:$0x0]  }
0x2: {  	s1 =	rddreg [dreg:$0x1]  }
0x3: {  	s2 =	rddreg [dreg:$0x3]  }
0x4: {  	s3 =	simm.s32 $0x0;
	s4 =	srdreg.scid;
	s6 =	stileid.u32  }
0x5: {  	[smem:$0x7FF] =	sst s3;
	s5 =	sand.u32 $0x1, s4;
	s6 =	sshll.u32 s6, $0xA  }
0x6: {  	s4 =	sadd.s32 $0x2000, s1;
	s9 =	sadd.s32 $0x10, s0;
	s7 =	sshll.u32 s5, $0x9  }
0x7: {  	s10 =	sadd.s32 $0x20, s0;
	s8 =	ssub.s32 $0x2, s5;
	s6 =	sor.u32 s7, s6  }
0x8: {  	_ =	strace $0x80000047;
	s12 =	sshrl.u32 s8, $0x1;
	s7 =	sshrl.u32 s6, $0x1  }
0x9: {  	s5 =	sadd.s32 $0x188A00, s1;
	s1 =	ssub.s32 s8, s12;
	s13 =	sadd.s32 s0, s7  }
0xa: {  	s14 =	sshrl.u32 s6, $0x7;
	s12 =	sadd.s32 s7, s9;
	[smem:$0x7ED] =	sst s13  }
0xb: {  	s6 =	sshrl.u32 s6, $0x3;
	s7 =	sadd.s32 s7, s10;
	[smem:$0x7EE] =	sst s12  }
0xc: {  	s11 =	sor.u32 $0x1, s14;
	s6 =	sadd.s32 s2, s6;
	[smem:$0x7EF] =	sst s7  }
0xd: {  	s31 =	smax.u32 s1, $0x1;
	s15 =	sshll.u32 s11, $0x6;
	[smem:$0x7F3] =	sst s6  }
0xe: {  	[smem:$0x7FD] =	sst s31;
	s16 =	sadd.s32 s0, s15  }
0xf: {  	v0 =	vimm.s32 $0xFEDCBA98;
	v1 =	vimm.s32 $0x76543210;
	s18 =	sor.u32 $0x2, s14;
	s17 =	sadd.s32 s15, s9;
	[smem:$0x7F0] =	sst s16  }
0x10: {  	v2 =	vimm.s32 $0xBA98FEDC;
	v3 =	vimm.s32 $0x32107654;
	s19 =	sshll.u32 s18, $0x6;
	s7 =	sadd.s32 s15, s10;
	[smem:$0x7F1] =	sst s17  }
0x11: {  	v4 =	vimm.s32 $0xDCFE98BA;
	v5 =	vimm.s32 $0x54761032;
	s21 =	sor.u32 $0x3, s14;
	s20 =	sadd.s32 s0, s19;
	[smem:$0x7F2] =	sst s7  }
0x12: {  	v6 =	vimm.s32 $0xEFCDAB89;
	v7 =	vimm.s32 $0x67452301;
	s23 =	sshll.u32 s11, $0x4;
	s22 =	sadd.s32 s19, s9;
	[smem:$0x7F4] =	sst s20  }
0x13: {  	v0 =	vunpack.c.l.s4.s8 v0;
	v1 =	vunpack.c.l.s4.s8 v1;
	v2 =	vunpack.c.l.s4.s8 v2;
	s24 =	sshll.u32 s21, $0x6;
	s25 =	sadd.s32 s2, s23;
	[smem:$0x7F5] =	sst s22  }
0x14: {  	v3 =	vunpack.c.l.s4.s8 v3;
	v4 =	vunpack.c.l.s4.s8 v4;
	v5 =	vunpack.c.l.s4.s8 v5;
	s0 =	sadd.s32 s0, s24;
	[smem:$0x7F7] =	sst s25  }
0x15: {  	v6 =	vunpack.c.l.s4.s8 v6;
	v7 =	vunpack.c.l.s4.s8 v7;
	v0 =	vunpack.c.0.s8.s32 v0;
	s26 =	sadd.s32 s24, s9;
	[smem:$0x7F8] =	sst s0  }
0x16: {  	v1 =	vunpack.c.0.s8.s32 v1;
	v2 =	vunpack.c.0.s8.s32 v2;
	v3 =	vunpack.c.0.s8.s32 v3;
	s6 =	sshll.u32 s21, $0x4;
	s29 =	sadd.s32 s24, s10;
	[smem:$0x7F9] =	sst s26  }
0x17: {  	v6 =	vunpack.c.0.s8.s32 v6;
	v7 =	vunpack.c.0.s8.s32 v7;
	v0 =	vand.u32 $0xF, v0;
	s30 =	sadd.s32 s2, s6;
	[smem:$0x7FA] =	sst s29  }
0x18: {  	v4 =	vunpack.c.0.s8.s32 v4;
	v5 =	vunpack.c.0.s8.s32 v5;
	s28 =	sshll.u32 s18, $0x4;
	v0 =	vcombine.low v0, v1;
	s7 =	sadd.s32 s19, s10;
	[smem:$0x7FC] =	sst s30  }
0x19: {  	v1 =	vcombine.low v3, v2;
	v3 =	vcombine.low v7, v6;
	s0 =	sadd.s32 s2, s28;
	[smem:$0x7F6] =	sst s7  }
0x1a: {  	s14 =	simm.s32 $0x7;
	s1 =	simm.s32 $0x0;
	v2 =	vcombine.low v5, v4;
	v4 =	vlaneseq.u32;
	[smem:$0x7FB] =	sst s0  }
.LBB2_1:
0x1b: {  	s0 =	sld [smem:$0x7ED];
	_ =	sdelay $0x1  }
0x1c: {  	[smem:$0x7EC] =	sst s1  }
0x1d: {  	[tilespmem:s3], [sflag:$0x7] =	stream.linear.gather [hbm4b:s0+s3], $0x80, $0x38;
	[tilespmem:$0x18980] =	vst v63  }
0x1e: {  	_ =	swait.ge [sflag:s14], $0x80  }
0x1f: {  	s12 =	sld [smem:$0x7EE]  }
0x20: {  	[sflag:s14] =	ssyncset.done $0x0  }
0x21: {  	s6 =	simm.s32 $0x80;
	[sflag:s14] =	ssyncadd.s32 $0xFFFFFF80  }
0x22: {  	[tilespmem:s6], [sflag:$0x7] =	stream.linear.gather [hbm4b:s12+s3], $0x80, $0x38;
	[tilespmem:$0x18980] =	vst v63  }
0x23: {  	_ =	swait.ge [sflag:s14], $0x80  }
0x24: {  	s13 =	sld [smem:$0x7EF]  }
0x25: {  	[sflag:s14] =	ssyncset.done $0x0  }
0x26: {  	s15 =	simm.s32 $0x100;
	[sflag:s14] =	ssyncadd.s32 $0xFFFFFF80  }
0x27: {  	[tilespmem:s15], [sflag:$0x7] =	stream.linear.gather [hbm4b:s13+s3], $0x100, $0x38;
	[tilespmem:$0x18980] =	vst v63  }
0x28: {  	_ =	swait.ge [sflag:s14], $0x100  }
0x29: {  	[sflag:s14] =	ssyncset.done $0x0  }
0x2a: {  	[sflag:s14] =	ssyncadd.s32 $0xFFFFFF00  }
0x2b: {  	v5 =	vld [tilespmem:$0x100]  }
0x2c: {  	v6 =	vld [tilespmem:$0x110]  }
0x2d: {  	v7 =	vld [tilespmem:$0x120]  }
0x2e: {  	v8 =	vld [tilespmem:$0x130]  }
0x2f: {  	v9 =	vld [tilespmem:$0x140]  }
0x30: {  	[tilespmem:$0x400] =	vst v5;
	v5 =	vld [tilespmem:$0x150]  }
0x31: {  	[tilespmem:$0x410] =	vst v6;
	v6 =	vld [tilespmem:$0x160]  }
0x32: {  	[tilespmem:$0x420] =	vst v7;
	v7 =	vld [tilespmem:$0x170]  }
0x33: {  	[tilespmem:$0x430] =	vst v8  }
0x34: {  	[tilespmem:$0x440] =	vst v9  }
0x35: {  	[tilespmem:$0x450] =	vst v5  }
0x36: {  	[tilespmem:$0x460] =	vst v6  }
0x37: {  	s17 =	simm.s32 $0x400;
	s2 =	simm.s32 $0x8480;
	s16 =	rddreg [dreg:$0x2];
	[tilespmem:$0x470] =	vst v7  }
0x38: {  	[tilespmem:s2], [sflag:$0x3] =	stream.indirect.gather [hbm4b:s16+s6], $0x80, s17, s6, $0xb8;
	[tilespmem:$0x18980] =	vst v63  }
0x39: {  	v5 =	vld [tilespmem:s6+$0xFFFFFF80]  }
0x3a: {  	v7 =	vld [tilespmem:s6+$0x0];
	_ =	sdelay $0x3  }
0x3b: {  	v6 =	vshll.u32 v5, $0x4  }
0x3c: {  	v5 =	vshll.u32 v7, $0x4;
	(v2sf) =	vpush v6, $0x0  }
0x3d: {  	(v2sf) =	vpush v5, $0x0  }
0x3e: {  	(v2sf) =	vpush v6, $0x1;
	_ =	sdelay $0x1  }
0x3f: {  	(v2sf) =	vpush v5, $0x1  }
0x40: {  	(v2sf) =	vpush v6, $0x2;
	_ =	sdelay $0x1  }
0x41: {  	(v2sf) =	vpush v5, $0x2;
	_ =	sdelay $0x1  }
0x42: {  	(v2sf) =	vpush v6, $0x3;
	_ =	sdelay $0x1  }
0x43: {  	s29 =	simm.s32 $0x2000;
	s9 =	simm.s32 $0x0;
	s18 =	simm.s32 $0x4480  }
0x44: {  	s1 =	simm.s32 $0x900;
	s7 =	simm.s32 $0x480;
	s8 =	simm.s32 $0x680  }
0x45: {  	s20 =	simm.s32 $0x600;
	s23 =	simm.s32 $0x500;
	s26 =	simm.s32 $0x4500  }
0x46: {  	s30 =	simm.s32 $0x580;
	s31 =	simm.s32 $0x90;
	s0 =	simm.s32 $0x4980  }
0x47: {  	s14 =	simm.s32 $0x4580;
	s17 =	simm.s32 $0x4600;
	s19 =	spop (v2sf);
	(v2sf) =	vpush v5, $0x3  }
0x48: {  	s2 =	simm.s32 $0x4A00;
	s10 =	sand.u32 $0x1FFFFFF0, s19;
	s11 =	spop (v2sf)  }
0x49: {  	s6 =	simm.s32 $0x700;
	(v2sf) =	vpush v6, $0x4;
	s10 =	sadd.s32 s4, s10;
	s22 =	spop (v2sf)  }
0x4a: {  	(v2sf) =	vpush v5, $0x4;
	[tilespmem:s7], [sflag:$0x1] =	stream.linear.gather [hbm4b:s10+s3], $0x80, $0x38;
	[tilespmem:$0x18980] =	vst v63  }
0x4b: {  	s21 =	sand.u32 $0x1FFFFFF0, s11;
	s11 =	sand.u32 $0x1FFFFFF0, s22;
	s12 =	spop (v2sf)  }
0x4c: {  	s10 =	sadd.s32 s5, s21;
	(v2sf) =	vpush v6, $0x5;
	s24 =	sadd.s32 s4, s11;
	s28 =	spop (v2sf)  }
0x4d: {  	(v2sf) =	vpush v5, $0x5;
	[tilespmem:s18], [sflag:$0x2] =	stream.linear.gather [hbm4b:s10+s3], $0x80, $0x38;
	[tilespmem:$0x18980] =	vst v63  }
0x4e: {  	s25 =	sand.u32 $0x1FFFFFF0, s12;
	s10 =	sand.u32 $0x1FFFFFF0, s28;
	s12 =	spop (v2sf)  }
0x4f: {  	[tilespmem:s23], [sflag:$0x1] =	stream.linear.gather [hbm4b:s24+s3], $0x80, $0x38;
	[tilespmem:$0x18980] =	vst v63  }
0x50: {  	s11 =	sadd.s32 s5, s25;
	s10 =	sadd.s32 s4, s10;
	s13 =	spop (v2sf)  }
0x51: {  	(v2sf) =	vpush v6, $0x6;
	[tilespmem:s26], [sflag:$0x2] =	stream.linear.gather [hbm4b:s11+s3], $0x80, $0x38;
	[tilespmem:$0x18980] =	vst v63  }
0x52: {  	s16 =	sand.u32 $0x1FFFFFF0, s13;
	s23 =	simm.s32 $0x4680;
	s11 =	sand.u32 $0x1FFFFFF0, s12  }
0x53: {  	(v2sf) =	vpush v5, $0x6;
	[tilespmem:s30], [sflag:$0x1] =	stream.linear.gather [hbm4b:s10+s3], $0x80, $0x38;
	[tilespmem:$0x18980] =	vst v63  }
0x54: {  	s13 =	simm.s32 $0x780;
	s19 =	sadd.s32 s4, s16;
	s15 =	sadd.s32 s5, s11  }
0x55: {  	[tilespmem:s14], [sflag:$0x2] =	stream.linear.gather [hbm4b:s15+s3], $0x80, $0x38;
	[tilespmem:$0x18980] =	vst v63  }
0x56: {  	s30 =	simm.s32 $0x4700;
	s14 =	simm.s32 $0xA80;
	s18 =	spop (v2sf)  }
0x57: {  	(v2sf) =	vpush v6, $0x7;
	[tilespmem:s20], [sflag:$0x1] =	stream.linear.gather [hbm4b:s19+s3], $0x80, $0x38;
	[tilespmem:$0x18980] =	vst v63  }
0x58: {  	s20 =	sand.u32 $0x1FFFFFF0, s18;
	s21 =	spop (v2sf);
	s18 =	simm.s32 $0x4780  }
0x59: {  	(v2sf) =	vpush v5, $0x7;
	s7 =	sadd.s32 s5, s20;
	s11 =	sand.u32 $0x1FFFFFF0, s21;
	s22 =	spop (v2sf)  }
0x5a: {  	(v2sf) =	vpush v6, $0x8;
	[tilespmem:s17], [sflag:$0x2] =	stream.linear.gather [hbm4b:s7+s3], $0x80, $0x38;
	[tilespmem:$0x18980] =	vst v63  }
0x5b: {  	s21 =	simm.s32 $0x800;
	s24 =	sadd.s32 s4, s11;
	s26 =	spop (v2sf)  }
0x5c: {  	s25 =	sand.u32 $0x1FFFFFF0, s22;
	(v2sf) =	vpush v5, $0x8;
	s7 =	simm.s32 $0xA00;
	s11 =	spop (v2sf)  }
0x5d: {  	(v2sf) =	vpush v6, $0x9;
	[tilespmem:s8], [sflag:$0x1] =	stream.linear.gather [hbm4b:s24+s3], $0x80, $0x38;
	[tilespmem:$0x18980] =	vst v63  }
0x5e: {  	s28 =	sadd.s32 s5, s25;
	s8 =	sand.u32 $0x1FFFFFF0, s26;
	s10 =	sand.u32 $0x1FFFFFF0, s11  }
0x5f: {  	(v2sf) =	vpush v5, $0x9;
	[tilespmem:s23], [sflag:$0x2] =	stream.linear.gather [hbm4b:s28+s3], $0x80, $0x38;
	[tilespmem:$0x18980] =	vst v63  }
0x60: {  	s12 =	spop (v2sf);
	s24 =	simm.s32 $0x4800;
	s8 =	sadd.s32 s4, s8  }
0x61: {  	(v2sf) =	vpush v6, $0xA;
	[tilespmem:s6], [sflag:$0x1] =	stream.linear.gather [hbm4b:s8+s3], $0x80, $0x38;
	[tilespmem:$0x18980] =	vst v63  }
0x62: {  	s15 =	sadd.s32 s5, s10;
	s16 =	sand.u32 $0x1FFFFFF0, s12;
	s17 =	spop (v2sf)  }
0x63: {  	(v2sf) =	vpush v5, $0xA;
	[tilespmem:s30], [sflag:$0x2] =	stream.linear.gather [hbm4b:s15+s3], $0x80, $0x38;
	[tilespmem:$0x18980] =	vst v63  }
0x64: {  	s26 =	simm.s32 $0x880;
	s10 =	sadd.s32 s4, s16;
	s8 =	sand.u32 $0x1FFFFFF0, s17  }
0x65: {  	[tilespmem:s13], [sflag:$0x1] =	stream.linear.gather [hbm4b:s10+s3], $0x80, $0x38;
	[tilespmem:$0x18980] =	vst v63  }
0x66: {  	s11 =	simm.s32 $0x4B80;
	s8 =	sadd.s32 s5, s8;
	s19 =	spop (v2sf)  }
0x67: {  	(v2sf) =	vpush v6, $0xB;
	[tilespmem:s18], [sflag:$0x2] =	stream.linear.gather [hbm4b:s8+s3], $0x80, $0x38;
	[tilespmem:$0x18980] =	vst v63  }
0x68: {  	s16 =	simm.s32 $0x980;
	s10 =	sand.u32 $0x1FFFFFF0, s19;
	s20 =	spop (v2sf)  }
0x69: {  	s13 =	simm.s32 $0x4900;
	(v2sf) =	vpush v5, $0xB;
	s22 =	sadd.s32 s4, s10;
	s25 =	spop (v2sf)  }
0x6a: {  	[tilespmem:s21], [sflag:$0x1] =	stream.linear.gather [hbm4b:s22+s3], $0x80, $0x38;
	[tilespmem:$0x18980] =	vst v63  }
0x6b: {  	s23 =	sand.u32 $0x1FFFFFF0, s20;
	s8 =	sand.u32 $0x1FFFFFF0, s25;
	s28 =	spop (v2sf)  }
0x6c: {  	s10 =	sadd.s32 s5, s23;
	s8 =	sadd.s32 s4, s8;
	s30 =	spop (v2sf)  }
0x6d: {  	(v2sf) =	vpush v6, $0xC;
	[tilespmem:s24], [sflag:$0x2] =	stream.linear.gather [hbm4b:s10+s3], $0x80, $0x38;
	[tilespmem:$0x18980] =	vst v63  }
0x6e: {  	s10 =	sand.u32 $0x1FFFFFF0, s28;
	s12 =	sand.u32 $0x1FFFFFF0, s30;
	s15 =	spop (v2sf)  }
0x6f: {  	(v2sf) =	vpush v5, $0xC;
	[tilespmem:s26], [sflag:$0x1] =	stream.linear.gather [hbm4b:s8+s3], $0x80, $0x38;
	[tilespmem:$0x18980] =	vst v63  }
0x70: {  	s10 =	sadd.s32 s5, s10;
	s17 =	spop (v2sf);
	s8 =	simm.s32 $0x4880  }
0x71: {  	[tilespmem:s8], [sflag:$0x2] =	stream.linear.gather [hbm4b:s10+s3], $0x80, $0x38;
	[tilespmem:$0x18980] =	vst v63  }
0x72: {  	s18 =	spop (v2sf);
	s10 =	sadd.s32 s4, s12;
	s8 =	sand.u32 $0x1FFFFFF0, s15  }
0x73: {  	[tilespmem:s1], [sflag:$0x1] =	stream.linear.gather [hbm4b:s10+s3], $0x80, $0x38;
	[tilespmem:$0x18980] =	vst v63  }
0x74: {  	s20 =	sand.u32 $0x1FFFFFF0, s18;
	s8 =	sadd.s32 s5, s8;
	s10 =	sand.u32 $0x1FFFFFF0, s17  }
0x75: {  	[tilespmem:s13], [sflag:$0x2] =	stream.linear.gather [hbm4b:s8+s3], $0x80, $0x38;
	[tilespmem:$0x18980] =	vst v63  }
0x76: {  	s22 =	sadd.s32 s5, s20;
	s19 =	sadd.s32 s4, s10;
	s21 =	spop (v2sf)  }
0x77: {  	[tilespmem:s16], [sflag:$0x1] =	stream.linear.gather [hbm4b:s19+s3], $0x80, $0x38;
	[tilespmem:$0x18980] =	vst v63  }
0x78: {  	s12 =	simm.s32 $0xB80;
	s23 =	sand.u32 $0x1FFFFFF0, s21;
	s24 =	spop (v2sf)  }
0x79: {  	(v2sf) =	vpush v6, $0xD;
	[tilespmem:s0], [sflag:$0x2] =	stream.linear.gather [hbm4b:s22+s3], $0x80, $0x38;
	[tilespmem:$0x18980] =	vst v63  }
0x7a: {  	s15 =	simm.s32 $0xB00;
	(v2sf) =	vpush v5, $0xD;
	s25 =	sadd.s32 s4, s23;
	s26 =	sand.u32 $0x1FFFFFF0, s24  }
0x7b: {  	(v2sf) =	vpush v6, $0xE;
	[tilespmem:s7], [sflag:$0x1] =	stream.linear.gather [hbm4b:s25+s3], $0x80, $0x38;
	[tilespmem:$0x18980] =	vst v63  }
0x7c: {  	s13 =	simm.s32 $0x4B00;
	s28 =	sadd.s32 s5, s26;
	(v2sf) =	vpush v5, $0xE;
	s30 =	spop (v2sf)  }
0x7d: {  	(v2sf) =	vpush v6, $0xF;
	[tilespmem:s2], [sflag:$0x2] =	stream.linear.gather [hbm4b:s28+s3], $0x80, $0x38;
	[tilespmem:$0x18980] =	vst v63  }
0x7e: {  	s0 =	simm.s32 $0x4A80;
	s1 =	sand.u32 $0x1FFFFFF0, s30;
	(v2sf) =	vpush v5, $0xF;
	s2 =	spop (v2sf)  }
.LBB2_2:
0x7f: {  	_ =	sdelay $0x4  }
0x80: {  	s1 =	sadd.s32 s4, s1;
	s2 =	sand.u32 $0x1FFFFFF0, s2  }
0x81: {  	[tilespmem:s14], [sflag:$0x1] =	stream.linear.gather [hbm4b:s1+s3], $0x80, $0x38;
	[tilespmem:$0x18980] =	vst v63  }
0x82: {  	s17 =	sadd.s32 s5, s2  }
0x83: {  	[tilespmem:s0], [sflag:$0x2] =	stream.linear.gather [hbm4b:s17+s3], $0x80, $0x38;
	[tilespmem:$0x18980] =	vst v63  }
0x84: {  	s6 =	spop (v2sf)  }
0x85: {  	s18 =	sand.u32 $0x1FFFFFF0, s6;
	s19 =	spop (v2sf)  }
0x86: {  	s20 =	sadd.s32 s4, s18;
	s21 =	sand.u32 $0x1FFFFFF0, s19;
	s22 =	spop (v2sf)  }
0x87: {  	[tilespmem:s15], [sflag:$0x1] =	stream.linear.gather [hbm4b:s20+s3], $0x80, $0x38;
	[tilespmem:$0x18980] =	vst v63  }
0x88: {  	s23 =	sadd.s32 s5, s21;
	s24 =	sand.u32 $0x1FFFFFF0, s22;
	s25 =	spop (v2sf)  }
0x89: {  	[tilespmem:s13], [sflag:$0x2] =	stream.linear.gather [hbm4b:s23+s3], $0x80, $0x38;
	[tilespmem:$0x18980] =	vst v63  }
0x8a: {  	s26 =	sadd.s32 s4, s24;
	s28 =	sand.u32 $0x1FFFFFF0, s25;
	s30 =	spop (v2sf)  }
0x8b: {  	[tilespmem:s12], [sflag:$0x1] =	stream.linear.gather [hbm4b:s26+s3], $0x80, $0x38;
	[tilespmem:$0x18980] =	vst v63  }
0x8c: {  	s1 =	sadd.s32 s5, s28;
	s2 =	sand.u32 $0x1FFFFFF0, s30;
	s6 =	spop (v2sf)  }
0x8d: {  	[tilespmem:s11], [sflag:$0x2] =	stream.linear.gather [hbm4b:s1+s3], $0x80, $0x38;
	[tilespmem:$0x18980] =	vst v63  }
0x8e: {  	s7 =	sadd.s32 $0xC00, s9;
	s1 =	sadd.s32 s4, s2;
	s2 =	sand.u32 $0x1FFFFFF0, s6  }
0x8f: {  	[tilespmem:s7], [sflag:$0x1] =	stream.linear.gather [hbm4b:s1+s3], $0x80, $0x38;
	[tilespmem:$0x18980] =	vst v63  }
0x90: {  	s8 =	sadd.s32 $0x4C00, s9;
	s9 =	sadd.s32 s5, s2  }
0x91: {  	[tilespmem:s8], [sflag:$0x2] =	stream.linear.gather [hbm4b:s9+s3], $0x80, $0x38;
	[tilespmem:$0x18980] =	vst v63  }
0x92: {  	v5 =	vld [tilespmem:s31+$0xFFFFFF80]  }
0x93: {  	v7 =	vld [tilespmem:s31+$0x0];
	_ =	sdelay $0x3  }
0x94: {  	v6 =	vshll.u32 v5, $0x4  }
0x95: {  	v5 =	vshll.u32 v7, $0x4;
	(v2sf) =	vpush v6, $0x0  }
0x96: {  	s10 =	smov.u32 s29;
	(v2sf) =	vpush v5, $0x0  }
0x97: {  	s9 =	sshra.s32 s10, $0x2;
	(v2sf) =	vpush v6, $0x1  }
0x98: {  	p0 =	sne.s32 s29, $0xE000;
	s29 =	sadd.s32 $0x2000, s29;
	s14 =	sadd.s32 $0x4480, s9  }
0x99: {  	s22 =	sadd.s32 $0x700, s9;
	s0 =	sadd.s32 $0x900, s9;
	s17 =	sadd.s32 $0x480, s9;
	(v2sf) =	vpush v5, $0x1  }
0x9a: {  	s26 =	sadd.s32 $0x680, s9;
	s11 =	sadd.s32 $0x4980, s9;
	s8 =	sadd.s32 $0x600, s9  }
0x9b: {  	s28 =	sadd.s32 $0x4600, s9;
	s12 =	sadd.s32 $0x4A00, s9;
	s10 =	sadd.s32 $0x580, s9;
	(v2sf) =	vpush v6, $0x2  }
0x9c: {  	s7 =	sadd.s32 $0x4680, s9;
	s1 =	sadd.s32 $0xA80, s9;
	s16 =	sadd.s32 $0x4500, s9  }
0x9d: {  	s23 =	sadd.s32 $0x4580, s9;
	s25 =	sadd.s32 $0x4700, s9;
	[dreg:$0x11] =	wrdreg s0;
	(v2sf) =	vpush v5, $0x2  }
0x9e: {  	s24 =	sadd.s32 $0x780, s9;
	s13 =	sadd.s32 $0xA00, s9;
	[dreg:$0x9] =	wrdreg s11  }
0x9f: {  	s2 =	sadd.s32 $0x4780, s9;
	s15 =	sadd.s32 $0x4900, s9;
	[dreg:$0x5] =	wrdreg s12;
	(v2sf) =	vpush v6, $0x3  }
0xa0: {  	s18 =	sadd.s32 $0x980, s9;
	s30 =	sadd.s32 $0x800, s9;
	[dreg:$0xd] =	wrdreg s13  }
0xa1: {  	s19 =	sadd.s32 $0x4880, s9;
	s6 =	sadd.s32 $0x4800, s9;
	[dreg:$0x19] =	wrdreg s15;
	(v2sf) =	vpush v5, $0x3  }
0xa2: {  	s20 =	sadd.s32 $0x880, s9;
	s31 =	sadd.s32 $0x10, s31;
	[dreg:$0x15] =	wrdreg s18  }
0xa3: {  	s0 =	sadd.s32 $0x4A80, s9;
	[dreg:$0x1d] =	wrdreg s19;
	s18 =	sadd.s32 $0x500, s9;
	(v2sf) =	vpush v6, $0x4  }
0xa4: {  	[smem:$0x7EB] =	sst s20;
	s11 =	sadd.s32 $0x4B80, s9;
	s21 =	spop (v2sf)  }
0xa5: {  	s13 =	sadd.s32 $0x4B00, s9;
	s19 =	sand.u32 $0x1FFFFFF0, s21;
	s20 =	spop (v2sf)  }
0xa6: {  	(v2sf) =	vpush v5, $0x4;
	s19 =	sadd.s32 s4, s19;
	s20 =	sand.u32 $0x1FFFFFF0, s20;
	s21 =	spop (v2sf)  }
0xa7: {  	[tilespmem:s17], [sflag:$0x1] =	stream.linear.gather [hbm4b:s19+s3], $0x80, $0x38;
	[tilespmem:$0x18980] =	vst v63  }
0xa8: {  	(v2sf) =	vpush v6, $0x5;
	s19 =	sadd.s32 s5, s20;
	s20 =	sand.u32 $0x1FFFFFF0, s21;
	s21 =	spop (v2sf)  }
0xa9: {  	(v2sf) =	vpush v5, $0x5;
	[tilespmem:s14], [sflag:$0x2] =	stream.linear.gather [hbm4b:s19+s3], $0x80, $0x38;
	[tilespmem:$0x18980] =	vst v63  }
0xaa: {  	s19 =	sadd.s32 s4, s20;
	s20 =	sand.u32 $0x1FFFFFF0, s21;
	s21 =	spop (v2sf)  }
0xab: {  	(v2sf) =	vpush v6, $0x6;
	[tilespmem:s18], [sflag:$0x1] =	stream.linear.gather [hbm4b:s19+s3], $0x80, $0x38;
	[tilespmem:$0x18980] =	vst v63  }
0xac: {  	s18 =	sadd.s32 s5, s20;
	s20 =	sand.u32 $0x1FFFFFF0, s21;
	s21 =	spop (v2sf)  }
0xad: {  	(v2sf) =	vpush v5, $0x6;
	[tilespmem:s16], [sflag:$0x2] =	stream.linear.gather [hbm4b:s18+s3], $0x80, $0x38;
	[tilespmem:$0x18980] =	vst v63  }
0xae: {  	s19 =	sadd.s32 s4, s20;
	s20 =	sand.u32 $0x1FFFFFF0, s21;
	s21 =	spop (v2sf)  }
0xaf: {  	(v2sf) =	vpush v6, $0x7;
	[tilespmem:s10], [sflag:$0x1] =	stream.linear.gather [hbm4b:s19+s3], $0x80, $0x38;
	[tilespmem:$0x18980] =	vst v63  }
0xb0: {  	s12 =	sadd.s32 $0xB80, s9;
	s16 =	sadd.s32 s5, s20;
	s19 =	spop (v2sf)  }
0xb1: {  	(v2sf) =	vpush v5, $0x7;
	[tilespmem:s23], [sflag:$0x2] =	stream.linear.gather [hbm4b:s16+s3], $0x80, $0x38;
	[tilespmem:$0x18980] =	vst v63  }
0xb2: {  	s15 =	sadd.s32 $0xB00, s9;
	s18 =	sand.u32 $0x1FFFFFF0, s21;
	s23 =	spop (v2sf)  }
0xb3: {  	s20 =	sadd.s32 s4, s18;
	s21 =	sand.u32 $0x1FFFFFF0, s19;
	s14 =	sand.u32 $0x1FFFFFF0, s23  }
0xb4: {  	[tilespmem:s8], [sflag:$0x1] =	stream.linear.gather [hbm4b:s20+s3], $0x80, $0x38;
	[tilespmem:$0x18980] =	vst v63  }
0xb5: {  	(v2sf) =	vpush v6, $0x8;
	s10 =	sadd.s32 s5, s21;
	s17 =	sadd.s32 s4, s14;
	s16 =	spop (v2sf)  }
0xb6: {  	[tilespmem:s28], [sflag:$0x2] =	stream.linear.gather [hbm4b:s10+s3], $0x80, $0x38;
	[tilespmem:$0x18980] =	vst v63  }
0xb7: {  	s14 =	smov.u32 s1;
	(v2sf) =	vpush v5, $0x8;
	s18 =	sand.u32 $0x1FFFFFF0, s16;
	s19 =	spop (v2sf)  }
0xb8: {  	(v2sf) =	vpush v6, $0x9;
	s20 =	sadd.s32 s5, s18;
	s21 =	sand.u32 $0x1FFFFFF0, s19;
	s23 =	spop (v2sf)  }
0xb9: {  	[tilespmem:s26], [sflag:$0x1] =	stream.linear.gather [hbm4b:s17+s3], $0x80, $0x38;
	[tilespmem:$0x18980] =	vst v63  }
0xba: {  	(v2sf) =	vpush v5, $0x9;
	s26 =	sadd.s32 s4, s21;
	s28 =	sand.u32 $0x1FFFFFF0, s23;
	s1 =	spop (v2sf)  }
0xbb: {  	[tilespmem:s7], [sflag:$0x2] =	stream.linear.gather [hbm4b:s20+s3], $0x80, $0x38;
	[tilespmem:$0x18980] =	vst v63  }
0xbc: {  	(v2sf) =	vpush v6, $0xA;
	s8 =	sadd.s32 s5, s28;
	s10 =	sand.u32 $0x1FFFFFF0, s1;
	s16 =	spop (v2sf)  }
0xbd: {  	[tilespmem:s22], [sflag:$0x1] =	stream.linear.gather [hbm4b:s26+s3], $0x80, $0x38;
	[tilespmem:$0x18980] =	vst v63  }
0xbe: {  	s17 =	sadd.s32 s4, s10;
	s18 =	sand.u32 $0x1FFFFFF0, s16;
	s19 =	spop (v2sf)  }
0xbf: {  	[tilespmem:s25], [sflag:$0x2] =	stream.linear.gather [hbm4b:s8+s3], $0x80, $0x38;
	[tilespmem:$0x18980] =	vst v63  }
0xc0: {  	(v2sf) =	vpush v5, $0xA;
	s20 =	sadd.s32 s5, s18;
	s21 =	sand.u32 $0x1FFFFFF0, s19;
	s22 =	spop (v2sf)  }
0xc1: {  	[tilespmem:s24], [sflag:$0x1] =	stream.linear.gather [hbm4b:s17+s3], $0x80, $0x38;
	[tilespmem:$0x18980] =	vst v63  }
0xc2: {  	(v2sf) =	vpush v6, $0xB;
	s23 =	sadd.s32 s4, s21;
	s21 =	rddreg [dreg:$0x1d];
	s24 =	sand.u32 $0x1FFFFFF0, s22  }
0xc3: {  	[tilespmem:s2], [sflag:$0x2] =	stream.linear.gather [hbm4b:s20+s3], $0x80, $0x38;
	[tilespmem:$0x18980] =	vst v63  }
0xc4: {  	s17 =	sld [smem:$0x7EB];
	s25 =	spop (v2sf);
	s26 =	sadd.s32 s5, s24  }
0xc5: {  	[tilespmem:s30], [sflag:$0x1] =	stream.linear.gather [hbm4b:s23+s3], $0x80, $0x38;
	[tilespmem:$0x18980] =	vst v63  }
0xc6: {  	(v2sf) =	vpush v5, $0xB;
	s28 =	sand.u32 $0x1FFFFFF0, s25;
	s25 =	rddreg [dreg:$0x11];
	s30 =	spop (v2sf)  }
0xc7: {  	(v2sf) =	vpush v6, $0xC;
	s8 =	sadd.s32 s4, s28;
	s10 =	sand.u32 $0x1FFFFFF0, s30;
	s16 =	spop (v2sf)  }
0xc8: {  	[tilespmem:s6], [sflag:$0x2] =	stream.linear.gather [hbm4b:s26+s3], $0x80, $0x38;
	[tilespmem:$0x18980] =	vst v63  }
0xc9: {  	(v2sf) =	vpush v5, $0xC;
	s18 =	sadd.s32 s5, s10;
	s19 =	sand.u32 $0x1FFFFFF0, s16;
	s20 =	spop (v2sf)  }
0xca: {  	[tilespmem:s17], [sflag:$0x1] =	stream.linear.gather [hbm4b:s8+s3], $0x80, $0x38;
	[tilespmem:$0x18980] =	vst v63  }
0xcb: {  	s22 =	sadd.s32 s4, s19;
	s23 =	sand.u32 $0x1FFFFFF0, s20;
	s24 =	spop (v2sf)  }
0xcc: {  	[tilespmem:s21], [sflag:$0x2] =	stream.linear.gather [hbm4b:s18+s3], $0x80, $0x38;
	[tilespmem:$0x18980] =	vst v63  }
0xcd: {  	s26 =	sadd.s32 s5, s23;
	s8 =	rddreg [dreg:$0x19];
	s28 =	sand.u32 $0x1FFFFFF0, s24  }
0xce: {  	[tilespmem:s25], [sflag:$0x1] =	stream.linear.gather [hbm4b:s22+s3], $0x80, $0x38;
	[tilespmem:$0x18980] =	vst v63  }
0xcf: {  	s30 =	spop (v2sf);
	s10 =	sadd.s32 s4, s28;
	s18 =	rddreg [dreg:$0x15]  }
0xd0: {  	[tilespmem:s8], [sflag:$0x2] =	stream.linear.gather [hbm4b:s26+s3], $0x80, $0x38;
	[tilespmem:$0x18980] =	vst v63  }
0xd1: {  	s16 =	sand.u32 $0x1FFFFFF0, s30;
	s17 =	spop (v2sf);
	s30 =	rddreg [dreg:$0x5]  }
0xd2: {  	[tilespmem:s18], [sflag:$0x1] =	stream.linear.gather [hbm4b:s10+s3], $0x80, $0x38;
	[tilespmem:$0x18980] =	vst v63  }
0xd3: {  	s19 =	sadd.s32 s5, s16;
	s20 =	sand.u32 $0x1FFFFFF0, s17;
	s22 =	rddreg [dreg:$0x9]  }
0xd4: {  	(v2sf) =	vpush v6, $0xD;
	[tilespmem:s22], [sflag:$0x2] =	stream.linear.gather [hbm4b:s19+s3], $0x80, $0x38;
	[tilespmem:$0x18980] =	vst v63  }
.Ltmp0:
0xd5: {  	(v2sf) =	vpush v5, $0xD;
	s23 =	sadd.s32 s4, s20;
	s21 =	spop (v2sf);
	(pc) =	sbr.rel @p0 .LBB2_2-.Ltmp0, $4  }
0xd6: {  	(v2sf) =	vpush v6, $0xE;
	s26 =	rddreg [dreg:$0xd];
	s24 =	sand.u32 $0x1FFFFFF0, s21;
	s25 =	spop (v2sf)  }
0xd7: {  	(v2sf) =	vpush v5, $0xE;
	[tilespmem:s26], [sflag:$0x1] =	stream.linear.gather [hbm4b:s23+s3], $0x80, $0x38;
	[tilespmem:$0x18980] =	vst v63  }
0xd8: {  	(v2sf) =	vpush v6, $0xF;
	s28 =	sadd.s32 s5, s24;
	s1 =	sand.u32 $0x1FFFFFF0, s25;
	s2 =	spop (v2sf)  }
0xd9: {  	(v2sf) =	vpush v5, $0xF;
	[tilespmem:s30], [sflag:$0x2] =	stream.linear.gather [hbm4b:s28+s3], $0x80, $0x38;
	[tilespmem:$0x18980] =	vst v63  }
0xda: {  	_ =	sdelay $0x4  }
0xdb: {  	s1 =	sadd.s32 s4, s1;
	s2 =	sand.u32 $0x1FFFFFF0, s2  }
0xdc: {  	[tilespmem:s14], [sflag:$0x1] =	stream.linear.gather [hbm4b:s1+s3], $0x80, $0x38;
	[tilespmem:$0x18980] =	vst v63  }
0xdd: {  	s2 =	sadd.s32 s5, s2  }
0xde: {  	[tilespmem:s0], [sflag:$0x2] =	stream.linear.gather [hbm4b:s2+s3], $0x80, $0x38;
	[tilespmem:$0x18980] =	vst v63  }
0xdf: {  	s6 =	spop (v2sf)  }
0xe0: {  	s6 =	sand.u32 $0x1FFFFFF0, s6;
	s7 =	spop (v2sf)  }
0xe1: {  	s8 =	sadd.s32 s4, s6;
	s10 =	sand.u32 $0x1FFFFFF0, s7;
	s14 =	spop (v2sf)  }
0xe2: {  	[tilespmem:s15], [sflag:$0x1] =	stream.linear.gather [hbm4b:s8+s3], $0x80, $0x38;
	[tilespmem:$0x18980] =	vst v63  }
0xe3: {  	s16 =	sadd.s32 s5, s10;
	s17 =	sand.u32 $0x1FFFFFF0, s14;
	s18 =	spop (v2sf)  }
0xe4: {  	[tilespmem:s13], [sflag:$0x2] =	stream.linear.gather [hbm4b:s16+s3], $0x80, $0x38;
	[tilespmem:$0x18980] =	vst v63  }
0xe5: {  	s19 =	sadd.s32 s4, s17;
	s20 =	sand.u32 $0x1FFFFFF0, s18;
	s21 =	spop (v2sf)  }
0xe6: {  	[tilespmem:s12], [sflag:$0x1] =	stream.linear.gather [hbm4b:s19+s3], $0x80, $0x38;
	[tilespmem:$0x18980] =	vst v63  }
0xe7: {  	s22 =	sadd.s32 s5, s20;
	s23 =	sand.u32 $0x1FFFFFF0, s21;
	s24 =	spop (v2sf)  }
0xe8: {  	[tilespmem:s11], [sflag:$0x2] =	stream.linear.gather [hbm4b:s22+s3], $0x80, $0x38;
	[tilespmem:$0x18980] =	vst v63  }
0xe9: {  	s25 =	sadd.s32 $0xC00, s9;
	s1 =	sadd.s32 s4, s23;
	s2 =	sand.u32 $0x1FFFFFF0, s24  }
0xea: {  	[tilespmem:s25], [sflag:$0x1] =	stream.linear.gather [hbm4b:s1+s3], $0x80, $0x38;
	[tilespmem:$0x18980] =	vst v63  }
0xeb: {  	s26 =	sadd.s32 $0x4C00, s9;
	s6 =	sld [smem:$0x7F0];
	s28 =	sadd.s32 s5, s2  }
0xec: {  	[tilespmem:s26], [sflag:$0x2] =	stream.linear.gather [hbm4b:s28+s3], $0x80, $0x38;
	[tilespmem:$0x18980] =	vst v63  }
0xed: {  	s30 =	simm.s32 $0x0;
	s7 =	simm.s32 $0xC480;
	s8 =	simm.s32 $0x7  }
0xee: {  	[tilespmem:s7], [sflag:$0x7] =	stream.linear.gather [hbm4b:s6+s30], $0x80, $0x38;
	[tilespmem:$0x18980] =	vst v63  }
0xef: {  	_ =	swait.ge [sflag:s8], $0x80  }
0xf0: {  	s10 =	sld [smem:$0x7F1]  }
0xf1: {  	[sflag:s8] =	ssyncset.done $0x0  }
0xf2: {  	s9 =	simm.s32 $0xC500;
	[sflag:s8] =	ssyncadd.s32 $0xFFFFFF80  }
0xf3: {  	[tilespmem:s9], [sflag:$0x7] =	stream.linear.gather [hbm4b:s10+s30], $0x80, $0x38;
	[tilespmem:$0x18980] =	vst v63  }
0xf4: {  	_ =	swait.ge [sflag:s8], $0x80  }
0xf5: {  	s11 =	sld [smem:$0x7F2]  }
0xf6: {  	[sflag:s8] =	ssyncset.done $0x0  }
0xf7: {  	s7 =	simm.s32 $0xC580;
	[sflag:s8] =	ssyncadd.s32 $0xFFFFFF80  }
0xf8: {  	[tilespmem:s7], [sflag:$0x7] =	stream.linear.gather [hbm4b:s11+s30], $0x100, $0x38;
	[tilespmem:$0x18980] =	vst v63  }
0xf9: {  	_ =	swait.ge [sflag:s8], $0x100  }
0xfa: {  	[sflag:s8] =	ssyncset.done $0x0  }
0xfb: {  	[sflag:s8] =	ssyncadd.s32 $0xFFFFFF00  }
0xfc: {  	v5 =	vld [tilespmem:$0xC580]  }
0xfd: {  	v6 =	vld [tilespmem:$0xC590]  }
0xfe: {  	v7 =	vld [tilespmem:$0xC5A0]  }
0xff: {  	v8 =	vld [tilespmem:$0xC5B0]  }
0x100: {  	v9 =	vld [tilespmem:$0xC5C0]  }
0x101: {  	[tilespmem:$0xC880] =	vst v5;
	v5 =	vld [tilespmem:$0xC5D0]  }
0x102: {  	[tilespmem:$0xC890] =	vst v6;
	v6 =	vld [tilespmem:$0xC5E0]  }
0x103: {  	[tilespmem:$0xC8A0] =	vst v7;
	v7 =	vld [tilespmem:$0xC5F0]  }
0x104: {  	[tilespmem:$0xC8B0] =	vst v8  }
0x105: {  	[tilespmem:$0xC8C0] =	vst v9  }
0x106: {  	[tilespmem:$0xC8D0] =	vst v5  }
0x107: {  	s14 =	simm.s32 $0xC880;
	[tilespmem:$0xC8E0] =	vst v6  }
0x108: {  	s15 =	simm.s32 $0x14900;
	s13 =	simm.s32 $0x80;
	s12 =	rddreg [dreg:$0x2];
	[tilespmem:$0xC8F0] =	vst v7  }
0x109: {  	[tilespmem:s15], [sflag:$0x6] =	stream.indirect.gather [hbm4b:s12+s13], $0x80, s14, s13, $0xb8;
	[tilespmem:$0x18980] =	vst v63  }
0x10a: {  	v5 =	vld [tilespmem:s9+$0xFFFFFF80]  }
0x10b: {  	v7 =	vld [tilespmem:s9+$0x0];
	_ =	sdelay $0x3  }
0x10c: {  	v6 =	vshll.u32 v5, $0x4  }
0x10d: {  	v5 =	vshll.u32 v7, $0x4;
	(v2sf) =	vpush v6, $0x0  }
0x10e: {  	(v2sf) =	vpush v5, $0x0  }
0x10f: {  	(v2sf) =	vpush v6, $0x1;
	_ =	sdelay $0x1  }
0x110: {  	(v2sf) =	vpush v5, $0x1  }
0x111: {  	(v2sf) =	vpush v6, $0x2;
	_ =	sdelay $0x1  }
0x112: {  	(v2sf) =	vpush v5, $0x2;
	_ =	sdelay $0x1  }
0x113: {  	(v2sf) =	vpush v6, $0x3;
	_ =	sdelay $0x1  }
0x114: {  	s29 =	simm.s32 $0x2000;
	s31 =	simm.s32 $0xC510;
	s0 =	simm.s32 $0x10E00;
	(v2sf) =	vpush v5, $0x3  }
0x115: {  	s18 =	simm.s32 $0xC900;
	s16 =	simm.s32 $0x10900;
	s23 =	simm.s32 $0xC980  }
0x116: {  	s2 =	simm.s32 $0x10E80;
	s1 =	simm.s32 $0xCD80;
	s26 =	simm.s32 $0x10980  }
0x117: {  	s6 =	simm.s32 $0xCB80;
	s7 =	simm.s32 $0xCA80;
	s30 =	simm.s32 $0xCA00  }
0x118: {  	s8 =	simm.s32 $0xCB00;
	s14 =	simm.s32 $0x10A00;
	s17 =	spop (v2sf)  }
0x119: {  	s9 =	simm.s32 $0x0;
	s10 =	sand.u32 $0x1FFFFFF0, s17;
	s19 =	spop (v2sf)  }
0x11a: {  	(v2sf) =	vpush v6, $0x4;
	s17 =	simm.s32 $0x10A80;
	s10 =	sadd.s32 s4, s10;
	s21 =	spop (v2sf)  }
0x11b: {  	(v2sf) =	vpush v5, $0x4;
	[tilespmem:s18], [sflag:$0x4] =	stream.linear.gather [hbm4b:s10+s3], $0x80, $0x38;
	[tilespmem:$0x18980] =	vst v63  }
0x11c: {  	s20 =	sand.u32 $0x1FFFFFF0, s19;
	s11 =	sand.u32 $0x1FFFFFF0, s21;
	s22 =	spop (v2sf)  }
0x11d: {  	s10 =	sadd.s32 s5, s20;
	s24 =	sadd.s32 s4, s11;
	s28 =	spop (v2sf)  }
0x11e: {  	(v2sf) =	vpush v6, $0x5;
	[tilespmem:s16], [sflag:$0x5] =	stream.linear.gather [hbm4b:s10+s3], $0x80, $0x38;
	[tilespmem:$0x18980] =	vst v63  }
0x11f: {  	s25 =	sand.u32 $0x1FFFFFF0, s22;
	s10 =	sand.u32 $0x1FFFFFF0, s28;
	s12 =	spop (v2sf)  }
0x120: {  	(v2sf) =	vpush v5, $0x5;
	[tilespmem:s23], [sflag:$0x4] =	stream.linear.gather [hbm4b:s24+s3], $0x80, $0x38;
	[tilespmem:$0x18980] =	vst v63  }
0x121: {  	s11 =	sadd.s32 s5, s25;
	(v2sf) =	vpush v6, $0x6;
	s10 =	sadd.s32 s4, s10;
	s13 =	spop (v2sf)  }
0x122: {  	[tilespmem:s26], [sflag:$0x5] =	stream.linear.gather [hbm4b:s11+s3], $0x80, $0x38;
	[tilespmem:$0x18980] =	vst v63  }
0x123: {  	s16 =	sand.u32 $0x1FFFFFF0, s13;
	s18 =	spop (v2sf);
	s11 =	sand.u32 $0x1FFFFFF0, s12  }
0x124: {  	[tilespmem:s30], [sflag:$0x4] =	stream.linear.gather [hbm4b:s10+s3], $0x80, $0x38;
	[tilespmem:$0x18980] =	vst v63  }
0x125: {  	(v2sf) =	vpush v5, $0x6;
	s23 =	simm.s32 $0x10B00;
	s13 =	simm.s32 $0xCC00;
	s15 =	sadd.s32 s5, s11  }
0x126: {  	[tilespmem:s14], [sflag:$0x5] =	stream.linear.gather [hbm4b:s15+s3], $0x80, $0x38;
	[tilespmem:$0x18980] =	vst v63  }
0x127: {  	(v2sf) =	vpush v6, $0x7;
	s19 =	sadd.s32 s4, s16;
	s20 =	sand.u32 $0x1FFFFFF0, s18;
	s18 =	simm.s32 $0x10C00  }
0x128: {  	[tilespmem:s7], [sflag:$0x4] =	stream.linear.gather [hbm4b:s19+s3], $0x80, $0x38;
	[tilespmem:$0x18980] =	vst v63  }
0x129: {  	(v2sf) =	vpush v5, $0x7;
	s30 =	simm.s32 $0x10B80;
	s14 =	simm.s32 $0xCF00;
	s21 =	spop (v2sf)  }
0x12a: {  	s7 =	sadd.s32 s5, s20;
	s11 =	sand.u32 $0x1FFFFFF0, s21;
	s22 =	spop (v2sf)  }
0x12b: {  	(v2sf) =	vpush v6, $0x8;
	[tilespmem:s17], [sflag:$0x5] =	stream.linear.gather [hbm4b:s7+s3], $0x80, $0x38;
	[tilespmem:$0x18980] =	vst v63  }
0x12c: {  	s21 =	simm.s32 $0xCC80;
	s24 =	sadd.s32 s4, s11;
	s25 =	sand.u32 $0x1FFFFFF0, s22  }
0x12d: {  	(v2sf) =	vpush v5, $0x8;
	s7 =	simm.s32 $0xCE80;
	s26 =	spop (v2sf);
	s28 =	sadd.s32 s5, s25  }
0x12e: {  	[tilespmem:s8], [sflag:$0x4] =	stream.linear.gather [hbm4b:s24+s3], $0x80, $0x38;
	[tilespmem:$0x18980] =	vst v63  }
0x12f: {  	(v2sf) =	vpush v6, $0x9;
	s8 =	sand.u32 $0x1FFFFFF0, s26;
	s11 =	spop (v2sf);
	s24 =	simm.s32 $0x10C80  }
0x130: {  	(v2sf) =	vpush v5, $0x9;
	s26 =	simm.s32 $0xCD00;
	s8 =	sadd.s32 s4, s8;
	s12 =	spop (v2sf)  }
0x131: {  	[tilespmem:s23], [sflag:$0x5] =	stream.linear.gather [hbm4b:s28+s3], $0x80, $0x38;
	[tilespmem:$0x18980] =	vst v63  }
0x132: {  	s10 =	sand.u32 $0x1FFFFFF0, s11;
	(v2sf) =	vpush v6, $0xA;
	s11 =	simm.s32 $0x11000;
	s16 =	sand.u32 $0x1FFFFFF0, s12  }
0x133: {  	[tilespmem:s6], [sflag:$0x4] =	stream.linear.gather [hbm4b:s8+s3], $0x80, $0x38;
	[tilespmem:$0x18980] =	vst v63  }
0x134: {  	s15 =	sadd.s32 s5, s10;
	s17 =	spop (v2sf);
	(v2sf) =	vpush v5, $0xA;
	s10 =	sadd.s32 s4, s16  }
0x135: {  	[tilespmem:s30], [sflag:$0x5] =	stream.linear.gather [hbm4b:s15+s3], $0x80, $0x38;
	[tilespmem:$0x18980] =	vst v63  }
0x136: {  	s19 =	spop (v2sf);
	s16 =	simm.s32 $0xCE00;
	s8 =	sand.u32 $0x1FFFFFF0, s17  }
0x137: {  	[tilespmem:s13], [sflag:$0x4] =	stream.linear.gather [hbm4b:s10+s3], $0x80, $0x38;
	[tilespmem:$0x18980] =	vst v63  }
0x138: {  	(v2sf) =	vpush v6, $0xB;
	s20 =	spop (v2sf);
	s8 =	sadd.s32 s5, s8;
	s10 =	sand.u32 $0x1FFFFFF0, s19  }
0x139: {  	[tilespmem:s18], [sflag:$0x5] =	stream.linear.gather [hbm4b:s8+s3], $0x80, $0x38;
	[tilespmem:$0x18980] =	vst v63  }
0x13a: {  	(v2sf) =	vpush v5, $0xB;
	s23 =	sand.u32 $0x1FFFFFF0, s20;
	s22 =	sadd.s32 s4, s10;
	s25 =	spop (v2sf)  }
0x13b: {  	[tilespmem:s21], [sflag:$0x4] =	stream.linear.gather [hbm4b:s22+s3], $0x80, $0x38;
	[tilespmem:$0x18980] =	vst v63  }
0x13c: {  	s13 =	simm.s32 $0x10D80;
	s10 =	sadd.s32 s5, s23;
	s28 =	spop (v2sf)  }
0x13d: {  	[tilespmem:s24], [sflag:$0x5] =	stream.linear.gather [hbm4b:s10+s3], $0x80, $0x38;
	[tilespmem:$0x18980] =	vst v63  }
0x13e: {  	s8 =	sand.u32 $0x1FFFFFF0, s25;
	(v2sf) =	vpush v6, $0xC;
	s10 =	sand.u32 $0x1FFFFFF0, s28;
	s30 =	spop (v2sf)  }
0x13f: {  	s8 =	sadd.s32 s4, s8;
	s10 =	sadd.s32 s5, s10;
	s15 =	spop (v2sf)  }
0x140: {  	(v2sf) =	vpush v5, $0xC;
	[tilespmem:s26], [sflag:$0x4] =	stream.linear.gather [hbm4b:s8+s3], $0x80, $0x38;
	[tilespmem:$0x18980] =	vst v63  }
0x141: {  	s12 =	sand.u32 $0x1FFFFFF0, s30;
	s8 =	simm.s32 $0x10D00;
	s17 =	spop (v2sf)  }
0x142: {  	[tilespmem:s8], [sflag:$0x5] =	stream.linear.gather [hbm4b:s10+s3], $0x80, $0x38;
	[tilespmem:$0x18980] =	vst v63  }
0x143: {  	s18 =	spop (v2sf);
	s10 =	sadd.s32 s4, s12;
	s8 =	sand.u32 $0x1FFFFFF0, s15  }
0x144: {  	[tilespmem:s1], [sflag:$0x4] =	stream.linear.gather [hbm4b:s10+s3], $0x80, $0x38;
	[tilespmem:$0x18980] =	vst v63  }
0x145: {  	s20 =	sand.u32 $0x1FFFFFF0, s18;
	s8 =	sadd.s32 s5, s8;
	s10 =	sand.u32 $0x1FFFFFF0, s17  }
0x146: {  	[tilespmem:s13], [sflag:$0x5] =	stream.linear.gather [hbm4b:s8+s3], $0x80, $0x38;
	[tilespmem:$0x18980] =	vst v63  }
0x147: {  	s21 =	spop (v2sf);
	s12 =	simm.s32 $0xD000;
	s19 =	sadd.s32 s4, s10  }
0x148: {  	[tilespmem:s16], [sflag:$0x4] =	stream.linear.gather [hbm4b:s19+s3], $0x80, $0x38;
	[tilespmem:$0x18980] =	vst v63  }
0x149: {  	s22 =	sadd.s32 s5, s20;
	s23 =	sand.u32 $0x1FFFFFF0, s21;
	s24 =	spop (v2sf)  }
0x14a: {  	(v2sf) =	vpush v6, $0xD;
	[tilespmem:s0], [sflag:$0x5] =	stream.linear.gather [hbm4b:s22+s3], $0x80, $0x38;
	[tilespmem:$0x18980] =	vst v63  }
0x14b: {  	s15 =	simm.s32 $0xCF80;
	(v2sf) =	vpush v5, $0xD;
	s25 =	sadd.s32 s4, s23;
	s26 =	sand.u32 $0x1FFFFFF0, s24  }
0x14c: {  	(v2sf) =	vpush v6, $0xE;
	[tilespmem:s7], [sflag:$0x4] =	stream.linear.gather [hbm4b:s25+s3], $0x80, $0x38;
	[tilespmem:$0x18980] =	vst v63  }
0x14d: {  	s28 =	sadd.s32 s5, s26;
	(v2sf) =	vpush v5, $0xE;
	s13 =	simm.s32 $0x10F80;
	s30 =	spop (v2sf)  }
0x14e: {  	(v2sf) =	vpush v6, $0xF;
	[tilespmem:s2], [sflag:$0x5] =	stream.linear.gather [hbm4b:s28+s3], $0x80, $0x38;
	[tilespmem:$0x18980] =	vst v63  }
0x14f: {  	(v2sf) =	vpush v5, $0xF;
	s0 =	simm.s32 $0x10F00;
	s1 =	sand.u32 $0x1FFFFFF0, s30;
	s2 =	spop (v2sf)  }
.LBB2_4:
0x150: {  	_ =	sdelay $0x4  }
0x151: {  	s1 =	sadd.s32 s4, s1;
	s2 =	sand.u32 $0x1FFFFFF0, s2  }
0x152: {  	[tilespmem:s14], [sflag:$0x4] =	stream.linear.gather [hbm4b:s1+s3], $0x80, $0x38;
	[tilespmem:$0x18980] =	vst v63  }
0x153: {  	s17 =	sadd.s32 s5, s2  }
0x154: {  	[tilespmem:s0], [sflag:$0x5] =	stream.linear.gather [hbm4b:s17+s3], $0x80, $0x38;
	[tilespmem:$0x18980] =	vst v63  }
0x155: {  	s6 =	spop (v2sf)  }
0x156: {  	s18 =	sand.u32 $0x1FFFFFF0, s6;
	s19 =	spop (v2sf)  }
0x157: {  	s20 =	sadd.s32 s4, s18;
	s21 =	sand.u32 $0x1FFFFFF0, s19;
	s22 =	spop (v2sf)  }
0x158: {  	[tilespmem:s15], [sflag:$0x4] =	stream.linear.gather [hbm4b:s20+s3], $0x80, $0x38;
	[tilespmem:$0x18980] =	vst v63  }
0x159: {  	s23 =	sadd.s32 s5, s21;
	s24 =	sand.u32 $0x1FFFFFF0, s22;
	s25 =	spop (v2sf)  }
0x15a: {  	[tilespmem:s13], [sflag:$0x5] =	stream.linear.gather [hbm4b:s23+s3], $0x80, $0x38;
	[tilespmem:$0x18980] =	vst v63  }
0x15b: {  	s26 =	sadd.s32 s4, s24;
	s28 =	sand.u32 $0x1FFFFFF0, s25;
	s30 =	spop (v2sf)  }
0x15c: {  	[tilespmem:s12], [sflag:$0x4] =	stream.linear.gather [hbm4b:s26+s3], $0x80, $0x38;
	[tilespmem:$0x18980] =	vst v63  }
0x15d: {  	s1 =	sadd.s32 s5, s28;
	s2 =	sand.u32 $0x1FFFFFF0, s30;
	s6 =	spop (v2sf)  }
0x15e: {  	[tilespmem:s11], [sflag:$0x5] =	stream.linear.gather [hbm4b:s1+s3], $0x80, $0x38;
	[tilespmem:$0x18980] =	vst v63  }
0x15f: {  	s7 =	sadd.s32 $0xD080, s9;
	s1 =	sadd.s32 s4, s2;
	s2 =	sand.u32 $0x1FFFFFF0, s6  }
0x160: {  	[tilespmem:s7], [sflag:$0x4] =	stream.linear.gather [hbm4b:s1+s3], $0x80, $0x38;
	[tilespmem:$0x18980] =	vst v63  }
0x161: {  	s8 =	sadd.s32 $0x11080, s9;
	s9 =	sadd.s32 s5, s2  }
0x162: {  	[tilespmem:s8], [sflag:$0x5] =	stream.linear.gather [hbm4b:s9+s3], $0x80, $0x38;
	[tilespmem:$0x18980] =	vst v63  }
0x163: {  	v5 =	vld [tilespmem:s31+$0xFFFFFF80]  }
0x164: {  	v7 =	vld [tilespmem:s31+$0x0];
	_ =	sdelay $0x3  }
0x165: {  	v6 =	vshll.u32 v5, $0x4  }
0x166: {  	v5 =	vshll.u32 v7, $0x4;
	(v2sf) =	vpush v6, $0x0  }
0x167: {  	s10 =	smov.u32 s29;
	(v2sf) =	vpush v5, $0x0  }
0x168: {  	s9 =	sshra.s32 s10, $0x2;
	(v2sf) =	vpush v6, $0x1  }
0x169: {  	p0 =	sne.s32 s29, $0xE000;
	s29 =	sadd.s32 $0x2000, s29;
	s14 =	sadd.s32 $0x10900, s9  }
0x16a: {  	s22 =	sadd.s32 $0xCB80, s9;
	s0 =	sadd.s32 $0xCD80, s9;
	s17 =	sadd.s32 $0xC900, s9;
	(v2sf) =	vpush v5, $0x1  }
0x16b: {  	s26 =	sadd.s32 $0xCB00, s9;
	s11 =	sadd.s32 $0x10E00, s9;
	s8 =	sadd.s32 $0xCA80, s9  }
0x16c: {  	s28 =	sadd.s32 $0x10A80, s9;
	s12 =	sadd.s32 $0x10E80, s9;
	s10 =	sadd.s32 $0xCA00, s9;
	(v2sf) =	vpush v6, $0x2  }
0x16d: {  	s7 =	sadd.s32 $0x10B00, s9;
	s1 =	sadd.s32 $0xCF00, s9;
	s16 =	sadd.s32 $0x10980, s9  }
0x16e: {  	s23 =	sadd.s32 $0x10A00, s9;
	s25 =	sadd.s32 $0x10B80, s9;
	[dreg:$0x12] =	wrdreg s0;
	(v2sf) =	vpush v5, $0x2  }
0x16f: {  	s24 =	sadd.s32 $0xCC00, s9;
	s13 =	sadd.s32 $0xCE80, s9;
	[dreg:$0xa] =	wrdreg s11  }
0x170: {  	s2 =	sadd.s32 $0x10C00, s9;
	s15 =	sadd.s32 $0x10D80, s9;
	[dreg:$0x6] =	wrdreg s12;
	(v2sf) =	vpush v6, $0x3  }
0x171: {  	s18 =	sadd.s32 $0xCE00, s9;
	s30 =	sadd.s32 $0xCC80, s9;
	[dreg:$0xe] =	wrdreg s13  }
0x172: {  	s19 =	sadd.s32 $0x10D00, s9;
	s6 =	sadd.s32 $0x10C80, s9;
	[dreg:$0x1a] =	wrdreg s15;
	(v2sf) =	vpush v5, $0x3  }
0x173: {  	s20 =	sadd.s32 $0xCD00, s9;
	s31 =	sadd.s32 $0x10, s31;
	[dreg:$0x16] =	wrdreg s18  }
0x174: {  	s0 =	sadd.s32 $0x10F00, s9;
	[dreg:$0x1e] =	wrdreg s19;
	s18 =	sadd.s32 $0xC980, s9;
	(v2sf) =	vpush v6, $0x4  }
0x175: {  	[smem:$0x7EA] =	sst s20;
	s11 =	sadd.s32 $0x11000, s9;
	s21 =	spop (v2sf)  }
0x176: {  	s13 =	sadd.s32 $0x10F80, s9;
	s19 =	sand.u32 $0x1FFFFFF0, s21;
	s20 =	spop (v2sf)  }
0x177: {  	(v2sf) =	vpush v5, $0x4;
	s19 =	sadd.s32 s4, s19;
	s20 =	sand.u32 $0x1FFFFFF0, s20;
	s21 =	spop (v2sf)  }
0x178: {  	[tilespmem:s17], [sflag:$0x4] =	stream.linear.gather [hbm4b:s19+s3], $0x80, $0x38;
	[tilespmem:$0x18980] =	vst v63  }
0x179: {  	(v2sf) =	vpush v6, $0x5;
	s19 =	sadd.s32 s5, s20;
	s20 =	sand.u32 $0x1FFFFFF0, s21;
	s21 =	spop (v2sf)  }
0x17a: {  	(v2sf) =	vpush v5, $0x5;
	[tilespmem:s14], [sflag:$0x5] =	stream.linear.gather [hbm4b:s19+s3], $0x80, $0x38;
	[tilespmem:$0x18980] =	vst v63  }
0x17b: {  	s19 =	sadd.s32 s4, s20;
	s20 =	sand.u32 $0x1FFFFFF0, s21;
	s21 =	spop (v2sf)  }
0x17c: {  	(v2sf) =	vpush v6, $0x6;
	[tilespmem:s18], [sflag:$0x4] =	stream.linear.gather [hbm4b:s19+s3], $0x80, $0x38;
	[tilespmem:$0x18980] =	vst v63  }
0x17d: {  	s18 =	sadd.s32 s5, s20;
	s20 =	sand.u32 $0x1FFFFFF0, s21;
	s21 =	spop (v2sf)  }
0x17e: {  	(v2sf) =	vpush v5, $0x6;
	[tilespmem:s16], [sflag:$0x5] =	stream.linear.gather [hbm4b:s18+s3], $0x80, $0x38;
	[tilespmem:$0x18980] =	vst v63  }
0x17f: {  	s19 =	sadd.s32 s4, s20;
	s20 =	sand.u32 $0x1FFFFFF0, s21;
	s21 =	spop (v2sf)  }
0x180: {  	(v2sf) =	vpush v6, $0x7;
	[tilespmem:s10], [sflag:$0x4] =	stream.linear.gather [hbm4b:s19+s3], $0x80, $0x38;
	[tilespmem:$0x18980] =	vst v63  }
0x181: {  	s12 =	sadd.s32 $0xD000, s9;
	s16 =	sadd.s32 s5, s20;
	s19 =	spop (v2sf)  }
0x182: {  	(v2sf) =	vpush v5, $0x7;
	[tilespmem:s23], [sflag:$0x5] =	stream.linear.gather [hbm4b:s16+s3], $0x80, $0x38;
	[tilespmem:$0x18980] =	vst v63  }
0x183: {  	s15 =	sadd.s32 $0xCF80, s9;
	s18 =	sand.u32 $0x1FFFFFF0, s21;
	s23 =	spop (v2sf)  }
0x184: {  	s20 =	sadd.s32 s4, s18;
	s21 =	sand.u32 $0x1FFFFFF0, s19;
	s14 =	sand.u32 $0x1FFFFFF0, s23  }
0x185: {  	[tilespmem:s8], [sflag:$0x4] =	stream.linear.gather [hbm4b:s20+s3], $0x80, $0x38;
	[tilespmem:$0x18980] =	vst v63  }
0x186: {  	(v2sf) =	vpush v6, $0x8;
	s10 =	sadd.s32 s5, s21;
	s17 =	sadd.s32 s4, s14;
	s16 =	spop (v2sf)  }
0x187: {  	[tilespmem:s28], [sflag:$0x5] =	stream.linear.gather [hbm4b:s10+s3], $0x80, $0x38;
	[tilespmem:$0x18980] =	vst v63  }
0x188: {  	s14 =	smov.u32 s1;
	(v2sf) =	vpush v5, $0x8;
	s18 =	sand.u32 $0x1FFFFFF0, s16;
	s19 =	spop (v2sf)  }
0x189: {  	(v2sf) =	vpush v6, $0x9;
	s20 =	sadd.s32 s5, s18;
	s21 =	sand.u32 $0x1FFFFFF0, s19;
	s23 =	spop (v2sf)  }
0x18a: {  	[tilespmem:s26], [sflag:$0x4] =	stream.linear.gather [hbm4b:s17+s3], $0x80, $0x38;
	[tilespmem:$0x18980] =	vst v63  }
0x18b: {  	(v2sf) =	vpush v5, $0x9;
	s26 =	sadd.s32 s4, s21;
	s28 =	sand.u32 $0x1FFFFFF0, s23;
	s1 =	spop (v2sf)  }
0x18c: {  	[tilespmem:s7], [sflag:$0x5] =	stream.linear.gather [hbm4b:s20+s3], $0x80, $0x38;
	[tilespmem:$0x18980] =	vst v63  }
0x18d: {  	(v2sf) =	vpush v6, $0xA;
	s8 =	sadd.s32 s5, s28;
	s10 =	sand.u32 $0x1FFFFFF0, s1;
	s16 =	spop (v2sf)  }
0x18e: {  	[tilespmem:s22], [sflag:$0x4] =	stream.linear.gather [hbm4b:s26+s3], $0x80, $0x38;
	[tilespmem:$0x18980] =	vst v63  }
0x18f: {  	s17 =	sadd.s32 s4, s10;
	s18 =	sand.u32 $0x1FFFFFF0, s16;
	s19 =	spop (v2sf)  }
0x190: {  	[tilespmem:s25], [sflag:$0x5] =	stream.linear.gather [hbm4b:s8+s3], $0x80, $0x38;
	[tilespmem:$0x18980] =	vst v63  }
0x191: {  	(v2sf) =	vpush v5, $0xA;
	s20 =	sadd.s32 s5, s18;
	s21 =	sand.u32 $0x1FFFFFF0, s19;
	s22 =	spop (v2sf)  }
0x192: {  	[tilespmem:s24], [sflag:$0x4] =	stream.linear.gather [hbm4b:s17+s3], $0x80, $0x38;
	[tilespmem:$0x18980] =	vst v63  }
0x193: {  	(v2sf) =	vpush v6, $0xB;
	s23 =	sadd.s32 s4, s21;
	s21 =	rddreg [dreg:$0x1e];
	s24 =	sand.u32 $0x1FFFFFF0, s22  }
0x194: {  	[tilespmem:s2], [sflag:$0x5] =	stream.linear.gather [hbm4b:s20+s3], $0x80, $0x38;
	[tilespmem:$0x18980] =	vst v63  }
0x195: {  	s17 =	sld [smem:$0x7EA];
	s25 =	spop (v2sf);
	s26 =	sadd.s32 s5, s24  }
0x196: {  	[tilespmem:s30], [sflag:$0x4] =	stream.linear.gather [hbm4b:s23+s3], $0x80, $0x38;
	[tilespmem:$0x18980] =	vst v63  }
0x197: {  	(v2sf) =	vpush v5, $0xB;
	s28 =	sand.u32 $0x1FFFFFF0, s25;
	s25 =	rddreg [dreg:$0x12];
	s30 =	spop (v2sf)  }
0x198: {  	(v2sf) =	vpush v6, $0xC;
	s8 =	sadd.s32 s4, s28;
	s10 =	sand.u32 $0x1FFFFFF0, s30;
	s16 =	spop (v2sf)  }
0x199: {  	[tilespmem:s6], [sflag:$0x5] =	stream.linear.gather [hbm4b:s26+s3], $0x80, $0x38;
	[tilespmem:$0x18980] =	vst v63  }
0x19a: {  	(v2sf) =	vpush v5, $0xC;
	s18 =	sadd.s32 s5, s10;
	s19 =	sand.u32 $0x1FFFFFF0, s16;
	s20 =	spop (v2sf)  }
0x19b: {  	[tilespmem:s17], [sflag:$0x4] =	stream.linear.gather [hbm4b:s8+s3], $0x80, $0x38;
	[tilespmem:$0x18980] =	vst v63  }
0x19c: {  	s22 =	sadd.s32 s4, s19;
	s23 =	sand.u32 $0x1FFFFFF0, s20;
	s24 =	spop (v2sf)  }
0x19d: {  	[tilespmem:s21], [sflag:$0x5] =	stream.linear.gather [hbm4b:s18+s3], $0x80, $0x38;
	[tilespmem:$0x18980] =	vst v63  }
0x19e: {  	s26 =	sadd.s32 s5, s23;
	s8 =	rddreg [dreg:$0x1a];
	s28 =	sand.u32 $0x1FFFFFF0, s24  }
0x19f: {  	[tilespmem:s25], [sflag:$0x4] =	stream.linear.gather [hbm4b:s22+s3], $0x80, $0x38;
	[tilespmem:$0x18980] =	vst v63  }
0x1a0: {  	s30 =	spop (v2sf);
	s10 =	sadd.s32 s4, s28;
	s18 =	rddreg [dreg:$0x16]  }
0x1a1: {  	[tilespmem:s8], [sflag:$0x5] =	stream.linear.gather [hbm4b:s26+s3], $0x80, $0x38;
	[tilespmem:$0x18980] =	vst v63  }
0x1a2: {  	s16 =	sand.u32 $0x1FFFFFF0, s30;
	s17 =	spop (v2sf);
	s30 =	rddreg [dreg:$0x6]  }
0x1a3: {  	[tilespmem:s18], [sflag:$0x4] =	stream.linear.gather [hbm4b:s10+s3], $0x80, $0x38;
	[tilespmem:$0x18980] =	vst v63  }
0x1a4: {  	s19 =	sadd.s32 s5, s16;
	s20 =	sand.u32 $0x1FFFFFF0, s17;
	s22 =	rddreg [dreg:$0xa]  }
0x1a5: {  	(v2sf) =	vpush v6, $0xD;
	[tilespmem:s22], [sflag:$0x5] =	stream.linear.gather [hbm4b:s19+s3], $0x80, $0x38;
	[tilespmem:$0x18980] =	vst v63  }
.Ltmp1:
0x1a6: {  	(v2sf) =	vpush v5, $0xD;
	s23 =	sadd.s32 s4, s20;
	s21 =	spop (v2sf);
	(pc) =	sbr.rel @p0 .LBB2_4-.Ltmp1, $4  }
0x1a7: {  	(v2sf) =	vpush v6, $0xE;
	s26 =	rddreg [dreg:$0xe];
	s24 =	sand.u32 $0x1FFFFFF0, s21;
	s25 =	spop (v2sf)  }
0x1a8: {  	(v2sf) =	vpush v5, $0xE;
	[tilespmem:s26], [sflag:$0x4] =	stream.linear.gather [hbm4b:s23+s3], $0x80, $0x38;
	[tilespmem:$0x18980] =	vst v63  }
0x1a9: {  	(v2sf) =	vpush v6, $0xF;
	s28 =	sadd.s32 s5, s24;
	s1 =	sand.u32 $0x1FFFFFF0, s25;
	s2 =	spop (v2sf)  }
0x1aa: {  	(v2sf) =	vpush v5, $0xF;
	[tilespmem:s30], [sflag:$0x5] =	stream.linear.gather [hbm4b:s28+s3], $0x80, $0x38;
	[tilespmem:$0x18980] =	vst v63  }
0x1ab: {  	_ =	sdelay $0x4  }
0x1ac: {  	s1 =	sadd.s32 s4, s1;
	s2 =	sand.u32 $0x1FFFFFF0, s2  }
0x1ad: {  	[tilespmem:s14], [sflag:$0x4] =	stream.linear.gather [hbm4b:s1+s3], $0x80, $0x38;
	[tilespmem:$0x18980] =	vst v63  }
0x1ae: {  	s2 =	sadd.s32 s5, s2  }
0x1af: {  	[tilespmem:s0], [sflag:$0x5] =	stream.linear.gather [hbm4b:s2+s3], $0x80, $0x38;
	[tilespmem:$0x18980] =	vst v63  }
0x1b0: {  	s6 =	spop (v2sf)  }
0x1b1: {  	s6 =	sand.u32 $0x1FFFFFF0, s6;
	s7 =	spop (v2sf)  }
0x1b2: {  	s8 =	sadd.s32 s4, s6;
	s10 =	sand.u32 $0x1FFFFFF0, s7;
	s14 =	spop (v2sf)  }
0x1b3: {  	[tilespmem:s15], [sflag:$0x4] =	stream.linear.gather [hbm4b:s8+s3], $0x80, $0x38;
	[tilespmem:$0x18980] =	vst v63  }
0x1b4: {  	s16 =	sadd.s32 s5, s10;
	s17 =	sand.u32 $0x1FFFFFF0, s14;
	s18 =	spop (v2sf)  }
0x1b5: {  	[tilespmem:s13], [sflag:$0x5] =	stream.linear.gather [hbm4b:s16+s3], $0x80, $0x38;
	[tilespmem:$0x18980] =	vst v63  }
0x1b6: {  	s19 =	sadd.s32 s4, s17;
	s20 =	sand.u32 $0x1FFFFFF0, s18;
	s21 =	spop (v2sf)  }
0x1b7: {  	[tilespmem:s12], [sflag:$0x4] =	stream.linear.gather [hbm4b:s19+s3], $0x80, $0x38;
	[tilespmem:$0x18980] =	vst v63  }
0x1b8: {  	s22 =	sadd.s32 s5, s20;
	s23 =	sand.u32 $0x1FFFFFF0, s21;
	s24 =	spop (v2sf)  }
0x1b9: {  	[tilespmem:s11], [sflag:$0x5] =	stream.linear.gather [hbm4b:s22+s3], $0x80, $0x38;
	[tilespmem:$0x18980] =	vst v63  }
0x1ba: {  	s25 =	sadd.s32 $0xD080, s9;
	s1 =	sadd.s32 s4, s23;
	s2 =	sand.u32 $0x1FFFFFF0, s24  }
0x1bb: {  	[tilespmem:s25], [sflag:$0x4] =	stream.linear.gather [hbm4b:s1+s3], $0x80, $0x38;
	[tilespmem:$0x18980] =	vst v63  }
0x1bc: {  	s26 =	sadd.s32 $0x11080, s9;
	s29 =	simm.s32 $0x1;
	s28 =	sadd.s32 s5, s2  }
0x1bd: {  	[tilespmem:s26], [sflag:$0x5] =	stream.linear.gather [hbm4b:s28+s3], $0x80, $0x38;
	[tilespmem:$0x18980] =	vst v63  }
0x1be: {  	_ =	swait.ge [sflag:s29], $0x4000  }
0x1bf: {  	[sflag:s29] =	ssyncset.done $0x0  }
0x1c0: {  	s30 =	simm.s32 $0x2;
	[sflag:s29] =	ssyncadd.s32 $0xFFFFC000  }
0x1c1: {  	_ =	swait.ge [sflag:s30], $0x4000  }
0x1c2: {  	[sflag:s30] =	ssyncset.done $0x0  }
0x1c3: {  	s31 =	simm.s32 $0x3;
	[sflag:s30] =	ssyncadd.s32 $0xFFFFC000  }
0x1c4: {  	s9 =	simm.s32 $0x84C0;
	_ =	swait.ge [sflag:s31], $0x4000  }
0x1c5: {  	s0 =	simm.s32 $0x0;
	s10 =	simm.s32 $0x4A0;
	[sflag:s31] =	ssyncset.done $0x0  }
0x1c6: {  	s14 =	simm.s32 $0x7;
	s11 =	simm.s32 $0x44A0;
	[sflag:s31] =	ssyncadd.s32 $0xFFFFC000  }
.LBB2_6:
0x1c7: {  	v5 =	vld [tilespmem:s10+$0xFFFFFFE0]  }
0x1c8: {  	v6 =	vld [tilespmem:s9+$0xFFFFFFC0]  }
0x1c9: {  	v7 =	vld [tilespmem:s10+$0xFFFFFFF0]  }
0x1ca: {  	v8 =	vld [tilespmem:s9+$0xFFFFFFD0]  }
0x1cb: {  	v9 =	vld [tilespmem:s10+$0x0]  }
0x1cc: {  	v10 =	vld [tilespmem:s9+$0xFFFFFFE0]  }
0x1cd: {  	v11 =	vld [tilespmem:s10+$0x10]  }
0x1ce: {  	v12 =	vld [tilespmem:s9+$0xFFFFFFF0]  }
0x1cf: {  	v13 =	vld [tilespmem:s11+$0xFFFFFFE0];
	v5 =	vmul.f32 v6, v5;
	v6 =	vmul.f32 v8, v7  }
0x1d0: {  	v7 =	vld [tilespmem:s9+$0x0]  }
0x1d1: {  	v8 =	vld [tilespmem:s11+$0xFFFFFFF0];
	v5 =	vadd.f32 v6, v5;
	v6 =	vmul.f32 v10, v9  }
0x1d2: {  	v9 =	vld [tilespmem:s9+$0x10]  }
0x1d3: {  	v10 =	vld [tilespmem:s11+$0x0];
	v5 =	vadd.f32 v6, v5;
	v6 =	vmul.f32 v12, v11  }
0x1d4: {  	v11 =	vld [tilespmem:s9+$0x20]  }
0x1d5: {  	v12 =	vld [tilespmem:s11+$0x10];
	v5 =	vadd.f32 v6, v5;
	v6 =	vmul.f32 v7, v13  }
0x1d6: {  	s1 =	sadd.s32 $0x80, s10;
	v7 =	vld [tilespmem:s9+$0x30]  }
0x1d7: {  	s2 =	sadd.s32 $0x80, s9;
	v13 =	vld [tilespmem:s1+$0xFFFFFFE0];
	v5 =	vadd.f32 v6, v5;
	v6 =	vmul.f32 v9, v8  }
0x1d8: {  	v8 =	vld [tilespmem:s2+$0xFFFFFFC0]  }
0x1d9: {  	v9 =	vld [tilespmem:s1+$0xFFFFFFF0];
	v5 =	vadd.f32 v6, v5;
	v6 =	vmul.f32 v11, v10  }
0x1da: {  	v10 =	vld [tilespmem:s2+$0xFFFFFFD0]  }
0x1db: {  	v11 =	vld [tilespmem:s1+$0x0];
	v5 =	vadd.f32 v6, v5;
	v6 =	vmul.f32 v7, v12  }
0x1dc: {  	v7 =	vld [tilespmem:s2+$0xFFFFFFE0]  }
0x1dd: {  	v12 =	vld [tilespmem:s1+$0x10];
	v5 =	vadd.f32 v6, v5  }
0x1de: {  	v8 =	vmul.f32 v8, v13;
	v6 =	vld [tilespmem:s2+$0xFFFFFFF0]  }
0x1df: {  	s6 =	sadd.s32 $0x80, s11;
	v14 =	vld [tilespmem:s2+$0x0];
	v9 =	vmul.f32 v10, v9;
	v10 =	vperm.xlane v5, v0  }
0x1e0: {  	v13 =	vld [tilespmem:s6+$0xFFFFFFE0]  }
0x1e1: {  	v15 =	vld [tilespmem:s6+$0xFFFFFFF0];
	v8 =	vadd.f32 v9, v8;
	v7 =	vmul.f32 v7, v11;
	v5 =	vadd.f32 v5, v10  }
0x1e2: {  	v10 =	vld [tilespmem:s2+$0x10]  }
0x1e3: {  	v16 =	vld [tilespmem:s6+$0x0];
	v7 =	vadd.f32 v7, v8;
	v8 =	vmul.f32 v6, v12;
	v9 =	vperm.xlane v5, v1  }
0x1e4: {  	v17 =	vld [tilespmem:s2+$0x20]  }
0x1e5: {  	v11 =	vmul.f32 v14, v13;
	v6 =	vld [tilespmem:s6+$0x10];
	v8 =	vadd.f32 v8, v7;
	v14 =	vadd.f32 v5, v9  }
0x1e6: {  	s8 =	sadd.s32 $0x80, s1;
	v7 =	vld [tilespmem:s2+$0x30]  }
0x1e7: {  	s7 =	sadd.s32 $0x80, s2;
	v9 =	vld [tilespmem:s8+$0xFFFFFFE0];
	v8 =	vadd.f32 v11, v8;
	v12 =	vmul.f32 v10, v15;
	v15 =	vperm.xlane v14, v2  }
0x1e8: {  	v11 =	vld [tilespmem:s7+$0xFFFFFFC0]  }
0x1e9: {  	s12 =	simm.s32 $0x2;
	v13 =	vmul.f32 v17, v16;
	v10 =	vld [tilespmem:s8+$0xFFFFFFF0];
	v12 =	vadd.f32 v12, v8;
	v8 =	vadd.f32 v14, v15  }
0x1ea: {  	s13 =	simm.s32 $0x3;
	s1 =	simm.s32 $0x1;
	s2 =	simm.s32 $0x0;
	v5 =	vimm.f32 $0.0e+00;
	v14 =	vld [tilespmem:s7+$0xFFFFFFD0]  }
.LBB2_7:
0x1eb: {  	p0 =	sne.s32 s13, $0xF;
	v15 =	vld [tilespmem:s8+$0x0];
	v12 =	vadd.f32 v13, v12;
	v6 =	vmul.f32 v7, v6;
	v7 =	vperm.xlane v8, v3  }
0x1ec: {  	v13 =	vld [tilespmem:s7+$0xFFFFFFE0]  }
0x1ed: {  	v16 =	vld [tilespmem:s8+$0x10];
	v6 =	vadd.f32 v6, v12;
	v7 =	vadd.f32 v8, v7;
	v8 =	vmov s2;
	s2 =	smov.u32 s1;
	s1 =	smov.u32 s12;
	s12 =	smov.u32 s13  }
0x1ee: {  	s6 =	sadd.s32 $0x80, s6;
	v9 =	vmul.f32 v11, v9;
	v11 =	vld [tilespmem:s7+$0xFFFFFFF0];
	vm0 =	veq.s32 v8, v4  }
0x1ef: {  	v8 =	vmul.f32 v14, v10;
	v10 =	vld [tilespmem:s6+$0xFFFFFFE0];
	v12 =	vperm.xlane v6, v0;
	v5 =	vsel vm0, v7, v5  }
0x1f0: {  	v7 =	vld [tilespmem:s7+$0x0]  }
0x1f1: {  	v8 =	vadd.f32 v8, v9;
	v9 =	vmul.f32 v13, v15;
	v13 =	vld [tilespmem:s6+$0xFFFFFFF0];
	v12 =	vadd.f32 v6, v12  }
0x1f2: {  	v14 =	vld [tilespmem:s7+$0x10]  }
0x1f3: {  	v6 =	vadd.f32 v9, v8;
	v8 =	vmul.f32 v11, v16;
	v15 =	vld [tilespmem:s6+$0x0];
	v9 =	vperm.xlane v12, v1  }
0x1f4: {  	v16 =	vld [tilespmem:s7+$0x20]  }
0x1f5: {  	v8 =	vadd.f32 v8, v6;
	v10 =	vmul.f32 v7, v10;
	v6 =	vld [tilespmem:s6+$0x10];
	v17 =	vadd.f32 v12, v9  }
.Ltmp2:
0x1f6: {  	s8 =	sadd.s32 $0x80, s8;
	v7 =	vld [tilespmem:s7+$0x30];
	(pc) =	sbr.rel @p0 .LBB2_7-.Ltmp2, $4  }
0x1f7: {  	s7 =	sadd.s32 $0x80, s7;
	v9 =	vld [tilespmem:s8+$0xFFFFFFE0];
	v8 =	vadd.f32 v10, v8;
	v12 =	vmul.f32 v14, v13;
	v14 =	vperm.xlane v17, v2  }
0x1f8: {  	v11 =	vld [tilespmem:s7+$0xFFFFFFC0]  }
0x1f9: {  	v10 =	vld [tilespmem:s8+$0xFFFFFFF0];
	v12 =	vadd.f32 v12, v8;
	v13 =	vmul.f32 v16, v15;
	v8 =	vadd.f32 v17, v14  }
0x1fa: {  	s13 =	sadd.s32 $0x1, s13;
	v14 =	vld [tilespmem:s7+$0xFFFFFFD0]  }
0x1fb: {  	v15 =	vld [tilespmem:s8+$0x0]  }
0x1fc: {  	v16 =	vld [tilespmem:s7+$0xFFFFFFE0]  }
0x1fd: {  	v17 =	vld [tilespmem:s8+$0x10]  }
0x1fe: {  	v18 =	vld [tilespmem:s7+$0xFFFFFFF0]  }
0x1ff: {  	s6 =	sadd.s32 $0x80, s6;
	v43 =	vld [tilespmem:s7+$0x0];
	v9 =	vmul.f32 v11, v9;
	v10 =	vmul.f32 v14, v10  }
0x200: {  	v42 =	vld [tilespmem:s6+$0xFFFFFFE0]  }
0x201: {  	v46 =	vld [tilespmem:s7+$0x10];
	v44 =	vmul.f32 v16, v15;
	v9 =	vadd.f32 v10, v9  }
0x202: {  	v45 =	vld [tilespmem:s6+$0xFFFFFFF0]  }
0x203: {  	v49 =	vld [tilespmem:s7+$0x20];
	v47 =	vmul.f32 v18, v17;
	v9 =	vadd.f32 v44, v9  }
0x204: {  	v48 =	vld [tilespmem:s6+$0x0]  }
0x205: {  	v52 =	vld [tilespmem:s7+$0x30];
	v50 =	vmul.f32 v43, v42;
	v9 =	vadd.f32 v47, v9  }
0x206: {  	v51 =	vld [tilespmem:s6+$0x10]  }
0x207: {  	v53 =	vmul.f32 v46, v45;
	v9 =	vadd.f32 v50, v9;
	_ =	sdelay $0x1  }
0x208: {  	v54 =	vmul.f32 v49, v48;
	v9 =	vadd.f32 v53, v9  }
0x209: {  	v12 =	vadd.f32 v13, v12;
	v6 =	vmul.f32 v7, v6  }
0x20a: {  	v55 =	vmul.f32 v52, v51;
	v7 =	vadd.f32 v54, v9  }
0x20b: {  	v6 =	vadd.f32 v6, v12  }
0x20c: {  	v7 =	vadd.f32 v55, v7  }
0x20d: {  	v56 =	vperm.xlane v6, v0  }
0x20e: {  	v57 =	vperm.xlane v7, v0  }
0x20f: {  	v6 =	vadd.f32 v6, v56  }
0x210: {  	v7 =	vadd.f32 v7, v57  }
0x211: {  	v9 =	vperm.xlane v6, v1  }
0x212: {  	v10 =	vperm.xlane v7, v1  }
0x213: {  	v6 =	vadd.f32 v6, v9  }
0x214: {  	v7 =	vadd.f32 v7, v10  }
0x215: {  	v9 =	vperm.xlane v6, v2  }
0x216: {  	v10 =	vperm.xlane v7, v2  }
0x217: {  	v6 =	vadd.f32 v6, v9  }
0x218: {  	v58 =	vperm.xlane v8, v3;
	v7 =	vadd.f32 v7, v10  }
0x219: {  	v59 =	vmov s2;
	v60 =	vperm.xlane v6, v3  }
0x21a: {  	v62 =	vmov s1;
	v8 =	vadd.f32 v8, v58;
	v61 =	vperm.xlane v7, v3  }
0x21b: {  	v63 =	vmov s12;
	vm0 =	veq.s32 v59, v4;
	v6 =	vadd.f32 v6, v60  }
0x21c: {  	vm14 =	veq.s32 v62, v4;
	v5 =	vsel vm0, v8, v5;
	v7 =	vadd.f32 v7, v61  }
0x21d: {  	vm15 =	veq.s32 v63, v4;
	v5 =	vsel vm14, v6, v5  }
0x21e: {  	v5 =	vsel vm15, v7, v5  }
0x21f: {  	v5 =	vsub.f32 $0.0e+00, v5;
	_ =	sdelay $0x1  }
0x220: {  	v5 =	vmul.f32 $1.442695020e+00, v5;
	_ =	sdelay $0x1  }
0x221: {  	(erf) = vpow2.f32 v5;
	_ =	sdelay $0x8  }
0x222: {  	v5 =	vpop (erf)  }
0x223: {  	v5 =	vadd.f32 $1.000000000e+00, v5;
	_ =	sdelay $0x1  }
0x224: {  	(erf) = vrcp.f32 v5;
	_ =	sdelay $0x3  }
0x225: {  	s31 =	sshll.u32 s0, $0x4;
	s0 =	sadd.s32 $0x1, s0  }
0x226: {  	p0 =	sne.s32 s0, $0x8  }
.Ltmp3:
0x227: {  	_ = 	snop;
	(pc) =	sbr.rel @p0 .LBB2_6-.Ltmp3, $3  }
0x228: {  	_ =	sdelay $0x1  }
0x229: {  	s1 =	sand.u32 $0x3FFFFFF0, s31;
	v5 =	vpop (erf)  }
0x22a: {  	s9 =	sadd.s32 $0x800, s9;
	s10 =	sadd.s32 $0x800, s10;
	s11 =	sadd.s32 $0x800, s11;
	[tilespmem:s1+$0x18900] =	vst v5  }
0x22b: {  	s1 =	sld [smem:$0x7F3];
	_ =	sdelay $0x1  }
0x22c: {  	s0 =	simm.s32 $0x0;
	s2 =	simm.s32 $0x18900  }
0x22d: {  	[hbm4b:s1+s0] =	stream.linear.scatter [tilespmem:s2], [sflag:$0x7], $0x80, $0x38;
	[tilespmem:$0x18980] =	vst v63  }
0x22e: {  	_ =	swait.ge [sflag:s14], $0x80  }
0x22f: {  	s10 =	sld [smem:$0x7F4]  }
0x230: {  	[sflag:s14] =	ssyncset.done $0x0  }
0x231: {  	[sflag:s14] =	ssyncadd.s32 $0xFFFFFF80  }
0x232: {  	[tilespmem:s0], [sflag:$0x7] =	stream.linear.gather [hbm4b:s10+s0], $0x80, $0x38;
	[tilespmem:$0x18980] =	vst v63  }
0x233: {  	_ =	swait.ge [sflag:s14], $0x80  }
0x234: {  	s12 =	sld [smem:$0x7F5]  }
0x235: {  	[sflag:s14] =	ssyncset.done $0x0  }
0x236: {  	s11 =	simm.s32 $0x80;
	[sflag:s14] =	ssyncadd.s32 $0xFFFFFF80  }
0x237: {  	[tilespmem:s11], [sflag:$0x7] =	stream.linear.gather [hbm4b:s12+s0], $0x80, $0x38;
	[tilespmem:$0x18980] =	vst v63  }
0x238: {  	_ =	swait.ge [sflag:s14], $0x80  }
0x239: {  	s13 =	sld [smem:$0x7F6]  }
0x23a: {  	[sflag:s14] =	ssyncset.done $0x0  }
0x23b: {  	s6 =	simm.s32 $0x100;
	[sflag:s14] =	ssyncadd.s32 $0xFFFFFF80  }
0x23c: {  	[tilespmem:s6], [sflag:$0x7] =	stream.linear.gather [hbm4b:s13+s0], $0x100, $0x38;
	[tilespmem:$0x18980] =	vst v63  }
0x23d: {  	_ =	swait.ge [sflag:s14], $0x100  }
0x23e: {  	[sflag:s14] =	ssyncset.done $0x0  }
0x23f: {  	[sflag:s14] =	ssyncadd.s32 $0xFFFFFF00  }
0x240: {  	v5 =	vld [tilespmem:$0x100]  }
0x241: {  	v6 =	vld [tilespmem:$0x110]  }
0x242: {  	v7 =	vld [tilespmem:$0x120]  }
0x243: {  	v8 =	vld [tilespmem:$0x130]  }
0x244: {  	v9 =	vld [tilespmem:$0x140]  }
0x245: {  	[tilespmem:$0x400] =	vst v5;
	v5 =	vld [tilespmem:$0x150]  }
0x246: {  	[tilespmem:$0x410] =	vst v6;
	v6 =	vld [tilespmem:$0x160]  }
0x247: {  	[tilespmem:$0x420] =	vst v7;
	v7 =	vld [tilespmem:$0x170]  }
0x248: {  	[tilespmem:$0x430] =	vst v8  }
0x249: {  	[tilespmem:$0x440] =	vst v9  }
0x24a: {  	[tilespmem:$0x450] =	vst v5  }
0x24b: {  	[tilespmem:$0x460] =	vst v6  }
0x24c: {  	s16 =	simm.s32 $0x400;
	s17 =	simm.s32 $0x8480;
	s15 =	rddreg [dreg:$0x2];
	[tilespmem:$0x470] =	vst v7  }
0x24d: {  	[tilespmem:s17], [sflag:$0x3] =	stream.indirect.gather [hbm4b:s15+s11], $0x80, s16, s11, $0xb8;
	[tilespmem:$0x18980] =	vst v63  }
0x24e: {  	v5 =	vld [tilespmem:s11+$0xFFFFFF80]  }
0x24f: {  	v7 =	vld [tilespmem:s11+$0x0];
	_ =	sdelay $0x3  }
0x250: {  	v6 =	vshll.u32 v5, $0x4  }
0x251: {  	v5 =	vshll.u32 v7, $0x4;
	(v2sf) =	vpush v6, $0x0  }
0x252: {  	(v2sf) =	vpush v5, $0x0  }
0x253: {  	(v2sf) =	vpush v6, $0x1;
	_ =	sdelay $0x1  }
0x254: {  	(v2sf) =	vpush v5, $0x1  }
0x255: {  	(v2sf) =	vpush v6, $0x2;
	_ =	sdelay $0x1  }
0x256: {  	(v2sf) =	vpush v5, $0x2;
	_ =	sdelay $0x1  }
0x257: {  	(v2sf) =	vpush v6, $0x3;
	_ =	sdelay $0x1  }
0x258: {  	s29 =	simm.s32 $0x2000;
	s9 =	simm.s32 $0x0;
	s18 =	simm.s32 $0x4480  }
0x259: {  	s7 =	simm.s32 $0x480;
	s8 =	simm.s32 $0x680;
	s20 =	simm.s32 $0x600  }
0x25a: {  	s23 =	simm.s32 $0x500;
	s26 =	simm.s32 $0x4500;
	s30 =	simm.s32 $0x580  }
0x25b: {  	s31 =	simm.s32 $0x90;
	s1 =	simm.s32 $0x900;
	s2 =	simm.s32 $0x4A00  }
0x25c: {  	s6 =	simm.s32 $0x700;
	s0 =	simm.s32 $0x4980;
	s19 =	spop (v2sf);
	(v2sf) =	vpush v5, $0x3  }
0x25d: {  	s14 =	simm.s32 $0x4580;
	s10 =	sand.u32 $0x1FFFFFF0, s19;
	s11 =	spop (v2sf)  }
0x25e: {  	s17 =	simm.s32 $0x4600;
	(v2sf) =	vpush v6, $0x4;
	s10 =	sadd.s32 s4, s10;
	s22 =	spop (v2sf)  }
0x25f: {  	(v2sf) =	vpush v5, $0x4;
	[tilespmem:s7], [sflag:$0x1] =	stream.linear.gather [hbm4b:s10+s3], $0x80, $0x38;
	[tilespmem:$0x18980] =	vst v63  }
0x260: {  	s21 =	sand.u32 $0x1FFFFFF0, s11;
	s11 =	sand.u32 $0x1FFFFFF0, s22;
	s12 =	spop (v2sf)  }
0x261: {  	s10 =	sadd.s32 s5, s21;
	(v2sf) =	vpush v6, $0x5;
	s24 =	sadd.s32 s4, s11;
	s28 =	spop (v2sf)  }
0x262: {  	(v2sf) =	vpush v5, $0x5;
	[tilespmem:s18], [sflag:$0x2] =	stream.linear.gather [hbm4b:s10+s3], $0x80, $0x38;
	[tilespmem:$0x18980] =	vst v63  }
0x263: {  	s25 =	sand.u32 $0x1FFFFFF0, s12;
	s10 =	sand.u32 $0x1FFFFFF0, s28;
	s12 =	spop (v2sf)  }
0x264: {  	[tilespmem:s23], [sflag:$0x1] =	stream.linear.gather [hbm4b:s24+s3], $0x80, $0x38;
	[tilespmem:$0x18980] =	vst v63  }
0x265: {  	s11 =	sadd.s32 s5, s25;
	s10 =	sadd.s32 s4, s10;
	s13 =	spop (v2sf)  }
0x266: {  	(v2sf) =	vpush v6, $0x6;
	[tilespmem:s26], [sflag:$0x2] =	stream.linear.gather [hbm4b:s11+s3], $0x80, $0x38;
	[tilespmem:$0x18980] =	vst v63  }
0x267: {  	s16 =	sand.u32 $0x1FFFFFF0, s13;
	s23 =	simm.s32 $0x4680;
	s11 =	sand.u32 $0x1FFFFFF0, s12  }
0x268: {  	(v2sf) =	vpush v5, $0x6;
	[tilespmem:s30], [sflag:$0x1] =	stream.linear.gather [hbm4b:s10+s3], $0x80, $0x38;
	[tilespmem:$0x18980] =	vst v63  }
0x269: {  	s13 =	simm.s32 $0x780;
	s19 =	sadd.s32 s4, s16;
	s15 =	sadd.s32 s5, s11  }
0x26a: {  	[tilespmem:s14], [sflag:$0x2] =	stream.linear.gather [hbm4b:s15+s3], $0x80, $0x38;
	[tilespmem:$0x18980] =	vst v63  }
0x26b: {  	s30 =	simm.s32 $0x4700;
	s14 =	simm.s32 $0xA80;
	s18 =	spop (v2sf)  }
0x26c: {  	(v2sf) =	vpush v6, $0x7;
	[tilespmem:s20], [sflag:$0x1] =	stream.linear.gather [hbm4b:s19+s3], $0x80, $0x38;
	[tilespmem:$0x18980] =	vst v63  }
0x26d: {  	s20 =	sand.u32 $0x1FFFFFF0, s18;
	s21 =	spop (v2sf);
	s18 =	simm.s32 $0x4780  }
0x26e: {  	(v2sf) =	vpush v5, $0x7;
	s7 =	sadd.s32 s5, s20;
	s11 =	sand.u32 $0x1FFFFFF0, s21;
	s22 =	spop (v2sf)  }
0x26f: {  	(v2sf) =	vpush v6, $0x8;
	[tilespmem:s17], [sflag:$0x2] =	stream.linear.gather [hbm4b:s7+s3], $0x80, $0x38;
	[tilespmem:$0x18980] =	vst v63  }
0x270: {  	s21 =	simm.s32 $0x800;
	s24 =	sadd.s32 s4, s11;
	s26 =	spop (v2sf)  }
0x271: {  	s25 =	sand.u32 $0x1FFFFFF0, s22;
	(v2sf) =	vpush v5, $0x8;
	s7 =	simm.s32 $0xA00;
	s11 =	spop (v2sf)  }
0x272: {  	(v2sf) =	vpush v6, $0x9;
	[tilespmem:s8], [sflag:$0x1] =	stream.linear.gather [hbm4b:s24+s3], $0x80, $0x38;
	[tilespmem:$0x18980] =	vst v63  }
0x273: {  	s28 =	sadd.s32 s5, s25;
	s8 =	sand.u32 $0x1FFFFFF0, s26;
	s10 =	sand.u32 $0x1FFFFFF0, s11  }
0x274: {  	(v2sf) =	vpush v5, $0x9;
	[tilespmem:s23], [sflag:$0x2] =	stream.linear.gather [hbm4b:s28+s3], $0x80, $0x38;
	[tilespmem:$0x18980] =	vst v63  }
0x275: {  	s12 =	spop (v2sf);
	s24 =	simm.s32 $0x4800;
	s8 =	sadd.s32 s4, s8  }
0x276: {  	(v2sf) =	vpush v6, $0xA;
	[tilespmem:s6], [sflag:$0x1] =	stream.linear.gather [hbm4b:s8+s3], $0x80, $0x38;
	[tilespmem:$0x18980] =	vst v63  }
0x277: {  	s15 =	sadd.s32 s5, s10;
	s16 =	sand.u32 $0x1FFFFFF0, s12;
	s17 =	spop (v2sf)  }
0x278: {  	(v2sf) =	vpush v5, $0xA;
	[tilespmem:s30], [sflag:$0x2] =	stream.linear.gather [hbm4b:s15+s3], $0x80, $0x38;
	[tilespmem:$0x18980] =	vst v63  }
0x279: {  	s26 =	simm.s32 $0x880;
	s10 =	sadd.s32 s4, s16;
	s8 =	sand.u32 $0x1FFFFFF0, s17  }
0x27a: {  	[tilespmem:s13], [sflag:$0x1] =	stream.linear.gather [hbm4b:s10+s3], $0x80, $0x38;
	[tilespmem:$0x18980] =	vst v63  }
0x27b: {  	s11 =	simm.s32 $0x4B80;
	s8 =	sadd.s32 s5, s8;
	s19 =	spop (v2sf)  }
0x27c: {  	(v2sf) =	vpush v6, $0xB;
	[tilespmem:s18], [sflag:$0x2] =	stream.linear.gather [hbm4b:s8+s3], $0x80, $0x38;
	[tilespmem:$0x18980] =	vst v63  }
0x27d: {  	s16 =	simm.s32 $0x980;
	s10 =	sand.u32 $0x1FFFFFF0, s19;
	s20 =	spop (v2sf)  }
0x27e: {  	s13 =	simm.s32 $0x4900;
	(v2sf) =	vpush v5, $0xB;
	s22 =	sadd.s32 s4, s10;
	s25 =	spop (v2sf)  }
0x27f: {  	[tilespmem:s21], [sflag:$0x1] =	stream.linear.gather [hbm4b:s22+s3], $0x80, $0x38;
	[tilespmem:$0x18980] =	vst v63  }
0x280: {  	s23 =	sand.u32 $0x1FFFFFF0, s20;
	s8 =	sand.u32 $0x1FFFFFF0, s25;
	s28 =	spop (v2sf)  }
0x281: {  	s10 =	sadd.s32 s5, s23;
	s8 =	sadd.s32 s4, s8;
	s30 =	spop (v2sf)  }
0x282: {  	(v2sf) =	vpush v6, $0xC;
	[tilespmem:s24], [sflag:$0x2] =	stream.linear.gather [hbm4b:s10+s3], $0x80, $0x38;
	[tilespmem:$0x18980] =	vst v63  }
0x283: {  	s10 =	sand.u32 $0x1FFFFFF0, s28;
	s12 =	sand.u32 $0x1FFFFFF0, s30;
	s15 =	spop (v2sf)  }
0x284: {  	(v2sf) =	vpush v5, $0xC;
	[tilespmem:s26], [sflag:$0x1] =	stream.linear.gather [hbm4b:s8+s3], $0x80, $0x38;
	[tilespmem:$0x18980] =	vst v63  }
0x285: {  	s10 =	sadd.s32 s5, s10;
	s17 =	spop (v2sf);
	s8 =	simm.s32 $0x4880  }
0x286: {  	[tilespmem:s8], [sflag:$0x2] =	stream.linear.gather [hbm4b:s10+s3], $0x80, $0x38;
	[tilespmem:$0x18980] =	vst v63  }
0x287: {  	s18 =	spop (v2sf);
	s10 =	sadd.s32 s4, s12;
	s8 =	sand.u32 $0x1FFFFFF0, s15  }
0x288: {  	[tilespmem:s1], [sflag:$0x1] =	stream.linear.gather [hbm4b:s10+s3], $0x80, $0x38;
	[tilespmem:$0x18980] =	vst v63  }
0x289: {  	s20 =	sand.u32 $0x1FFFFFF0, s18;
	s8 =	sadd.s32 s5, s8;
	s10 =	sand.u32 $0x1FFFFFF0, s17  }
0x28a: {  	[tilespmem:s13], [sflag:$0x2] =	stream.linear.gather [hbm4b:s8+s3], $0x80, $0x38;
	[tilespmem:$0x18980] =	vst v63  }
0x28b: {  	s22 =	sadd.s32 s5, s20;
	s19 =	sadd.s32 s4, s10;
	s21 =	spop (v2sf)  }
0x28c: {  	[tilespmem:s16], [sflag:$0x1] =	stream.linear.gather [hbm4b:s19+s3], $0x80, $0x38;
	[tilespmem:$0x18980] =	vst v63  }
0x28d: {  	s12 =	simm.s32 $0xB80;
	s23 =	sand.u32 $0x1FFFFFF0, s21;
	s24 =	spop (v2sf)  }
0x28e: {  	(v2sf) =	vpush v6, $0xD;
	[tilespmem:s0], [sflag:$0x2] =	stream.linear.gather [hbm4b:s22+s3], $0x80, $0x38;
	[tilespmem:$0x18980] =	vst v63  }
0x28f: {  	s15 =	simm.s32 $0xB00;
	(v2sf) =	vpush v5, $0xD;
	s25 =	sadd.s32 s4, s23;
	s26 =	sand.u32 $0x1FFFFFF0, s24  }
0x290: {  	(v2sf) =	vpush v6, $0xE;
	[tilespmem:s7], [sflag:$0x1] =	stream.linear.gather [hbm4b:s25+s3], $0x80, $0x38;
	[tilespmem:$0x18980] =	vst v63  }
0x291: {  	s13 =	simm.s32 $0x4B00;
	s28 =	sadd.s32 s5, s26;
	(v2sf) =	vpush v5, $0xE;
	s30 =	spop (v2sf)  }
0x292: {  	(v2sf) =	vpush v6, $0xF;
	[tilespmem:s2], [sflag:$0x2] =	stream.linear.gather [hbm4b:s28+s3], $0x80, $0x38;
	[tilespmem:$0x18980] =	vst v63  }
0x293: {  	s0 =	simm.s32 $0x4A80;
	s1 =	sand.u32 $0x1FFFFFF0, s30;
	(v2sf) =	vpush v5, $0xF;
	s2 =	spop (v2sf)  }
.LBB2_10:
0x294: {  	_ =	sdelay $0x4  }
0x295: {  	s1 =	sadd.s32 s4, s1;
	s2 =	sand.u32 $0x1FFFFFF0, s2  }
0x296: {  	[tilespmem:s14], [sflag:$0x1] =	stream.linear.gather [hbm4b:s1+s3], $0x80, $0x38;
	[tilespmem:$0x18980] =	vst v63  }
0x297: {  	s17 =	sadd.s32 s5, s2  }
0x298: {  	[tilespmem:s0], [sflag:$0x2] =	stream.linear.gather [hbm4b:s17+s3], $0x80, $0x38;
	[tilespmem:$0x18980] =	vst v63  }
0x299: {  	s6 =	spop (v2sf)  }
0x29a: {  	s18 =	sand.u32 $0x1FFFFFF0, s6;
	s19 =	spop (v2sf)  }
0x29b: {  	s20 =	sadd.s32 s4, s18;
	s21 =	sand.u32 $0x1FFFFFF0, s19;
	s22 =	spop (v2sf)  }
0x29c: {  	[tilespmem:s15], [sflag:$0x1] =	stream.linear.gather [hbm4b:s20+s3], $0x80, $0x38;
	[tilespmem:$0x18980] =	vst v63  }
0x29d: {  	s23 =	sadd.s32 s5, s21;
	s24 =	sand.u32 $0x1FFFFFF0, s22;
	s25 =	spop (v2sf)  }
0x29e: {  	[tilespmem:s13], [sflag:$0x2] =	stream.linear.gather [hbm4b:s23+s3], $0x80, $0x38;
	[tilespmem:$0x18980] =	vst v63  }
0x29f: {  	s26 =	sadd.s32 s4, s24;
	s28 =	sand.u32 $0x1FFFFFF0, s25;
	s30 =	spop (v2sf)  }
0x2a0: {  	[tilespmem:s12], [sflag:$0x1] =	stream.linear.gather [hbm4b:s26+s3], $0x80, $0x38;
	[tilespmem:$0x18980] =	vst v63  }
0x2a1: {  	s1 =	sadd.s32 s5, s28;
	s2 =	sand.u32 $0x1FFFFFF0, s30;
	s6 =	spop (v2sf)  }
0x2a2: {  	[tilespmem:s11], [sflag:$0x2] =	stream.linear.gather [hbm4b:s1+s3], $0x80, $0x38;
	[tilespmem:$0x18980] =	vst v63  }
0x2a3: {  	s7 =	sadd.s32 $0xC00, s9;
	s1 =	sadd.s32 s4, s2;
	s2 =	sand.u32 $0x1FFFFFF0, s6  }
0x2a4: {  	[tilespmem:s7], [sflag:$0x1] =	stream.linear.gather [hbm4b:s1+s3], $0x80, $0x38;
	[tilespmem:$0x18980] =	vst v63  }
0x2a5: {  	s8 =	sadd.s32 $0x4C00, s9;
	s9 =	sadd.s32 s5, s2  }
0x2a6: {  	[tilespmem:s8], [sflag:$0x2] =	stream.linear.gather [hbm4b:s9+s3], $0x80, $0x38;
	[tilespmem:$0x18980] =	vst v63  }
0x2a7: {  	v5 =	vld [tilespmem:s31+$0xFFFFFF80]  }
0x2a8: {  	v7 =	vld [tilespmem:s31+$0x0];
	_ =	sdelay $0x3  }
0x2a9: {  	v6 =	vshll.u32 v5, $0x4  }
0x2aa: {  	v5 =	vshll.u32 v7, $0x4;
	(v2sf) =	vpush v6, $0x0  }
0x2ab: {  	s10 =	smov.u32 s29;
	(v2sf) =	vpush v5, $0x0  }
0x2ac: {  	s9 =	sshra.s32 s10, $0x2;
	(v2sf) =	vpush v6, $0x1  }
0x2ad: {  	p0 =	sne.s32 s29, $0xE000;
	s29 =	sadd.s32 $0x2000, s29;
	s14 =	sadd.s32 $0x4480, s9  }
0x2ae: {  	s22 =	sadd.s32 $0x700, s9;
	s0 =	sadd.s32 $0x900, s9;
	s17 =	sadd.s32 $0x480, s9;
	(v2sf) =	vpush v5, $0x1  }
0x2af: {  	s26 =	sadd.s32 $0x680, s9;
	s11 =	sadd.s32 $0x4980, s9;
	s8 =	sadd.s32 $0x600, s9  }
0x2b0: {  	s28 =	sadd.s32 $0x4600, s9;
	s12 =	sadd.s32 $0x4A00, s9;
	s10 =	sadd.s32 $0x580, s9;
	(v2sf) =	vpush v6, $0x2  }
0x2b1: {  	s7 =	sadd.s32 $0x4680, s9;
	s1 =	sadd.s32 $0xA80, s9;
	s16 =	sadd.s32 $0x4500, s9  }
0x2b2: {  	s23 =	sadd.s32 $0x4580, s9;
	s25 =	sadd.s32 $0x4700, s9;
	[dreg:$0x13] =	wrdreg s0;
	(v2sf) =	vpush v5, $0x2  }
0x2b3: {  	s24 =	sadd.s32 $0x780, s9;
	s13 =	sadd.s32 $0xA00, s9;
	[dreg:$0xb] =	wrdreg s11  }
0x2b4: {  	s2 =	sadd.s32 $0x4780, s9;
	s15 =	sadd.s32 $0x4900, s9;
	[dreg:$0x7] =	wrdreg s12;
	(v2sf) =	vpush v6, $0x3  }
0x2b5: {  	s18 =	sadd.s32 $0x980, s9;
	s30 =	sadd.s32 $0x800, s9;
	[dreg:$0xf] =	wrdreg s13  }
0x2b6: {  	s19 =	sadd.s32 $0x4880, s9;
	s6 =	sadd.s32 $0x4800, s9;
	[dreg:$0x1b] =	wrdreg s15;
	(v2sf) =	vpush v5, $0x3  }
0x2b7: {  	s20 =	sadd.s32 $0x880, s9;
	s31 =	sadd.s32 $0x10, s31;
	[dreg:$0x17] =	wrdreg s18  }
0x2b8: {  	s0 =	sadd.s32 $0x4A80, s9;
	[dreg:$0x1f] =	wrdreg s19;
	s18 =	sadd.s32 $0x500, s9;
	(v2sf) =	vpush v6, $0x4  }
0x2b9: {  	[smem:$0x7E9] =	sst s20;
	s11 =	sadd.s32 $0x4B80, s9;
	s21 =	spop (v2sf)  }
0x2ba: {  	s13 =	sadd.s32 $0x4B00, s9;
	s19 =	sand.u32 $0x1FFFFFF0, s21;
	s20 =	spop (v2sf)  }
0x2bb: {  	(v2sf) =	vpush v5, $0x4;
	s19 =	sadd.s32 s4, s19;
	s20 =	sand.u32 $0x1FFFFFF0, s20;
	s21 =	spop (v2sf)  }
0x2bc: {  	[tilespmem:s17], [sflag:$0x1] =	stream.linear.gather [hbm4b:s19+s3], $0x80, $0x38;
	[tilespmem:$0x18980] =	vst v63  }
0x2bd: {  	(v2sf) =	vpush v6, $0x5;
	s19 =	sadd.s32 s5, s20;
	s20 =	sand.u32 $0x1FFFFFF0, s21;
	s21 =	spop (v2sf)  }
0x2be: {  	(v2sf) =	vpush v5, $0x5;
	[tilespmem:s14], [sflag:$0x2] =	stream.linear.gather [hbm4b:s19+s3], $0x80, $0x38;
	[tilespmem:$0x18980] =	vst v63  }
0x2bf: {  	s19 =	sadd.s32 s4, s20;
	s20 =	sand.u32 $0x1FFFFFF0, s21;
	s21 =	spop (v2sf)  }
0x2c0: {  	(v2sf) =	vpush v6, $0x6;
	[tilespmem:s18], [sflag:$0x1] =	stream.linear.gather [hbm4b:s19+s3], $0x80, $0x38;
	[tilespmem:$0x18980] =	vst v63  }
0x2c1: {  	s18 =	sadd.s32 s5, s20;
	s20 =	sand.u32 $0x1FFFFFF0, s21;
	s21 =	spop (v2sf)  }
0x2c2: {  	(v2sf) =	vpush v5, $0x6;
	[tilespmem:s16], [sflag:$0x2] =	stream.linear.gather [hbm4b:s18+s3], $0x80, $0x38;
	[tilespmem:$0x18980] =	vst v63  }
0x2c3: {  	s19 =	sadd.s32 s4, s20;
	s20 =	sand.u32 $0x1FFFFFF0, s21;
	s21 =	spop (v2sf)  }
0x2c4: {  	(v2sf) =	vpush v6, $0x7;
	[tilespmem:s10], [sflag:$0x1] =	stream.linear.gather [hbm4b:s19+s3], $0x80, $0x38;
	[tilespmem:$0x18980] =	vst v63  }
0x2c5: {  	s12 =	sadd.s32 $0xB80, s9;
	s16 =	sadd.s32 s5, s20;
	s19 =	spop (v2sf)  }
0x2c6: {  	(v2sf) =	vpush v5, $0x7;
	[tilespmem:s23], [sflag:$0x2] =	stream.linear.gather [hbm4b:s16+s3], $0x80, $0x38;
	[tilespmem:$0x18980] =	vst v63  }
0x2c7: {  	s15 =	sadd.s32 $0xB00, s9;
	s18 =	sand.u32 $0x1FFFFFF0, s21;
	s23 =	spop (v2sf)  }
0x2c8: {  	s20 =	sadd.s32 s4, s18;
	s21 =	sand.u32 $0x1FFFFFF0, s19;
	s14 =	sand.u32 $0x1FFFFFF0, s23  }
0x2c9: {  	[tilespmem:s8], [sflag:$0x1] =	stream.linear.gather [hbm4b:s20+s3], $0x80, $0x38;
	[tilespmem:$0x18980] =	vst v63  }
0x2ca: {  	(v2sf) =	vpush v6, $0x8;
	s10 =	sadd.s32 s5, s21;
	s17 =	sadd.s32 s4, s14;
	s16 =	spop (v2sf)  }
0x2cb: {  	[tilespmem:s28], [sflag:$0x2] =	stream.linear.gather [hbm4b:s10+s3], $0x80, $0x38;
	[tilespmem:$0x18980] =	vst v63  }
0x2cc: {  	s14 =	smov.u32 s1;
	(v2sf) =	vpush v5, $0x8;
	s18 =	sand.u32 $0x1FFFFFF0, s16;
	s19 =	spop (v2sf)  }
0x2cd: {  	(v2sf) =	vpush v6, $0x9;
	s20 =	sadd.s32 s5, s18;
	s21 =	sand.u32 $0x1FFFFFF0, s19;
	s23 =	spop (v2sf)  }
0x2ce: {  	[tilespmem:s26], [sflag:$0x1] =	stream.linear.gather [hbm4b:s17+s3], $0x80, $0x38;
	[tilespmem:$0x18980] =	vst v63  }
0x2cf: {  	(v2sf) =	vpush v5, $0x9;
	s26 =	sadd.s32 s4, s21;
	s28 =	sand.u32 $0x1FFFFFF0, s23;
	s1 =	spop (v2sf)  }
0x2d0: {  	[tilespmem:s7], [sflag:$0x2] =	stream.linear.gather [hbm4b:s20+s3], $0x80, $0x38;
	[tilespmem:$0x18980] =	vst v63  }
0x2d1: {  	(v2sf) =	vpush v6, $0xA;
	s8 =	sadd.s32 s5, s28;
	s10 =	sand.u32 $0x1FFFFFF0, s1;
	s16 =	spop (v2sf)  }
0x2d2: {  	[tilespmem:s22], [sflag:$0x1] =	stream.linear.gather [hbm4b:s26+s3], $0x80, $0x38;
	[tilespmem:$0x18980] =	vst v63  }
0x2d3: {  	s17 =	sadd.s32 s4, s10;
	s18 =	sand.u32 $0x1FFFFFF0, s16;
	s19 =	spop (v2sf)  }
0x2d4: {  	[tilespmem:s25], [sflag:$0x2] =	stream.linear.gather [hbm4b:s8+s3], $0x80, $0x38;
	[tilespmem:$0x18980] =	vst v63  }
0x2d5: {  	(v2sf) =	vpush v5, $0xA;
	s20 =	sadd.s32 s5, s18;
	s21 =	sand.u32 $0x1FFFFFF0, s19;
	s22 =	spop (v2sf)  }
0x2d6: {  	[tilespmem:s24], [sflag:$0x1] =	stream.linear.gather [hbm4b:s17+s3], $0x80, $0x38;
	[tilespmem:$0x18980] =	vst v63  }
0x2d7: {  	(v2sf) =	vpush v6, $0xB;
	s23 =	sadd.s32 s4, s21;
	s21 =	rddreg [dreg:$0x1f];
	s24 =	sand.u32 $0x1FFFFFF0, s22  }
0x2d8: {  	[tilespmem:s2], [sflag:$0x2] =	stream.linear.gather [hbm4b:s20+s3], $0x80, $0x38;
	[tilespmem:$0x18980] =	vst v63  }
0x2d9: {  	s17 =	sld [smem:$0x7E9];
	s25 =	spop (v2sf);
	s26 =	sadd.s32 s5, s24  }
0x2da: {  	[tilespmem:s30], [sflag:$0x1] =	stream.linear.gather [hbm4b:s23+s3], $0x80, $0x38;
	[tilespmem:$0x18980] =	vst v63  }
0x2db: {  	(v2sf) =	vpush v5, $0xB;
	s28 =	sand.u32 $0x1FFFFFF0, s25;
	s25 =	rddreg [dreg:$0x13];
	s30 =	spop (v2sf)  }
0x2dc: {  	(v2sf) =	vpush v6, $0xC;
	s8 =	sadd.s32 s4, s28;
	s10 =	sand.u32 $0x1FFFFFF0, s30;
	s16 =	spop (v2sf)  }
0x2dd: {  	[tilespmem:s6], [sflag:$0x2] =	stream.linear.gather [hbm4b:s26+s3], $0x80, $0x38;
	[tilespmem:$0x18980] =	vst v63  }
0x2de: {  	(v2sf) =	vpush v5, $0xC;
	s18 =	sadd.s32 s5, s10;
	s19 =	sand.u32 $0x1FFFFFF0, s16;
	s20 =	spop (v2sf)  }
0x2df: {  	[tilespmem:s17], [sflag:$0x1] =	stream.linear.gather [hbm4b:s8+s3], $0x80, $0x38;
	[tilespmem:$0x18980] =	vst v63  }
0x2e0: {  	s22 =	sadd.s32 s4, s19;
	s23 =	sand.u32 $0x1FFFFFF0, s20;
	s24 =	spop (v2sf)  }
0x2e1: {  	[tilespmem:s21], [sflag:$0x2] =	stream.linear.gather [hbm4b:s18+s3], $0x80, $0x38;
	[tilespmem:$0x18980] =	vst v63  }
0x2e2: {  	s26 =	sadd.s32 s5, s23;
	s8 =	rddreg [dreg:$0x1b];
	s28 =	sand.u32 $0x1FFFFFF0, s24  }
0x2e3: {  	[tilespmem:s25], [sflag:$0x1] =	stream.linear.gather [hbm4b:s22+s3], $0x80, $0x38;
	[tilespmem:$0x18980] =	vst v63  }
0x2e4: {  	s30 =	spop (v2sf);
	s10 =	sadd.s32 s4, s28;
	s18 =	rddreg [dreg:$0x17]  }
0x2e5: {  	[tilespmem:s8], [sflag:$0x2] =	stream.linear.gather [hbm4b:s26+s3], $0x80, $0x38;
	[tilespmem:$0x18980] =	vst v63  }
0x2e6: {  	s16 =	sand.u32 $0x1FFFFFF0, s30;
	s17 =	spop (v2sf);
	s30 =	rddreg [dreg:$0x7]  }
0x2e7: {  	[tilespmem:s18], [sflag:$0x1] =	stream.linear.gather [hbm4b:s10+s3], $0x80, $0x38;
	[tilespmem:$0x18980] =	vst v63  }
0x2e8: {  	s19 =	sadd.s32 s5, s16;
	s20 =	sand.u32 $0x1FFFFFF0, s17;
	s22 =	rddreg [dreg:$0xb]  }
0x2e9: {  	(v2sf) =	vpush v6, $0xD;
	[tilespmem:s22], [sflag:$0x2] =	stream.linear.gather [hbm4b:s19+s3], $0x80, $0x38;
	[tilespmem:$0x18980] =	vst v63  }
.Ltmp4:
0x2ea: {  	(v2sf) =	vpush v5, $0xD;
	s23 =	sadd.s32 s4, s20;
	s21 =	spop (v2sf);
	(pc) =	sbr.rel @p0 .LBB2_10-.Ltmp4, $4  }
0x2eb: {  	(v2sf) =	vpush v6, $0xE;
	s26 =	rddreg [dreg:$0xf];
	s24 =	sand.u32 $0x1FFFFFF0, s21;
	s25 =	spop (v2sf)  }
0x2ec: {  	(v2sf) =	vpush v5, $0xE;
	[tilespmem:s26], [sflag:$0x1] =	stream.linear.gather [hbm4b:s23+s3], $0x80, $0x38;
	[tilespmem:$0x18980] =	vst v63  }
0x2ed: {  	(v2sf) =	vpush v6, $0xF;
	s28 =	sadd.s32 s5, s24;
	s1 =	sand.u32 $0x1FFFFFF0, s25;
	s2 =	spop (v2sf)  }
0x2ee: {  	(v2sf) =	vpush v5, $0xF;
	[tilespmem:s30], [sflag:$0x2] =	stream.linear.gather [hbm4b:s28+s3], $0x80, $0x38;
	[tilespmem:$0x18980] =	vst v63  }
0x2ef: {  	_ =	sdelay $0x4  }
0x2f0: {  	s1 =	sadd.s32 s4, s1;
	s2 =	sand.u32 $0x1FFFFFF0, s2  }
0x2f1: {  	[tilespmem:s14], [sflag:$0x1] =	stream.linear.gather [hbm4b:s1+s3], $0x80, $0x38;
	[tilespmem:$0x18980] =	vst v63  }
0x2f2: {  	s2 =	sadd.s32 s5, s2  }
0x2f3: {  	[tilespmem:s0], [sflag:$0x2] =	stream.linear.gather [hbm4b:s2+s3], $0x80, $0x38;
	[tilespmem:$0x18980] =	vst v63  }
0x2f4: {  	s6 =	spop (v2sf)  }
0x2f5: {  	s6 =	sand.u32 $0x1FFFFFF0, s6;
	s7 =	spop (v2sf)  }
0x2f6: {  	s8 =	sadd.s32 s4, s6;
	s10 =	sand.u32 $0x1FFFFFF0, s7;
	s14 =	spop (v2sf)  }
0x2f7: {  	[tilespmem:s15], [sflag:$0x1] =	stream.linear.gather [hbm4b:s8+s3], $0x80, $0x38;
	[tilespmem:$0x18980] =	vst v63  }
0x2f8: {  	s16 =	sadd.s32 s5, s10;
	s17 =	sand.u32 $0x1FFFFFF0, s14;
	s18 =	spop (v2sf)  }
0x2f9: {  	[tilespmem:s13], [sflag:$0x2] =	stream.linear.gather [hbm4b:s16+s3], $0x80, $0x38;
	[tilespmem:$0x18980] =	vst v63  }
0x2fa: {  	s19 =	sadd.s32 s4, s17;
	s20 =	sand.u32 $0x1FFFFFF0, s18;
	s21 =	spop (v2sf)  }
0x2fb: {  	[tilespmem:s12], [sflag:$0x1] =	stream.linear.gather [hbm4b:s19+s3], $0x80, $0x38;
	[tilespmem:$0x18980] =	vst v63  }
0x2fc: {  	s22 =	sadd.s32 s5, s20;
	s23 =	sand.u32 $0x1FFFFFF0, s21;
	s24 =	spop (v2sf)  }
0x2fd: {  	[tilespmem:s11], [sflag:$0x2] =	stream.linear.gather [hbm4b:s22+s3], $0x80, $0x38;
	[tilespmem:$0x18980] =	vst v63  }
0x2fe: {  	s25 =	sadd.s32 $0xC00, s9;
	s1 =	sadd.s32 s4, s23;
	s2 =	sand.u32 $0x1FFFFFF0, s24  }
0x2ff: {  	[tilespmem:s25], [sflag:$0x1] =	stream.linear.gather [hbm4b:s1+s3], $0x80, $0x38;
	[tilespmem:$0x18980] =	vst v63  }
0x300: {  	s26 =	sadd.s32 $0x4C00, s9;
	s29 =	simm.s32 $0x4;
	s28 =	sadd.s32 s5, s2  }
0x301: {  	[tilespmem:s26], [sflag:$0x2] =	stream.linear.gather [hbm4b:s28+s3], $0x80, $0x38;
	[tilespmem:$0x18980] =	vst v63  }
0x302: {  	_ =	swait.ge [sflag:s29], $0x4000  }
0x303: {  	[sflag:s29] =	ssyncset.done $0x0  }
0x304: {  	s30 =	simm.s32 $0x5;
	[sflag:s29] =	ssyncadd.s32 $0xFFFFC000  }
0x305: {  	_ =	swait.ge [sflag:s30], $0x4000  }
0x306: {  	[sflag:s30] =	ssyncset.done $0x0  }
0x307: {  	s31 =	simm.s32 $0x6;
	[sflag:s30] =	ssyncadd.s32 $0xFFFFC000  }
0x308: {  	s9 =	simm.s32 $0x14940;
	_ =	swait.ge [sflag:s31], $0x4000  }
0x309: {  	s0 =	simm.s32 $0x0;
	s10 =	simm.s32 $0xC920;
	[sflag:s31] =	ssyncset.done $0x0  }
0x30a: {  	s14 =	simm.s32 $0x7;
	s11 =	simm.s32 $0x10920;
	[sflag:s31] =	ssyncadd.s32 $0xFFFFC000  }
.LBB2_12:
0x30b: {  	v5 =	vld [tilespmem:s10+$0xFFFFFFE0]  }
0x30c: {  	v6 =	vld [tilespmem:s9+$0xFFFFFFC0]  }
0x30d: {  	v7 =	vld [tilespmem:s10+$0xFFFFFFF0]  }
0x30e: {  	v8 =	vld [tilespmem:s9+$0xFFFFFFD0]  }
0x30f: {  	v9 =	vld [tilespmem:s10+$0x0]  }
0x310: {  	v10 =	vld [tilespmem:s9+$0xFFFFFFE0]  }
0x311: {  	v11 =	vld [tilespmem:s10+$0x10]  }
0x312: {  	v12 =	vld [tilespmem:s9+$0xFFFFFFF0]  }
0x313: {  	v13 =	vld [tilespmem:s11+$0xFFFFFFE0];
	v5 =	vmul.f32 v6, v5;
	v6 =	vmul.f32 v8, v7  }
0x314: {  	v7 =	vld [tilespmem:s9+$0x0]  }
0x315: {  	v8 =	vld [tilespmem:s11+$0xFFFFFFF0];
	v5 =	vadd.f32 v6, v5;
	v6 =	vmul.f32 v10, v9  }
0x316: {  	v9 =	vld [tilespmem:s9+$0x10]  }
0x317: {  	v10 =	vld [tilespmem:s11+$0x0];
	v5 =	vadd.f32 v6, v5;
	v6 =	vmul.f32 v12, v11  }
0x318: {  	v11 =	vld [tilespmem:s9+$0x20]  }
0x319: {  	v12 =	vld [tilespmem:s11+$0x10];
	v5 =	vadd.f32 v6, v5;
	v6 =	vmul.f32 v7, v13  }
0x31a: {  	s1 =	sadd.s32 $0x80, s10;
	v7 =	vld [tilespmem:s9+$0x30]  }
0x31b: {  	s2 =	sadd.s32 $0x80, s9;
	v13 =	vld [tilespmem:s1+$0xFFFFFFE0];
	v5 =	vadd.f32 v6, v5;
	v6 =	vmul.f32 v9, v8  }
0x31c: {  	v8 =	vld [tilespmem:s2+$0xFFFFFFC0]  }
0x31d: {  	v9 =	vld [tilespmem:s1+$0xFFFFFFF0];
	v5 =	vadd.f32 v6, v5;
	v6 =	vmul.f32 v11, v10  }
0x31e: {  	v10 =	vld [tilespmem:s2+$0xFFFFFFD0]  }
0x31f: {  	v11 =	vld [tilespmem:s1+$0x0];
	v5 =	vadd.f32 v6, v5;
	v6 =	vmul.f32 v7, v12  }
0x320: {  	v7 =	vld [tilespmem:s2+$0xFFFFFFE0]  }
0x321: {  	v12 =	vld [tilespmem:s1+$0x10];
	v5 =	vadd.f32 v6, v5  }
0x322: {  	v8 =	vmul.f32 v8, v13;
	v6 =	vld [tilespmem:s2+$0xFFFFFFF0]  }
0x323: {  	s6 =	sadd.s32 $0x80, s11;
	v14 =	vld [tilespmem:s2+$0x0];
	v9 =	vmul.f32 v10, v9;
	v10 =	vperm.xlane v5, v0  }
0x324: {  	v13 =	vld [tilespmem:s6+$0xFFFFFFE0]  }
0x325: {  	v15 =	vld [tilespmem:s6+$0xFFFFFFF0];
	v8 =	vadd.f32 v9, v8;
	v7 =	vmul.f32 v7, v11;
	v5 =	vadd.f32 v5, v10  }
0x326: {  	v10 =	vld [tilespmem:s2+$0x10]  }
0x327: {  	v16 =	vld [tilespmem:s6+$0x0];
	v7 =	vadd.f32 v7, v8;
	v8 =	vmul.f32 v6, v12;
	v9 =	vperm.xlane v5, v1  }
0x328: {  	v17 =	vld [tilespmem:s2+$0x20]  }
0x329: {  	v11 =	vmul.f32 v14, v13;
	v6 =	vld [tilespmem:s6+$0x10];
	v8 =	vadd.f32 v8, v7;
	v14 =	vadd.f32 v5, v9  }
0x32a: {  	s8 =	sadd.s32 $0x80, s1;
	v7 =	vld [tilespmem:s2+$0x30]  }
0x32b: {  	s7 =	sadd.s32 $0x80, s2;
	v9 =	vld [tilespmem:s8+$0xFFFFFFE0];
	v8 =	vadd.f32 v11, v8;
	v12 =	vmul.f32 v10, v15;
	v15 =	vperm.xlane v14, v2  }
0x32c: {  	v11 =	vld [tilespmem:s7+$0xFFFFFFC0]  }
0x32d: {  	s12 =	simm.s32 $0x2;
	v13 =	vmul.f32 v17, v16;
	v10 =	vld [tilespmem:s8+$0xFFFFFFF0];
	v12 =	vadd.f32 v12, v8;
	v8 =	vadd.f32 v14, v15  }
0x32e: {  	s13 =	simm.s32 $0x3;
	s1 =	simm.s32 $0x1;
	s2 =	simm.s32 $0x0;
	v5 =	vimm.f32 $0.0e+00;
	v14 =	vld [tilespmem:s7+$0xFFFFFFD0]  }
.LBB2_13:
0x32f: {  	p0 =	sne.s32 s13, $0xF;
	v15 =	vld [tilespmem:s8+$0x0];
	v12 =	vadd.f32 v13, v12;
	v6 =	vmul.f32 v7, v6;
	v7 =	vperm.xlane v8, v3  }
0x330: {  	v13 =	vld [tilespmem:s7+$0xFFFFFFE0]  }
0x331: {  	v16 =	vld [tilespmem:s8+$0x10];
	v6 =	vadd.f32 v6, v12;
	v7 =	vadd.f32 v8, v7;
	v8 =	vmov s2;
	s2 =	smov.u32 s1;
	s1 =	smov.u32 s12;
	s12 =	smov.u32 s13  }
0x332: {  	s6 =	sadd.s32 $0x80, s6;
	v9 =	vmul.f32 v11, v9;
	v11 =	vld [tilespmem:s7+$0xFFFFFFF0];
	vm0 =	veq.s32 v8, v4  }
0x333: {  	v8 =	vmul.f32 v14, v10;
	v10 =	vld [tilespmem:s6+$0xFFFFFFE0];
	v12 =	vperm.xlane v6, v0;
	v5 =	vsel vm0, v7, v5  }
0x334: {  	v7 =	vld [tilespmem:s7+$0x0]  }
0x335: {  	v8 =	vadd.f32 v8, v9;
	v9 =	vmul.f32 v13, v15;
	v13 =	vld [tilespmem:s6+$0xFFFFFFF0];
	v12 =	vadd.f32 v6, v12  }
0x336: {  	v14 =	vld [tilespmem:s7+$0x10]  }
0x337: {  	v6 =	vadd.f32 v9, v8;
	v8 =	vmul.f32 v11, v16;
	v15 =	vld [tilespmem:s6+$0x0];
	v9 =	vperm.xlane v12, v1  }
0x338: {  	v16 =	vld [tilespmem:s7+$0x20]  }
0x339: {  	v8 =	vadd.f32 v8, v6;
	v10 =	vmul.f32 v7, v10;
	v6 =	vld [tilespmem:s6+$0x10];
	v17 =	vadd.f32 v12, v9  }
.Ltmp5:
0x33a: {  	s8 =	sadd.s32 $0x80, s8;
	v7 =	vld [tilespmem:s7+$0x30];
	(pc) =	sbr.rel @p0 .LBB2_13-.Ltmp5, $4  }
0x33b: {  	s7 =	sadd.s32 $0x80, s7;
	v9 =	vld [tilespmem:s8+$0xFFFFFFE0];
	v8 =	vadd.f32 v10, v8;
	v12 =	vmul.f32 v14, v13;
	v14 =	vperm.xlane v17, v2  }
0x33c: {  	v11 =	vld [tilespmem:s7+$0xFFFFFFC0]  }
0x33d: {  	v10 =	vld [tilespmem:s8+$0xFFFFFFF0];
	v12 =	vadd.f32 v12, v8;
	v13 =	vmul.f32 v16, v15;
	v8 =	vadd.f32 v17, v14  }
0x33e: {  	s13 =	sadd.s32 $0x1, s13;
	v14 =	vld [tilespmem:s7+$0xFFFFFFD0]  }
0x33f: {  	v15 =	vld [tilespmem:s8+$0x0]  }
0x340: {  	v16 =	vld [tilespmem:s7+$0xFFFFFFE0]  }
0x341: {  	v17 =	vld [tilespmem:s8+$0x10]  }
0x342: {  	v18 =	vld [tilespmem:s7+$0xFFFFFFF0]  }
0x343: {  	s6 =	sadd.s32 $0x80, s6;
	v43 =	vld [tilespmem:s7+$0x0];
	v9 =	vmul.f32 v11, v9;
	v10 =	vmul.f32 v14, v10  }
0x344: {  	v42 =	vld [tilespmem:s6+$0xFFFFFFE0]  }
0x345: {  	v46 =	vld [tilespmem:s7+$0x10];
	v44 =	vmul.f32 v16, v15;
	v9 =	vadd.f32 v10, v9  }
0x346: {  	v45 =	vld [tilespmem:s6+$0xFFFFFFF0]  }
0x347: {  	v49 =	vld [tilespmem:s7+$0x20];
	v47 =	vmul.f32 v18, v17;
	v9 =	vadd.f32 v44, v9  }
0x348: {  	v48 =	vld [tilespmem:s6+$0x0]  }
0x349: {  	v52 =	vld [tilespmem:s7+$0x30];
	v50 =	vmul.f32 v43, v42;
	v9 =	vadd.f32 v47, v9  }
0x34a: {  	v51 =	vld [tilespmem:s6+$0x10]  }
0x34b: {  	v53 =	vmul.f32 v46, v45;
	v9 =	vadd.f32 v50, v9;
	_ =	sdelay $0x1  }
0x34c: {  	v54 =	vmul.f32 v49, v48;
	v9 =	vadd.f32 v53, v9  }
0x34d: {  	v12 =	vadd.f32 v13, v12;
	v6 =	vmul.f32 v7, v6  }
0x34e: {  	v55 =	vmul.f32 v52, v51;
	v7 =	vadd.f32 v54, v9  }
0x34f: {  	v6 =	vadd.f32 v6, v12  }
0x350: {  	v7 =	vadd.f32 v55, v7  }
0x351: {  	v56 =	vperm.xlane v6, v0  }
0x352: {  	v57 =	vperm.xlane v7, v0  }
0x353: {  	v6 =	vadd.f32 v6, v56  }
0x354: {  	v7 =	vadd.f32 v7, v57  }
0x355: {  	v9 =	vperm.xlane v6, v1  }
0x356: {  	v10 =	vperm.xlane v7, v1  }
0x357: {  	v6 =	vadd.f32 v6, v9  }
0x358: {  	v7 =	vadd.f32 v7, v10  }
0x359: {  	v9 =	vperm.xlane v6, v2  }
0x35a: {  	v10 =	vperm.xlane v7, v2  }
0x35b: {  	v6 =	vadd.f32 v6, v9  }
0x35c: {  	v58 =	vperm.xlane v8, v3;
	v7 =	vadd.f32 v7, v10  }
0x35d: {  	v59 =	vmov s2;
	v60 =	vperm.xlane v6, v3  }
0x35e: {  	v62 =	vmov s1;
	v8 =	vadd.f32 v8, v58;
	v61 =	vperm.xlane v7, v3  }
0x35f: {  	v63 =	vmov s12;
	vm0 =	veq.s32 v59, v4;
	v6 =	vadd.f32 v6, v60  }
0x360: {  	vm14 =	veq.s32 v62, v4;
	v5 =	vsel vm0, v8, v5;
	v7 =	vadd.f32 v7, v61  }
0x361: {  	vm15 =	veq.s32 v63, v4;
	v5 =	vsel vm14, v6, v5  }
0x362: {  	v5 =	vsel vm15, v7, v5  }
0x363: {  	v5 =	vsub.f32 $0.0e+00, v5;
	_ =	sdelay $0x1  }
0x364: {  	v5 =	vmul.f32 $1.442695020e+00, v5;
	_ =	sdelay $0x1  }
0x365: {  	(erf) = vpow2.f32 v5;
	_ =	sdelay $0x8  }
0x366: {  	v5 =	vpop (erf)  }
0x367: {  	v5 =	vadd.f32 $1.000000000e+00, v5;
	_ =	sdelay $0x1  }
0x368: {  	(erf) = vrcp.f32 v5;
	_ =	sdelay $0x3  }
0x369: {  	s31 =	sshll.u32 s0, $0x4;
	s0 =	sadd.s32 $0x1, s0  }
0x36a: {  	p0 =	sne.s32 s0, $0x8  }
.Ltmp6:
0x36b: {  	_ = 	snop;
	(pc) =	sbr.rel @p0 .LBB2_12-.Ltmp6, $3  }
0x36c: {  	_ =	sdelay $0x1  }
0x36d: {  	s1 =	sand.u32 $0x3FFFFFF0, s31;
	v5 =	vpop (erf)  }
0x36e: {  	s9 =	sadd.s32 $0x800, s9;
	s10 =	sadd.s32 $0x800, s10;
	s11 =	sadd.s32 $0x800, s11;
	[tilespmem:s1+$0x18900] =	vst v5  }
0x36f: {  	s1 =	sld [smem:$0x7F7];
	_ =	sdelay $0x1  }
0x370: {  	s0 =	simm.s32 $0x0;
	s2 =	simm.s32 $0x18900  }
0x371: {  	[hbm4b:s1+s0] =	stream.linear.scatter [tilespmem:s2], [sflag:$0x7], $0x80, $0x38;
	[tilespmem:$0x18980] =	vst v63  }
0x372: {  	_ =	swait.ge [sflag:s14], $0x80  }
0x373: {  	s9 =	sld [smem:$0x7F8]  }
0x374: {  	[sflag:s14] =	ssyncset.done $0x0  }
0x375: {  	s10 =	simm.s32 $0xC480;
	[sflag:s14] =	ssyncadd.s32 $0xFFFFFF80  }
0x376: {  	[tilespmem:s10], [sflag:$0x7] =	stream.linear.gather [hbm4b:s9+s0], $0x80, $0x38;
	[tilespmem:$0x18980] =	vst v63  }
0x377: {  	_ =	swait.ge [sflag:s14], $0x80  }
0x378: {  	s12 =	sld [smem:$0x7F9]  }
0x379: {  	[sflag:s14] =	ssyncset.done $0x0  }
0x37a: {  	s11 =	simm.s32 $0xC500;
	[sflag:s14] =	ssyncadd.s32 $0xFFFFFF80  }
0x37b: {  	[tilespmem:s11], [sflag:$0x7] =	stream.linear.gather [hbm4b:s12+s0], $0x80, $0x38;
	[tilespmem:$0x18980] =	vst v63  }
0x37c: {  	_ =	swait.ge [sflag:s14], $0x80  }
0x37d: {  	s13 =	sld [smem:$0x7FA]  }
0x37e: {  	[sflag:s14] =	ssyncset.done $0x0  }
0x37f: {  	s6 =	simm.s32 $0xC580;
	[sflag:s14] =	ssyncadd.s32 $0xFFFFFF80  }
0x380: {  	[tilespmem:s6], [sflag:$0x7] =	stream.linear.gather [hbm4b:s13+s0], $0x100, $0x38;
	[tilespmem:$0x18980] =	vst v63  }
0x381: {  	_ =	swait.ge [sflag:s14], $0x100  }
0x382: {  	[sflag:s14] =	ssyncset.done $0x0  }
0x383: {  	[sflag:s14] =	ssyncadd.s32 $0xFFFFFF00  }
0x384: {  	v5 =	vld [tilespmem:$0xC580]  }
0x385: {  	v6 =	vld [tilespmem:$0xC590]  }
0x386: {  	v7 =	vld [tilespmem:$0xC5A0]  }
0x387: {  	v8 =	vld [tilespmem:$0xC5B0]  }
0x388: {  	v9 =	vld [tilespmem:$0xC5C0]  }
0x389: {  	[tilespmem:$0xC880] =	vst v5;
	v5 =	vld [tilespmem:$0xC5D0]  }
0x38a: {  	[tilespmem:$0xC890] =	vst v6;
	v6 =	vld [tilespmem:$0xC5E0]  }
0x38b: {  	[tilespmem:$0xC8A0] =	vst v7;
	v7 =	vld [tilespmem:$0xC5F0]  }
0x38c: {  	[tilespmem:$0xC8B0] =	vst v8  }
0x38d: {  	[tilespmem:$0xC8C0] =	vst v9  }
0x38e: {  	[tilespmem:$0xC8D0] =	vst v5  }
0x38f: {  	s15 =	simm.s32 $0x80;
	[tilespmem:$0xC8E0] =	vst v6  }
0x390: {  	s16 =	simm.s32 $0xC880;
	s7 =	simm.s32 $0x14900;
	s14 =	rddreg [dreg:$0x2];
	[tilespmem:$0xC8F0] =	vst v7  }
0x391: {  	[tilespmem:s7], [sflag:$0x6] =	stream.indirect.gather [hbm4b:s14+s15], $0x80, s16, s15, $0xb8;
	[tilespmem:$0x18980] =	vst v63  }
0x392: {  	v5 =	vld [tilespmem:s11+$0xFFFFFF80]  }
0x393: {  	v7 =	vld [tilespmem:s11+$0x0];
	_ =	sdelay $0x3  }
0x394: {  	v6 =	vshll.u32 v5, $0x4  }
0x395: {  	v5 =	vshll.u32 v7, $0x4;
	(v2sf) =	vpush v6, $0x0  }
0x396: {  	(v2sf) =	vpush v5, $0x0  }
0x397: {  	(v2sf) =	vpush v6, $0x1;
	_ =	sdelay $0x1  }
0x398: {  	(v2sf) =	vpush v5, $0x1  }
0x399: {  	(v2sf) =	vpush v6, $0x2;
	_ =	sdelay $0x1  }
0x39a: {  	(v2sf) =	vpush v5, $0x2;
	_ =	sdelay $0x1  }
0x39b: {  	(v2sf) =	vpush v6, $0x3;
	_ =	sdelay $0x1  }
0x39c: {  	s29 =	simm.s32 $0x2000;
	s17 =	simm.s32 $0x10900;
	s19 =	simm.s32 $0xC900  }
0x39d: {  	s8 =	simm.s32 $0xCB00;
	s20 =	simm.s32 $0xCA80;
	s23 =	simm.s32 $0xC980  }
0x39e: {  	s26 =	simm.s32 $0x10980;
	s30 =	simm.s32 $0xCA00;
	s31 =	simm.s32 $0xC510  }
0x39f: {  	s1 =	simm.s32 $0xCD80;
	s2 =	simm.s32 $0x10E80;
	s9 =	simm.s32 $0x0  }
0x3a0: {  	s6 =	simm.s32 $0xCB80;
	s0 =	simm.s32 $0x10E00;
	s18 =	spop (v2sf);
	(v2sf) =	vpush v5, $0x3  }
0x3a1: {  	s14 =	simm.s32 $0x10A00;
	s10 =	sand.u32 $0x1FFFFFF0, s18;
	s11 =	spop (v2sf)  }
0x3a2: {  	(v2sf) =	vpush v6, $0x4;
	s10 =	sadd.s32 s4, s10;
	s21 =	sand.u32 $0x1FFFFFF0, s11;
	s22 =	spop (v2sf)  }
0x3a3: {  	(v2sf) =	vpush v5, $0x4;
	[tilespmem:s19], [sflag:$0x4] =	stream.linear.gather [hbm4b:s10+s3], $0x80, $0x38;
	[tilespmem:$0x18980] =	vst v63  }
0x3a4: {  	s10 =	sadd.s32 s5, s21;
	s11 =	sand.u32 $0x1FFFFFF0, s22;
	s12 =	spop (v2sf)  }
0x3a5: {  	(v2sf) =	vpush v6, $0x5;
	s24 =	sadd.s32 s4, s11;
	s25 =	sand.u32 $0x1FFFFFF0, s12;
	s28 =	spop (v2sf)  }
0x3a6: {  	(v2sf) =	vpush v5, $0x5;
	[tilespmem:s17], [sflag:$0x5] =	stream.linear.gather [hbm4b:s10+s3], $0x80, $0x38;
	[tilespmem:$0x18980] =	vst v63  }
0x3a7: {  	s11 =	sadd.s32 s5, s25;
	s10 =	sand.u32 $0x1FFFFFF0, s28;
	s12 =	spop (v2sf)  }
0x3a8: {  	[tilespmem:s23], [sflag:$0x4] =	stream.linear.gather [hbm4b:s24+s3], $0x80, $0x38;
	[tilespmem:$0x18980] =	vst v63  }
0x3a9: {  	s17 =	simm.s32 $0x10A80;
	s10 =	sadd.s32 s4, s10;
	s13 =	spop (v2sf)  }
0x3aa: {  	(v2sf) =	vpush v6, $0x6;
	[tilespmem:s26], [sflag:$0x5] =	stream.linear.gather [hbm4b:s11+s3], $0x80, $0x38;
	[tilespmem:$0x18980] =	vst v63  }
0x3ab: {  	s16 =	sand.u32 $0x1FFFFFF0, s13;
	s23 =	simm.s32 $0x10B00;
	s11 =	sand.u32 $0x1FFFFFF0, s12  }
0x3ac: {  	(v2sf) =	vpush v5, $0x6;
	[tilespmem:s30], [sflag:$0x4] =	stream.linear.gather [hbm4b:s10+s3], $0x80, $0x38;
	[tilespmem:$0x18980] =	vst v63  }
0x3ad: {  	s13 =	simm.s32 $0xCC00;
	s19 =	sadd.s32 s4, s16;
	s15 =	sadd.s32 s5, s11  }
0x3ae: {  	[tilespmem:s14], [sflag:$0x5] =	stream.linear.gather [hbm4b:s15+s3], $0x80, $0x38;
	[tilespmem:$0x18980] =	vst v63  }
0x3af: {  	s30 =	simm.s32 $0x10B80;
	s14 =	simm.s32 $0xCF00;
	s18 =	spop (v2sf)  }
0x3b0: {  	(v2sf) =	vpush v6, $0x7;
	[tilespmem:s20], [sflag:$0x4] =	stream.linear.gather [hbm4b:s19+s3], $0x80, $0x38;
	[tilespmem:$0x18980] =	vst v63  }
0x3b1: {  	s20 =	sand.u32 $0x1FFFFFF0, s18;
	s21 =	spop (v2sf);
	s18 =	simm.s32 $0x10C00  }
0x3b2: {  	(v2sf) =	vpush v5, $0x7;
	s7 =	sadd.s32 s5, s20;
	s11 =	sand.u32 $0x1FFFFFF0, s21;
	s22 =	spop (v2sf)  }
0x3b3: {  	(v2sf) =	vpush v6, $0x8;
	[tilespmem:s17], [sflag:$0x5] =	stream.linear.gather [hbm4b:s7+s3], $0x80, $0x38;
	[tilespmem:$0x18980] =	vst v63  }
0x3b4: {  	s21 =	simm.s32 $0xCC80;
	s24 =	sadd.s32 s4, s11;
	s26 =	spop (v2sf)  }
0x3b5: {  	s25 =	sand.u32 $0x1FFFFFF0, s22;
	(v2sf) =	vpush v5, $0x8;
	s7 =	simm.s32 $0xCE80;
	s11 =	spop (v2sf)  }
0x3b6: {  	(v2sf) =	vpush v6, $0x9;
	[tilespmem:s8], [sflag:$0x4] =	stream.linear.gather [hbm4b:s24+s3], $0x80, $0x38;
	[tilespmem:$0x18980] =	vst v63  }
0x3b7: {  	s28 =	sadd.s32 s5, s25;
	s8 =	sand.u32 $0x1FFFFFF0, s26;
	s10 =	sand.u32 $0x1FFFFFF0, s11  }
0x3b8: {  	(v2sf) =	vpush v5, $0x9;
	[tilespmem:s23], [sflag:$0x5] =	stream.linear.gather [hbm4b:s28+s3], $0x80, $0x38;
	[tilespmem:$0x18980] =	vst v63  }
0x3b9: {  	s12 =	spop (v2sf);
	s24 =	simm.s32 $0x10C80;
	s8 =	sadd.s32 s4, s8  }
0x3ba: {  	(v2sf) =	vpush v6, $0xA;
	[tilespmem:s6], [sflag:$0x4] =	stream.linear.gather [hbm4b:s8+s3], $0x80, $0x38;
	[tilespmem:$0x18980] =	vst v63  }
0x3bb: {  	s15 =	sadd.s32 s5, s10;
	s16 =	sand.u32 $0x1FFFFFF0, s12;
	s17 =	spop (v2sf)  }
0x3bc: {  	(v2sf) =	vpush v5, $0xA;
	[tilespmem:s30], [sflag:$0x5] =	stream.linear.gather [hbm4b:s15+s3], $0x80, $0x38;
	[tilespmem:$0x18980] =	vst v63  }
0x3bd: {  	s26 =	simm.s32 $0xCD00;
	s10 =	sadd.s32 s4, s16;
	s8 =	sand.u32 $0x1FFFFFF0, s17  }
0x3be: {  	[tilespmem:s13], [sflag:$0x4] =	stream.linear.gather [hbm4b:s10+s3], $0x80, $0x38;
	[tilespmem:$0x18980] =	vst v63  }
0x3bf: {  	s11 =	simm.s32 $0x11000;
	s8 =	sadd.s32 s5, s8;
	s19 =	spop (v2sf)  }
0x3c0: {  	(v2sf) =	vpush v6, $0xB;
	[tilespmem:s18], [sflag:$0x5] =	stream.linear.gather [hbm4b:s8+s3], $0x80, $0x38;
	[tilespmem:$0x18980] =	vst v63  }
0x3c1: {  	s16 =	simm.s32 $0xCE00;
	s10 =	sand.u32 $0x1FFFFFF0, s19;
	s20 =	spop (v2sf)  }
0x3c2: {  	s13 =	simm.s32 $0x10D80;
	(v2sf) =	vpush v5, $0xB;
	s22 =	sadd.s32 s4, s10;
	s25 =	spop (v2sf)  }
0x3c3: {  	[tilespmem:s21], [sflag:$0x4] =	stream.linear.gather [hbm4b:s22+s3], $0x80, $0x38;
	[tilespmem:$0x18980] =	vst v63  }
0x3c4: {  	s23 =	sand.u32 $0x1FFFFFF0, s20;
	s8 =	sand.u32 $0x1FFFFFF0, s25;
	s28 =	spop (v2sf)  }
0x3c5: {  	s10 =	sadd.s32 s5, s23;
	s8 =	sadd.s32 s4, s8;
	s30 =	spop (v2sf)  }
0x3c6: {  	(v2sf) =	vpush v6, $0xC;
	[tilespmem:s24], [sflag:$0x5] =	stream.linear.gather [hbm4b:s10+s3], $0x80, $0x38;
	[tilespmem:$0x18980] =	vst v63  }
0x3c7: {  	s10 =	sand.u32 $0x1FFFFFF0, s28;
	s12 =	sand.u32 $0x1FFFFFF0, s30;
	s15 =	spop (v2sf)  }
0x3c8: {  	(v2sf) =	vpush v5, $0xC;
	[tilespmem:s26], [sflag:$0x4] =	stream.linear.gather [hbm4b:s8+s3], $0x80, $0x38;
	[tilespmem:$0x18980] =	vst v63  }
0x3c9: {  	s10 =	sadd.s32 s5, s10;
	s17 =	spop (v2sf);
	s8 =	simm.s32 $0x10D00  }
0x3ca: {  	[tilespmem:s8], [sflag:$0x5] =	stream.linear.gather [hbm4b:s10+s3], $0x80, $0x38;
	[tilespmem:$0x18980] =	vst v63  }
0x3cb: {  	s18 =	spop (v2sf);
	s10 =	sadd.s32 s4, s12;
	s8 =	sand.u32 $0x1FFFFFF0, s15  }
0x3cc: {  	[tilespmem:s1], [sflag:$0x4] =	stream.linear.gather [hbm4b:s10+s3], $0x80, $0x38;
	[tilespmem:$0x18980] =	vst v63  }
0x3cd: {  	s20 =	sand.u32 $0x1FFFFFF0, s18;
	s8 =	sadd.s32 s5, s8;
	s10 =	sand.u32 $0x1FFFFFF0, s17  }
0x3ce: {  	[tilespmem:s13], [sflag:$0x5] =	stream.linear.gather [hbm4b:s8+s3], $0x80, $0x38;
	[tilespmem:$0x18980] =	vst v63  }
0x3cf: {  	s22 =	sadd.s32 s5, s20;
	s19 =	sadd.s32 s4, s10;
	s21 =	spop (v2sf)  }
0x3d0: {  	[tilespmem:s16], [sflag:$0x4] =	stream.linear.gather [hbm4b:s19+s3], $0x80, $0x38;
	[tilespmem:$0x18980] =	vst v63  }
0x3d1: {  	s12 =	simm.s32 $0xD000;
	s23 =	sand.u32 $0x1FFFFFF0, s21;
	s24 =	spop (v2sf)  }
0x3d2: {  	(v2sf) =	vpush v6, $0xD;
	[tilespmem:s0], [sflag:$0x5] =	stream.linear.gather [hbm4b:s22+s3], $0x80, $0x38;
	[tilespmem:$0x18980] =	vst v63  }
0x3d3: {  	s15 =	simm.s32 $0xCF80;
	(v2sf) =	vpush v5, $0xD;
	s25 =	sadd.s32 s4, s23;
	s26 =	sand.u32 $0x1FFFFFF0, s24  }
0x3d4: {  	(v2sf) =	vpush v6, $0xE;
	[tilespmem:s7], [sflag:$0x4] =	stream.linear.gather [hbm4b:s25+s3], $0x80, $0x38;
	[tilespmem:$0x18980] =	vst v63  }
0x3d5: {  	s13 =	simm.s32 $0x10F80;
	s28 =	sadd.s32 s5, s26;
	(v2sf) =	vpush v5, $0xE;
	s30 =	spop (v2sf)  }
0x3d6: {  	(v2sf) =	vpush v6, $0xF;
	[tilespmem:s2], [sflag:$0x5] =	stream.linear.gather [hbm4b:s28+s3], $0x80, $0x38;
	[tilespmem:$0x18980] =	vst v63  }
0x3d7: {  	s0 =	simm.s32 $0x10F00;
	s1 =	sand.u32 $0x1FFFFFF0, s30;
	(v2sf) =	vpush v5, $0xF;
	s2 =	spop (v2sf)  }
.LBB2_16:
0x3d8: {  	_ =	sdelay $0x4  }
0x3d9: {  	s1 =	sadd.s32 s4, s1;
	s2 =	sand.u32 $0x1FFFFFF0, s2  }
0x3da: {  	[tilespmem:s14], [sflag:$0x4] =	stream.linear.gather [hbm4b:s1+s3], $0x80, $0x38;
	[tilespmem:$0x18980] =	vst v63  }
0x3db: {  	s17 =	sadd.s32 s5, s2  }
0x3dc: {  	[tilespmem:s0], [sflag:$0x5] =	stream.linear.gather [hbm4b:s17+s3], $0x80, $0x38;
	[tilespmem:$0x18980] =	vst v63  }
0x3dd: {  	s6 =	spop (v2sf)  }
0x3de: {  	s18 =	sand.u32 $0x1FFFFFF0, s6;
	s19 =	spop (v2sf)  }
0x3df: {  	s20 =	sadd.s32 s4, s18;
	s21 =	sand.u32 $0x1FFFFFF0, s19;
	s22 =	spop (v2sf)  }
0x3e0: {  	[tilespmem:s15], [sflag:$0x4] =	stream.linear.gather [hbm4b:s20+s3], $0x80, $0x38;
	[tilespmem:$0x18980] =	vst v63  }
0x3e1: {  	s23 =	sadd.s32 s5, s21;
	s24 =	sand.u32 $0x1FFFFFF0, s22;
	s25 =	spop (v2sf)  }
0x3e2: {  	[tilespmem:s13], [sflag:$0x5] =	stream.linear.gather [hbm4b:s23+s3], $0x80, $0x38;
	[tilespmem:$0x18980] =	vst v63  }
0x3e3: {  	s26 =	sadd.s32 s4, s24;
	s28 =	sand.u32 $0x1FFFFFF0, s25;
	s30 =	spop (v2sf)  }
0x3e4: {  	[tilespmem:s12], [sflag:$0x4] =	stream.linear.gather [hbm4b:s26+s3], $0x80, $0x38;
	[tilespmem:$0x18980] =	vst v63  }
0x3e5: {  	s1 =	sadd.s32 s5, s28;
	s2 =	sand.u32 $0x1FFFFFF0, s30;
	s6 =	spop (v2sf)  }
0x3e6: {  	[tilespmem:s11], [sflag:$0x5] =	stream.linear.gather [hbm4b:s1+s3], $0x80, $0x38;
	[tilespmem:$0x18980] =	vst v63  }
0x3e7: {  	s7 =	sadd.s32 $0xD080, s9;
	s1 =	sadd.s32 s4, s2;
	s2 =	sand.u32 $0x1FFFFFF0, s6  }
0x3e8: {  	[tilespmem:s7], [sflag:$0x4] =	stream.linear.gather [hbm4b:s1+s3], $0x80, $0x38;
	[tilespmem:$0x18980] =	vst v63  }
0x3e9: {  	s8 =	sadd.s32 $0x11080, s9;
	s9 =	sadd.s32 s5, s2  }
0x3ea: {  	[tilespmem:s8], [sflag:$0x5] =	stream.linear.gather [hbm4b:s9+s3], $0x80, $0x38;
	[tilespmem:$0x18980] =	vst v63  }
0x3eb: {  	v5 =	vld [tilespmem:s31+$0xFFFFFF80]  }
0x3ec: {  	v7 =	vld [tilespmem:s31+$0x0];
	_ =	sdelay $0x3  }
0x3ed: {  	v6 =	vshll.u32 v5, $0x4  }
0x3ee: {  	v5 =	vshll.u32 v7, $0x4;
	(v2sf) =	vpush v6, $0x0  }
0x3ef: {  	s10 =	smov.u32 s29;
	(v2sf) =	vpush v5, $0x0  }
0x3f0: {  	s9 =	sshra.s32 s10, $0x2;
	(v2sf) =	vpush v6, $0x1  }
0x3f1: {  	p0 =	sne.s32 s29, $0xE000;
	s29 =	sadd.s32 $0x2000, s29;
	s14 =	sadd.s32 $0x10900, s9  }
0x3f2: {  	s22 =	sadd.s32 $0xCB80, s9;
	s0 =	sadd.s32 $0xCD80, s9;
	s17 =	sadd.s32 $0xC900, s9;
	(v2sf) =	vpush v5, $0x1  }
0x3f3: {  	s26 =	sadd.s32 $0xCB00, s9;
	s11 =	sadd.s32 $0x10E00, s9;
	s8 =	sadd.s32 $0xCA80, s9  }
0x3f4: {  	s28 =	sadd.s32 $0x10A80, s9;
	s12 =	sadd.s32 $0x10E80, s9;
	s10 =	sadd.s32 $0xCA00, s9;
	(v2sf) =	vpush v6, $0x2  }
0x3f5: {  	s7 =	sadd.s32 $0x10B00, s9;
	s1 =	sadd.s32 $0xCF00, s9;
	s16 =	sadd.s32 $0x10980, s9  }
0x3f6: {  	s23 =	sadd.s32 $0x10A00, s9;
	s25 =	sadd.s32 $0x10B80, s9;
	[dreg:$0x14] =	wrdreg s0;
	(v2sf) =	vpush v5, $0x2  }
0x3f7: {  	s24 =	sadd.s32 $0xCC00, s9;
	s13 =	sadd.s32 $0xCE80, s9;
	[dreg:$0xc] =	wrdreg s11  }
0x3f8: {  	s2 =	sadd.s32 $0x10C00, s9;
	s15 =	sadd.s32 $0x10D80, s9;
	[dreg:$0x8] =	wrdreg s12;
	(v2sf) =	vpush v6, $0x3  }
0x3f9: {  	s18 =	sadd.s32 $0xCE00, s9;
	s30 =	sadd.s32 $0xCC80, s9;
	[dreg:$0x10] =	wrdreg s13  }
0x3fa: {  	s19 =	sadd.s32 $0x10D00, s9;
	s6 =	sadd.s32 $0x10C80, s9;
	[dreg:$0x1c] =	wrdreg s15;
	(v2sf) =	vpush v5, $0x3  }
0x3fb: {  	s20 =	sadd.s32 $0xCD00, s9;
	s31 =	sadd.s32 $0x10, s31;
	[dreg:$0x18] =	wrdreg s18  }
0x3fc: {  	s0 =	sadd.s32 $0x10F00, s9;
	[smem:$0x7E8] =	sst s19;
	s18 =	sadd.s32 $0xC980, s9;
	(v2sf) =	vpush v6, $0x4  }
0x3fd: {  	[smem:$0x7E7] =	sst s20;
	s11 =	sadd.s32 $0x11000, s9;
	s21 =	spop (v2sf)  }
0x3fe: {  	s13 =	sadd.s32 $0x10F80, s9;
	s19 =	sand.u32 $0x1FFFFFF0, s21;
	s20 =	spop (v2sf)  }
0x3ff: {  	(v2sf) =	vpush v5, $0x4;
	s19 =	sadd.s32 s4, s19;
	s20 =	sand.u32 $0x1FFFFFF0, s20;
	s21 =	spop (v2sf)  }
0x400: {  	[tilespmem:s17], [sflag:$0x4] =	stream.linear.gather [hbm4b:s19+s3], $0x80, $0x38;
	[tilespmem:$0x18980] =	vst v63  }
0x401: {  	(v2sf) =	vpush v6, $0x5;
	s19 =	sadd.s32 s5, s20;
	s20 =	sand.u32 $0x1FFFFFF0, s21;
	s21 =	spop (v2sf)  }
0x402: {  	(v2sf) =	vpush v5, $0x5;
	[tilespmem:s14], [sflag:$0x5] =	stream.linear.gather [hbm4b:s19+s3], $0x80, $0x38;
	[tilespmem:$0x18980] =	vst v63  }
0x403: {  	s19 =	sadd.s32 s4, s20;
	s20 =	sand.u32 $0x1FFFFFF0, s21;
	s21 =	spop (v2sf)  }
0x404: {  	(v2sf) =	vpush v6, $0x6;
	[tilespmem:s18], [sflag:$0x4] =	stream.linear.gather [hbm4b:s19+s3], $0x80, $0x38;
	[tilespmem:$0x18980] =	vst v63  }
0x405: {  	s18 =	sadd.s32 s5, s20;
	s20 =	sand.u32 $0x1FFFFFF0, s21;
	s21 =	spop (v2sf)  }
0x406: {  	(v2sf) =	vpush v5, $0x6;
	[tilespmem:s16], [sflag:$0x5] =	stream.linear.gather [hbm4b:s18+s3], $0x80, $0x38;
	[tilespmem:$0x18980] =	vst v63  }
0x407: {  	s19 =	sadd.s32 s4, s20;
	s20 =	sand.u32 $0x1FFFFFF0, s21;
	s21 =	spop (v2sf)  }
0x408: {  	(v2sf) =	vpush v6, $0x7;
	[tilespmem:s10], [sflag:$0x4] =	stream.linear.gather [hbm4b:s19+s3], $0x80, $0x38;
	[tilespmem:$0x18980] =	vst v63  }
0x409: {  	s12 =	sadd.s32 $0xD000, s9;
	s16 =	sadd.s32 s5, s20;
	s19 =	spop (v2sf)  }
0x40a: {  	(v2sf) =	vpush v5, $0x7;
	[tilespmem:s23], [sflag:$0x5] =	stream.linear.gather [hbm4b:s16+s3], $0x80, $0x38;
	[tilespmem:$0x18980] =	vst v63  }
0x40b: {  	s15 =	sadd.s32 $0xCF80, s9;
	s18 =	sand.u32 $0x1FFFFFF0, s21;
	s23 =	spop (v2sf)  }
0x40c: {  	s20 =	sadd.s32 s4, s18;
	s21 =	sand.u32 $0x1FFFFFF0, s19;
	s14 =	sand.u32 $0x1FFFFFF0, s23  }
0x40d: {  	[tilespmem:s8], [sflag:$0x4] =	stream.linear.gather [hbm4b:s20+s3], $0x80, $0x38;
	[tilespmem:$0x18980] =	vst v63  }
0x40e: {  	(v2sf) =	vpush v6, $0x8;
	s10 =	sadd.s32 s5, s21;
	s17 =	sadd.s32 s4, s14;
	s16 =	spop (v2sf)  }
0x40f: {  	[tilespmem:s28], [sflag:$0x5] =	stream.linear.gather [hbm4b:s10+s3], $0x80, $0x38;
	[tilespmem:$0x18980] =	vst v63  }
0x410: {  	s14 =	smov.u32 s1;
	(v2sf) =	vpush v5, $0x8;
	s18 =	sand.u32 $0x1FFFFFF0, s16;
	s19 =	spop (v2sf)  }
0x411: {  	(v2sf) =	vpush v6, $0x9;
	s20 =	sadd.s32 s5, s18;
	s21 =	sand.u32 $0x1FFFFFF0, s19;
	s23 =	spop (v2sf)  }
0x412: {  	[tilespmem:s26], [sflag:$0x4] =	stream.linear.gather [hbm4b:s17+s3], $0x80, $0x38;
	[tilespmem:$0x18980] =	vst v63  }
0x413: {  	(v2sf) =	vpush v5, $0x9;
	s26 =	sadd.s32 s4, s21;
	s28 =	sand.u32 $0x1FFFFFF0, s23;
	s1 =	spop (v2sf)  }
0x414: {  	[tilespmem:s7], [sflag:$0x5] =	stream.linear.gather [hbm4b:s20+s3], $0x80, $0x38;
	[tilespmem:$0x18980] =	vst v63  }
0x415: {  	(v2sf) =	vpush v6, $0xA;
	s8 =	sadd.s32 s5, s28;
	s10 =	sand.u32 $0x1FFFFFF0, s1;
	s16 =	spop (v2sf)  }
0x416: {  	[tilespmem:s22], [sflag:$0x4] =	stream.linear.gather [hbm4b:s26+s3], $0x80, $0x38;
	[tilespmem:$0x18980] =	vst v63  }
0x417: {  	s17 =	sadd.s32 s4, s10;
	s18 =	sand.u32 $0x1FFFFFF0, s16;
	s19 =	spop (v2sf)  }
0x418: {  	[tilespmem:s25], [sflag:$0x5] =	stream.linear.gather [hbm4b:s8+s3], $0x80, $0x38;
	[tilespmem:$0x18980] =	vst v63  }
0x419: {  	(v2sf) =	vpush v5, $0xA;
	s20 =	sadd.s32 s5, s18;
	s21 =	sand.u32 $0x1FFFFFF0, s19;
	s22 =	spop (v2sf)  }
0x41a: {  	[tilespmem:s24], [sflag:$0x4] =	stream.linear.gather [hbm4b:s17+s3], $0x80, $0x38;
	[tilespmem:$0x18980] =	vst v63  }
0x41b: {  	(v2sf) =	vpush v6, $0xB;
	s23 =	sadd.s32 s4, s21;
	s21 =	sld [smem:$0x7E8];
	s24 =	sand.u32 $0x1FFFFFF0, s22  }
0x41c: {  	[tilespmem:s2], [sflag:$0x5] =	stream.linear.gather [hbm4b:s20+s3], $0x80, $0x38;
	[tilespmem:$0x18980] =	vst v63  }
0x41d: {  	s17 =	sld [smem:$0x7E7];
	s25 =	spop (v2sf);
	s26 =	sadd.s32 s5, s24  }
0x41e: {  	[tilespmem:s30], [sflag:$0x4] =	stream.linear.gather [hbm4b:s23+s3], $0x80, $0x38;
	[tilespmem:$0x18980] =	vst v63  }
0x41f: {  	(v2sf) =	vpush v5, $0xB;
	s28 =	sand.u32 $0x1FFFFFF0, s25;
	s25 =	rddreg [dreg:$0x14];
	s30 =	spop (v2sf)  }
0x420: {  	(v2sf) =	vpush v6, $0xC;
	s8 =	sadd.s32 s4, s28;
	s10 =	sand.u32 $0x1FFFFFF0, s30;
	s16 =	spop (v2sf)  }
0x421: {  	[tilespmem:s6], [sflag:$0x5] =	stream.linear.gather [hbm4b:s26+s3], $0x80, $0x38;
	[tilespmem:$0x18980] =	vst v63  }
0x422: {  	(v2sf) =	vpush v5, $0xC;
	s18 =	sadd.s32 s5, s10;
	s19 =	sand.u32 $0x1FFFFFF0, s16;
	s20 =	spop (v2sf)  }
0x423: {  	[tilespmem:s17], [sflag:$0x4] =	stream.linear.gather [hbm4b:s8+s3], $0x80, $0x38;
	[tilespmem:$0x18980] =	vst v63  }
0x424: {  	s22 =	sadd.s32 s4, s19;
	s23 =	sand.u32 $0x1FFFFFF0, s20;
	s24 =	spop (v2sf)  }
0x425: {  	[tilespmem:s21], [sflag:$0x5] =	stream.linear.gather [hbm4b:s18+s3], $0x80, $0x38;
	[tilespmem:$0x18980] =	vst v63  }
0x426: {  	s26 =	sadd.s32 s5, s23;
	s8 =	rddreg [dreg:$0x1c];
	s28 =	sand.u32 $0x1FFFFFF0, s24  }
0x427: {  	[tilespmem:s25], [sflag:$0x4] =	stream.linear.gather [hbm4b:s22+s3], $0x80, $0x38;
	[tilespmem:$0x18980] =	vst v63  }
0x428: {  	s30 =	spop (v2sf);
	s10 =	sadd.s32 s4, s28;
	s18 =	rddreg [dreg:$0x18]  }
0x429: {  	[tilespmem:s8], [sflag:$0x5] =	stream.linear.gather [hbm4b:s26+s3], $0x80, $0x38;
	[tilespmem:$0x18980] =	vst v63  }
0x42a: {  	s16 =	sand.u32 $0x1FFFFFF0, s30;
	s17 =	spop (v2sf);
	s30 =	rddreg [dreg:$0x8]  }
0x42b: {  	[tilespmem:s18], [sflag:$0x4] =	stream.linear.gather [hbm4b:s10+s3], $0x80, $0x38;
	[tilespmem:$0x18980] =	vst v63  }
0x42c: {  	s19 =	sadd.s32 s5, s16;
	s20 =	sand.u32 $0x1FFFFFF0, s17;
	s22 =	rddreg [dreg:$0xc]  }
0x42d: {  	(v2sf) =	vpush v6, $0xD;
	[tilespmem:s22], [sflag:$0x5] =	stream.linear.gather [hbm4b:s19+s3], $0x80, $0x38;
	[tilespmem:$0x18980] =	vst v63  }
.Ltmp7:
0x42e: {  	(v2sf) =	vpush v5, $0xD;
	s23 =	sadd.s32 s4, s20;
	s21 =	spop (v2sf);
	(pc) =	sbr.rel @p0 .LBB2_16-.Ltmp7, $4  }
0x42f: {  	(v2sf) =	vpush v6, $0xE;
	s26 =	rddreg [dreg:$0x10];
	s24 =	sand.u32 $0x1FFFFFF0, s21;
	s25 =	spop (v2sf)  }
0x430: {  	(v2sf) =	vpush v5, $0xE;
	[tilespmem:s26], [sflag:$0x4] =	stream.linear.gather [hbm4b:s23+s3], $0x80, $0x38;
	[tilespmem:$0x18980] =	vst v63  }
0x431: {  	(v2sf) =	vpush v6, $0xF;
	s28 =	sadd.s32 s5, s24;
	s1 =	sand.u32 $0x1FFFFFF0, s25;
	s2 =	spop (v2sf)  }
0x432: {  	(v2sf) =	vpush v5, $0xF;
	[tilespmem:s30], [sflag:$0x5] =	stream.linear.gather [hbm4b:s28+s3], $0x80, $0x38;
	[tilespmem:$0x18980] =	vst v63  }
0x433: {  	_ =	sdelay $0x4  }
0x434: {  	s1 =	sadd.s32 s4, s1;
	s2 =	sand.u32 $0x1FFFFFF0, s2  }
0x435: {  	[tilespmem:s14], [sflag:$0x4] =	stream.linear.gather [hbm4b:s1+s3], $0x80, $0x38;
	[tilespmem:$0x18980] =	vst v63  }
0x436: {  	s2 =	sadd.s32 s5, s2  }
0x437: {  	[tilespmem:s0], [sflag:$0x5] =	stream.linear.gather [hbm4b:s2+s3], $0x80, $0x38;
	[tilespmem:$0x18980] =	vst v63  }
0x438: {  	s6 =	spop (v2sf)  }
0x439: {  	s6 =	sand.u32 $0x1FFFFFF0, s6;
	s7 =	spop (v2sf)  }
0x43a: {  	s8 =	sadd.s32 s4, s6;
	s10 =	sand.u32 $0x1FFFFFF0, s7;
	s14 =	spop (v2sf)  }
0x43b: {  	[tilespmem:s15], [sflag:$0x4] =	stream.linear.gather [hbm4b:s8+s3], $0x80, $0x38;
	[tilespmem:$0x18980] =	vst v63  }
0x43c: {  	s16 =	sadd.s32 s5, s10;
	s17 =	sand.u32 $0x1FFFFFF0, s14;
	s18 =	spop (v2sf)  }
0x43d: {  	[tilespmem:s13], [sflag:$0x5] =	stream.linear.gather [hbm4b:s16+s3], $0x80, $0x38;
	[tilespmem:$0x18980] =	vst v63  }
0x43e: {  	s19 =	sadd.s32 s4, s17;
	s20 =	sand.u32 $0x1FFFFFF0, s18;
	s21 =	spop (v2sf)  }
0x43f: {  	[tilespmem:s12], [sflag:$0x4] =	stream.linear.gather [hbm4b:s19+s3], $0x80, $0x38;
	[tilespmem:$0x18980] =	vst v63  }
0x440: {  	s22 =	sadd.s32 s5, s20;
	s23 =	sand.u32 $0x1FFFFFF0, s21;
	s24 =	spop (v2sf)  }
0x441: {  	[tilespmem:s11], [sflag:$0x5] =	stream.linear.gather [hbm4b:s22+s3], $0x80, $0x38;
	[tilespmem:$0x18980] =	vst v63  }
0x442: {  	s25 =	sadd.s32 $0xD080, s9;
	s1 =	sadd.s32 s4, s23;
	s2 =	sand.u32 $0x1FFFFFF0, s24  }
0x443: {  	[tilespmem:s25], [sflag:$0x4] =	stream.linear.gather [hbm4b:s1+s3], $0x80, $0x38;
	[tilespmem:$0x18980] =	vst v63  }
0x444: {  	s26 =	sadd.s32 $0x11080, s9;
	s29 =	simm.s32 $0x1;
	s28 =	sadd.s32 s5, s2  }
0x445: {  	[tilespmem:s26], [sflag:$0x5] =	stream.linear.gather [hbm4b:s28+s3], $0x80, $0x38;
	[tilespmem:$0x18980] =	vst v63  }
0x446: {  	_ =	swait.ge [sflag:s29], $0x4000  }
0x447: {  	[sflag:s29] =	ssyncset.done $0x0  }
0x448: {  	s30 =	simm.s32 $0x2;
	[sflag:s29] =	ssyncadd.s32 $0xFFFFC000  }
0x449: {  	_ =	swait.ge [sflag:s30], $0x4000  }
0x44a: {  	[sflag:s30] =	ssyncset.done $0x0  }
0x44b: {  	s31 =	simm.s32 $0x3;
	[sflag:s30] =	ssyncadd.s32 $0xFFFFC000  }
0x44c: {  	s9 =	simm.s32 $0x84C0;
	_ =	swait.ge [sflag:s31], $0x4000  }
0x44d: {  	s0 =	simm.s32 $0x0;
	s10 =	simm.s32 $0x4A0;
	[sflag:s31] =	ssyncset.done $0x0  }
0x44e: {  	s14 =	simm.s32 $0x7;
	s11 =	simm.s32 $0x44A0;
	[sflag:s31] =	ssyncadd.s32 $0xFFFFC000  }
.LBB2_18:
0x44f: {  	v5 =	vld [tilespmem:s10+$0xFFFFFFE0]  }
0x450: {  	v6 =	vld [tilespmem:s9+$0xFFFFFFC0]  }
0x451: {  	v7 =	vld [tilespmem:s10+$0xFFFFFFF0]  }
0x452: {  	v8 =	vld [tilespmem:s9+$0xFFFFFFD0]  }
0x453: {  	v9 =	vld [tilespmem:s10+$0x0]  }
0x454: {  	v10 =	vld [tilespmem:s9+$0xFFFFFFE0]  }
0x455: {  	v11 =	vld [tilespmem:s10+$0x10]  }
0x456: {  	v12 =	vld [tilespmem:s9+$0xFFFFFFF0]  }
0x457: {  	v13 =	vld [tilespmem:s11+$0xFFFFFFE0];
	v5 =	vmul.f32 v6, v5;
	v6 =	vmul.f32 v8, v7  }
0x458: {  	v7 =	vld [tilespmem:s9+$0x0]  }
0x459: {  	v8 =	vld [tilespmem:s11+$0xFFFFFFF0];
	v5 =	vadd.f32 v6, v5;
	v6 =	vmul.f32 v10, v9  }
0x45a: {  	v9 =	vld [tilespmem:s9+$0x10]  }
0x45b: {  	v10 =	vld [tilespmem:s11+$0x0];
	v5 =	vadd.f32 v6, v5;
	v6 =	vmul.f32 v12, v11  }
0x45c: {  	v11 =	vld [tilespmem:s9+$0x20]  }
0x45d: {  	v12 =	vld [tilespmem:s11+$0x10];
	v5 =	vadd.f32 v6, v5;
	v6 =	vmul.f32 v7, v13  }
0x45e: {  	s1 =	sadd.s32 $0x80, s10;
	v7 =	vld [tilespmem:s9+$0x30]  }
0x45f: {  	s2 =	sadd.s32 $0x80, s9;
	v13 =	vld [tilespmem:s1+$0xFFFFFFE0];
	v5 =	vadd.f32 v6, v5;
	v6 =	vmul.f32 v9, v8  }
0x460: {  	v8 =	vld [tilespmem:s2+$0xFFFFFFC0]  }
0x461: {  	v9 =	vld [tilespmem:s1+$0xFFFFFFF0];
	v5 =	vadd.f32 v6, v5;
	v6 =	vmul.f32 v11, v10  }
0x462: {  	v10 =	vld [tilespmem:s2+$0xFFFFFFD0]  }
0x463: {  	v11 =	vld [tilespmem:s1+$0x0];
	v5 =	vadd.f32 v6, v5;
	v6 =	vmul.f32 v7, v12  }
0x464: {  	v7 =	vld [tilespmem:s2+$0xFFFFFFE0]  }
0x465: {  	v12 =	vld [tilespmem:s1+$0x10];
	v5 =	vadd.f32 v6, v5  }
0x466: {  	v8 =	vmul.f32 v8, v13;
	v6 =	vld [tilespmem:s2+$0xFFFFFFF0]  }
0x467: {  	s6 =	sadd.s32 $0x80, s11;
	v14 =	vld [tilespmem:s2+$0x0];
	v9 =	vmul.f32 v10, v9;
	v10 =	vperm.xlane v5, v0  }
0x468: {  	v13 =	vld [tilespmem:s6+$0xFFFFFFE0]  }
0x469: {  	v15 =	vld [tilespmem:s6+$0xFFFFFFF0];
	v8 =	vadd.f32 v9, v8;
	v7 =	vmul.f32 v7, v11;
	v5 =	vadd.f32 v5, v10  }
0x46a: {  	v10 =	vld [tilespmem:s2+$0x10]  }
0x46b: {  	v16 =	vld [tilespmem:s6+$0x0];
	v7 =	vadd.f32 v7, v8;
	v8 =	vmul.f32 v6, v12;
	v9 =	vperm.xlane v5, v1  }
0x46c: {  	v17 =	vld [tilespmem:s2+$0x20]  }
0x46d: {  	v11 =	vmul.f32 v14, v13;
	v6 =	vld [tilespmem:s6+$0x10];
	v8 =	vadd.f32 v8, v7;
	v14 =	vadd.f32 v5, v9  }
0x46e: {  	s8 =	sadd.s32 $0x80, s1;
	v7 =	vld [tilespmem:s2+$0x30]  }
0x46f: {  	s7 =	sadd.s32 $0x80, s2;
	v9 =	vld [tilespmem:s8+$0xFFFFFFE0];
	v8 =	vadd.f32 v11, v8;
	v12 =	vmul.f32 v10, v15;
	v15 =	vperm.xlane v14, v2  }
0x470: {  	v11 =	vld [tilespmem:s7+$0xFFFFFFC0]  }
0x471: {  	s12 =	simm.s32 $0x2;
	v13 =	vmul.f32 v17, v16;
	v10 =	vld [tilespmem:s8+$0xFFFFFFF0];
	v12 =	vadd.f32 v12, v8;
	v8 =	vadd.f32 v14, v15  }
0x472: {  	s13 =	simm.s32 $0x3;
	s1 =	simm.s32 $0x1;
	s2 =	simm.s32 $0x0;
	v5 =	vimm.f32 $0.0e+00;
	v14 =	vld [tilespmem:s7+$0xFFFFFFD0]  }
.LBB2_19:
0x473: {  	p0 =	sne.s32 s13, $0xF;
	v15 =	vld [tilespmem:s8+$0x0];
	v12 =	vadd.f32 v13, v12;
	v6 =	vmul.f32 v7, v6;
	v7 =	vperm.xlane v8, v3  }
0x474: {  	v13 =	vld [tilespmem:s7+$0xFFFFFFE0]  }
0x475: {  	v16 =	vld [tilespmem:s8+$0x10];
	v6 =	vadd.f32 v6, v12;
	v7 =	vadd.f32 v8, v7;
	v8 =	vmov s2;
	s2 =	smov.u32 s1;
	s1 =	smov.u32 s12;
	s12 =	smov.u32 s13  }
0x476: {  	s6 =	sadd.s32 $0x80, s6;
	v9 =	vmul.f32 v11, v9;
	v11 =	vld [tilespmem:s7+$0xFFFFFFF0];
	vm0 =	veq.s32 v8, v4  }
0x477: {  	v8 =	vmul.f32 v14, v10;
	v10 =	vld [tilespmem:s6+$0xFFFFFFE0];
	v12 =	vperm.xlane v6, v0;
	v5 =	vsel vm0, v7, v5  }
0x478: {  	v7 =	vld [tilespmem:s7+$0x0]  }
0x479: {  	v8 =	vadd.f32 v8, v9;
	v9 =	vmul.f32 v13, v15;
	v13 =	vld [tilespmem:s6+$0xFFFFFFF0];
	v12 =	vadd.f32 v6, v12  }
0x47a: {  	v14 =	vld [tilespmem:s7+$0x10]  }
0x47b: {  	v6 =	vadd.f32 v9, v8;
	v8 =	vmul.f32 v11, v16;
	v15 =	vld [tilespmem:s6+$0x0];
	v9 =	vperm.xlane v12, v1  }
0x47c: {  	v16 =	vld [tilespmem:s7+$0x20]  }
0x47d: {  	v8 =	vadd.f32 v8, v6;
	v10 =	vmul.f32 v7, v10;
	v6 =	vld [tilespmem:s6+$0x10];
	v17 =	vadd.f32 v12, v9  }
.Ltmp8:
0x47e: {  	s8 =	sadd.s32 $0x80, s8;
	v7 =	vld [tilespmem:s7+$0x30];
	(pc) =	sbr.rel @p0 .LBB2_19-.Ltmp8, $4  }
0x47f: {  	s7 =	sadd.s32 $0x80, s7;
	v9 =	vld [tilespmem:s8+$0xFFFFFFE0];
	v8 =	vadd.f32 v10, v8;
	v12 =	vmul.f32 v14, v13;
	v14 =	vperm.xlane v17, v2  }
0x480: {  	v11 =	vld [tilespmem:s7+$0xFFFFFFC0]  }
0x481: {  	v10 =	vld [tilespmem:s8+$0xFFFFFFF0];
	v12 =	vadd.f32 v12, v8;
	v13 =	vmul.f32 v16, v15;
	v8 =	vadd.f32 v17, v14  }
0x482: {  	s13 =	sadd.s32 $0x1, s13;
	v14 =	vld [tilespmem:s7+$0xFFFFFFD0]  }
0x483: {  	v15 =	vld [tilespmem:s8+$0x0]  }
0x484: {  	v16 =	vld [tilespmem:s7+$0xFFFFFFE0]  }
0x485: {  	v17 =	vld [tilespmem:s8+$0x10]  }
0x486: {  	v18 =	vld [tilespmem:s7+$0xFFFFFFF0]  }
0x487: {  	s6 =	sadd.s32 $0x80, s6;
	v43 =	vld [tilespmem:s7+$0x0];
	v9 =	vmul.f32 v11, v9;
	v10 =	vmul.f32 v14, v10  }
0x488: {  	v42 =	vld [tilespmem:s6+$0xFFFFFFE0]  }
0x489: {  	v46 =	vld [tilespmem:s7+$0x10];
	v44 =	vmul.f32 v16, v15;
	v9 =	vadd.f32 v10, v9  }
0x48a: {  	v45 =	vld [tilespmem:s6+$0xFFFFFFF0]  }
0x48b: {  	v49 =	vld [tilespmem:s7+$0x20];
	v47 =	vmul.f32 v18, v17;
	v9 =	vadd.f32 v44, v9  }
0x48c: {  	v48 =	vld [tilespmem:s6+$0x0]  }
0x48d: {  	v52 =	vld [tilespmem:s7+$0x30];
	v50 =	vmul.f32 v43, v42;
	v9 =	vadd.f32 v47, v9  }
0x48e: {  	v51 =	vld [tilespmem:s6+$0x10]  }
0x48f: {  	v53 =	vmul.f32 v46, v45;
	v9 =	vadd.f32 v50, v9;
	_ =	sdelay $0x1  }
0x490: {  	v54 =	vmul.f32 v49, v48;
	v9 =	vadd.f32 v53, v9  }
0x491: {  	v12 =	vadd.f32 v13, v12;
	v6 =	vmul.f32 v7, v6  }
0x492: {  	v55 =	vmul.f32 v52, v51;
	v7 =	vadd.f32 v54, v9  }
0x493: {  	v6 =	vadd.f32 v6, v12  }
0x494: {  	v7 =	vadd.f32 v55, v7  }
0x495: {  	v56 =	vperm.xlane v6, v0  }
0x496: {  	v57 =	vperm.xlane v7, v0  }
0x497: {  	v6 =	vadd.f32 v6, v56  }
0x498: {  	v7 =	vadd.f32 v7, v57  }
0x499: {  	v9 =	vperm.xlane v6, v1  }
0x49a: {  	v10 =	vperm.xlane v7, v1  }
0x49b: {  	v6 =	vadd.f32 v6, v9  }
0x49c: {  	v7 =	vadd.f32 v7, v10  }
0x49d: {  	v9 =	vperm.xlane v6, v2  }
0x49e: {  	v10 =	vperm.xlane v7, v2  }
0x49f: {  	v6 =	vadd.f32 v6, v9  }
0x4a0: {  	v58 =	vperm.xlane v8, v3;
	v7 =	vadd.f32 v7, v10  }
0x4a1: {  	v59 =	vmov s2;
	v60 =	vperm.xlane v6, v3  }
0x4a2: {  	v62 =	vmov s1;
	v8 =	vadd.f32 v8, v58;
	v61 =	vperm.xlane v7, v3  }
0x4a3: {  	v63 =	vmov s12;
	vm0 =	veq.s32 v59, v4;
	v6 =	vadd.f32 v6, v60  }
0x4a4: {  	vm14 =	veq.s32 v62, v4;
	v5 =	vsel vm0, v8, v5;
	v7 =	vadd.f32 v7, v61  }
0x4a5: {  	vm15 =	veq.s32 v63, v4;
	v5 =	vsel vm14, v6, v5  }
0x4a6: {  	v5 =	vsel vm15, v7, v5  }
0x4a7: {  	v5 =	vsub.f32 $0.0e+00, v5;
	_ =	sdelay $0x1  }
0x4a8: {  	v5 =	vmul.f32 $1.442695020e+00, v5;
	_ =	sdelay $0x1  }
0x4a9: {  	(erf) = vpow2.f32 v5;
	_ =	sdelay $0x8  }
0x4aa: {  	v5 =	vpop (erf)  }
0x4ab: {  	v5 =	vadd.f32 $1.000000000e+00, v5;
	_ =	sdelay $0x1  }
0x4ac: {  	(erf) = vrcp.f32 v5;
	_ =	sdelay $0x3  }
0x4ad: {  	s31 =	sshll.u32 s0, $0x4;
	s0 =	sadd.s32 $0x1, s0  }
0x4ae: {  	p0 =	sne.s32 s0, $0x8  }
.Ltmp9:
0x4af: {  	_ = 	snop;
	(pc) =	sbr.rel @p0 .LBB2_18-.Ltmp9, $3  }
0x4b0: {  	_ =	sdelay $0x1  }
0x4b1: {  	s1 =	sand.u32 $0x3FFFFFF0, s31;
	v5 =	vpop (erf)  }
0x4b2: {  	s9 =	sadd.s32 $0x800, s9;
	s10 =	sadd.s32 $0x800, s10;
	s11 =	sadd.s32 $0x800, s11;
	[tilespmem:s1+$0x18900] =	vst v5  }
0x4b3: {  	s0 =	sld [smem:$0x7FB];
	_ =	sdelay $0x1  }
0x4b4: {  	s9 =	simm.s32 $0x0;
	s1 =	simm.s32 $0x18900  }
0x4b5: {  	[hbm4b:s0+s9] =	stream.linear.scatter [tilespmem:s1], [sflag:$0x7], $0x80, $0x38;
	[tilespmem:$0x18980] =	vst v63  }
0x4b6: {  	_ =	swait.ge [sflag:s14], $0x80  }
0x4b7: {  	[sflag:s14] =	ssyncset.done $0x0  }
0x4b8: {  	s29 =	simm.s32 $0x4;
	[sflag:s14] =	ssyncadd.s32 $0xFFFFFF80  }
0x4b9: {  	_ =	swait.ge [sflag:s29], $0x4000  }
0x4ba: {  	[sflag:s29] =	ssyncset.done $0x0  }
0x4bb: {  	s30 =	simm.s32 $0x5;
	[sflag:s29] =	ssyncadd.s32 $0xFFFFC000  }
0x4bc: {  	_ =	swait.ge [sflag:s30], $0x4000  }
0x4bd: {  	[sflag:s30] =	ssyncset.done $0x0  }
0x4be: {  	s31 =	simm.s32 $0x6;
	[sflag:s30] =	ssyncadd.s32 $0xFFFFC000  }
0x4bf: {  	_ =	swait.ge [sflag:s31], $0x4000  }
0x4c0: {  	s10 =	simm.s32 $0xC920;
	[sflag:s31] =	ssyncset.done $0x0  }
0x4c1: {  	s11 =	simm.s32 $0x10920;
	s0 =	simm.s32 $0x14940;
	[sflag:s31] =	ssyncadd.s32 $0xFFFFC000  }
.LBB2_22:
0x4c2: {  	v5 =	vld [tilespmem:s10+$0xFFFFFFE0]  }
0x4c3: {  	v6 =	vld [tilespmem:s0+$0xFFFFFFC0]  }
0x4c4: {  	v7 =	vld [tilespmem:s10+$0xFFFFFFF0]  }
0x4c5: {  	v8 =	vld [tilespmem:s0+$0xFFFFFFD0]  }
0x4c6: {  	v9 =	vld [tilespmem:s10+$0x0]  }
0x4c7: {  	v10 =	vld [tilespmem:s0+$0xFFFFFFE0]  }
0x4c8: {  	v11 =	vld [tilespmem:s10+$0x10]  }
0x4c9: {  	v12 =	vld [tilespmem:s0+$0xFFFFFFF0]  }
0x4ca: {  	v13 =	vld [tilespmem:s11+$0xFFFFFFE0];
	v5 =	vmul.f32 v6, v5;
	v6 =	vmul.f32 v8, v7  }
0x4cb: {  	v7 =	vld [tilespmem:s0+$0x0]  }
0x4cc: {  	v8 =	vld [tilespmem:s11+$0xFFFFFFF0];
	v5 =	vadd.f32 v6, v5;
	v6 =	vmul.f32 v10, v9  }
0x4cd: {  	v9 =	vld [tilespmem:s0+$0x10]  }
0x4ce: {  	v10 =	vld [tilespmem:s11+$0x0];
	v5 =	vadd.f32 v6, v5;
	v6 =	vmul.f32 v12, v11  }
0x4cf: {  	v11 =	vld [tilespmem:s0+$0x20]  }
0x4d0: {  	v12 =	vld [tilespmem:s11+$0x10];
	v5 =	vadd.f32 v6, v5;
	v6 =	vmul.f32 v7, v13  }
0x4d1: {  	s1 =	sadd.s32 $0x80, s10;
	v7 =	vld [tilespmem:s0+$0x30]  }
0x4d2: {  	s2 =	sadd.s32 $0x80, s0;
	v13 =	vld [tilespmem:s1+$0xFFFFFFE0];
	v5 =	vadd.f32 v6, v5;
	v6 =	vmul.f32 v9, v8  }
0x4d3: {  	v8 =	vld [tilespmem:s2+$0xFFFFFFC0]  }
0x4d4: {  	v9 =	vld [tilespmem:s1+$0xFFFFFFF0];
	v5 =	vadd.f32 v6, v5;
	v6 =	vmul.f32 v11, v10  }
0x4d5: {  	v10 =	vld [tilespmem:s2+$0xFFFFFFD0]  }
0x4d6: {  	v11 =	vld [tilespmem:s1+$0x0];
	v5 =	vadd.f32 v6, v5;
	v6 =	vmul.f32 v7, v12  }
0x4d7: {  	v7 =	vld [tilespmem:s2+$0xFFFFFFE0]  }
0x4d8: {  	v12 =	vld [tilespmem:s1+$0x10];
	v5 =	vadd.f32 v6, v5  }
0x4d9: {  	v8 =	vmul.f32 v8, v13;
	v6 =	vld [tilespmem:s2+$0xFFFFFFF0]  }
0x4da: {  	s6 =	sadd.s32 $0x80, s11;
	v14 =	vld [tilespmem:s2+$0x0];
	v9 =	vmul.f32 v10, v9;
	v10 =	vperm.xlane v5, v0  }
0x4db: {  	v13 =	vld [tilespmem:s6+$0xFFFFFFE0]  }
0x4dc: {  	v15 =	vld [tilespmem:s6+$0xFFFFFFF0];
	v8 =	vadd.f32 v9, v8;
	v7 =	vmul.f32 v7, v11;
	v5 =	vadd.f32 v5, v10  }
0x4dd: {  	v10 =	vld [tilespmem:s2+$0x10]  }
0x4de: {  	v16 =	vld [tilespmem:s6+$0x0];
	v7 =	vadd.f32 v7, v8;
	v8 =	vmul.f32 v6, v12;
	v9 =	vperm.xlane v5, v1  }
0x4df: {  	v17 =	vld [tilespmem:s2+$0x20]  }
0x4e0: {  	v11 =	vmul.f32 v14, v13;
	v6 =	vld [tilespmem:s6+$0x10];
	v8 =	vadd.f32 v8, v7;
	v14 =	vadd.f32 v5, v9  }
0x4e1: {  	s8 =	sadd.s32 $0x80, s1;
	v7 =	vld [tilespmem:s2+$0x30]  }
0x4e2: {  	s7 =	sadd.s32 $0x80, s2;
	v9 =	vld [tilespmem:s8+$0xFFFFFFE0];
	v8 =	vadd.f32 v11, v8;
	v12 =	vmul.f32 v10, v15;
	v15 =	vperm.xlane v14, v2  }
0x4e3: {  	v11 =	vld [tilespmem:s7+$0xFFFFFFC0]  }
0x4e4: {  	s12 =	simm.s32 $0x2;
	v13 =	vmul.f32 v17, v16;
	v10 =	vld [tilespmem:s8+$0xFFFFFFF0];
	v12 =	vadd.f32 v12, v8;
	v8 =	vadd.f32 v14, v15  }
0x4e5: {  	s13 =	simm.s32 $0x3;
	s1 =	simm.s32 $0x1;
	s2 =	simm.s32 $0x0;
	v5 =	vimm.f32 $0.0e+00;
	v14 =	vld [tilespmem:s7+$0xFFFFFFD0]  }
.LBB2_23:
0x4e6: {  	p0 =	sne.s32 s13, $0xF;
	v15 =	vld [tilespmem:s8+$0x0];
	v12 =	vadd.f32 v13, v12;
	v6 =	vmul.f32 v7, v6;
	v7 =	vperm.xlane v8, v3  }
0x4e7: {  	v13 =	vld [tilespmem:s7+$0xFFFFFFE0]  }
0x4e8: {  	v16 =	vld [tilespmem:s8+$0x10];
	v6 =	vadd.f32 v6, v12;
	v7 =	vadd.f32 v8, v7;
	v8 =	vmov s2;
	s2 =	smov.u32 s1;
	s1 =	smov.u32 s12;
	s12 =	smov.u32 s13  }
0x4e9: {  	s6 =	sadd.s32 $0x80, s6;
	v9 =	vmul.f32 v11, v9;
	v11 =	vld [tilespmem:s7+$0xFFFFFFF0];
	vm0 =	veq.s32 v8, v4  }
0x4ea: {  	v8 =	vmul.f32 v14, v10;
	v10 =	vld [tilespmem:s6+$0xFFFFFFE0];
	v12 =	vperm.xlane v6, v0;
	v5 =	vsel vm0, v7, v5  }
0x4eb: {  	v7 =	vld [tilespmem:s7+$0x0]  }
0x4ec: {  	v8 =	vadd.f32 v8, v9;
	v9 =	vmul.f32 v13, v15;
	v13 =	vld [tilespmem:s6+$0xFFFFFFF0];
	v12 =	vadd.f32 v6, v12  }
0x4ed: {  	v14 =	vld [tilespmem:s7+$0x10]  }
0x4ee: {  	v6 =	vadd.f32 v9, v8;
	v8 =	vmul.f32 v11, v16;
	v15 =	vld [tilespmem:s6+$0x0];
	v9 =	vperm.xlane v12, v1  }
0x4ef: {  	v16 =	vld [tilespmem:s7+$0x20]  }
0x4f0: {  	v8 =	vadd.f32 v8, v6;
	v10 =	vmul.f32 v7, v10;
	v6 =	vld [tilespmem:s6+$0x10];
	v17 =	vadd.f32 v12, v9  }
.Ltmp10:
0x4f1: {  	s8 =	sadd.s32 $0x80, s8;
	v7 =	vld [tilespmem:s7+$0x30];
	(pc) =	sbr.rel @p0 .LBB2_23-.Ltmp10, $4  }
0x4f2: {  	s7 =	sadd.s32 $0x80, s7;
	v9 =	vld [tilespmem:s8+$0xFFFFFFE0];
	v8 =	vadd.f32 v10, v8;
	v12 =	vmul.f32 v14, v13;
	v14 =	vperm.xlane v17, v2  }
0x4f3: {  	v11 =	vld [tilespmem:s7+$0xFFFFFFC0]  }
0x4f4: {  	v10 =	vld [tilespmem:s8+$0xFFFFFFF0];
	v12 =	vadd.f32 v12, v8;
	v13 =	vmul.f32 v16, v15;
	v8 =	vadd.f32 v17, v14  }
0x4f5: {  	s13 =	sadd.s32 $0x1, s13;
	v14 =	vld [tilespmem:s7+$0xFFFFFFD0]  }
0x4f6: {  	v15 =	vld [tilespmem:s8+$0x0]  }
0x4f7: {  	v16 =	vld [tilespmem:s7+$0xFFFFFFE0]  }
0x4f8: {  	v17 =	vld [tilespmem:s8+$0x10]  }
0x4f9: {  	v18 =	vld [tilespmem:s7+$0xFFFFFFF0]  }
0x4fa: {  	s6 =	sadd.s32 $0x80, s6;
	v43 =	vld [tilespmem:s7+$0x0];
	v9 =	vmul.f32 v11, v9;
	v10 =	vmul.f32 v14, v10  }
0x4fb: {  	v42 =	vld [tilespmem:s6+$0xFFFFFFE0]  }
0x4fc: {  	v46 =	vld [tilespmem:s7+$0x10];
	v44 =	vmul.f32 v16, v15;
	v9 =	vadd.f32 v10, v9  }
0x4fd: {  	v45 =	vld [tilespmem:s6+$0xFFFFFFF0]  }
0x4fe: {  	v49 =	vld [tilespmem:s7+$0x20];
	v47 =	vmul.f32 v18, v17;
	v9 =	vadd.f32 v44, v9  }
0x4ff: {  	v48 =	vld [tilespmem:s6+$0x0]  }
0x500: {  	v52 =	vld [tilespmem:s7+$0x30];
	v50 =	vmul.f32 v43, v42;
	v9 =	vadd.f32 v47, v9  }
0x501: {  	v51 =	vld [tilespmem:s6+$0x10]  }
0x502: {  	v53 =	vmul.f32 v46, v45;
	v9 =	vadd.f32 v50, v9;
	_ =	sdelay $0x1  }
0x503: {  	v54 =	vmul.f32 v49, v48;
	v9 =	vadd.f32 v53, v9  }
0x504: {  	v12 =	vadd.f32 v13, v12;
	v6 =	vmul.f32 v7, v6  }
0x505: {  	v55 =	vmul.f32 v52, v51;
	v7 =	vadd.f32 v54, v9  }
0x506: {  	v6 =	vadd.f32 v6, v12  }
0x507: {  	v7 =	vadd.f32 v55, v7  }
0x508: {  	v56 =	vperm.xlane v6, v0  }
0x509: {  	v57 =	vperm.xlane v7, v0  }
0x50a: {  	v6 =	vadd.f32 v6, v56  }
0x50b: {  	v7 =	vadd.f32 v7, v57  }
0x50c: {  	v9 =	vperm.xlane v6, v1  }
0x50d: {  	v10 =	vperm.xlane v7, v1  }
0x50e: {  	v6 =	vadd.f32 v6, v9  }
0x50f: {  	v7 =	vadd.f32 v7, v10  }
0x510: {  	v9 =	vperm.xlane v6, v2  }
0x511: {  	v10 =	vperm.xlane v7, v2  }
0x512: {  	v6 =	vadd.f32 v6, v9  }
0x513: {  	v58 =	vperm.xlane v8, v3;
	v7 =	vadd.f32 v7, v10  }
0x514: {  	v59 =	vmov s2;
	v60 =	vperm.xlane v6, v3  }
0x515: {  	v62 =	vmov s1;
	v8 =	vadd.f32 v8, v58;
	v61 =	vperm.xlane v7, v3  }
0x516: {  	v63 =	vmov s12;
	vm0 =	veq.s32 v59, v4;
	v6 =	vadd.f32 v6, v60  }
0x517: {  	vm14 =	veq.s32 v62, v4;
	v5 =	vsel vm0, v8, v5;
	v7 =	vadd.f32 v7, v61  }
0x518: {  	vm15 =	veq.s32 v63, v4;
	v5 =	vsel vm14, v6, v5  }
0x519: {  	v5 =	vsel vm15, v7, v5  }
0x51a: {  	v5 =	vsub.f32 $0.0e+00, v5;
	_ =	sdelay $0x1  }
0x51b: {  	v5 =	vmul.f32 $1.442695020e+00, v5;
	_ =	sdelay $0x1  }
0x51c: {  	(erf) = vpow2.f32 v5;
	_ =	sdelay $0x8  }
0x51d: {  	v5 =	vpop (erf)  }
0x51e: {  	v5 =	vadd.f32 $1.000000000e+00, v5;
	_ =	sdelay $0x1  }
0x51f: {  	(erf) = vrcp.f32 v5;
	_ =	sdelay $0x3  }
0x520: {  	s31 =	sshll.u32 s9, $0x4;
	s9 =	sadd.s32 $0x1, s9  }
0x521: {  	p0 =	sne.s32 s9, $0x8  }
.Ltmp11:
0x522: {  	_ = 	snop;
	(pc) =	sbr.rel @p0 .LBB2_22-.Ltmp11, $3  }
0x523: {  	_ =	sdelay $0x1  }
0x524: {  	s1 =	sand.u32 $0x3FFFFFF0, s31;
	v5 =	vpop (erf)  }
0x525: {  	s0 =	sadd.s32 $0x800, s0;
	s10 =	sadd.s32 $0x800, s10;
	s11 =	sadd.s32 $0x800, s11;
	[tilespmem:s1+$0x18900] =	vst v5  }
0x526: {  	s0 =	sld [smem:$0x7FC];
	_ =	sdelay $0x1  }
0x527: {  	s1 =	simm.s32 $0x18900  }
0x528: {  	[hbm4b:s0+s3] =	stream.linear.scatter [tilespmem:s1], [sflag:$0x7], $0x80, $0x38;
	[tilespmem:$0x18980] =	vst v63  }
0x529: {  	_ =	swait.ge [sflag:s14], $0x80  }
0x52a: {  	s30 =	sld [smem:$0x7EC]  }
0x52b: {  	s31 =	sld [smem:$0x7FD];
	_ =	sdelay $0x1  }
0x52c: {  	s1 =	sadd.s32 $0x1, s30  }
0x52d: {  	p0 =	sne.s32 s1, s31  }
.Ltmp12:
0x52e: {  	_ = 	snop;
	(pc) =	sbr.rel @p0 .LBB2_1-.Ltmp12, $3  }
0x52f: {  	_ =	sdelay $0x1  }
0x530: {  	[sflag:s14] =	ssyncset.done $0x0  }
0x531: {  	[sflag:s14] =	ssyncadd.s32 $0xFFFFFF80  }
0x532: {  	_ =	sfence.sel $0x180000  }
0x533: {  	[bflag:$0x0] =	sbarrier.arrive $0xFFFF  }
0x534: {  	_ =	strace $0x90000047  }
0x535: {  	s0 =	stileid.u32;
	[bflag:$0x2] =	sbarrier.arrive $0xFFFF  }
0x536: {  	p0 =	sne.s32 s0, $0x0;
	s0 =	rddreg [dreg:$0x4]  }
0x537: {  	s0 =	sadd.s32 @!p0 $0x100000, s0  }
0x538: {  	[sflag:s0] =	ssyncadd.tile.s32 @!p0 $0x1;
	_ =	shalt  }
.Lfunc_end2:
_tile_overlayer_lowered:
.L_overlay_start_2:
0x539: {  	(tag) =	ssettag $0x2  }
0x53a: {  	s0 =	rddreg [dreg:$0x0];
	s2 =	stileid.u32  }
0x53b: {  	s1 =	rddreg [dreg:$0x1];
	p0 =	sne.s32 s2, $0x0  }
0x53c: {  	s3 =	rddreg [dreg:$0x2];
	[bflag:$0x3] =	sbarrier.arrive $0xFFFF;
	s2 =	simm.s32 @!p0 $0x1C07  }
0x53d: {  	[timem:s3], [sflag:s2] =	dma.local @!p0 [hbm:s0], s1  }
0x53e: {  	s0 =	simm.s32 @!p0 $0x7  }
0x53f: {  	_ =	swait.ge @!p0 [sflag:s0], s1  }
0x540: {  	s1 =	ssub.s32 @!p0 $0x0, s1;
	[sflag:s0] =	ssyncset.done @!p0 $0x0  }
0x541: {  	[sflag:s0] =	ssyncadd.s32 @!p0 s1  }
0x542: {  	[bflag:$0x3] =	sbarrier.arrive $0xFFFF  }
0x543: {  	_ =	shalt  }

</sc_bundles>
